<compile_context>
chip_gen: v7x
topology: tpu7x:2x2x1
jax: 0.10.2.dev20260603
libtpu: 0.0.44.dev20260713+nightly
codegen_flags: <defaults>
</compile_context>

<pallas_src>
import functools

import jax
import jax.numpy as jnp
from jax import lax
from jax.experimental import pallas as pl
from jax.experimental.pallas import tpu as pltpu
from jax.experimental.pallas import tpu_sc as plsc

_VOCAB = 1000000
_DIM = 64
_BATCH = 16384

_TAIL_START = 999936
_CHUNK_COLS = 768
_NCHUNK = _TAIL_START // _CHUNK_COLS
_NBATCH = 128
_BLIM = 16256
_SC_BOUNDARY = ((16 * _NCHUNK) // 32) * _CHUNK_COLS


def _make_gather(V, D, B):
  info = plsc.get_sparse_core_info()
  NC, NS = info.num_cores, info.num_subcores
  NW = NC * NS
  mesh = plsc.VectorSubcoreMesh(core_axis_name="c", subcore_axis_name="s")

  @functools.partial(
      pl.kernel,
      mesh=mesh,
      out_type=jax.ShapeDtypeStruct((NC * B, 2 * D), jnp.float32),
      scratch_types=[
          pltpu.VMEM((2048,), jnp.int32),
          pltpu.VMEM((B + 32,), jnp.int32),
          pltpu.VMEM((32,), jnp.int32),
          pltpu.VMEM((D, _CHUNK_COLS), jnp.float32),
          pltpu.VMEM((_NBATCH, 2 * D), jnp.float32),
          pltpu.VMEM((_NBATCH + 16,), jnp.int32),
          pltpu.VMEM((V - _TAIL_START, D), jnp.float32),
      ],
      compiler_params=pltpu.CompilerParams(needs_layout_passes=False),
  )
  def ka(tab_t, tail, idx_hbm, inter_hbm, idx_v, hlist_v, sub_v,
         chunk_v, stage_v, blist_v, tail_v):
    cc = lax.axis_index("c")
    ss = lax.axis_index("s")
    w = cc * NS + ss
    c0 = (w * _NCHUNK) // NW
    c1 = ((w + 1) * _NCHUNK) // NW
    lo = c0 * _CHUNK_COLS
    hi = jnp.where(w == NW - 1, V, c1 * _CHUNK_COLS)

    pltpu.sync_copy(tail, tail_v)

    iota = lax.iota(jnp.int32, 16)
    neg1 = jnp.full((16,), -1, jnp.int32)

    for q in range(_NBATCH // 16):
      blist_v[pl.ds(q * 16, 16)] = neg1

    def piece_body(p, cnt):
      pltpu.sync_copy(idx_hbm.at[pl.ds(p * 2048, 2048)], idx_v)

      def scan_body(g, cnt):
        v = idx_v[pl.ds(g * 16, 16)]
        m = (v >= lo) & (v < hi)
        bvec = iota + p * 2048 + g * 16
        packed = jnp.bitwise_or(jnp.left_shift(v - lo, 14), bvec)
        plsc.store_compressed(hlist_v.at[pl.ds(cnt, 16)], packed, mask=m)
        return cnt + plsc.all_reduce_population_count(m)[0]

      return lax.fori_loop(0, 2048 // 16, scan_body, cnt)

    nh = lax.fori_loop(0, B // 2048, piece_body, jnp.int32(0))
    hlist_v[pl.ds(nh, 16)] = neg1
    ngrp = (nh + 15) // 16

    def flush():
      pltpu.sync_copy(
          stage_v,
          inter_hbm.at[plsc.Indices(blist_v.at[pl.ds(0, _NBATCH)],
                                    ignored_value=-1)],
      )
      for q in range(_NBATCH // 16):
        blist_v[pl.ds(q * 16, 16)] = neg1

    def emit(col_fetch, bscal, cnt_out):
      slot = jnp.bitwise_and(cnt_out, _NBATCH - 1)
      for g3 in range(D // 16):
        stage_v[slot, pl.ds(g3 * 16, 16)] = col_fetch(g3)
      blist_v[pl.ds(slot, 16)] = jnp.full((16,), cc * B + bscal, jnp.int32)

      @pl.when(slot == _NBATCH - 1)
      def _():
        flush()

      return cnt_out + 1

    def chunk_body(c, cnt_out):
      col0 = pl.multiple_of(c * _CHUNK_COLS, _CHUNK_COLS)
      pltpu.sync_copy(tab_t.at[:, pl.ds(col0, _CHUNK_COLS)], chunk_v)

      plo = jnp.left_shift(col0 - lo, 14)
      phi = plo + (_CHUNK_COLS << 14)

      def grp_body(g2, cnt_out):
        hp = hlist_v[pl.ds(g2 * 16, 16)]
        m2 = (hp >= plo) & (hp < phi)
        plsc.store_compressed(sub_v.at[pl.ds(0, 16)], hp, mask=m2)
        mcount = plsc.all_reduce_population_count(m2)[0]

        def match_body(e, cnt_out):
          p2 = sub_v[pl.ds(e, 16)][0]
          col = jnp.right_shift(p2, 14) - (col0 - lo)
          bscal = jnp.bitwise_and(p2, 16383)
          colv = jnp.full((16,), col, jnp.int32)
          return emit(
              lambda g3: plsc.load_gather(chunk_v, [iota + g3 * 16, colv]),
              bscal, cnt_out)

        return lax.fori_loop(0, mcount, match_body, cnt_out)

      return lax.fori_loop(0, ngrp, grp_body, cnt_out)

    cnt_out = lax.fori_loop(c0, c1, chunk_body, jnp.int32(0))

    ptail = jnp.left_shift(_TAIL_START - lo, 14)

    def tail_grp_body(g2, cnt_out):
      hp = hlist_v[pl.ds(g2 * 16, 16)]
      m3 = hp >= ptail
      plsc.store_compressed(sub_v.at[pl.ds(0, 16)], hp, mask=m3)
      mcount = plsc.all_reduce_population_count(m3)[0]

      def match_body(e, cnt_out):
        p2 = sub_v[pl.ds(e, 16)][0]
        r = jnp.right_shift(p2, 14) - (_TAIL_START - lo)
        bscal = jnp.bitwise_and(p2, 16383)
        rv = jnp.full((16,), r, jnp.int32)
        return emit(
            lambda g3: plsc.load_gather(tail_v, [rv, iota + g3 * 16]),
            bscal, cnt_out)

      return lax.fori_loop(0, mcount, match_body, cnt_out)

    ntail_grp = jnp.where(w == NW - 1, ngrp, 0)
    cnt_out = lax.fori_loop(0, ntail_grp, tail_grp_body, cnt_out)

    blist_v[pl.ds(jnp.bitwise_and(cnt_out, _NBATCH - 1), 16)] = neg1
    flush()


  @functools.partial(
      pl.kernel,
      mesh=mesh,
      out_type=jax.ShapeDtypeStruct((D, B), jnp.float32),
      scratch_types=[
          pltpu.VMEM((B // NW,), jnp.int32),
          pltpu.VMEM((B // NW, 2 * D), jnp.float32),
          pltpu.VMEM((D, B // NW), jnp.float32),
      ],
      compiler_params=pltpu.CompilerParams(needs_layout_passes=False),
  )
  def kb(inter_hbm, idx_hbm, out_t_hbm, idxb_v, rcat_v, outst_v):
    cc = lax.axis_index("c")
    ss = lax.axis_index("s")
    w = cc * NS + ss
    n = B // NW
    base = w * n
    pltpu.sync_copy(idx_hbm.at[pl.ds(base, n)], idxb_v)

    iota = lax.iota(jnp.int32, 16)
    half = n // 2

    for h in range(2):
      hb = base + h * half
      pltpu.sync_copy(inter_hbm.at[pl.ds(hb, half)], rcat_v.at[pl.ds(0, half)])
      pltpu.sync_copy(inter_hbm.at[pl.ds(B + hb, half)],
                      rcat_v.at[pl.ds(half, half)])

      def grp_body(g, carry):
        own = idxb_v[pl.ds(h * half + g * 16, 16)] >= _SC_BOUNDARY
        rowv = iota + g * 16 + jnp.where(own, half, 0)
        for col in range(D):
          colv = jnp.full((16,), col, jnp.int32)
          outst_v[col, pl.ds(h * half + g * 16, 16)] = plsc.load_gather(
              rcat_v, [rowv, colv])
        return carry

      lax.fori_loop(0, half // 16, grp_body, jnp.int32(0))

    pltpu.sync_copy(outst_v, out_t_hbm.at[:, pl.ds(base, n)])

  return ka, kb


_ka, _kb = _make_gather(_VOCAB, _DIM, _BATCH)


@jax.jit
def kernel(indices, table):
  table_t = table.T
  tail = table[_TAIL_START:]
  idx = indices.astype(jnp.int32)
  inter = _ka(table_t, tail, idx)
  out_t = _kb(inter, idx)
  return out_t.T

# --- scband reference (transcript-rebuilt; emitter-appended) ---
"""Pipeline reference for scband-embed-63110249447943 (READ-ONLY COPY).

The authoritative reference and input builder live on the scoring server;
editing this copy changes nothing except your own understanding.
"""

import jax, jax.numpy as jnp
import numpy as np

VOCAB = 1000000
DIM = 64
BATCH = 16384

def setup_inputs(seed: int = 0) -> dict:
    key = jax.random.key(seed)
    k_idx, k_tab = jax.random.split(key)
    indices = jax.random.randint(k_idx, (BATCH,), 0, VOCAB, dtype=jnp.int64) if jax.config.jax_enable_x64 else jax.random.randint(k_idx, (BATCH,), 0, VOCAB, dtype=jnp.int32)
    table = jax.random.normal(k_tab, (VOCAB, DIM), dtype=jnp.float32) * 0.02
    return {"indices": indices, "table": table}

def reference(indices, table):
    # Embedding lookup: gather rows of the table by index.
    return jnp.take(table, indices, axis=0)

if __name__ == "__main__":
    import jax
    _d = setup_inputs()
    print(jax.jit(kernel)(*tuple(_d.values())))

</pallas_src>

<mosaic_0001>
#map = affine_map<(d0, d1) -> (0, 0)>
#map1 = affine_map<(d0, d1) -> (0)>
module attributes {stable_mosaic.version = 14 : i64} {
  func.func @ka(%arg0: i32, %arg1: i32, %arg2: memref<64x1000000xf32, #tpu.memory_space<hbm>>, %arg3: memref<64x64xf32, #tpu.memory_space<hbm>>, %arg4: memref<16384xi32, #tpu.memory_space<hbm>>, %arg5: memref<32768x128xf32, #tpu.memory_space<hbm>>, %arg6: memref<2048xi32, #tpu.memory_space<vmem>>, %arg7: memref<16416xi32, #tpu.memory_space<vmem>>, %arg8: memref<32xi32, #tpu.memory_space<vmem>>, %arg9: memref<64x768xf32, #tpu.memory_space<vmem>>, %arg10: memref<128x128xf32, #tpu.memory_space<vmem>>, %arg11: memref<144xi32, #tpu.memory_space<vmem>>, %arg12: memref<64x64xf32, #tpu.memory_space<vmem>>) attributes {dimension_semantics = [#tpu.dimension_semantics<core_parallel>, #tpu.dimension_semantics<subcore_parallel>], iteration_bounds = array<i64: 2, 16>, scalar_prefetch = 0 : i64, scratch_operands = 7 : i64, tpu.core_type = #tpu.core_type<sc_vector_subcore>, window_params = [{transform_indices = #map}, {transform_indices = #map}, {transform_indices = #map1}, {transform_indices = #map}]} {
    %mul3A = arith.constant 16 : i32
    %mul3A_0 = arith.muli %arg0, %mul3A : i32
    %add3A = arith.addi %mul3A_0, %arg1 : i32
    %mul3A_1 = arith.constant 1302 : i32
    %mul3A_2 = arith.muli %add3A, %mul3A_1 : i32
    %jit3A = arith.constant 32 : i32
    %div3A = arith.divsi %mul3A_2, %jit3A : i32
    %sign3A = arith.constant 0 : i32
    %sign3A_3 = arith.cmpi sgt, %mul3A_2, %sign3A : i32
    %sign3A_4 = arith.extui %sign3A_3 : i1 to i32
    %sign3A_5 = arith.constant 0 : i32
    %sign3A_6 = arith.cmpi slt, %mul3A_2, %sign3A_5 : i32
    %sign3A_7 = arith.extui %sign3A_6 : i1 to i32
    %sign3A_8 = arith.subi %sign3A_4, %sign3A_7 : i32
    %sign3A_9 = arith.constant 0 : i32
    %sign3A_10 = arith.cmpi sgt, %jit3A, %sign3A_9 : i32
    %sign3A_11 = arith.extui %sign3A_10 : i1 to i32
    %sign3A_12 = arith.constant 0 : i32
    %sign3A_13 = arith.cmpi slt, %jit3A, %sign3A_12 : i32
    %sign3A_14 = arith.extui %sign3A_13 : i1 to i32
    %sign3A_15 = arith.subi %sign3A_11, %sign3A_14 : i32
    %ne3A = arith.cmpi ne, %sign3A_8, %sign3A_15 : i32
    %rem3A = arith.remsi %mul3A_2, %jit3A : i32
    %ne3A_16 = arith.constant 0 : i32
    %ne3A_17 = arith.cmpi ne, %rem3A, %ne3A_16 : i32
    %and3A = arith.andi %ne3A, %ne3A_17 : i1
    %sub3A = arith.constant 1 : i32
    %sub3A_18 = arith.subi %div3A, %sub3A : i32
    %select_n3A = arith.select %and3A, %sub3A_18, %div3A : i32
    %add3A_19 = arith.constant 1 : i32
    %add3A_20 = arith.addi %add3A, %add3A_19 : i32
    %mul3A_21 = arith.constant 1302 : i32
    %mul3A_22 = arith.muli %add3A_20, %mul3A_21 : i32
    %jit3A_23 = arith.constant 32 : i32
    %div3A_24 = arith.divsi %mul3A_22, %jit3A_23 : i32
    %sign3A_25 = arith.constant 0 : i32
    %sign3A_26 = arith.cmpi sgt, %mul3A_22, %sign3A_25 : i32
    %sign3A_27 = arith.extui %sign3A_26 : i1 to i32
    %sign3A_28 = arith.constant 0 : i32
    %sign3A_29 = arith.cmpi slt, %mul3A_22, %sign3A_28 : i32
    %sign3A_30 = arith.extui %sign3A_29 : i1 to i32
    %sign3A_31 = arith.subi %sign3A_27, %sign3A_30 : i32
    %sign3A_32 = arith.constant 0 : i32
    %sign3A_33 = arith.cmpi sgt, %jit3A_23, %sign3A_32 : i32
    %sign3A_34 = arith.extui %sign3A_33 : i1 to i32
    %sign3A_35 = arith.constant 0 : i32
    %sign3A_36 = arith.cmpi slt, %jit3A_23, %sign3A_35 : i32
    %sign3A_37 = arith.extui %sign3A_36 : i1 to i32
    %sign3A_38 = arith.subi %sign3A_34, %sign3A_37 : i32
    %ne3A_39 = arith.cmpi ne, %sign3A_31, %sign3A_38 : i32
    %rem3A_40 = arith.remsi %mul3A_22, %jit3A_23 : i32
    %ne3A_41 = arith.constant 0 : i32
    %ne3A_42 = arith.cmpi ne, %rem3A_40, %ne3A_41 : i32
    %and3A_43 = arith.andi %ne3A_39, %ne3A_42 : i1
    %sub3A_44 = arith.constant 1 : i32
    %sub3A_45 = arith.subi %div3A_24, %sub3A_44 : i32
    %select_n3A_46 = arith.select %and3A_43, %sub3A_45, %div3A_24 : i32
    %mul3A_47 = arith.constant 768 : i32
    %mul3A_48 = arith.muli %select_n3A, %mul3A_47 : i32
    %eq3A = arith.constant 31 : i32
    %eq3A_49 = arith.cmpi eq, %add3A, %eq3A : i32
    %mul3A_50 = arith.constant 768 : i32
    %mul3A_51 = arith.muli %select_n3A_46, %mul3A_50 : i32
    %jit3A_52 = arith.constant 1000000 : i32
    %select_n3A_53 = arith.select %eq3A_49, %jit3A_52, %mul3A_51 : i32
    "tpu.region"() ({
      %run_scoped3A = tpu.sem_alloc : memref<!tpu.dma_semaphore, #tpu.memory_space<semaphore_mem>>
      tpu.enqueue_dma source(%arg3 : memref<64x64xf32, #tpu.memory_space<hbm>>) target(%arg12 : memref<64x64xf32, #tpu.memory_space<vmem>>) target_semaphore(%run_scoped3A : memref<!tpu.dma_semaphore, #tpu.memory_space<semaphore_mem>>)
      tpu.wait_dma2 semaphore(%run_scoped3A : memref<!tpu.dma_semaphore, #tpu.memory_space<semaphore_mem>>) src(%arg3 : memref<64x64xf32, #tpu.memory_space<hbm>>) dst(%arg12 : memref<64x64xf32, #tpu.memory_space<vmem>>)
      tpu.yield
    }) : () -> ()
    %iota3A = tpu.iota {dimensions = array<i32: 0>} : vector<16xi32>
    %broadcast_in_dim3A = arith.constant -1 : i32
    %broadcast_in_dim3A_54 = vector.broadcast %broadcast_in_dim3A : i32 to vector<16xi32>
    %swap3A = arith.constant 0 : index
    %swap3A_55 = tpu.vector_load %arg11[%swap3A] {strides = array<i32>} : memref<144xi32, #tpu.memory_space<vmem>>, vector<16xi32>,
    tpu.vector_store %arg11[%swap3A], %broadcast_in_dim3A_54 {strides = array<i32>} : memref<144xi32, #tpu.memory_space<vmem>>, vector<16xi32>,
    %swap3A_56 = arith.constant 16 : index
    %swap3A_57 = tpu.vector_load %arg11[%swap3A_56] {strides = array<i32>} : memref<144xi32, #tpu.memory_space<vmem>>, vector<16xi32>,
    tpu.vector_store %arg11[%swap3A_56], %broadcast_in_dim3A_54 {strides = array<i32>} : memref<144xi32, #tpu.memory_space<vmem>>, vector<16xi32>,
    %swap3A_58 = arith.constant 32 : index
    %swap3A_59 = tpu.vector_load %arg11[%swap3A_58] {strides = array<i32>} : memref<144xi32, #tpu.memory_space<vmem>>, vector<16xi32>,
    tpu.vector_store %arg11[%swap3A_58], %broadcast_in_dim3A_54 {strides = array<i32>} : memref<144xi32, #tpu.memory_space<vmem>>, vector<16xi32>,
    %swap3A_60 = arith.constant 48 : index
    %swap3A_61 = tpu.vector_load %arg11[%swap3A_60] {strides = array<i32>} : memref<144xi32, #tpu.memory_space<vmem>>, vector<16xi32>,
    tpu.vector_store %arg11[%swap3A_60], %broadcast_in_dim3A_54 {strides = array<i32>} : memref<144xi32, #tpu.memory_space<vmem>>, vector<16xi32>,
    %swap3A_62 = arith.constant 64 : index
    %swap3A_63 = tpu.vector_load %arg11[%swap3A_62] {strides = array<i32>} : memref<144xi32, #tpu.memory_space<vmem>>, vector<16xi32>,
    tpu.vector_store %arg11[%swap3A_62], %broadcast_in_dim3A_54 {strides = array<i32>} : memref<144xi32, #tpu.memory_space<vmem>>, vector<16xi32>,
    %swap3A_64 = arith.constant 80 : index
    %swap3A_65 = tpu.vector_load %arg11[%swap3A_64] {strides = array<i32>} : memref<144xi32, #tpu.memory_space<vmem>>, vector<16xi32>,
    tpu.vector_store %arg11[%swap3A_64], %broadcast_in_dim3A_54 {strides = array<i32>} : memref<144xi32, #tpu.memory_space<vmem>>, vector<16xi32>,
    %swap3A_66 = arith.constant 96 : index
    %swap3A_67 = tpu.vector_load %arg11[%swap3A_66] {strides = array<i32>} : memref<144xi32, #tpu.memory_space<vmem>>, vector<16xi32>,
    tpu.vector_store %arg11[%swap3A_66], %broadcast_in_dim3A_54 {strides = array<i32>} : memref<144xi32, #tpu.memory_space<vmem>>, vector<16xi32>,
    %swap3A_68 = arith.constant 112 : index
    %swap3A_69 = tpu.vector_load %arg11[%swap3A_68] {strides = array<i32>} : memref<144xi32, #tpu.memory_space<vmem>>, vector<16xi32>,
    tpu.vector_store %arg11[%swap3A_68], %broadcast_in_dim3A_54 {strides = array<i32>} : memref<144xi32, #tpu.memory_space<vmem>>, vector<16xi32>,
    %scan3A = arith.constant 0 : i32
    %scan3A_70 = arith.constant 0 : i32
    %scan3A_71 = arith.constant 8 : i32
    %scan3A_72 = arith.addi %scan3A_70, %scan3A_71 : i32
    %scan3A_73 = arith.constant 1 : i32
    %scan3A_74 = scf.for %scan3A_152 = %scan3A_70 to %scan3A_72 step %scan3A_73 iter_args(%scan3A_153 = %scan3A) -> (i32)  : i32 {
      %mul3A_154 = arith.constant 2048 : i32
      %mul3A_155 = arith.muli %scan3A_152, %mul3A_154 : i32
      "tpu.region"() ({
        %run_scoped3A = tpu.sem_alloc : memref<!tpu.dma_semaphore, #tpu.memory_space<semaphore_mem>>
        %dma_start3A = tpu.memref_slice %arg4[%mul3A_155] : memref<16384xi32, #tpu.memory_space<hbm>> -> memref<2048xi32, #tpu.memory_space<hbm>>
        %dma_start3A_162 = tpu.memref_slice %arg4[%mul3A_155] : memref<16384xi32, #tpu.memory_space<hbm>> -> memref<2048xi32, #tpu.memory_space<hbm>>
        tpu.enqueue_dma source(%dma_start3A_162 : memref<2048xi32, #tpu.memory_space<hbm>>) target(%arg6 : memref<2048xi32, #tpu.memory_space<vmem>>) target_semaphore(%run_scoped3A : memref<!tpu.dma_semaphore, #tpu.memory_space<semaphore_mem>>)
        %dma_wait3A = tpu.memref_slice %arg4[%mul3A_155] : memref<16384xi32, #tpu.memory_space<hbm>> -> memref<2048xi32, #tpu.memory_space<hbm>>
        %dma_wait3A_163 = tpu.memref_slice %arg4[%mul3A_155] : memref<16384xi32, #tpu.memory_space<hbm>> -> memref<2048xi32, #tpu.memory_space<hbm>>
        tpu.wait_dma2 semaphore(%run_scoped3A : memref<!tpu.dma_semaphore, #tpu.memory_space<semaphore_mem>>) src(%dma_wait3A_163 : memref<2048xi32, #tpu.memory_space<hbm>>) dst(%arg6 : memref<2048xi32, #tpu.memory_space<vmem>>)
        tpu.yield
      }) : () -> ()
      %scan3A_156 = arith.constant 0 : i32
      %scan3A_157 = arith.constant 128 : i32
      %scan3A_158 = arith.addi %scan3A_156, %scan3A_157 : i32
      %scan3A_159 = arith.constant 1 : i32
      %scan3A_160 = scf.for %scan3A_162 = %scan3A_156 to %scan3A_158 step %scan3A_159 iter_args(%scan3A_163 = %scan3A_153) -> (i32)  : i32 {
        %mul3A_164 = arith.constant 16 : i32
        %mul3A_165 = arith.muli %scan3A_162, %mul3A_164 : i32
        %get3A = arith.index_cast %mul3A_165 : i32 to index
        %get3A_166 = tpu.vector_load %arg6[%get3A] {strides = array<i32>} : memref<2048xi32, #tpu.memory_space<vmem>>, vector<16xi32>,
        %ge3A = vector.broadcast %mul3A_48 : i32 to vector<16xi32>
        %ge3A_167 = arith.cmpi sge, %get3A_166, %ge3A : vector<16xi32>
        %lt3A = vector.broadcast %select_n3A_53 : i32 to vector<16xi32>
        %lt3A_168 = arith.cmpi slt, %get3A_166, %lt3A : vector<16xi32>
        %and3A_169 = arith.andi %ge3A_167, %lt3A_168 : vector<16xi1>
        %mul3A_170 = arith.constant 2048 : i32
        %mul3A_171 = arith.muli %scan3A_152, %mul3A_170 : i32
        %add3A_172 = vector.broadcast %mul3A_171 : i32 to vector<16xi32>
        %add3A_173 = arith.addi %iota3A, %add3A_172 : vector<16xi32>
        %mul3A_174 = arith.constant 16 : i32
        %mul3A_175 = arith.muli %scan3A_162, %mul3A_174 : i32
        %add3A_176 = vector.broadcast %mul3A_175 : i32 to vector<16xi32>
        %add3A_177 = arith.addi %add3A_173, %add3A_176 : vector<16xi32>
        %sub3A_178 = vector.broadcast %mul3A_48 : i32 to vector<16xi32>
        %sub3A_179 = arith.subi %get3A_166, %sub3A_178 : vector<16xi32>
        %shift_left3A_180 = arith.constant 14 : i32
        %shift_left3A_181 = vector.broadcast %shift_left3A_180 : i32 to vector<16xi32>
        %shift_left3A_182 = arith.shli %sub3A_179, %shift_left3A_181 : vector<16xi32>
        %or3A = arith.ori %shift_left3A_182, %add3A_177 : vector<16xi32>
        %swap3A_183 = arith.index_cast %scan3A_163 : i32 to index
        %swap3A_184 = tpu.vector_load %arg7[%swap3A_183] masked %and3A_169 {strides = array<i32>} : memref<16416xi32, #tpu.memory_space<vmem>>, vector<16xi32>, vector<16xi1>
        tpu.vector_store %arg7[%swap3A_183], %or3A masked %and3A_169 {strides = array<i32>} : memref<16416xi32, #tpu.memory_space<vmem>>, vector<16xi32>, vector<16xi1>
        %all_reduce_population_count3A = tpu.all_reduce %and3A_169 {dim = 0 : i64, kind = #tpu.reduction_kind<sum>} : vector<16xi1> -> vector<16xi32>
        %slice3A = vector.extract_strided_slice %all_reduce_population_count3A {offsets = [0], sizes = [1], strides = [1]} : vector<16xi32> to vector<1xi32>
        %squeeze3A = vector.extract %slice3A[0] : i32 from vector<1xi32>
        %add3A_185 = arith.addi %scan3A_163, %squeeze3A : i32
        scf.yield %add3A_185 : i32
      }
      %scan3A_161 = arith.constant 128 : i32
      scf.yield %scan3A_160 : i32
    }
    %scan3A_75 = arith.constant 8 : i32
    %swap3A_76 = arith.index_cast %scan3A_74 : i32 to index
    %swap3A_77 = tpu.vector_load %arg7[%swap3A_76] {strides = array<i32>} : memref<16416xi32, #tpu.memory_space<vmem>>, vector<16xi32>,
    tpu.vector_store %arg7[%swap3A_76], %broadcast_in_dim3A_54 {strides = array<i32>} : memref<16416xi32, #tpu.memory_space<vmem>>, vector<16xi32>,
    %add3A_78 = arith.constant 15 : i32
    %add3A_79 = arith.addi %scan3A_74, %add3A_78 : i32
    %jit3A_80 = arith.constant 16 : i32
    %div3A_81 = arith.divsi %add3A_79, %jit3A_80 : i32
    %sign3A_82 = arith.constant 0 : i32
    %sign3A_83 = arith.cmpi sgt, %add3A_79, %sign3A_82 : i32
    %sign3A_84 = arith.extui %sign3A_83 : i1 to i32
    %sign3A_85 = arith.constant 0 : i32
    %sign3A_86 = arith.cmpi slt, %add3A_79, %sign3A_85 : i32
    %sign3A_87 = arith.extui %sign3A_86 : i1 to i32
    %sign3A_88 = arith.subi %sign3A_84, %sign3A_87 : i32
    %sign3A_89 = arith.constant 0 : i32
    %sign3A_90 = arith.cmpi sgt, %jit3A_80, %sign3A_89 : i32
    %sign3A_91 = arith.extui %sign3A_90 : i1 to i32
    %sign3A_92 = arith.constant 0 : i32
    %sign3A_93 = arith.cmpi slt, %jit3A_80, %sign3A_92 : i32
    %sign3A_94 = arith.extui %sign3A_93 : i1 to i32
    %sign3A_95 = arith.subi %sign3A_91, %sign3A_94 : i32
    %ne3A_96 = arith.cmpi ne, %sign3A_88, %sign3A_95 : i32
    %rem3A_97 = arith.remsi %add3A_79, %jit3A_80 : i32
    %ne3A_98 = arith.constant 0 : i32
    %ne3A_99 = arith.cmpi ne, %rem3A_97, %ne3A_98 : i32
    %and3A_100 = arith.andi %ne3A_96, %ne3A_99 : i1
    %sub3A_101 = arith.constant 1 : i32
    %sub3A_102 = arith.subi %div3A_81, %sub3A_101 : i32
    %select_n3A_103 = arith.select %and3A_100, %sub3A_102, %div3A_81 : i32
    %while3A = arith.constant 0 : i32
    %while3A_104 = arith.subi %select_n3A_46, %select_n3A : i32
    %while3A_105 = arith.addi %select_n3A, %while3A_104 : i32
    %while3A_106 = arith.constant 1 : i32
    %while3A_107 = arith.divsi %while3A_104, %while3A_106 : i32
    %while3A_108 = arith.muli %while3A_107, %while3A_106 : i32
    %while3A_109 = arith.addi %select_n3A, %while3A_108 : i32
    %while3A_110 = arith.constant 1 : i32
    %while3A_111 = scf.for %while3A_152 = %select_n3A to %while3A_109 step %while3A_110 iter_args(%while3A_153 = %while3A) -> (i32)  : i32 {
      %mul3A_154 = arith.constant 768 : i32
      %mul3A_155 = arith.muli %while3A_152, %mul3A_154 : i32
      %multiple_of3A = tpu.assume_multiple %mul3A_155, 768 : i32
      "tpu.region"() ({
        %run_scoped3A = tpu.sem_alloc : memref<!tpu.dma_semaphore, #tpu.memory_space<semaphore_mem>>
        %dma_start3A = arith.constant 0 : i32
        %dma_start3A_172 = tpu.memref_slice %arg2[%dma_start3A, %multiple_of3A] : memref<64x1000000xf32, #tpu.memory_space<hbm>> -> memref<64x768xf32, #tpu.memory_space<hbm>>
        %dma_start3A_173 = arith.constant 0 : i32
        %dma_start3A_174 = tpu.memref_slice %arg2[%dma_start3A_173, %multiple_of3A] : memref<64x1000000xf32, #tpu.memory_space<hbm>> -> memref<64x768xf32, #tpu.memory_space<hbm>>
        tpu.enqueue_dma source(%dma_start3A_174 : memref<64x768xf32, #tpu.memory_space<hbm>>) target(%arg9 : memref<64x768xf32, #tpu.memory_space<vmem>>) target_semaphore(%run_scoped3A : memref<!tpu.dma_semaphore, #tpu.memory_space<semaphore_mem>>)
        %dma_wait3A = arith.constant 0 : i32
        %dma_wait3A_175 = tpu.memref_slice %arg2[%dma_wait3A, %multiple_of3A] : memref<64x1000000xf32, #tpu.memory_space<hbm>> -> memref<64x768xf32, #tpu.memory_space<hbm>>
        %dma_wait3A_176 = arith.constant 0 : i32
        %dma_wait3A_177 = tpu.memref_slice %arg2[%dma_wait3A_176, %multiple_of3A] : memref<64x1000000xf32, #tpu.memory_space<hbm>> -> memref<64x768xf32, #tpu.memory_space<hbm>>
        tpu.wait_dma2 semaphore(%run_scoped3A : memref<!tpu.dma_semaphore, #tpu.memory_space<semaphore_mem>>) src(%dma_wait3A_177 : memref<64x768xf32, #tpu.memory_space<hbm>>) dst(%arg9 : memref<64x768xf32, #tpu.memory_space<vmem>>)
        tpu.yield
      }) : () -> ()
      %sub3A_156 = arith.subi %multiple_of3A, %mul3A_48 : i32
      %shift_left3A_157 = arith.constant 14 : i32
      %shift_left3A_158 = arith.shli %sub3A_156, %shift_left3A_157 : i32
      %add3A_159 = arith.constant 12582912 : i32
      %add3A_160 = arith.addi %shift_left3A_158, %add3A_159 : i32
      %while3A_161 = arith.constant 0 : i32
      %while3A_162 = arith.subi %select_n3A_103, %while3A_161 : i32
      %while3A_163 = arith.addi %while3A_161, %while3A_162 : i32
      %while3A_164 = arith.constant 1 : i32
      %while3A_165 = arith.divsi %while3A_162, %while3A_164 : i32
      %while3A_166 = arith.muli %while3A_165, %while3A_164 : i32
      %while3A_167 = arith.addi %while3A_161, %while3A_166 : i32
      %while3A_168 = arith.constant 1 : i32
      %while3A_169 = scf.for %while3A_172 = %while3A_161 to %while3A_167 step %while3A_168 iter_args(%while3A_173 = %while3A_153) -> (i32)  : i32 {
        %mul3A_174 = arith.constant 16 : i32
        %mul3A_175 = arith.muli %while3A_172, %mul3A_174 : i32
        %get3A = arith.index_cast %mul3A_175 : i32 to index
        %get3A_176 = tpu.vector_load %arg7[%get3A] {strides = array<i32>} : memref<16416xi32, #tpu.memory_space<vmem>>, vector<16xi32>,
        %ge3A = vector.broadcast %shift_left3A_158 : i32 to vector<16xi32>
        %ge3A_177 = arith.cmpi sge, %get3A_176, %ge3A : vector<16xi32>
        %lt3A = vector.broadcast %add3A_160 : i32 to vector<16xi32>
        %lt3A_178 = arith.cmpi slt, %get3A_176, %lt3A : vector<16xi32>
        %and3A_179 = arith.andi %ge3A_177, %lt3A_178 : vector<16xi1>
        %swap3A_180 = arith.constant 0 : index
        %swap3A_181 = tpu.vector_load %arg8[%swap3A_180] masked %and3A_179 {strides = array<i32>} : memref<32xi32, #tpu.memory_space<vmem>>, vector<16xi32>, vector<16xi1>
        tpu.vector_store %arg8[%swap3A_180], %get3A_176 masked %and3A_179 {strides = array<i32>} : memref<32xi32, #tpu.memory_space<vmem>>, vector<16xi32>, vector<16xi1>
        %all_reduce_population_count3A = tpu.all_reduce %and3A_179 {dim = 0 : i64, kind = #tpu.reduction_kind<sum>} : vector<16xi1> -> vector<16xi32>
        %slice3A = vector.extract_strided_slice %all_reduce_population_count3A {offsets = [0], sizes = [1], strides = [1]} : vector<16xi32> to vector<1xi32>
        %squeeze3A = vector.extract %slice3A[0] : i32 from vector<1xi32>
        %while3A_182 = arith.constant 0 : i32
        %while3A_183 = arith.subi %squeeze3A, %while3A_182 : i32
        %while3A_184 = arith.addi %while3A_182, %while3A_183 : i32
        %while3A_185 = arith.constant 1 : i32
        %while3A_186 = arith.divsi %while3A_183, %while3A_185 : i32
        %while3A_187 = arith.muli %while3A_186, %while3A_185 : i32
        %while3A_188 = arith.addi %while3A_182, %while3A_187 : i32
        %while3A_189 = arith.constant 1 : i32
        %while3A_190 = scf.for %while3A_193 = %while3A_182 to %while3A_188 step %while3A_189 iter_args(%while3A_194 = %while3A_173) -> (i32)  : i32 {
          %get3A_195 = arith.index_cast %while3A_193 : i32 to index
          %get3A_196 = tpu.vector_load %arg8[%get3A_195] {strides = array<i32>} : memref<32xi32, #tpu.memory_space<vmem>>, vector<16xi32>,
          %slice3A_197 = vector.extract_strided_slice %get3A_196 {offsets = [0], sizes = [1], strides = [1]} : vector<16xi32> to vector<1xi32>
          %squeeze3A_198 = vector.extract %slice3A_197[0] : i32 from vector<1xi32>
          %shift_right_arithmetic3A = arith.constant 14 : i32
          %shift_right_arithmetic3A_199 = arith.shrsi %squeeze3A_198, %shift_right_arithmetic3A : i32
          %sub3A_200 = arith.subi %multiple_of3A, %mul3A_48 : i32
          %sub3A_201 = arith.subi %shift_right_arithmetic3A_199, %sub3A_200 : i32
          %and3A_202 = arith.constant 16383 : i32
          %and3A_203 = arith.andi %squeeze3A_198, %and3A_202 : i32
          %broadcast_in_dim3A_204 = vector.broadcast %sub3A_201 : i32 to vector<16xi32>
          %and3A_205 = arith.constant 127 : i32
          %and3A_206 = arith.andi %while3A_194, %and3A_205 : i32
          %add3A_207 = arith.constant 0 : i32
          %add3A_208 = vector.broadcast %add3A_207 : i32 to vector<16xi32>
          %add3A_209 = arith.addi %iota3A, %add3A_208 : vector<16xi32>
          %gather3A = tpu.vector_load_idx %arg9[%add3A_209, %broadcast_in_dim3A_204] : memref<64x768xf32, #tpu.memory_space<vmem>>[vector<16xi32>, vector<16xi32>], vector<16xf32>,
          %swap3A_210 = arith.index_cast %and3A_206 : i32 to index
          %swap3A_211 = arith.constant 0 : index
          %swap3A_212 = tpu.vector_load %arg10[%swap3A_210, %swap3A_211] {strides = array<i32>} : memref<128x128xf32, #tpu.memory_space<vmem>>, vector<16xf32>,
          tpu.vector_store %arg10[%swap3A_210, %swap3A_211], %gather3A {strides = array<i32>} : memref<128x128xf32, #tpu.memory_space<vmem>>, vector<16xf32>,
          %add3A_213 = arith.constant 16 : i32
          %add3A_214 = vector.broadcast %add3A_213 : i32 to vector<16xi32>
          %add3A_215 = arith.addi %iota3A, %add3A_214 : vector<16xi32>
          %gather3A_216 = tpu.vector_load_idx %arg9[%add3A_215, %broadcast_in_dim3A_204] : memref<64x768xf32, #tpu.memory_space<vmem>>[vector<16xi32>, vector<16xi32>], vector<16xf32>,
          %swap3A_217 = arith.index_cast %and3A_206 : i32 to index
          %swap3A_218 = arith.constant 16 : index
          %swap3A_219 = tpu.vector_load %arg10[%swap3A_217, %swap3A_218] {strides = array<i32>} : memref<128x128xf32, #tpu.memory_space<vmem>>, vector<16xf32>,
          tpu.vector_store %arg10[%swap3A_217, %swap3A_218], %gather3A_216 {strides = array<i32>} : memref<128x128xf32, #tpu.memory_space<vmem>>, vector<16xf32>,
          %add3A_220 = arith.constant 32 : i32
          %add3A_221 = vector.broadcast %add3A_220 : i32 to vector<16xi32>
          %add3A_222 = arith.addi %iota3A, %add3A_221 : vector<16xi32>
          %gather3A_223 = tpu.vector_load_idx %arg9[%add3A_222, %broadcast_in_dim3A_204] : memref<64x768xf32, #tpu.memory_space<vmem>>[vector<16xi32>, vector<16xi32>], vector<16xf32>,
          %swap3A_224 = arith.index_cast %and3A_206 : i32 to index
          %swap3A_225 = arith.constant 32 : index
          %swap3A_226 = tpu.vector_load %arg10[%swap3A_224, %swap3A_225] {strides = array<i32>} : memref<128x128xf32, #tpu.memory_space<vmem>>, vector<16xf32>,
          tpu.vector_store %arg10[%swap3A_224, %swap3A_225], %gather3A_223 {strides = array<i32>} : memref<128x128xf32, #tpu.memory_space<vmem>>, vector<16xf32>,
          %add3A_227 = arith.constant 48 : i32
          %add3A_228 = vector.broadcast %add3A_227 : i32 to vector<16xi32>
          %add3A_229 = arith.addi %iota3A, %add3A_228 : vector<16xi32>
          %gather3A_230 = tpu.vector_load_idx %arg9[%add3A_229, %broadcast_in_dim3A_204] : memref<64x768xf32, #tpu.memory_space<vmem>>[vector<16xi32>, vector<16xi32>], vector<16xf32>,
          %swap3A_231 = arith.index_cast %and3A_206 : i32 to index
          %swap3A_232 = arith.constant 48 : index
          %swap3A_233 = tpu.vector_load %arg10[%swap3A_231, %swap3A_232] {strides = array<i32>} : memref<128x128xf32, #tpu.memory_space<vmem>>, vector<16xf32>,
          tpu.vector_store %arg10[%swap3A_231, %swap3A_232], %gather3A_230 {strides = array<i32>} : memref<128x128xf32, #tpu.memory_space<vmem>>, vector<16xf32>,
          %mul3A_234 = arith.constant 16384 : i32
          %mul3A_235 = arith.muli %arg0, %mul3A_234 : i32
          %add3A_236 = arith.addi %mul3A_235, %and3A_203 : i32
          %broadcast_in_dim3A_237 = vector.broadcast %add3A_236 : i32 to vector<16xi32>
          %swap3A_238 = arith.index_cast %and3A_206 : i32 to index
          %swap3A_239 = tpu.vector_load %arg11[%swap3A_238] {strides = array<i32>} : memref<144xi32, #tpu.memory_space<vmem>>, vector<16xi32>,
          tpu.vector_store %arg11[%swap3A_238], %broadcast_in_dim3A_237 {strides = array<i32>} : memref<144xi32, #tpu.memory_space<vmem>>, vector<16xi32>,
          %eq3A_240 = arith.constant 127 : i32
          %eq3A_241 = arith.cmpi eq, %and3A_206, %eq3A_240 : i32
          %convert_element_type3A = arith.extui %eq3A_241 : i1 to i32
          %cond3A = arith.constant 0 : i32
          %cond3A_242 = arith.cmpi ne, %convert_element_type3A, %cond3A : i32
          scf.if %cond3A_242 {
            "tpu.region"() ({
              %run_scoped3A = tpu.sem_alloc : memref<!tpu.dma_semaphore, #tpu.memory_space<semaphore_mem>>
              %dma_start3A = arith.constant 0 : i32
              %dma_start3A_261 = tpu.memref_slice %arg11[%dma_start3A] : memref<144xi32, #tpu.memory_space<vmem>> -> memref<128xi32, #tpu.memory_space<vmem>>
              %dma_start3A_262 = arith.constant 0 : i32
              %dma_start3A_263 = arith.constant 0 : i32
              %dma_start3A_264 = tpu.memref_slice %arg5[%dma_start3A_262, %dma_start3A_263] : memref<32768x128xf32, #tpu.memory_space<hbm>> -> memref<32768x128xf32, #tpu.memory_space<hbm>>
              %dma_start3A_265 = arith.constant -1 : i32
              tpu.enqueue_indirect_dma source(%arg10 : memref<128x128xf32, #tpu.memory_space<vmem>>) target(%dma_start3A_264 : memref<32768x128xf32, #tpu.memory_space<hbm>>) offsets(%dma_start3A_261 : memref<128xi32, #tpu.memory_space<vmem>>) offset_filter(%dma_start3A_265) semaphore(%run_scoped3A : memref<!tpu.dma_semaphore, #tpu.memory_space<semaphore_mem>>)
              %dma_wait3A = arith.constant 0 : i32
              %dma_wait3A_266 = tpu.memref_slice %arg11[%dma_wait3A] : memref<144xi32, #tpu.memory_space<vmem>> -> memref<128xi32, #tpu.memory_space<vmem>>
              %dma_wait3A_267 = arith.constant 0 : i32
              %dma_wait3A_268 = arith.constant 0 : i32
              %dma_wait3A_269 = tpu.memref_slice %arg5[%dma_wait3A_267, %dma_wait3A_268] : memref<32768x128xf32, #tpu.memory_space<hbm>> -> memref<32768x128xf32, #tpu.memory_space<hbm>>
              tpu.wait_indirect_dma semaphore(%run_scoped3A : memref<!tpu.dma_semaphore, #tpu.memory_space<semaphore_mem>>) src(%arg10 : memref<128x128xf32, #tpu.memory_space<vmem>>) dst(%dma_wait3A_269 : memref<32768x128xf32, #tpu.memory_space<hbm>>)
              tpu.yield
            }) : () -> ()
            %swap3A_245 = arith.constant 0 : index
            %swap3A_246 = tpu.vector_load %arg11[%swap3A_245] {strides = array<i32>} : memref<144xi32, #tpu.memory_space<vmem>>, vector<16xi32>,
            tpu.vector_store %arg11[%swap3A_245], %broadcast_in_dim3A_54 {strides = array<i32>} : memref<144xi32, #tpu.memory_space<vmem>>, vector<16xi32>,
            %swap3A_247 = arith.constant 16 : index
            %swap3A_248 = tpu.vector_load %arg11[%swap3A_247] {strides = array<i32>} : memref<144xi32, #tpu.memory_space<vmem>>, vector<16xi32>,
            tpu.vector_store %arg11[%swap3A_247], %broadcast_in_dim3A_54 {strides = array<i32>} : memref<144xi32, #tpu.memory_space<vmem>>, vector<16xi32>,
            %swap3A_249 = arith.constant 32 : index
            %swap3A_250 = tpu.vector_load %arg11[%swap3A_249] {strides = array<i32>} : memref<144xi32, #tpu.memory_space<vmem>>, vector<16xi32>,
            tpu.vector_store %arg11[%swap3A_249], %broadcast_in_dim3A_54 {strides = array<i32>} : memref<144xi32, #tpu.memory_space<vmem>>, vector<16xi32>,
            %swap3A_251 = arith.constant 48 : index
            %swap3A_252 = tpu.vector_load %arg11[%swap3A_251] {strides = array<i32>} : memref<144xi32, #tpu.memory_space<vmem>>, vector<16xi32>,
            tpu.vector_store %arg11[%swap3A_251], %broadcast_in_dim3A_54 {strides = array<i32>} : memref<144xi32, #tpu.memory_space<vmem>>, vector<16xi32>,
            %swap3A_253 = arith.constant 64 : index
            %swap3A_254 = tpu.vector_load %arg11[%swap3A_253] {strides = array<i32>} : memref<144xi32, #tpu.memory_space<vmem>>, vector<16xi32>,
            tpu.vector_store %arg11[%swap3A_253], %broadcast_in_dim3A_54 {strides = array<i32>} : memref<144xi32, #tpu.memory_space<vmem>>, vector<16xi32>,
            %swap3A_255 = arith.constant 80 : index
            %swap3A_256 = tpu.vector_load %arg11[%swap3A_255] {strides = array<i32>} : memref<144xi32, #tpu.memory_space<vmem>>, vector<16xi32>,
            tpu.vector_store %arg11[%swap3A_255], %broadcast_in_dim3A_54 {strides = array<i32>} : memref<144xi32, #tpu.memory_space<vmem>>, vector<16xi32>,
            %swap3A_257 = arith.constant 96 : index
            %swap3A_258 = tpu.vector_load %arg11[%swap3A_257] {strides = array<i32>} : memref<144xi32, #tpu.memory_space<vmem>>, vector<16xi32>,
            tpu.vector_store %arg11[%swap3A_257], %broadcast_in_dim3A_54 {strides = array<i32>} : memref<144xi32, #tpu.memory_space<vmem>>, vector<16xi32>,
            %swap3A_259 = arith.constant 112 : index
            %swap3A_260 = tpu.vector_load %arg11[%swap3A_259] {strides = array<i32>} : memref<144xi32, #tpu.memory_space<vmem>>, vector<16xi32>,
            tpu.vector_store %arg11[%swap3A_259], %broadcast_in_dim3A_54 {strides = array<i32>} : memref<144xi32, #tpu.memory_space<vmem>>, vector<16xi32>,
          } else {
          }
          %add3A_243 = arith.constant 1 : i32
          %add3A_244 = arith.addi %while3A_194, %add3A_243 : i32
          scf.yield %add3A_244 : i32
        }
        %while3A_191 = arith.constant 1 : i32
        %while3A_192 = scf.for %while3A_193 = %while3A_188 to %while3A_184 step %while3A_191 iter_args(%while3A_194 = %while3A_190) -> (i32)  : i32 {
          %get3A_195 = arith.index_cast %while3A_193 : i32 to index
          %get3A_196 = tpu.vector_load %arg8[%get3A_195] {strides = array<i32>} : memref<32xi32, #tpu.memory_space<vmem>>, vector<16xi32>,
          %slice3A_197 = vector.extract_strided_slice %get3A_196 {offsets = [0], sizes = [1], strides = [1]} : vector<16xi32> to vector<1xi32>
          %squeeze3A_198 = vector.extract %slice3A_197[0] : i32 from vector<1xi32>
          %shift_right_arithmetic3A = arith.constant 14 : i32
          %shift_right_arithmetic3A_199 = arith.shrsi %squeeze3A_198, %shift_right_arithmetic3A : i32
          %sub3A_200 = arith.subi %multiple_of3A, %mul3A_48 : i32
          %sub3A_201 = arith.subi %shift_right_arithmetic3A_199, %sub3A_200 : i32
          %and3A_202 = arith.constant 16383 : i32
          %and3A_203 = arith.andi %squeeze3A_198, %and3A_202 : i32
          %broadcast_in_dim3A_204 = vector.broadcast %sub3A_201 : i32 to vector<16xi32>
          %and3A_205 = arith.constant 127 : i32
          %and3A_206 = arith.andi %while3A_194, %and3A_205 : i32
          %add3A_207 = arith.constant 0 : i32
          %add3A_208 = vector.broadcast %add3A_207 : i32 to vector<16xi32>
          %add3A_209 = arith.addi %iota3A, %add3A_208 : vector<16xi32>
          %gather3A = tpu.vector_load_idx %arg9[%add3A_209, %broadcast_in_dim3A_204] : memref<64x768xf32, #tpu.memory_space<vmem>>[vector<16xi32>, vector<16xi32>], vector<16xf32>,
          %swap3A_210 = arith.index_cast %and3A_206 : i32 to index
          %swap3A_211 = arith.constant 0 : index
          %swap3A_212 = tpu.vector_load %arg10[%swap3A_210, %swap3A_211] {strides = array<i32>} : memref<128x128xf32, #tpu.memory_space<vmem>>, vector<16xf32>,
          tpu.vector_store %arg10[%swap3A_210, %swap3A_211], %gather3A {strides = array<i32>} : memref<128x128xf32, #tpu.memory_space<vmem>>, vector<16xf32>,
          %add3A_213 = arith.constant 16 : i32
          %add3A_214 = vector.broadcast %add3A_213 : i32 to vector<16xi32>
          %add3A_215 = arith.addi %iota3A, %add3A_214 : vector<16xi32>
          %gather3A_216 = tpu.vector_load_idx %arg9[%add3A_215, %broadcast_in_dim3A_204] : memref<64x768xf32, #tpu.memory_space<vmem>>[vector<16xi32>, vector<16xi32>], vector<16xf32>,
          %swap3A_217 = arith.index_cast %and3A_206 : i32 to index
          %swap3A_218 = arith.constant 16 : index
          %swap3A_219 = tpu.vector_load %arg10[%swap3A_217, %swap3A_218] {strides = array<i32>} : memref<128x128xf32, #tpu.memory_space<vmem>>, vector<16xf32>,
          tpu.vector_store %arg10[%swap3A_217, %swap3A_218], %gather3A_216 {strides = array<i32>} : memref<128x128xf32, #tpu.memory_space<vmem>>, vector<16xf32>,
          %add3A_220 = arith.constant 32 : i32
          %add3A_221 = vector.broadcast %add3A_220 : i32 to vector<16xi32>
          %add3A_222 = arith.addi %iota3A, %add3A_221 : vector<16xi32>
          %gather3A_223 = tpu.vector_load_idx %arg9[%add3A_222, %broadcast_in_dim3A_204] : memref<64x768xf32, #tpu.memory_space<vmem>>[vector<16xi32>, vector<16xi32>], vector<16xf32>,
          %swap3A_224 = arith.index_cast %and3A_206 : i32 to index
          %swap3A_225 = arith.constant 32 : index
          %swap3A_226 = tpu.vector_load %arg10[%swap3A_224, %swap3A_225] {strides = array<i32>} : memref<128x128xf32, #tpu.memory_space<vmem>>, vector<16xf32>,
          tpu.vector_store %arg10[%swap3A_224, %swap3A_225], %gather3A_223 {strides = array<i32>} : memref<128x128xf32, #tpu.memory_space<vmem>>, vector<16xf32>,
          %add3A_227 = arith.constant 48 : i32
          %add3A_228 = vector.broadcast %add3A_227 : i32 to vector<16xi32>
          %add3A_229 = arith.addi %iota3A, %add3A_228 : vector<16xi32>
          %gather3A_230 = tpu.vector_load_idx %arg9[%add3A_229, %broadcast_in_dim3A_204] : memref<64x768xf32, #tpu.memory_space<vmem>>[vector<16xi32>, vector<16xi32>], vector<16xf32>,
          %swap3A_231 = arith.index_cast %and3A_206 : i32 to index
          %swap3A_232 = arith.constant 48 : index
          %swap3A_233 = tpu.vector_load %arg10[%swap3A_231, %swap3A_232] {strides = array<i32>} : memref<128x128xf32, #tpu.memory_space<vmem>>, vector<16xf32>,
          tpu.vector_store %arg10[%swap3A_231, %swap3A_232], %gather3A_230 {strides = array<i32>} : memref<128x128xf32, #tpu.memory_space<vmem>>, vector<16xf32>,
          %mul3A_234 = arith.constant 16384 : i32
          %mul3A_235 = arith.muli %arg0, %mul3A_234 : i32
          %add3A_236 = arith.addi %mul3A_235, %and3A_203 : i32
          %broadcast_in_dim3A_237 = vector.broadcast %add3A_236 : i32 to vector<16xi32>
          %swap3A_238 = arith.index_cast %and3A_206 : i32 to index
          %swap3A_239 = tpu.vector_load %arg11[%swap3A_238] {strides = array<i32>} : memref<144xi32, #tpu.memory_space<vmem>>, vector<16xi32>,
          tpu.vector_store %arg11[%swap3A_238], %broadcast_in_dim3A_237 {strides = array<i32>} : memref<144xi32, #tpu.memory_space<vmem>>, vector<16xi32>,
          %eq3A_240 = arith.constant 127 : i32
          %eq3A_241 = arith.cmpi eq, %and3A_206, %eq3A_240 : i32
          %convert_element_type3A = arith.extui %eq3A_241 : i1 to i32
          %cond3A = arith.constant 0 : i32
          %cond3A_242 = arith.cmpi ne, %convert_element_type3A, %cond3A : i32
          scf.if %cond3A_242 {
            "tpu.region"() ({
              %run_scoped3A = tpu.sem_alloc : memref<!tpu.dma_semaphore, #tpu.memory_space<semaphore_mem>>
              %dma_start3A = arith.constant 0 : i32
              %dma_start3A_261 = tpu.memref_slice %arg11[%dma_start3A] : memref<144xi32, #tpu.memory_space<vmem>> -> memref<128xi32, #tpu.memory_space<vmem>>
              %dma_start3A_262 = arith.constant 0 : i32
              %dma_start3A_263 = arith.constant 0 : i32
              %dma_start3A_264 = tpu.memref_slice %arg5[%dma_start3A_262, %dma_start3A_263] : memref<32768x128xf32, #tpu.memory_space<hbm>> -> memref<32768x128xf32, #tpu.memory_space<hbm>>
              %dma_start3A_265 = arith.constant -1 : i32
              tpu.enqueue_indirect_dma source(%arg10 : memref<128x128xf32, #tpu.memory_space<vmem>>) target(%dma_start3A_264 : memref<32768x128xf32, #tpu.memory_space<hbm>>) offsets(%dma_start3A_261 : memref<128xi32, #tpu.memory_space<vmem>>) offset_filter(%dma_start3A_265) semaphore(%run_scoped3A : memref<!tpu.dma_semaphore, #tpu.memory_space<semaphore_mem>>)
              %dma_wait3A = arith.constant 0 : i32
              %dma_wait3A_266 = tpu.memref_slice %arg11[%dma_wait3A] : memref<144xi32, #tpu.memory_space<vmem>> -> memref<128xi32, #tpu.memory_space<vmem>>
              %dma_wait3A_267 = arith.constant 0 : i32
              %dma_wait3A_268 = arith.constant 0 : i32
              %dma_wait3A_269 = tpu.memref_slice %arg5[%dma_wait3A_267, %dma_wait3A_268] : memref<32768x128xf32, #tpu.memory_space<hbm>> -> memref<32768x128xf32, #tpu.memory_space<hbm>>
              tpu.wait_indirect_dma semaphore(%run_scoped3A : memref<!tpu.dma_semaphore, #tpu.memory_space<semaphore_mem>>) src(%arg10 : memref<128x128xf32, #tpu.memory_space<vmem>>) dst(%dma_wait3A_269 : memref<32768x128xf32, #tpu.memory_space<hbm>>)
              tpu.yield
            }) : () -> ()
            %swap3A_245 = arith.constant 0 : index
            %swap3A_246 = tpu.vector_load %arg11[%swap3A_245] {strides = array<i32>} : memref<144xi32, #tpu.memory_space<vmem>>, vector<16xi32>,
            tpu.vector_store %arg11[%swap3A_245], %broadcast_in_dim3A_54 {strides = array<i32>} : memref<144xi32, #tpu.memory_space<vmem>>, vector<16xi32>,
            %swap3A_247 = arith.constant 16 : index
            %swap3A_248 = tpu.vector_load %arg11[%swap3A_247] {strides = array<i32>} : memref<144xi32, #tpu.memory_space<vmem>>, vector<16xi32>,
            tpu.vector_store %arg11[%swap3A_247], %broadcast_in_dim3A_54 {strides = array<i32>} : memref<144xi32, #tpu.memory_space<vmem>>, vector<16xi32>,
            %swap3A_249 = arith.constant 32 : index
            %swap3A_250 = tpu.vector_load %arg11[%swap3A_249] {strides = array<i32>} : memref<144xi32, #tpu.memory_space<vmem>>, vector<16xi32>,
            tpu.vector_store %arg11[%swap3A_249], %broadcast_in_dim3A_54 {strides = array<i32>} : memref<144xi32, #tpu.memory_space<vmem>>, vector<16xi32>,
            %swap3A_251 = arith.constant 48 : index
            %swap3A_252 = tpu.vector_load %arg11[%swap3A_251] {strides = array<i32>} : memref<144xi32, #tpu.memory_space<vmem>>, vector<16xi32>,
            tpu.vector_store %arg11[%swap3A_251], %broadcast_in_dim3A_54 {strides = array<i32>} : memref<144xi32, #tpu.memory_space<vmem>>, vector<16xi32>,
            %swap3A_253 = arith.constant 64 : index
            %swap3A_254 = tpu.vector_load %arg11[%swap3A_253] {strides = array<i32>} : memref<144xi32, #tpu.memory_space<vmem>>, vector<16xi32>,
            tpu.vector_store %arg11[%swap3A_253], %broadcast_in_dim3A_54 {strides = array<i32>} : memref<144xi32, #tpu.memory_space<vmem>>, vector<16xi32>,
            %swap3A_255 = arith.constant 80 : index
            %swap3A_256 = tpu.vector_load %arg11[%swap3A_255] {strides = array<i32>} : memref<144xi32, #tpu.memory_space<vmem>>, vector<16xi32>,
            tpu.vector_store %arg11[%swap3A_255], %broadcast_in_dim3A_54 {strides = array<i32>} : memref<144xi32, #tpu.memory_space<vmem>>, vector<16xi32>,
            %swap3A_257 = arith.constant 96 : index
            %swap3A_258 = tpu.vector_load %arg11[%swap3A_257] {strides = array<i32>} : memref<144xi32, #tpu.memory_space<vmem>>, vector<16xi32>,
            tpu.vector_store %arg11[%swap3A_257], %broadcast_in_dim3A_54 {strides = array<i32>} : memref<144xi32, #tpu.memory_space<vmem>>, vector<16xi32>,
            %swap3A_259 = arith.constant 112 : index
            %swap3A_260 = tpu.vector_load %arg11[%swap3A_259] {strides = array<i32>} : memref<144xi32, #tpu.memory_space<vmem>>, vector<16xi32>,
            tpu.vector_store %arg11[%swap3A_259], %broadcast_in_dim3A_54 {strides = array<i32>} : memref<144xi32, #tpu.memory_space<vmem>>, vector<16xi32>,
          } else {
          }
          %add3A_243 = arith.constant 1 : i32
          %add3A_244 = arith.addi %while3A_194, %add3A_243 : i32
          scf.yield %add3A_244 : i32
        }
        scf.yield %while3A_192 : i32
      }
      %while3A_170 = arith.constant 1 : i32
      %while3A_171 = scf.for %while3A_172 = %while3A_167 to %while3A_163 step %while3A_170 iter_args(%while3A_173 = %while3A_169) -> (i32)  : i32 {
        %mul3A_174 = arith.constant 16 : i32
        %mul3A_175 = arith.muli %while3A_172, %mul3A_174 : i32
        %get3A = arith.index_cast %mul3A_175 : i32 to index
        %get3A_176 = tpu.vector_load %arg7[%get3A] {strides = array<i32>} : memref<16416xi32, #tpu.memory_space<vmem>>, vector<16xi32>,
        %ge3A = vector.broadcast %shift_left3A_158 : i32 to vector<16xi32>
        %ge3A_177 = arith.cmpi sge, %get3A_176, %ge3A : vector<16xi32>
        %lt3A = vector.broadcast %add3A_160 : i32 to vector<16xi32>
        %lt3A_178 = arith.cmpi slt, %get3A_176, %lt3A : vector<16xi32>
        %and3A_179 = arith.andi %ge3A_177, %lt3A_178 : vector<16xi1>
        %swap3A_180 = arith.constant 0 : index
        %swap3A_181 = tpu.vector_load %arg8[%swap3A_180] masked %and3A_179 {strides = array<i32>} : memref<32xi32, #tpu.memory_space<vmem>>, vector<16xi32>, vector<16xi1>
        tpu.vector_store %arg8[%swap3A_180], %get3A_176 masked %and3A_179 {strides = array<i32>} : memref<32xi32, #tpu.memory_space<vmem>>, vector<16xi32>, vector<16xi1>
        %all_reduce_population_count3A = tpu.all_reduce %and3A_179 {dim = 0 : i64, kind = #tpu.reduction_kind<sum>} : vector<16xi1> -> vector<16xi32>
        %slice3A = vector.extract_strided_slice %all_reduce_population_count3A {offsets = [0], sizes = [1], strides = [1]} : vector<16xi32> to vector<1xi32>
        %squeeze3A = vector.extract %slice3A[0] : i32 from vector<1xi32>
        %while3A_182 = arith.constant 0 : i32
        %while3A_183 = arith.subi %squeeze3A, %while3A_182 : i32
        %while3A_184 = arith.addi %while3A_182, %while3A_183 : i32
        %while3A_185 = arith.constant 1 : i32
        %while3A_186 = arith.divsi %while3A_183, %while3A_185 : i32
        %while3A_187 = arith.muli %while3A_186, %while3A_185 : i32
        %while3A_188 = arith.addi %while3A_182, %while3A_187 : i32
        %while3A_189 = arith.constant 1 : i32
        %while3A_190 = scf.for %while3A_193 = %while3A_182 to %while3A_188 step %while3A_189 iter_args(%while3A_194 = %while3A_173) -> (i32)  : i32 {
          %get3A_195 = arith.index_cast %while3A_193 : i32 to index
          %get3A_196 = tpu.vector_load %arg8[%get3A_195] {strides = array<i32>} : memref<32xi32, #tpu.memory_space<vmem>>, vector<16xi32>,
          %slice3A_197 = vector.extract_strided_slice %get3A_196 {offsets = [0], sizes = [1], strides = [1]} : vector<16xi32> to vector<1xi32>
          %squeeze3A_198 = vector.extract %slice3A_197[0] : i32 from vector<1xi32>
          %shift_right_arithmetic3A = arith.constant 14 : i32
          %shift_right_arithmetic3A_199 = arith.shrsi %squeeze3A_198, %shift_right_arithmetic3A : i32
          %sub3A_200 = arith.subi %multiple_of3A, %mul3A_48 : i32
          %sub3A_201 = arith.subi %shift_right_arithmetic3A_199, %sub3A_200 : i32
          %and3A_202 = arith.constant 16383 : i32
          %and3A_203 = arith.andi %squeeze3A_198, %and3A_202 : i32
          %broadcast_in_dim3A_204 = vector.broadcast %sub3A_201 : i32 to vector<16xi32>
          %and3A_205 = arith.constant 127 : i32
          %and3A_206 = arith.andi %while3A_194, %and3A_205 : i32
          %add3A_207 = arith.constant 0 : i32
          %add3A_208 = vector.broadcast %add3A_207 : i32 to vector<16xi32>
          %add3A_209 = arith.addi %iota3A, %add3A_208 : vector<16xi32>
          %gather3A = tpu.vector_load_idx %arg9[%add3A_209, %broadcast_in_dim3A_204] : memref<64x768xf32, #tpu.memory_space<vmem>>[vector<16xi32>, vector<16xi32>], vector<16xf32>,
          %swap3A_210 = arith.index_cast %and3A_206 : i32 to index
          %swap3A_211 = arith.constant 0 : index
          %swap3A_212 = tpu.vector_load %arg10[%swap3A_210, %swap3A_211] {strides = array<i32>} : memref<128x128xf32, #tpu.memory_space<vmem>>, vector<16xf32>,
          tpu.vector_store %arg10[%swap3A_210, %swap3A_211], %gather3A {strides = array<i32>} : memref<128x128xf32, #tpu.memory_space<vmem>>, vector<16xf32>,
          %add3A_213 = arith.constant 16 : i32
          %add3A_214 = vector.broadcast %add3A_213 : i32 to vector<16xi32>
          %add3A_215 = arith.addi %iota3A, %add3A_214 : vector<16xi32>
          %gather3A_216 = tpu.vector_load_idx %arg9[%add3A_215, %broadcast_in_dim3A_204] : memref<64x768xf32, #tpu.memory_space<vmem>>[vector<16xi32>, vector<16xi32>], vector<16xf32>,
          %swap3A_217 = arith.index_cast %and3A_206 : i32 to index
          %swap3A_218 = arith.constant 16 : index
          %swap3A_219 = tpu.vector_load %arg10[%swap3A_217, %swap3A_218] {strides = array<i32>} : memref<128x128xf32, #tpu.memory_space<vmem>>, vector<16xf32>,
          tpu.vector_store %arg10[%swap3A_217, %swap3A_218], %gather3A_216 {strides = array<i32>} : memref<128x128xf32, #tpu.memory_space<vmem>>, vector<16xf32>,
          %add3A_220 = arith.constant 32 : i32
          %add3A_221 = vector.broadcast %add3A_220 : i32 to vector<16xi32>
          %add3A_222 = arith.addi %iota3A, %add3A_221 : vector<16xi32>
          %gather3A_223 = tpu.vector_load_idx %arg9[%add3A_222, %broadcast_in_dim3A_204] : memref<64x768xf32, #tpu.memory_space<vmem>>[vector<16xi32>, vector<16xi32>], vector<16xf32>,
          %swap3A_224 = arith.index_cast %and3A_206 : i32 to index
          %swap3A_225 = arith.constant 32 : index
          %swap3A_226 = tpu.vector_load %arg10[%swap3A_224, %swap3A_225] {strides = array<i32>} : memref<128x128xf32, #tpu.memory_space<vmem>>, vector<16xf32>,
          tpu.vector_store %arg10[%swap3A_224, %swap3A_225], %gather3A_223 {strides = array<i32>} : memref<128x128xf32, #tpu.memory_space<vmem>>, vector<16xf32>,
          %add3A_227 = arith.constant 48 : i32
          %add3A_228 = vector.broadcast %add3A_227 : i32 to vector<16xi32>
          %add3A_229 = arith.addi %iota3A, %add3A_228 : vector<16xi32>
          %gather3A_230 = tpu.vector_load_idx %arg9[%add3A_229, %broadcast_in_dim3A_204] : memref<64x768xf32, #tpu.memory_space<vmem>>[vector<16xi32>, vector<16xi32>], vector<16xf32>,
          %swap3A_231 = arith.index_cast %and3A_206 : i32 to index
          %swap3A_232 = arith.constant 48 : index
          %swap3A_233 = tpu.vector_load %arg10[%swap3A_231, %swap3A_232] {strides = array<i32>} : memref<128x128xf32, #tpu.memory_space<vmem>>, vector<16xf32>,
          tpu.vector_store %arg10[%swap3A_231, %swap3A_232], %gather3A_230 {strides = array<i32>} : memref<128x128xf32, #tpu.memory_space<vmem>>, vector<16xf32>,
          %mul3A_234 = arith.constant 16384 : i32
          %mul3A_235 = arith.muli %arg0, %mul3A_234 : i32
          %add3A_236 = arith.addi %mul3A_235, %and3A_203 : i32
          %broadcast_in_dim3A_237 = vector.broadcast %add3A_236 : i32 to vector<16xi32>
          %swap3A_238 = arith.index_cast %and3A_206 : i32 to index
          %swap3A_239 = tpu.vector_load %arg11[%swap3A_238] {strides = array<i32>} : memref<144xi32, #tpu.memory_space<vmem>>, vector<16xi32>,
          tpu.vector_store %arg11[%swap3A_238], %broadcast_in_dim3A_237 {strides = array<i32>} : memref<144xi32, #tpu.memory_space<vmem>>, vector<16xi32>,
          %eq3A_240 = arith.constant 127 : i32
          %eq3A_241 = arith.cmpi eq, %and3A_206, %eq3A_240 : i32
          %convert_element_type3A = arith.extui %eq3A_241 : i1 to i32
          %cond3A = arith.constant 0 : i32
          %cond3A_242 = arith.cmpi ne, %convert_element_type3A, %cond3A : i32
          scf.if %cond3A_242 {
            "tpu.region"() ({
              %run_scoped3A = tpu.sem_alloc : memref<!tpu.dma_semaphore, #tpu.memory_space<semaphore_mem>>
              %dma_start3A = arith.constant 0 : i32
              %dma_start3A_261 = tpu.memref_slice %arg11[%dma_start3A] : memref<144xi32, #tpu.memory_space<vmem>> -> memref<128xi32, #tpu.memory_space<vmem>>
              %dma_start3A_262 = arith.constant 0 : i32
              %dma_start3A_263 = arith.constant 0 : i32
              %dma_start3A_264 = tpu.memref_slice %arg5[%dma_start3A_262, %dma_start3A_263] : memref<32768x128xf32, #tpu.memory_space<hbm>> -> memref<32768x128xf32, #tpu.memory_space<hbm>>
              %dma_start3A_265 = arith.constant -1 : i32
              tpu.enqueue_indirect_dma source(%arg10 : memref<128x128xf32, #tpu.memory_space<vmem>>) target(%dma_start3A_264 : memref<32768x128xf32, #tpu.memory_space<hbm>>) offsets(%dma_start3A_261 : memref<128xi32, #tpu.memory_space<vmem>>) offset_filter(%dma_start3A_265) semaphore(%run_scoped3A : memref<!tpu.dma_semaphore, #tpu.memory_space<semaphore_mem>>)
              %dma_wait3A = arith.constant 0 : i32
              %dma_wait3A_266 = tpu.memref_slice %arg11[%dma_wait3A] : memref<144xi32, #tpu.memory_space<vmem>> -> memref<128xi32, #tpu.memory_space<vmem>>
              %dma_wait3A_267 = arith.constant 0 : i32
              %dma_wait3A_268 = arith.constant 0 : i32
              %dma_wait3A_269 = tpu.memref_slice %arg5[%dma_wait3A_267, %dma_wait3A_268] : memref<32768x128xf32, #tpu.memory_space<hbm>> -> memref<32768x128xf32, #tpu.memory_space<hbm>>
              tpu.wait_indirect_dma semaphore(%run_scoped3A : memref<!tpu.dma_semaphore, #tpu.memory_space<semaphore_mem>>) src(%arg10 : memref<128x128xf32, #tpu.memory_space<vmem>>) dst(%dma_wait3A_269 : memref<32768x128xf32, #tpu.memory_space<hbm>>)
              tpu.yield
            }) : () -> ()
            %swap3A_245 = arith.constant 0 : index
            %swap3A_246 = tpu.vector_load %arg11[%swap3A_245] {strides = array<i32>} : memref<144xi32, #tpu.memory_space<vmem>>, vector<16xi32>,
            tpu.vector_store %arg11[%swap3A_245], %broadcast_in_dim3A_54 {strides = array<i32>} : memref<144xi32, #tpu.memory_space<vmem>>, vector<16xi32>,
            %swap3A_247 = arith.constant 16 : index
            %swap3A_248 = tpu.vector_load %arg11[%swap3A_247] {strides = array<i32>} : memref<144xi32, #tpu.memory_space<vmem>>, vector<16xi32>,
            tpu.vector_store %arg11[%swap3A_247], %broadcast_in_dim3A_54 {strides = array<i32>} : memref<144xi32, #tpu.memory_space<vmem>>, vector<16xi32>,
            %swap3A_249 = arith.constant 32 : index
            %swap3A_250 = tpu.vector_load %arg11[%swap3A_249] {strides = array<i32>} : memref<144xi32, #tpu.memory_space<vmem>>, vector<16xi32>,
            tpu.vector_store %arg11[%swap3A_249], %broadcast_in_dim3A_54 {strides = array<i32>} : memref<144xi32, #tpu.memory_space<vmem>>, vector<16xi32>,
            %swap3A_251 = arith.constant 48 : index
            %swap3A_252 = tpu.vector_load %arg11[%swap3A_251] {strides = array<i32>} : memref<144xi32, #tpu.memory_space<vmem>>, vector<16xi32>,
            tpu.vector_store %arg11[%swap3A_251], %broadcast_in_dim3A_54 {strides = array<i32>} : memref<144xi32, #tpu.memory_space<vmem>>, vector<16xi32>,
            %swap3A_253 = arith.constant 64 : index
            %swap3A_254 = tpu.vector_load %arg11[%swap3A_253] {strides = array<i32>} : memref<144xi32, #tpu.memory_space<vmem>>, vector<16xi32>,
            tpu.vector_store %arg11[%swap3A_253], %broadcast_in_dim3A_54 {strides = array<i32>} : memref<144xi32, #tpu.memory_space<vmem>>, vector<16xi32>,
            %swap3A_255 = arith.constant 80 : index
            %swap3A_256 = tpu.vector_load %arg11[%swap3A_255] {strides = array<i32>} : memref<144xi32, #tpu.memory_space<vmem>>, vector<16xi32>,
            tpu.vector_store %arg11[%swap3A_255], %broadcast_in_dim3A_54 {strides = array<i32>} : memref<144xi32, #tpu.memory_space<vmem>>, vector<16xi32>,
            %swap3A_257 = arith.constant 96 : index
            %swap3A_258 = tpu.vector_load %arg11[%swap3A_257] {strides = array<i32>} : memref<144xi32, #tpu.memory_space<vmem>>, vector<16xi32>,
            tpu.vector_store %arg11[%swap3A_257], %broadcast_in_dim3A_54 {strides = array<i32>} : memref<144xi32, #tpu.memory_space<vmem>>, vector<16xi32>,
            %swap3A_259 = arith.constant 112 : index
            %swap3A_260 = tpu.vector_load %arg11[%swap3A_259] {strides = array<i32>} : memref<144xi32, #tpu.memory_space<vmem>>, vector<16xi32>,
            tpu.vector_store %arg11[%swap3A_259], %broadcast_in_dim3A_54 {strides = array<i32>} : memref<144xi32, #tpu.memory_space<vmem>>, vector<16xi32>,
          } else {
          }
          %add3A_243 = arith.constant 1 : i32
          %add3A_244 = arith.addi %while3A_194, %add3A_243 : i32
          scf.yield %add3A_244 : i32
        }
        %while3A_191 = arith.constant 1 : i32
        %while3A_192 = scf.for %while3A_193 = %while3A_188 to %while3A_184 step %while3A_191 iter_args(%while3A_194 = %while3A_190) -> (i32)  : i32 {
          %get3A_195 = arith.index_cast %while3A_193 : i32 to index
          %get3A_196 = tpu.vector_load %arg8[%get3A_195] {strides = array<i32>} : memref<32xi32, #tpu.memory_space<vmem>>, vector<16xi32>,
          %slice3A_197 = vector.extract_strided_slice %get3A_196 {offsets = [0], sizes = [1], strides = [1]} : vector<16xi32> to vector<1xi32>
          %squeeze3A_198 = vector.extract %slice3A_197[0] : i32 from vector<1xi32>
          %shift_right_arithmetic3A = arith.constant 14 : i32
          %shift_right_arithmetic3A_199 = arith.shrsi %squeeze3A_198, %shift_right_arithmetic3A : i32
          %sub3A_200 = arith.subi %multiple_of3A, %mul3A_48 : i32
          %sub3A_201 = arith.subi %shift_right_arithmetic3A_199, %sub3A_200 : i32
          %and3A_202 = arith.constant 16383 : i32
          %and3A_203 = arith.andi %squeeze3A_198, %and3A_202 : i32
          %broadcast_in_dim3A_204 = vector.broadcast %sub3A_201 : i32 to vector<16xi32>
          %and3A_205 = arith.constant 127 : i32
          %and3A_206 = arith.andi %while3A_194, %and3A_205 : i32
          %add3A_207 = arith.constant 0 : i32
          %add3A_208 = vector.broadcast %add3A_207 : i32 to vector<16xi32>
          %add3A_209 = arith.addi %iota3A, %add3A_208 : vector<16xi32>
          %gather3A = tpu.vector_load_idx %arg9[%add3A_209, %broadcast_in_dim3A_204] : memref<64x768xf32, #tpu.memory_space<vmem>>[vector<16xi32>, vector<16xi32>], vector<16xf32>,
          %swap3A_210 = arith.index_cast %and3A_206 : i32 to index
          %swap3A_211 = arith.constant 0 : index
          %swap3A_212 = tpu.vector_load %arg10[%swap3A_210, %swap3A_211] {strides = array<i32>} : memref<128x128xf32, #tpu.memory_space<vmem>>, vector<16xf32>,
          tpu.vector_store %arg10[%swap3A_210, %swap3A_211], %gather3A {strides = array<i32>} : memref<128x128xf32, #tpu.memory_space<vmem>>, vector<16xf32>,
          %add3A_213 = arith.constant 16 : i32
          %add3A_214 = vector.broadcast %add3A_213 : i32 to vector<16xi32>
          %add3A_215 = arith.addi %iota3A, %add3A_214 : vector<16xi32>
          %gather3A_216 = tpu.vector_load_idx %arg9[%add3A_215, %broadcast_in_dim3A_204] : memref<64x768xf32, #tpu.memory_space<vmem>>[vector<16xi32>, vector<16xi32>], vector<16xf32>,
          %swap3A_217 = arith.index_cast %and3A_206 : i32 to index
          %swap3A_218 = arith.constant 16 : index
          %swap3A_219 = tpu.vector_load %arg10[%swap3A_217, %swap3A_218] {strides = array<i32>} : memref<128x128xf32, #tpu.memory_space<vmem>>, vector<16xf32>,
          tpu.vector_store %arg10[%swap3A_217, %swap3A_218], %gather3A_216 {strides = array<i32>} : memref<128x128xf32, #tpu.memory_space<vmem>>, vector<16xf32>,
          %add3A_220 = arith.constant 32 : i32
          %add3A_221 = vector.broadcast %add3A_220 : i32 to vector<16xi32>
          %add3A_222 = arith.addi %iota3A, %add3A_221 : vector<16xi32>
          %gather3A_223 = tpu.vector_load_idx %arg9[%add3A_222, %broadcast_in_dim3A_204] : memref<64x768xf32, #tpu.memory_space<vmem>>[vector<16xi32>, vector<16xi32>], vector<16xf32>,
          %swap3A_224 = arith.index_cast %and3A_206 : i32 to index
          %swap3A_225 = arith.constant 32 : index
          %swap3A_226 = tpu.vector_load %arg10[%swap3A_224, %swap3A_225] {strides = array<i32>} : memref<128x128xf32, #tpu.memory_space<vmem>>, vector<16xf32>,
          tpu.vector_store %arg10[%swap3A_224, %swap3A_225], %gather3A_223 {strides = array<i32>} : memref<128x128xf32, #tpu.memory_space<vmem>>, vector<16xf32>,
          %add3A_227 = arith.constant 48 : i32
          %add3A_228 = vector.broadcast %add3A_227 : i32 to vector<16xi32>
          %add3A_229 = arith.addi %iota3A, %add3A_228 : vector<16xi32>
          %gather3A_230 = tpu.vector_load_idx %arg9[%add3A_229, %broadcast_in_dim3A_204] : memref<64x768xf32, #tpu.memory_space<vmem>>[vector<16xi32>, vector<16xi32>], vector<16xf32>,
          %swap3A_231 = arith.index_cast %and3A_206 : i32 to index
          %swap3A_232 = arith.constant 48 : index
          %swap3A_233 = tpu.vector_load %arg10[%swap3A_231, %swap3A_232] {strides = array<i32>} : memref<128x128xf32, #tpu.memory_space<vmem>>, vector<16xf32>,
          tpu.vector_store %arg10[%swap3A_231, %swap3A_232], %gather3A_230 {strides = array<i32>} : memref<128x128xf32, #tpu.memory_space<vmem>>, vector<16xf32>,
          %mul3A_234 = arith.constant 16384 : i32
          %mul3A_235 = arith.muli %arg0, %mul3A_234 : i32
          %add3A_236 = arith.addi %mul3A_235, %and3A_203 : i32
          %broadcast_in_dim3A_237 = vector.broadcast %add3A_236 : i32 to vector<16xi32>
          %swap3A_238 = arith.index_cast %and3A_206 : i32 to index
          %swap3A_239 = tpu.vector_load %arg11[%swap3A_238] {strides = array<i32>} : memref<144xi32, #tpu.memory_space<vmem>>, vector<16xi32>,
          tpu.vector_store %arg11[%swap3A_238], %broadcast_in_dim3A_237 {strides = array<i32>} : memref<144xi32, #tpu.memory_space<vmem>>, vector<16xi32>,
          %eq3A_240 = arith.constant 127 : i32
          %eq3A_241 = arith.cmpi eq, %and3A_206, %eq3A_240 : i32
          %convert_element_type3A = arith.extui %eq3A_241 : i1 to i32
          %cond3A = arith.constant 0 : i32
          %cond3A_242 = arith.cmpi ne, %convert_element_type3A, %cond3A : i32
          scf.if %cond3A_242 {
            "tpu.region"() ({
              %run_scoped3A = tpu.sem_alloc : memref<!tpu.dma_semaphore, #tpu.memory_space<semaphore_mem>>
              %dma_start3A = arith.constant 0 : i32
              %dma_start3A_261 = tpu.memref_slice %arg11[%dma_start3A] : memref<144xi32, #tpu.memory_space<vmem>> -> memref<128xi32, #tpu.memory_space<vmem>>
              %dma_start3A_262 = arith.constant 0 : i32
              %dma_start3A_263 = arith.constant 0 : i32
              %dma_start3A_264 = tpu.memref_slice %arg5[%dma_start3A_262, %dma_start3A_263] : memref<32768x128xf32, #tpu.memory_space<hbm>> -> memref<32768x128xf32, #tpu.memory_space<hbm>>
              %dma_start3A_265 = arith.constant -1 : i32
              tpu.enqueue_indirect_dma source(%arg10 : memref<128x128xf32, #tpu.memory_space<vmem>>) target(%dma_start3A_264 : memref<32768x128xf32, #tpu.memory_space<hbm>>) offsets(%dma_start3A_261 : memref<128xi32, #tpu.memory_space<vmem>>) offset_filter(%dma_start3A_265) semaphore(%run_scoped3A : memref<!tpu.dma_semaphore, #tpu.memory_space<semaphore_mem>>)
              %dma_wait3A = arith.constant 0 : i32
              %dma_wait3A_266 = tpu.memref_slice %arg11[%dma_wait3A] : memref<144xi32, #tpu.memory_space<vmem>> -> memref<128xi32, #tpu.memory_space<vmem>>
              %dma_wait3A_267 = arith.constant 0 : i32
              %dma_wait3A_268 = arith.constant 0 : i32
              %dma_wait3A_269 = tpu.memref_slice %arg5[%dma_wait3A_267, %dma_wait3A_268] : memref<32768x128xf32, #tpu.memory_space<hbm>> -> memref<32768x128xf32, #tpu.memory_space<hbm>>
              tpu.wait_indirect_dma semaphore(%run_scoped3A : memref<!tpu.dma_semaphore, #tpu.memory_space<semaphore_mem>>) src(%arg10 : memref<128x128xf32, #tpu.memory_space<vmem>>) dst(%dma_wait3A_269 : memref<32768x128xf32, #tpu.memory_space<hbm>>)
              tpu.yield
            }) : () -> ()
            %swap3A_245 = arith.constant 0 : index
            %swap3A_246 = tpu.vector_load %arg11[%swap3A_245] {strides = array<i32>} : memref<144xi32, #tpu.memory_space<vmem>>, vector<16xi32>,
            tpu.vector_store %arg11[%swap3A_245], %broadcast_in_dim3A_54 {strides = array<i32>} : memref<144xi32, #tpu.memory_space<vmem>>, vector<16xi32>,
            %swap3A_247 = arith.constant 16 : index
            %swap3A_248 = tpu.vector_load %arg11[%swap3A_247] {strides = array<i32>} : memref<144xi32, #tpu.memory_space<vmem>>, vector<16xi32>,
            tpu.vector_store %arg11[%swap3A_247], %broadcast_in_dim3A_54 {strides = array<i32>} : memref<144xi32, #tpu.memory_space<vmem>>, vector<16xi32>,
            %swap3A_249 = arith.constant 32 : index
            %swap3A_250 = tpu.vector_load %arg11[%swap3A_249] {strides = array<i32>} : memref<144xi32, #tpu.memory_space<vmem>>, vector<16xi32>,
            tpu.vector_store %arg11[%swap3A_249], %broadcast_in_dim3A_54 {strides = array<i32>} : memref<144xi32, #tpu.memory_space<vmem>>, vector<16xi32>,
            %swap3A_251 = arith.constant 48 : index
            %swap3A_252 = tpu.vector_load %arg11[%swap3A_251] {strides = array<i32>} : memref<144xi32, #tpu.memory_space<vmem>>, vector<16xi32>,
            tpu.vector_store %arg11[%swap3A_251], %broadcast_in_dim3A_54 {strides = array<i32>} : memref<144xi32, #tpu.memory_space<vmem>>, vector<16xi32>,
            %swap3A_253 = arith.constant 64 : index
            %swap3A_254 = tpu.vector_load %arg11[%swap3A_253] {strides = array<i32>} : memref<144xi32, #tpu.memory_space<vmem>>, vector<16xi32>,
            tpu.vector_store %arg11[%swap3A_253], %broadcast_in_dim3A_54 {strides = array<i32>} : memref<144xi32, #tpu.memory_space<vmem>>, vector<16xi32>,
            %swap3A_255 = arith.constant 80 : index
            %swap3A_256 = tpu.vector_load %arg11[%swap3A_255] {strides = array<i32>} : memref<144xi32, #tpu.memory_space<vmem>>, vector<16xi32>,
            tpu.vector_store %arg11[%swap3A_255], %broadcast_in_dim3A_54 {strides = array<i32>} : memref<144xi32, #tpu.memory_space<vmem>>, vector<16xi32>,
            %swap3A_257 = arith.constant 96 : index
            %swap3A_258 = tpu.vector_load %arg11[%swap3A_257] {strides = array<i32>} : memref<144xi32, #tpu.memory_space<vmem>>, vector<16xi32>,
            tpu.vector_store %arg11[%swap3A_257], %broadcast_in_dim3A_54 {strides = array<i32>} : memref<144xi32, #tpu.memory_space<vmem>>, vector<16xi32>,
            %swap3A_259 = arith.constant 112 : index
            %swap3A_260 = tpu.vector_load %arg11[%swap3A_259] {strides = array<i32>} : memref<144xi32, #tpu.memory_space<vmem>>, vector<16xi32>,
            tpu.vector_store %arg11[%swap3A_259], %broadcast_in_dim3A_54 {strides = array<i32>} : memref<144xi32, #tpu.memory_space<vmem>>, vector<16xi32>,
          } else {
          }
          %add3A_243 = arith.constant 1 : i32
          %add3A_244 = arith.addi %while3A_194, %add3A_243 : i32
          scf.yield %add3A_244 : i32
        }
        scf.yield %while3A_192 : i32
      }
      scf.yield %while3A_171 : i32
    }
    %while3A_112 = arith.constant 1 : i32
    %while3A_113 = scf.for %while3A_152 = %while3A_109 to %while3A_105 step %while3A_112 iter_args(%while3A_153 = %while3A_111) -> (i32)  : i32 {
      %mul3A_154 = arith.constant 768 : i32
      %mul3A_155 = arith.muli %while3A_152, %mul3A_154 : i32
      %multiple_of3A = tpu.assume_multiple %mul3A_155, 768 : i32
      "tpu.region"() ({
        %run_scoped3A = tpu.sem_alloc : memref<!tpu.dma_semaphore, #tpu.memory_space<semaphore_mem>>
        %dma_start3A = arith.constant 0 : i32
        %dma_start3A_172 = tpu.memref_slice %arg2[%dma_start3A, %multiple_of3A] : memref<64x1000000xf32, #tpu.memory_space<hbm>> -> memref<64x768xf32, #tpu.memory_space<hbm>>
        %dma_start3A_173 = arith.constant 0 : i32
        %dma_start3A_174 = tpu.memref_slice %arg2[%dma_start3A_173, %multiple_of3A] : memref<64x1000000xf32, #tpu.memory_space<hbm>> -> memref<64x768xf32, #tpu.memory_space<hbm>>
        tpu.enqueue_dma source(%dma_start3A_174 : memref<64x768xf32, #tpu.memory_space<hbm>>) target(%arg9 : memref<64x768xf32, #tpu.memory_space<vmem>>) target_semaphore(%run_scoped3A : memref<!tpu.dma_semaphore, #tpu.memory_space<semaphore_mem>>)
        %dma_wait3A = arith.constant 0 : i32
        %dma_wait3A_175 = tpu.memref_slice %arg2[%dma_wait3A, %multiple_of3A] : memref<64x1000000xf32, #tpu.memory_space<hbm>> -> memref<64x768xf32, #tpu.memory_space<hbm>>
        %dma_wait3A_176 = arith.constant 0 : i32
        %dma_wait3A_177 = tpu.memref_slice %arg2[%dma_wait3A_176, %multiple_of3A] : memref<64x1000000xf32, #tpu.memory_space<hbm>> -> memref<64x768xf32, #tpu.memory_space<hbm>>
        tpu.wait_dma2 semaphore(%run_scoped3A : memref<!tpu.dma_semaphore, #tpu.memory_space<semaphore_mem>>) src(%dma_wait3A_177 : memref<64x768xf32, #tpu.memory_space<hbm>>) dst(%arg9 : memref<64x768xf32, #tpu.memory_space<vmem>>)
        tpu.yield
      }) : () -> ()
      %sub3A_156 = arith.subi %multiple_of3A, %mul3A_48 : i32
      %shift_left3A_157 = arith.constant 14 : i32
      %shift_left3A_158 = arith.shli %sub3A_156, %shift_left3A_157 : i32
      %add3A_159 = arith.constant 12582912 : i32
      %add3A_160 = arith.addi %shift_left3A_158, %add3A_159 : i32
      %while3A_161 = arith.constant 0 : i32
      %while3A_162 = arith.subi %select_n3A_103, %while3A_161 : i32
      %while3A_163 = arith.addi %while3A_161, %while3A_162 : i32
      %while3A_164 = arith.constant 1 : i32
      %while3A_165 = arith.divsi %while3A_162, %while3A_164 : i32
      %while3A_166 = arith.muli %while3A_165, %while3A_164 : i32
      %while3A_167 = arith.addi %while3A_161, %while3A_166 : i32
      %while3A_168 = arith.constant 1 : i32
      %while3A_169 = scf.for %while3A_172 = %while3A_161 to %while3A_167 step %while3A_168 iter_args(%while3A_173 = %while3A_153) -> (i32)  : i32 {
        %mul3A_174 = arith.constant 16 : i32
        %mul3A_175 = arith.muli %while3A_172, %mul3A_174 : i32
        %get3A = arith.index_cast %mul3A_175 : i32 to index
        %get3A_176 = tpu.vector_load %arg7[%get3A] {strides = array<i32>} : memref<16416xi32, #tpu.memory_space<vmem>>, vector<16xi32>,
        %ge3A = vector.broadcast %shift_left3A_158 : i32 to vector<16xi32>
        %ge3A_177 = arith.cmpi sge, %get3A_176, %ge3A : vector<16xi32>
        %lt3A = vector.broadcast %add3A_160 : i32 to vector<16xi32>
        %lt3A_178 = arith.cmpi slt, %get3A_176, %lt3A : vector<16xi32>
        %and3A_179 = arith.andi %ge3A_177, %lt3A_178 : vector<16xi1>
        %swap3A_180 = arith.constant 0 : index
        %swap3A_181 = tpu.vector_load %arg8[%swap3A_180] masked %and3A_179 {strides = array<i32>} : memref<32xi32, #tpu.memory_space<vmem>>, vector<16xi32>, vector<16xi1>
        tpu.vector_store %arg8[%swap3A_180], %get3A_176 masked %and3A_179 {strides = array<i32>} : memref<32xi32, #tpu.memory_space<vmem>>, vector<16xi32>, vector<16xi1>
        %all_reduce_population_count3A = tpu.all_reduce %and3A_179 {dim = 0 : i64, kind = #tpu.reduction_kind<sum>} : vector<16xi1> -> vector<16xi32>
        %slice3A = vector.extract_strided_slice %all_reduce_population_count3A {offsets = [0], sizes = [1], strides = [1]} : vector<16xi32> to vector<1xi32>
        %squeeze3A = vector.extract %slice3A[0] : i32 from vector<1xi32>
        %while3A_182 = arith.constant 0 : i32
        %while3A_183 = arith.subi %squeeze3A, %while3A_182 : i32
        %while3A_184 = arith.addi %while3A_182, %while3A_183 : i32
        %while3A_185 = arith.constant 1 : i32
        %while3A_186 = arith.divsi %while3A_183, %while3A_185 : i32
        %while3A_187 = arith.muli %while3A_186, %while3A_185 : i32
        %while3A_188 = arith.addi %while3A_182, %while3A_187 : i32
        %while3A_189 = arith.constant 1 : i32
        %while3A_190 = scf.for %while3A_193 = %while3A_182 to %while3A_188 step %while3A_189 iter_args(%while3A_194 = %while3A_173) -> (i32)  : i32 {
          %get3A_195 = arith.index_cast %while3A_193 : i32 to index
          %get3A_196 = tpu.vector_load %arg8[%get3A_195] {strides = array<i32>} : memref<32xi32, #tpu.memory_space<vmem>>, vector<16xi32>,
          %slice3A_197 = vector.extract_strided_slice %get3A_196 {offsets = [0], sizes = [1], strides = [1]} : vector<16xi32> to vector<1xi32>
          %squeeze3A_198 = vector.extract %slice3A_197[0] : i32 from vector<1xi32>
          %shift_right_arithmetic3A = arith.constant 14 : i32
          %shift_right_arithmetic3A_199 = arith.shrsi %squeeze3A_198, %shift_right_arithmetic3A : i32
          %sub3A_200 = arith.subi %multiple_of3A, %mul3A_48 : i32
          %sub3A_201 = arith.subi %shift_right_arithmetic3A_199, %sub3A_200 : i32
          %and3A_202 = arith.constant 16383 : i32
          %and3A_203 = arith.andi %squeeze3A_198, %and3A_202 : i32
          %broadcast_in_dim3A_204 = vector.broadcast %sub3A_201 : i32 to vector<16xi32>
          %and3A_205 = arith.constant 127 : i32
          %and3A_206 = arith.andi %while3A_194, %and3A_205 : i32
          %add3A_207 = arith.constant 0 : i32
          %add3A_208 = vector.broadcast %add3A_207 : i32 to vector<16xi32>
          %add3A_209 = arith.addi %iota3A, %add3A_208 : vector<16xi32>
          %gather3A = tpu.vector_load_idx %arg9[%add3A_209, %broadcast_in_dim3A_204] : memref<64x768xf32, #tpu.memory_space<vmem>>[vector<16xi32>, vector<16xi32>], vector<16xf32>,
          %swap3A_210 = arith.index_cast %and3A_206 : i32 to index
          %swap3A_211 = arith.constant 0 : index
          %swap3A_212 = tpu.vector_load %arg10[%swap3A_210, %swap3A_211] {strides = array<i32>} : memref<128x128xf32, #tpu.memory_space<vmem>>, vector<16xf32>,
          tpu.vector_store %arg10[%swap3A_210, %swap3A_211], %gather3A {strides = array<i32>} : memref<128x128xf32, #tpu.memory_space<vmem>>, vector<16xf32>,
          %add3A_213 = arith.constant 16 : i32
          %add3A_214 = vector.broadcast %add3A_213 : i32 to vector<16xi32>
          %add3A_215 = arith.addi %iota3A, %add3A_214 : vector<16xi32>
          %gather3A_216 = tpu.vector_load_idx %arg9[%add3A_215, %broadcast_in_dim3A_204] : memref<64x768xf32, #tpu.memory_space<vmem>>[vector<16xi32>, vector<16xi32>], vector<16xf32>,
          %swap3A_217 = arith.index_cast %and3A_206 : i32 to index
          %swap3A_218 = arith.constant 16 : index
          %swap3A_219 = tpu.vector_load %arg10[%swap3A_217, %swap3A_218] {strides = array<i32>} : memref<128x128xf32, #tpu.memory_space<vmem>>, vector<16xf32>,
          tpu.vector_store %arg10[%swap3A_217, %swap3A_218], %gather3A_216 {strides = array<i32>} : memref<128x128xf32, #tpu.memory_space<vmem>>, vector<16xf32>,
          %add3A_220 = arith.constant 32 : i32
          %add3A_221 = vector.broadcast %add3A_220 : i32 to vector<16xi32>
          %add3A_222 = arith.addi %iota3A, %add3A_221 : vector<16xi32>
          %gather3A_223 = tpu.vector_load_idx %arg9[%add3A_222, %broadcast_in_dim3A_204] : memref<64x768xf32, #tpu.memory_space<vmem>>[vector<16xi32>, vector<16xi32>], vector<16xf32>,
          %swap3A_224 = arith.index_cast %and3A_206 : i32 to index
          %swap3A_225 = arith.constant 32 : index
          %swap3A_226 = tpu.vector_load %arg10[%swap3A_224, %swap3A_225] {strides = array<i32>} : memref<128x128xf32, #tpu.memory_space<vmem>>, vector<16xf32>,
          tpu.vector_store %arg10[%swap3A_224, %swap3A_225], %gather3A_223 {strides = array<i32>} : memref<128x128xf32, #tpu.memory_space<vmem>>, vector<16xf32>,
          %add3A_227 = arith.constant 48 : i32
          %add3A_228 = vector.broadcast %add3A_227 : i32 to vector<16xi32>
          %add3A_229 = arith.addi %iota3A, %add3A_228 : vector<16xi32>
          %gather3A_230 = tpu.vector_load_idx %arg9[%add3A_229, %broadcast_in_dim3A_204] : memref<64x768xf32, #tpu.memory_space<vmem>>[vector<16xi32>, vector<16xi32>], vector<16xf32>,
          %swap3A_231 = arith.index_cast %and3A_206 : i32 to index
          %swap3A_232 = arith.constant 48 : index
          %swap3A_233 = tpu.vector_load %arg10[%swap3A_231, %swap3A_232] {strides = array<i32>} : memref<128x128xf32, #tpu.memory_space<vmem>>, vector<16xf32>,
          tpu.vector_store %arg10[%swap3A_231, %swap3A_232], %gather3A_230 {strides = array<i32>} : memref<128x128xf32, #tpu.memory_space<vmem>>, vector<16xf32>,
          %mul3A_234 = arith.constant 16384 : i32
          %mul3A_235 = arith.muli %arg0, %mul3A_234 : i32
          %add3A_236 = arith.addi %mul3A_235, %and3A_203 : i32
          %broadcast_in_dim3A_237 = vector.broadcast %add3A_236 : i32 to vector<16xi32>
          %swap3A_238 = arith.index_cast %and3A_206 : i32 to index
          %swap3A_239 = tpu.vector_load %arg11[%swap3A_238] {strides = array<i32>} : memref<144xi32, #tpu.memory_space<vmem>>, vector<16xi32>,
          tpu.vector_store %arg11[%swap3A_238], %broadcast_in_dim3A_237 {strides = array<i32>} : memref<144xi32, #tpu.memory_space<vmem>>, vector<16xi32>,
          %eq3A_240 = arith.constant 127 : i32
          %eq3A_241 = arith.cmpi eq, %and3A_206, %eq3A_240 : i32
          %convert_element_type3A = arith.extui %eq3A_241 : i1 to i32
          %cond3A = arith.constant 0 : i32
          %cond3A_242 = arith.cmpi ne, %convert_element_type3A, %cond3A : i32
          scf.if %cond3A_242 {
            "tpu.region"() ({
              %run_scoped3A = tpu.sem_alloc : memref<!tpu.dma_semaphore, #tpu.memory_space<semaphore_mem>>
              %dma_start3A = arith.constant 0 : i32
              %dma_start3A_261 = tpu.memref_slice %arg11[%dma_start3A] : memref<144xi32, #tpu.memory_space<vmem>> -> memref<128xi32, #tpu.memory_space<vmem>>
              %dma_start3A_262 = arith.constant 0 : i32
              %dma_start3A_263 = arith.constant 0 : i32
              %dma_start3A_264 = tpu.memref_slice %arg5[%dma_start3A_262, %dma_start3A_263] : memref<32768x128xf32, #tpu.memory_space<hbm>> -> memref<32768x128xf32, #tpu.memory_space<hbm>>
              %dma_start3A_265 = arith.constant -1 : i32
              tpu.enqueue_indirect_dma source(%arg10 : memref<128x128xf32, #tpu.memory_space<vmem>>) target(%dma_start3A_264 : memref<32768x128xf32, #tpu.memory_space<hbm>>) offsets(%dma_start3A_261 : memref<128xi32, #tpu.memory_space<vmem>>) offset_filter(%dma_start3A_265) semaphore(%run_scoped3A : memref<!tpu.dma_semaphore, #tpu.memory_space<semaphore_mem>>)
              %dma_wait3A = arith.constant 0 : i32
              %dma_wait3A_266 = tpu.memref_slice %arg11[%dma_wait3A] : memref<144xi32, #tpu.memory_space<vmem>> -> memref<128xi32, #tpu.memory_space<vmem>>
              %dma_wait3A_267 = arith.constant 0 : i32
              %dma_wait3A_268 = arith.constant 0 : i32
              %dma_wait3A_269 = tpu.memref_slice %arg5[%dma_wait3A_267, %dma_wait3A_268] : memref<32768x128xf32, #tpu.memory_space<hbm>> -> memref<32768x128xf32, #tpu.memory_space<hbm>>
              tpu.wait_indirect_dma semaphore(%run_scoped3A : memref<!tpu.dma_semaphore, #tpu.memory_space<semaphore_mem>>) src(%arg10 : memref<128x128xf32, #tpu.memory_space<vmem>>) dst(%dma_wait3A_269 : memref<32768x128xf32, #tpu.memory_space<hbm>>)
              tpu.yield
            }) : () -> ()
            %swap3A_245 = arith.constant 0 : index
            %swap3A_246 = tpu.vector_load %arg11[%swap3A_245] {strides = array<i32>} : memref<144xi32, #tpu.memory_space<vmem>>, vector<16xi32>,
            tpu.vector_store %arg11[%swap3A_245], %broadcast_in_dim3A_54 {strides = array<i32>} : memref<144xi32, #tpu.memory_space<vmem>>, vector<16xi32>,
            %swap3A_247 = arith.constant 16 : index
            %swap3A_248 = tpu.vector_load %arg11[%swap3A_247] {strides = array<i32>} : memref<144xi32, #tpu.memory_space<vmem>>, vector<16xi32>,
            tpu.vector_store %arg11[%swap3A_247], %broadcast_in_dim3A_54 {strides = array<i32>} : memref<144xi32, #tpu.memory_space<vmem>>, vector<16xi32>,
            %swap3A_249 = arith.constant 32 : index
            %swap3A_250 = tpu.vector_load %arg11[%swap3A_249] {strides = array<i32>} : memref<144xi32, #tpu.memory_space<vmem>>, vector<16xi32>,
            tpu.vector_store %arg11[%swap3A_249], %broadcast_in_dim3A_54 {strides = array<i32>} : memref<144xi32, #tpu.memory_space<vmem>>, vector<16xi32>,
            %swap3A_251 = arith.constant 48 : index
            %swap3A_252 = tpu.vector_load %arg11[%swap3A_251] {strides = array<i32>} : memref<144xi32, #tpu.memory_space<vmem>>, vector<16xi32>,
            tpu.vector_store %arg11[%swap3A_251], %broadcast_in_dim3A_54 {strides = array<i32>} : memref<144xi32, #tpu.memory_space<vmem>>, vector<16xi32>,
            %swap3A_253 = arith.constant 64 : index
            %swap3A_254 = tpu.vector_load %arg11[%swap3A_253] {strides = array<i32>} : memref<144xi32, #tpu.memory_space<vmem>>, vector<16xi32>,
            tpu.vector_store %arg11[%swap3A_253], %broadcast_in_dim3A_54 {strides = array<i32>} : memref<144xi32, #tpu.memory_space<vmem>>, vector<16xi32>,
            %swap3A_255 = arith.constant 80 : index
            %swap3A_256 = tpu.vector_load %arg11[%swap3A_255] {strides = array<i32>} : memref<144xi32, #tpu.memory_space<vmem>>, vector<16xi32>,
            tpu.vector_store %arg11[%swap3A_255], %broadcast_in_dim3A_54 {strides = array<i32>} : memref<144xi32, #tpu.memory_space<vmem>>, vector<16xi32>,
            %swap3A_257 = arith.constant 96 : index
            %swap3A_258 = tpu.vector_load %arg11[%swap3A_257] {strides = array<i32>} : memref<144xi32, #tpu.memory_space<vmem>>, vector<16xi32>,
            tpu.vector_store %arg11[%swap3A_257], %broadcast_in_dim3A_54 {strides = array<i32>} : memref<144xi32, #tpu.memory_space<vmem>>, vector<16xi32>,
            %swap3A_259 = arith.constant 112 : index
            %swap3A_260 = tpu.vector_load %arg11[%swap3A_259] {strides = array<i32>} : memref<144xi32, #tpu.memory_space<vmem>>, vector<16xi32>,
            tpu.vector_store %arg11[%swap3A_259], %broadcast_in_dim3A_54 {strides = array<i32>} : memref<144xi32, #tpu.memory_space<vmem>>, vector<16xi32>,
          } else {
          }
          %add3A_243 = arith.constant 1 : i32
          %add3A_244 = arith.addi %while3A_194, %add3A_243 : i32
          scf.yield %add3A_244 : i32
        }
        %while3A_191 = arith.constant 1 : i32
        %while3A_192 = scf.for %while3A_193 = %while3A_188 to %while3A_184 step %while3A_191 iter_args(%while3A_194 = %while3A_190) -> (i32)  : i32 {
          %get3A_195 = arith.index_cast %while3A_193 : i32 to index
          %get3A_196 = tpu.vector_load %arg8[%get3A_195] {strides = array<i32>} : memref<32xi32, #tpu.memory_space<vmem>>, vector<16xi32>,
          %slice3A_197 = vector.extract_strided_slice %get3A_196 {offsets = [0], sizes = [1], strides = [1]} : vector<16xi32> to vector<1xi32>
          %squeeze3A_198 = vector.extract %slice3A_197[0] : i32 from vector<1xi32>
          %shift_right_arithmetic3A = arith.constant 14 : i32
          %shift_right_arithmetic3A_199 = arith.shrsi %squeeze3A_198, %shift_right_arithmetic3A : i32
          %sub3A_200 = arith.subi %multiple_of3A, %mul3A_48 : i32
          %sub3A_201 = arith.subi %shift_right_arithmetic3A_199, %sub3A_200 : i32
          %and3A_202 = arith.constant 16383 : i32
          %and3A_203 = arith.andi %squeeze3A_198, %and3A_202 : i32
          %broadcast_in_dim3A_204 = vector.broadcast %sub3A_201 : i32 to vector<16xi32>
          %and3A_205 = arith.constant 127 : i32
          %and3A_206 = arith.andi %while3A_194, %and3A_205 : i32
          %add3A_207 = arith.constant 0 : i32
          %add3A_208 = vector.broadcast %add3A_207 : i32 to vector<16xi32>
          %add3A_209 = arith.addi %iota3A, %add3A_208 : vector<16xi32>
          %gather3A = tpu.vector_load_idx %arg9[%add3A_209, %broadcast_in_dim3A_204] : memref<64x768xf32, #tpu.memory_space<vmem>>[vector<16xi32>, vector<16xi32>], vector<16xf32>,
          %swap3A_210 = arith.index_cast %and3A_206 : i32 to index
          %swap3A_211 = arith.constant 0 : index
          %swap3A_212 = tpu.vector_load %arg10[%swap3A_210, %swap3A_211] {strides = array<i32>} : memref<128x128xf32, #tpu.memory_space<vmem>>, vector<16xf32>,
          tpu.vector_store %arg10[%swap3A_210, %swap3A_211], %gather3A {strides = array<i32>} : memref<128x128xf32, #tpu.memory_space<vmem>>, vector<16xf32>,
          %add3A_213 = arith.constant 16 : i32
          %add3A_214 = vector.broadcast %add3A_213 : i32 to vector<16xi32>
          %add3A_215 = arith.addi %iota3A, %add3A_214 : vector<16xi32>
          %gather3A_216 = tpu.vector_load_idx %arg9[%add3A_215, %broadcast_in_dim3A_204] : memref<64x768xf32, #tpu.memory_space<vmem>>[vector<16xi32>, vector<16xi32>], vector<16xf32>,
          %swap3A_217 = arith.index_cast %and3A_206 : i32 to index
          %swap3A_218 = arith.constant 16 : index
          %swap3A_219 = tpu.vector_load %arg10[%swap3A_217, %swap3A_218] {strides = array<i32>} : memref<128x128xf32, #tpu.memory_space<vmem>>, vector<16xf32>,
          tpu.vector_store %arg10[%swap3A_217, %swap3A_218], %gather3A_216 {strides = array<i32>} : memref<128x128xf32, #tpu.memory_space<vmem>>, vector<16xf32>,
          %add3A_220 = arith.constant 32 : i32
          %add3A_221 = vector.broadcast %add3A_220 : i32 to vector<16xi32>
          %add3A_222 = arith.addi %iota3A, %add3A_221 : vector<16xi32>
          %gather3A_223 = tpu.vector_load_idx %arg9[%add3A_222, %broadcast_in_dim3A_204] : memref<64x768xf32, #tpu.memory_space<vmem>>[vector<16xi32>, vector<16xi32>], vector<16xf32>,
          %swap3A_224 = arith.index_cast %and3A_206 : i32 to index
          %swap3A_225 = arith.constant 32 : index
          %swap3A_226 = tpu.vector_load %arg10[%swap3A_224, %swap3A_225] {strides = array<i32>} : memref<128x128xf32, #tpu.memory_space<vmem>>, vector<16xf32>,
          tpu.vector_store %arg10[%swap3A_224, %swap3A_225], %gather3A_223 {strides = array<i32>} : memref<128x128xf32, #tpu.memory_space<vmem>>, vector<16xf32>,
          %add3A_227 = arith.constant 48 : i32
          %add3A_228 = vector.broadcast %add3A_227 : i32 to vector<16xi32>
          %add3A_229 = arith.addi %iota3A, %add3A_228 : vector<16xi32>
          %gather3A_230 = tpu.vector_load_idx %arg9[%add3A_229, %broadcast_in_dim3A_204] : memref<64x768xf32, #tpu.memory_space<vmem>>[vector<16xi32>, vector<16xi32>], vector<16xf32>,
          %swap3A_231 = arith.index_cast %and3A_206 : i32 to index
          %swap3A_232 = arith.constant 48 : index
          %swap3A_233 = tpu.vector_load %arg10[%swap3A_231, %swap3A_232] {strides = array<i32>} : memref<128x128xf32, #tpu.memory_space<vmem>>, vector<16xf32>,
          tpu.vector_store %arg10[%swap3A_231, %swap3A_232], %gather3A_230 {strides = array<i32>} : memref<128x128xf32, #tpu.memory_space<vmem>>, vector<16xf32>,
          %mul3A_234 = arith.constant 16384 : i32
          %mul3A_235 = arith.muli %arg0, %mul3A_234 : i32
          %add3A_236 = arith.addi %mul3A_235, %and3A_203 : i32
          %broadcast_in_dim3A_237 = vector.broadcast %add3A_236 : i32 to vector<16xi32>
          %swap3A_238 = arith.index_cast %and3A_206 : i32 to index
          %swap3A_239 = tpu.vector_load %arg11[%swap3A_238] {strides = array<i32>} : memref<144xi32, #tpu.memory_space<vmem>>, vector<16xi32>,
          tpu.vector_store %arg11[%swap3A_238], %broadcast_in_dim3A_237 {strides = array<i32>} : memref<144xi32, #tpu.memory_space<vmem>>, vector<16xi32>,
          %eq3A_240 = arith.constant 127 : i32
          %eq3A_241 = arith.cmpi eq, %and3A_206, %eq3A_240 : i32
          %convert_element_type3A = arith.extui %eq3A_241 : i1 to i32
          %cond3A = arith.constant 0 : i32
          %cond3A_242 = arith.cmpi ne, %convert_element_type3A, %cond3A : i32
          scf.if %cond3A_242 {
            "tpu.region"() ({
              %run_scoped3A = tpu.sem_alloc : memref<!tpu.dma_semaphore, #tpu.memory_space<semaphore_mem>>
              %dma_start3A = arith.constant 0 : i32
              %dma_start3A_261 = tpu.memref_slice %arg11[%dma_start3A] : memref<144xi32, #tpu.memory_space<vmem>> -> memref<128xi32, #tpu.memory_space<vmem>>
              %dma_start3A_262 = arith.constant 0 : i32
              %dma_start3A_263 = arith.constant 0 : i32
              %dma_start3A_264 = tpu.memref_slice %arg5[%dma_start3A_262, %dma_start3A_263] : memref<32768x128xf32, #tpu.memory_space<hbm>> -> memref<32768x128xf32, #tpu.memory_space<hbm>>
              %dma_start3A_265 = arith.constant -1 : i32
              tpu.enqueue_indirect_dma source(%arg10 : memref<128x128xf32, #tpu.memory_space<vmem>>) target(%dma_start3A_264 : memref<32768x128xf32, #tpu.memory_space<hbm>>) offsets(%dma_start3A_261 : memref<128xi32, #tpu.memory_space<vmem>>) offset_filter(%dma_start3A_265) semaphore(%run_scoped3A : memref<!tpu.dma_semaphore, #tpu.memory_space<semaphore_mem>>)
              %dma_wait3A = arith.constant 0 : i32
              %dma_wait3A_266 = tpu.memref_slice %arg11[%dma_wait3A] : memref<144xi32, #tpu.memory_space<vmem>> -> memref<128xi32, #tpu.memory_space<vmem>>
              %dma_wait3A_267 = arith.constant 0 : i32
              %dma_wait3A_268 = arith.constant 0 : i32
              %dma_wait3A_269 = tpu.memref_slice %arg5[%dma_wait3A_267, %dma_wait3A_268] : memref<32768x128xf32, #tpu.memory_space<hbm>> -> memref<32768x128xf32, #tpu.memory_space<hbm>>
              tpu.wait_indirect_dma semaphore(%run_scoped3A : memref<!tpu.dma_semaphore, #tpu.memory_space<semaphore_mem>>) src(%arg10 : memref<128x128xf32, #tpu.memory_space<vmem>>) dst(%dma_wait3A_269 : memref<32768x128xf32, #tpu.memory_space<hbm>>)
              tpu.yield
            }) : () -> ()
            %swap3A_245 = arith.constant 0 : index
            %swap3A_246 = tpu.vector_load %arg11[%swap3A_245] {strides = array<i32>} : memref<144xi32, #tpu.memory_space<vmem>>, vector<16xi32>,
            tpu.vector_store %arg11[%swap3A_245], %broadcast_in_dim3A_54 {strides = array<i32>} : memref<144xi32, #tpu.memory_space<vmem>>, vector<16xi32>,
            %swap3A_247 = arith.constant 16 : index
            %swap3A_248 = tpu.vector_load %arg11[%swap3A_247] {strides = array<i32>} : memref<144xi32, #tpu.memory_space<vmem>>, vector<16xi32>,
            tpu.vector_store %arg11[%swap3A_247], %broadcast_in_dim3A_54 {strides = array<i32>} : memref<144xi32, #tpu.memory_space<vmem>>, vector<16xi32>,
            %swap3A_249 = arith.constant 32 : index
            %swap3A_250 = tpu.vector_load %arg11[%swap3A_249] {strides = array<i32>} : memref<144xi32, #tpu.memory_space<vmem>>, vector<16xi32>,
            tpu.vector_store %arg11[%swap3A_249], %broadcast_in_dim3A_54 {strides = array<i32>} : memref<144xi32, #tpu.memory_space<vmem>>, vector<16xi32>,
            %swap3A_251 = arith.constant 48 : index
            %swap3A_252 = tpu.vector_load %arg11[%swap3A_251] {strides = array<i32>} : memref<144xi32, #tpu.memory_space<vmem>>, vector<16xi32>,
            tpu.vector_store %arg11[%swap3A_251], %broadcast_in_dim3A_54 {strides = array<i32>} : memref<144xi32, #tpu.memory_space<vmem>>, vector<16xi32>,
            %swap3A_253 = arith.constant 64 : index
            %swap3A_254 = tpu.vector_load %arg11[%swap3A_253] {strides = array<i32>} : memref<144xi32, #tpu.memory_space<vmem>>, vector<16xi32>,
            tpu.vector_store %arg11[%swap3A_253], %broadcast_in_dim3A_54 {strides = array<i32>} : memref<144xi32, #tpu.memory_space<vmem>>, vector<16xi32>,
            %swap3A_255 = arith.constant 80 : index
            %swap3A_256 = tpu.vector_load %arg11[%swap3A_255] {strides = array<i32>} : memref<144xi32, #tpu.memory_space<vmem>>, vector<16xi32>,
            tpu.vector_store %arg11[%swap3A_255], %broadcast_in_dim3A_54 {strides = array<i32>} : memref<144xi32, #tpu.memory_space<vmem>>, vector<16xi32>,
            %swap3A_257 = arith.constant 96 : index
            %swap3A_258 = tpu.vector_load %arg11[%swap3A_257] {strides = array<i32>} : memref<144xi32, #tpu.memory_space<vmem>>, vector<16xi32>,
            tpu.vector_store %arg11[%swap3A_257], %broadcast_in_dim3A_54 {strides = array<i32>} : memref<144xi32, #tpu.memory_space<vmem>>, vector<16xi32>,
            %swap3A_259 = arith.constant 112 : index
            %swap3A_260 = tpu.vector_load %arg11[%swap3A_259] {strides = array<i32>} : memref<144xi32, #tpu.memory_space<vmem>>, vector<16xi32>,
            tpu.vector_store %arg11[%swap3A_259], %broadcast_in_dim3A_54 {strides = array<i32>} : memref<144xi32, #tpu.memory_space<vmem>>, vector<16xi32>,
          } else {
          }
          %add3A_243 = arith.constant 1 : i32
          %add3A_244 = arith.addi %while3A_194, %add3A_243 : i32
          scf.yield %add3A_244 : i32
        }
        scf.yield %while3A_192 : i32
      }
      %while3A_170 = arith.constant 1 : i32
      %while3A_171 = scf.for %while3A_172 = %while3A_167 to %while3A_163 step %while3A_170 iter_args(%while3A_173 = %while3A_169) -> (i32)  : i32 {
        %mul3A_174 = arith.constant 16 : i32
        %mul3A_175 = arith.muli %while3A_172, %mul3A_174 : i32
        %get3A = arith.index_cast %mul3A_175 : i32 to index
        %get3A_176 = tpu.vector_load %arg7[%get3A] {strides = array<i32>} : memref<16416xi32, #tpu.memory_space<vmem>>, vector<16xi32>,
        %ge3A = vector.broadcast %shift_left3A_158 : i32 to vector<16xi32>
        %ge3A_177 = arith.cmpi sge, %get3A_176, %ge3A : vector<16xi32>
        %lt3A = vector.broadcast %add3A_160 : i32 to vector<16xi32>
        %lt3A_178 = arith.cmpi slt, %get3A_176, %lt3A : vector<16xi32>
        %and3A_179 = arith.andi %ge3A_177, %lt3A_178 : vector<16xi1>
        %swap3A_180 = arith.constant 0 : index
        %swap3A_181 = tpu.vector_load %arg8[%swap3A_180] masked %and3A_179 {strides = array<i32>} : memref<32xi32, #tpu.memory_space<vmem>>, vector<16xi32>, vector<16xi1>
        tpu.vector_store %arg8[%swap3A_180], %get3A_176 masked %and3A_179 {strides = array<i32>} : memref<32xi32, #tpu.memory_space<vmem>>, vector<16xi32>, vector<16xi1>
        %all_reduce_population_count3A = tpu.all_reduce %and3A_179 {dim = 0 : i64, kind = #tpu.reduction_kind<sum>} : vector<16xi1> -> vector<16xi32>
        %slice3A = vector.extract_strided_slice %all_reduce_population_count3A {offsets = [0], sizes = [1], strides = [1]} : vector<16xi32> to vector<1xi32>
        %squeeze3A = vector.extract %slice3A[0] : i32 from vector<1xi32>
        %while3A_182 = arith.constant 0 : i32
        %while3A_183 = arith.subi %squeeze3A, %while3A_182 : i32
        %while3A_184 = arith.addi %while3A_182, %while3A_183 : i32
        %while3A_185 = arith.constant 1 : i32
        %while3A_186 = arith.divsi %while3A_183, %while3A_185 : i32
        %while3A_187 = arith.muli %while3A_186, %while3A_185 : i32
        %while3A_188 = arith.addi %while3A_182, %while3A_187 : i32
        %while3A_189 = arith.constant 1 : i32
        %while3A_190 = scf.for %while3A_193 = %while3A_182 to %while3A_188 step %while3A_189 iter_args(%while3A_194 = %while3A_173) -> (i32)  : i32 {
          %get3A_195 = arith.index_cast %while3A_193 : i32 to index
          %get3A_196 = tpu.vector_load %arg8[%get3A_195] {strides = array<i32>} : memref<32xi32, #tpu.memory_space<vmem>>, vector<16xi32>,
          %slice3A_197 = vector.extract_strided_slice %get3A_196 {offsets = [0], sizes = [1], strides = [1]} : vector<16xi32> to vector<1xi32>
          %squeeze3A_198 = vector.extract %slice3A_197[0] : i32 from vector<1xi32>
          %shift_right_arithmetic3A = arith.constant 14 : i32
          %shift_right_arithmetic3A_199 = arith.shrsi %squeeze3A_198, %shift_right_arithmetic3A : i32
          %sub3A_200 = arith.subi %multiple_of3A, %mul3A_48 : i32
          %sub3A_201 = arith.subi %shift_right_arithmetic3A_199, %sub3A_200 : i32
          %and3A_202 = arith.constant 16383 : i32
          %and3A_203 = arith.andi %squeeze3A_198, %and3A_202 : i32
          %broadcast_in_dim3A_204 = vector.broadcast %sub3A_201 : i32 to vector<16xi32>
          %and3A_205 = arith.constant 127 : i32
          %and3A_206 = arith.andi %while3A_194, %and3A_205 : i32
          %add3A_207 = arith.constant 0 : i32
          %add3A_208 = vector.broadcast %add3A_207 : i32 to vector<16xi32>
          %add3A_209 = arith.addi %iota3A, %add3A_208 : vector<16xi32>
          %gather3A = tpu.vector_load_idx %arg9[%add3A_209, %broadcast_in_dim3A_204] : memref<64x768xf32, #tpu.memory_space<vmem>>[vector<16xi32>, vector<16xi32>], vector<16xf32>,
          %swap3A_210 = arith.index_cast %and3A_206 : i32 to index
          %swap3A_211 = arith.constant 0 : index
          %swap3A_212 = tpu.vector_load %arg10[%swap3A_210, %swap3A_211] {strides = array<i32>} : memref<128x128xf32, #tpu.memory_space<vmem>>, vector<16xf32>,
          tpu.vector_store %arg10[%swap3A_210, %swap3A_211], %gather3A {strides = array<i32>} : memref<128x128xf32, #tpu.memory_space<vmem>>, vector<16xf32>,
          %add3A_213 = arith.constant 16 : i32
          %add3A_214 = vector.broadcast %add3A_213 : i32 to vector<16xi32>
          %add3A_215 = arith.addi %iota3A, %add3A_214 : vector<16xi32>
          %gather3A_216 = tpu.vector_load_idx %arg9[%add3A_215, %broadcast_in_dim3A_204] : memref<64x768xf32, #tpu.memory_space<vmem>>[vector<16xi32>, vector<16xi32>], vector<16xf32>,
          %swap3A_217 = arith.index_cast %and3A_206 : i32 to index
          %swap3A_218 = arith.constant 16 : index
          %swap3A_219 = tpu.vector_load %arg10[%swap3A_217, %swap3A_218] {strides = array<i32>} : memref<128x128xf32, #tpu.memory_space<vmem>>, vector<16xf32>,
          tpu.vector_store %arg10[%swap3A_217, %swap3A_218], %gather3A_216 {strides = array<i32>} : memref<128x128xf32, #tpu.memory_space<vmem>>, vector<16xf32>,
          %add3A_220 = arith.constant 32 : i32
          %add3A_221 = vector.broadcast %add3A_220 : i32 to vector<16xi32>
          %add3A_222 = arith.addi %iota3A, %add3A_221 : vector<16xi32>
          %gather3A_223 = tpu.vector_load_idx %arg9[%add3A_222, %broadcast_in_dim3A_204] : memref<64x768xf32, #tpu.memory_space<vmem>>[vector<16xi32>, vector<16xi32>], vector<16xf32>,
          %swap3A_224 = arith.index_cast %and3A_206 : i32 to index
          %swap3A_225 = arith.constant 32 : index
          %swap3A_226 = tpu.vector_load %arg10[%swap3A_224, %swap3A_225] {strides = array<i32>} : memref<128x128xf32, #tpu.memory_space<vmem>>, vector<16xf32>,
          tpu.vector_store %arg10[%swap3A_224, %swap3A_225], %gather3A_223 {strides = array<i32>} : memref<128x128xf32, #tpu.memory_space<vmem>>, vector<16xf32>,
          %add3A_227 = arith.constant 48 : i32
          %add3A_228 = vector.broadcast %add3A_227 : i32 to vector<16xi32>
          %add3A_229 = arith.addi %iota3A, %add3A_228 : vector<16xi32>
          %gather3A_230 = tpu.vector_load_idx %arg9[%add3A_229, %broadcast_in_dim3A_204] : memref<64x768xf32, #tpu.memory_space<vmem>>[vector<16xi32>, vector<16xi32>], vector<16xf32>,
          %swap3A_231 = arith.index_cast %and3A_206 : i32 to index
          %swap3A_232 = arith.constant 48 : index
          %swap3A_233 = tpu.vector_load %arg10[%swap3A_231, %swap3A_232] {strides = array<i32>} : memref<128x128xf32, #tpu.memory_space<vmem>>, vector<16xf32>,
          tpu.vector_store %arg10[%swap3A_231, %swap3A_232], %gather3A_230 {strides = array<i32>} : memref<128x128xf32, #tpu.memory_space<vmem>>, vector<16xf32>,
          %mul3A_234 = arith.constant 16384 : i32
          %mul3A_235 = arith.muli %arg0, %mul3A_234 : i32
          %add3A_236 = arith.addi %mul3A_235, %and3A_203 : i32
          %broadcast_in_dim3A_237 = vector.broadcast %add3A_236 : i32 to vector<16xi32>
          %swap3A_238 = arith.index_cast %and3A_206 : i32 to index
          %swap3A_239 = tpu.vector_load %arg11[%swap3A_238] {strides = array<i32>} : memref<144xi32, #tpu.memory_space<vmem>>, vector<16xi32>,
          tpu.vector_store %arg11[%swap3A_238], %broadcast_in_dim3A_237 {strides = array<i32>} : memref<144xi32, #tpu.memory_space<vmem>>, vector<16xi32>,
          %eq3A_240 = arith.constant 127 : i32
          %eq3A_241 = arith.cmpi eq, %and3A_206, %eq3A_240 : i32
          %convert_element_type3A = arith.extui %eq3A_241 : i1 to i32
          %cond3A = arith.constant 0 : i32
          %cond3A_242 = arith.cmpi ne, %convert_element_type3A, %cond3A : i32
          scf.if %cond3A_242 {
            "tpu.region"() ({
              %run_scoped3A = tpu.sem_alloc : memref<!tpu.dma_semaphore, #tpu.memory_space<semaphore_mem>>
              %dma_start3A = arith.constant 0 : i32
              %dma_start3A_261 = tpu.memref_slice %arg11[%dma_start3A] : memref<144xi32, #tpu.memory_space<vmem>> -> memref<128xi32, #tpu.memory_space<vmem>>
              %dma_start3A_262 = arith.constant 0 : i32
              %dma_start3A_263 = arith.constant 0 : i32
              %dma_start3A_264 = tpu.memref_slice %arg5[%dma_start3A_262, %dma_start3A_263] : memref<32768x128xf32, #tpu.memory_space<hbm>> -> memref<32768x128xf32, #tpu.memory_space<hbm>>
              %dma_start3A_265 = arith.constant -1 : i32
              tpu.enqueue_indirect_dma source(%arg10 : memref<128x128xf32, #tpu.memory_space<vmem>>) target(%dma_start3A_264 : memref<32768x128xf32, #tpu.memory_space<hbm>>) offsets(%dma_start3A_261 : memref<128xi32, #tpu.memory_space<vmem>>) offset_filter(%dma_start3A_265) semaphore(%run_scoped3A : memref<!tpu.dma_semaphore, #tpu.memory_space<semaphore_mem>>)
              %dma_wait3A = arith.constant 0 : i32
              %dma_wait3A_266 = tpu.memref_slice %arg11[%dma_wait3A] : memref<144xi32, #tpu.memory_space<vmem>> -> memref<128xi32, #tpu.memory_space<vmem>>
              %dma_wait3A_267 = arith.constant 0 : i32
              %dma_wait3A_268 = arith.constant 0 : i32
              %dma_wait3A_269 = tpu.memref_slice %arg5[%dma_wait3A_267, %dma_wait3A_268] : memref<32768x128xf32, #tpu.memory_space<hbm>> -> memref<32768x128xf32, #tpu.memory_space<hbm>>
              tpu.wait_indirect_dma semaphore(%run_scoped3A : memref<!tpu.dma_semaphore, #tpu.memory_space<semaphore_mem>>) src(%arg10 : memref<128x128xf32, #tpu.memory_space<vmem>>) dst(%dma_wait3A_269 : memref<32768x128xf32, #tpu.memory_space<hbm>>)
              tpu.yield
            }) : () -> ()
            %swap3A_245 = arith.constant 0 : index
            %swap3A_246 = tpu.vector_load %arg11[%swap3A_245] {strides = array<i32>} : memref<144xi32, #tpu.memory_space<vmem>>, vector<16xi32>,
            tpu.vector_store %arg11[%swap3A_245], %broadcast_in_dim3A_54 {strides = array<i32>} : memref<144xi32, #tpu.memory_space<vmem>>, vector<16xi32>,
            %swap3A_247 = arith.constant 16 : index
            %swap3A_248 = tpu.vector_load %arg11[%swap3A_247] {strides = array<i32>} : memref<144xi32, #tpu.memory_space<vmem>>, vector<16xi32>,
            tpu.vector_store %arg11[%swap3A_247], %broadcast_in_dim3A_54 {strides = array<i32>} : memref<144xi32, #tpu.memory_space<vmem>>, vector<16xi32>,
            %swap3A_249 = arith.constant 32 : index
            %swap3A_250 = tpu.vector_load %arg11[%swap3A_249] {strides = array<i32>} : memref<144xi32, #tpu.memory_space<vmem>>, vector<16xi32>,
            tpu.vector_store %arg11[%swap3A_249], %broadcast_in_dim3A_54 {strides = array<i32>} : memref<144xi32, #tpu.memory_space<vmem>>, vector<16xi32>,
            %swap3A_251 = arith.constant 48 : index
            %swap3A_252 = tpu.vector_load %arg11[%swap3A_251] {strides = array<i32>} : memref<144xi32, #tpu.memory_space<vmem>>, vector<16xi32>,
            tpu.vector_store %arg11[%swap3A_251], %broadcast_in_dim3A_54 {strides = array<i32>} : memref<144xi32, #tpu.memory_space<vmem>>, vector<16xi32>,
            %swap3A_253 = arith.constant 64 : index
            %swap3A_254 = tpu.vector_load %arg11[%swap3A_253] {strides = array<i32>} : memref<144xi32, #tpu.memory_space<vmem>>, vector<16xi32>,
            tpu.vector_store %arg11[%swap3A_253], %broadcast_in_dim3A_54 {strides = array<i32>} : memref<144xi32, #tpu.memory_space<vmem>>, vector<16xi32>,
            %swap3A_255 = arith.constant 80 : index
            %swap3A_256 = tpu.vector_load %arg11[%swap3A_255] {strides = array<i32>} : memref<144xi32, #tpu.memory_space<vmem>>, vector<16xi32>,
            tpu.vector_store %arg11[%swap3A_255], %broadcast_in_dim3A_54 {strides = array<i32>} : memref<144xi32, #tpu.memory_space<vmem>>, vector<16xi32>,
            %swap3A_257 = arith.constant 96 : index
            %swap3A_258 = tpu.vector_load %arg11[%swap3A_257] {strides = array<i32>} : memref<144xi32, #tpu.memory_space<vmem>>, vector<16xi32>,
            tpu.vector_store %arg11[%swap3A_257], %broadcast_in_dim3A_54 {strides = array<i32>} : memref<144xi32, #tpu.memory_space<vmem>>, vector<16xi32>,
            %swap3A_259 = arith.constant 112 : index
            %swap3A_260 = tpu.vector_load %arg11[%swap3A_259] {strides = array<i32>} : memref<144xi32, #tpu.memory_space<vmem>>, vector<16xi32>,
            tpu.vector_store %arg11[%swap3A_259], %broadcast_in_dim3A_54 {strides = array<i32>} : memref<144xi32, #tpu.memory_space<vmem>>, vector<16xi32>,
          } else {
          }
          %add3A_243 = arith.constant 1 : i32
          %add3A_244 = arith.addi %while3A_194, %add3A_243 : i32
          scf.yield %add3A_244 : i32
        }
        %while3A_191 = arith.constant 1 : i32
        %while3A_192 = scf.for %while3A_193 = %while3A_188 to %while3A_184 step %while3A_191 iter_args(%while3A_194 = %while3A_190) -> (i32)  : i32 {
          %get3A_195 = arith.index_cast %while3A_193 : i32 to index
          %get3A_196 = tpu.vector_load %arg8[%get3A_195] {strides = array<i32>} : memref<32xi32, #tpu.memory_space<vmem>>, vector<16xi32>,
          %slice3A_197 = vector.extract_strided_slice %get3A_196 {offsets = [0], sizes = [1], strides = [1]} : vector<16xi32> to vector<1xi32>
          %squeeze3A_198 = vector.extract %slice3A_197[0] : i32 from vector<1xi32>
          %shift_right_arithmetic3A = arith.constant 14 : i32
          %shift_right_arithmetic3A_199 = arith.shrsi %squeeze3A_198, %shift_right_arithmetic3A : i32
          %sub3A_200 = arith.subi %multiple_of3A, %mul3A_48 : i32
          %sub3A_201 = arith.subi %shift_right_arithmetic3A_199, %sub3A_200 : i32
          %and3A_202 = arith.constant 16383 : i32
          %and3A_203 = arith.andi %squeeze3A_198, %and3A_202 : i32
          %broadcast_in_dim3A_204 = vector.broadcast %sub3A_201 : i32 to vector<16xi32>
          %and3A_205 = arith.constant 127 : i32
          %and3A_206 = arith.andi %while3A_194, %and3A_205 : i32
          %add3A_207 = arith.constant 0 : i32
          %add3A_208 = vector.broadcast %add3A_207 : i32 to vector<16xi32>
          %add3A_209 = arith.addi %iota3A, %add3A_208 : vector<16xi32>
          %gather3A = tpu.vector_load_idx %arg9[%add3A_209, %broadcast_in_dim3A_204] : memref<64x768xf32, #tpu.memory_space<vmem>>[vector<16xi32>, vector<16xi32>], vector<16xf32>,
          %swap3A_210 = arith.index_cast %and3A_206 : i32 to index
          %swap3A_211 = arith.constant 0 : index
          %swap3A_212 = tpu.vector_load %arg10[%swap3A_210, %swap3A_211] {strides = array<i32>} : memref<128x128xf32, #tpu.memory_space<vmem>>, vector<16xf32>,
          tpu.vector_store %arg10[%swap3A_210, %swap3A_211], %gather3A {strides = array<i32>} : memref<128x128xf32, #tpu.memory_space<vmem>>, vector<16xf32>,
          %add3A_213 = arith.constant 16 : i32
          %add3A_214 = vector.broadcast %add3A_213 : i32 to vector<16xi32>
          %add3A_215 = arith.addi %iota3A, %add3A_214 : vector<16xi32>
          %gather3A_216 = tpu.vector_load_idx %arg9[%add3A_215, %broadcast_in_dim3A_204] : memref<64x768xf32, #tpu.memory_space<vmem>>[vector<16xi32>, vector<16xi32>], vector<16xf32>,
          %swap3A_217 = arith.index_cast %and3A_206 : i32 to index
          %swap3A_218 = arith.constant 16 : index
          %swap3A_219 = tpu.vector_load %arg10[%swap3A_217, %swap3A_218] {strides = array<i32>} : memref<128x128xf32, #tpu.memory_space<vmem>>, vector<16xf32>,
          tpu.vector_store %arg10[%swap3A_217, %swap3A_218], %gather3A_216 {strides = array<i32>} : memref<128x128xf32, #tpu.memory_space<vmem>>, vector<16xf32>,
          %add3A_220 = arith.constant 32 : i32
          %add3A_221 = vector.broadcast %add3A_220 : i32 to vector<16xi32>
          %add3A_222 = arith.addi %iota3A, %add3A_221 : vector<16xi32>
          %gather3A_223 = tpu.vector_load_idx %arg9[%add3A_222, %broadcast_in_dim3A_204] : memref<64x768xf32, #tpu.memory_space<vmem>>[vector<16xi32>, vector<16xi32>], vector<16xf32>,
          %swap3A_224 = arith.index_cast %and3A_206 : i32 to index
          %swap3A_225 = arith.constant 32 : index
          %swap3A_226 = tpu.vector_load %arg10[%swap3A_224, %swap3A_225] {strides = array<i32>} : memref<128x128xf32, #tpu.memory_space<vmem>>, vector<16xf32>,
          tpu.vector_store %arg10[%swap3A_224, %swap3A_225], %gather3A_223 {strides = array<i32>} : memref<128x128xf32, #tpu.memory_space<vmem>>, vector<16xf32>,
          %add3A_227 = arith.constant 48 : i32
          %add3A_228 = vector.broadcast %add3A_227 : i32 to vector<16xi32>
          %add3A_229 = arith.addi %iota3A, %add3A_228 : vector<16xi32>
          %gather3A_230 = tpu.vector_load_idx %arg9[%add3A_229, %broadcast_in_dim3A_204] : memref<64x768xf32, #tpu.memory_space<vmem>>[vector<16xi32>, vector<16xi32>], vector<16xf32>,
          %swap3A_231 = arith.index_cast %and3A_206 : i32 to index
          %swap3A_232 = arith.constant 48 : index
          %swap3A_233 = tpu.vector_load %arg10[%swap3A_231, %swap3A_232] {strides = array<i32>} : memref<128x128xf32, #tpu.memory_space<vmem>>, vector<16xf32>,
          tpu.vector_store %arg10[%swap3A_231, %swap3A_232], %gather3A_230 {strides = array<i32>} : memref<128x128xf32, #tpu.memory_space<vmem>>, vector<16xf32>,
          %mul3A_234 = arith.constant 16384 : i32
          %mul3A_235 = arith.muli %arg0, %mul3A_234 : i32
          %add3A_236 = arith.addi %mul3A_235, %and3A_203 : i32
          %broadcast_in_dim3A_237 = vector.broadcast %add3A_236 : i32 to vector<16xi32>
          %swap3A_238 = arith.index_cast %and3A_206 : i32 to index
          %swap3A_239 = tpu.vector_load %arg11[%swap3A_238] {strides = array<i32>} : memref<144xi32, #tpu.memory_space<vmem>>, vector<16xi32>,
          tpu.vector_store %arg11[%swap3A_238], %broadcast_in_dim3A_237 {strides = array<i32>} : memref<144xi32, #tpu.memory_space<vmem>>, vector<16xi32>,
          %eq3A_240 = arith.constant 127 : i32
          %eq3A_241 = arith.cmpi eq, %and3A_206, %eq3A_240 : i32
          %convert_element_type3A = arith.extui %eq3A_241 : i1 to i32
          %cond3A = arith.constant 0 : i32
          %cond3A_242 = arith.cmpi ne, %convert_element_type3A, %cond3A : i32
          scf.if %cond3A_242 {
            "tpu.region"() ({
              %run_scoped3A = tpu.sem_alloc : memref<!tpu.dma_semaphore, #tpu.memory_space<semaphore_mem>>
              %dma_start3A = arith.constant 0 : i32
              %dma_start3A_261 = tpu.memref_slice %arg11[%dma_start3A] : memref<144xi32, #tpu.memory_space<vmem>> -> memref<128xi32, #tpu.memory_space<vmem>>
              %dma_start3A_262 = arith.constant 0 : i32
              %dma_start3A_263 = arith.constant 0 : i32
              %dma_start3A_264 = tpu.memref_slice %arg5[%dma_start3A_262, %dma_start3A_263] : memref<32768x128xf32, #tpu.memory_space<hbm>> -> memref<32768x128xf32, #tpu.memory_space<hbm>>
              %dma_start3A_265 = arith.constant -1 : i32
              tpu.enqueue_indirect_dma source(%arg10 : memref<128x128xf32, #tpu.memory_space<vmem>>) target(%dma_start3A_264 : memref<32768x128xf32, #tpu.memory_space<hbm>>) offsets(%dma_start3A_261 : memref<128xi32, #tpu.memory_space<vmem>>) offset_filter(%dma_start3A_265) semaphore(%run_scoped3A : memref<!tpu.dma_semaphore, #tpu.memory_space<semaphore_mem>>)
              %dma_wait3A = arith.constant 0 : i32
              %dma_wait3A_266 = tpu.memref_slice %arg11[%dma_wait3A] : memref<144xi32, #tpu.memory_space<vmem>> -> memref<128xi32, #tpu.memory_space<vmem>>
              %dma_wait3A_267 = arith.constant 0 : i32
              %dma_wait3A_268 = arith.constant 0 : i32
              %dma_wait3A_269 = tpu.memref_slice %arg5[%dma_wait3A_267, %dma_wait3A_268] : memref<32768x128xf32, #tpu.memory_space<hbm>> -> memref<32768x128xf32, #tpu.memory_space<hbm>>
              tpu.wait_indirect_dma semaphore(%run_scoped3A : memref<!tpu.dma_semaphore, #tpu.memory_space<semaphore_mem>>) src(%arg10 : memref<128x128xf32, #tpu.memory_space<vmem>>) dst(%dma_wait3A_269 : memref<32768x128xf32, #tpu.memory_space<hbm>>)
              tpu.yield
            }) : () -> ()
            %swap3A_245 = arith.constant 0 : index
            %swap3A_246 = tpu.vector_load %arg11[%swap3A_245] {strides = array<i32>} : memref<144xi32, #tpu.memory_space<vmem>>, vector<16xi32>,
            tpu.vector_store %arg11[%swap3A_245], %broadcast_in_dim3A_54 {strides = array<i32>} : memref<144xi32, #tpu.memory_space<vmem>>, vector<16xi32>,
            %swap3A_247 = arith.constant 16 : index
            %swap3A_248 = tpu.vector_load %arg11[%swap3A_247] {strides = array<i32>} : memref<144xi32, #tpu.memory_space<vmem>>, vector<16xi32>,
            tpu.vector_store %arg11[%swap3A_247], %broadcast_in_dim3A_54 {strides = array<i32>} : memref<144xi32, #tpu.memory_space<vmem>>, vector<16xi32>,
            %swap3A_249 = arith.constant 32 : index
            %swap3A_250 = tpu.vector_load %arg11[%swap3A_249] {strides = array<i32>} : memref<144xi32, #tpu.memory_space<vmem>>, vector<16xi32>,
            tpu.vector_store %arg11[%swap3A_249], %broadcast_in_dim3A_54 {strides = array<i32>} : memref<144xi32, #tpu.memory_space<vmem>>, vector<16xi32>,
            %swap3A_251 = arith.constant 48 : index
            %swap3A_252 = tpu.vector_load %arg11[%swap3A_251] {strides = array<i32>} : memref<144xi32, #tpu.memory_space<vmem>>, vector<16xi32>,
            tpu.vector_store %arg11[%swap3A_251], %broadcast_in_dim3A_54 {strides = array<i32>} : memref<144xi32, #tpu.memory_space<vmem>>, vector<16xi32>,
            %swap3A_253 = arith.constant 64 : index
            %swap3A_254 = tpu.vector_load %arg11[%swap3A_253] {strides = array<i32>} : memref<144xi32, #tpu.memory_space<vmem>>, vector<16xi32>,
            tpu.vector_store %arg11[%swap3A_253], %broadcast_in_dim3A_54 {strides = array<i32>} : memref<144xi32, #tpu.memory_space<vmem>>, vector<16xi32>,
            %swap3A_255 = arith.constant 80 : index
            %swap3A_256 = tpu.vector_load %arg11[%swap3A_255] {strides = array<i32>} : memref<144xi32, #tpu.memory_space<vmem>>, vector<16xi32>,
            tpu.vector_store %arg11[%swap3A_255], %broadcast_in_dim3A_54 {strides = array<i32>} : memref<144xi32, #tpu.memory_space<vmem>>, vector<16xi32>,
            %swap3A_257 = arith.constant 96 : index
            %swap3A_258 = tpu.vector_load %arg11[%swap3A_257] {strides = array<i32>} : memref<144xi32, #tpu.memory_space<vmem>>, vector<16xi32>,
            tpu.vector_store %arg11[%swap3A_257], %broadcast_in_dim3A_54 {strides = array<i32>} : memref<144xi32, #tpu.memory_space<vmem>>, vector<16xi32>,
            %swap3A_259 = arith.constant 112 : index
            %swap3A_260 = tpu.vector_load %arg11[%swap3A_259] {strides = array<i32>} : memref<144xi32, #tpu.memory_space<vmem>>, vector<16xi32>,
            tpu.vector_store %arg11[%swap3A_259], %broadcast_in_dim3A_54 {strides = array<i32>} : memref<144xi32, #tpu.memory_space<vmem>>, vector<16xi32>,
          } else {
          }
          %add3A_243 = arith.constant 1 : i32
          %add3A_244 = arith.addi %while3A_194, %add3A_243 : i32
          scf.yield %add3A_244 : i32
        }
        scf.yield %while3A_192 : i32
      }
      scf.yield %while3A_171 : i32
    }
    %sub3A_114 = arith.constant 999936 : i32
    %sub3A_115 = arith.subi %sub3A_114, %mul3A_48 : i32
    %shift_left3A = arith.constant 14 : i32
    %shift_left3A_116 = arith.shli %sub3A_115, %shift_left3A : i32
    %eq3A_117 = arith.constant 31 : i32
    %eq3A_118 = arith.cmpi eq, %add3A, %eq3A_117 : i32
    %jit3A_119 = arith.constant 0 : i32
    %select_n3A_120 = arith.select %eq3A_118, %select_n3A_103, %jit3A_119 : i32
    %while3A_121 = arith.constant 0 : i32
    %while3A_122 = arith.subi %select_n3A_120, %while3A_121 : i32
    %while3A_123 = arith.addi %while3A_121, %while3A_122 : i32
    %while3A_124 = arith.constant 1 : i32
    %while3A_125 = arith.divsi %while3A_122, %while3A_124 : i32
    %while3A_126 = arith.muli %while3A_125, %while3A_124 : i32
    %while3A_127 = arith.addi %while3A_121, %while3A_126 : i32
    %while3A_128 = arith.constant 1 : i32
    %while3A_129 = scf.for %while3A_152 = %while3A_121 to %while3A_127 step %while3A_128 iter_args(%while3A_153 = %while3A_113) -> (i32)  : i32 {
      %mul3A_154 = arith.constant 16 : i32
      %mul3A_155 = arith.muli %while3A_152, %mul3A_154 : i32
      %get3A = arith.index_cast %mul3A_155 : i32 to index
      %get3A_156 = tpu.vector_load %arg7[%get3A] {strides = array<i32>} : memref<16416xi32, #tpu.memory_space<vmem>>, vector<16xi32>,
      %ge3A = vector.broadcast %shift_left3A_116 : i32 to vector<16xi32>
      %ge3A_157 = arith.cmpi sge, %get3A_156, %ge3A : vector<16xi32>
      %swap3A_158 = arith.constant 0 : index
      %swap3A_159 = tpu.vector_load %arg8[%swap3A_158] masked %ge3A_157 {strides = array<i32>} : memref<32xi32, #tpu.memory_space<vmem>>, vector<16xi32>, vector<16xi1>
      tpu.vector_store %arg8[%swap3A_158], %get3A_156 masked %ge3A_157 {strides = array<i32>} : memref<32xi32, #tpu.memory_space<vmem>>, vector<16xi32>, vector<16xi1>
      %all_reduce_population_count3A = tpu.all_reduce %ge3A_157 {dim = 0 : i64, kind = #tpu.reduction_kind<sum>} : vector<16xi1> -> vector<16xi32>
      %slice3A = vector.extract_strided_slice %all_reduce_population_count3A {offsets = [0], sizes = [1], strides = [1]} : vector<16xi32> to vector<1xi32>
      %squeeze3A = vector.extract %slice3A[0] : i32 from vector<1xi32>
      %while3A_160 = arith.constant 0 : i32
      %while3A_161 = arith.subi %squeeze3A, %while3A_160 : i32
      %while3A_162 = arith.addi %while3A_160, %while3A_161 : i32
      %while3A_163 = arith.constant 1 : i32
      %while3A_164 = arith.divsi %while3A_161, %while3A_163 : i32
      %while3A_165 = arith.muli %while3A_164, %while3A_163 : i32
      %while3A_166 = arith.addi %while3A_160, %while3A_165 : i32
      %while3A_167 = arith.constant 1 : i32
      %while3A_168 = scf.for %while3A_171 = %while3A_160 to %while3A_166 step %while3A_167 iter_args(%while3A_172 = %while3A_153) -> (i32)  : i32 {
        %get3A_173 = arith.index_cast %while3A_171 : i32 to index
        %get3A_174 = tpu.vector_load %arg8[%get3A_173] {strides = array<i32>} : memref<32xi32, #tpu.memory_space<vmem>>, vector<16xi32>,
        %slice3A_175 = vector.extract_strided_slice %get3A_174 {offsets = [0], sizes = [1], strides = [1]} : vector<16xi32> to vector<1xi32>
        %squeeze3A_176 = vector.extract %slice3A_175[0] : i32 from vector<1xi32>
        %shift_right_arithmetic3A = arith.constant 14 : i32
        %shift_right_arithmetic3A_177 = arith.shrsi %squeeze3A_176, %shift_right_arithmetic3A : i32
        %sub3A_178 = arith.constant 999936 : i32
        %sub3A_179 = arith.subi %sub3A_178, %mul3A_48 : i32
        %sub3A_180 = arith.subi %shift_right_arithmetic3A_177, %sub3A_179 : i32
        %and3A_181 = arith.constant 16383 : i32
        %and3A_182 = arith.andi %squeeze3A_176, %and3A_181 : i32
        %broadcast_in_dim3A_183 = vector.broadcast %sub3A_180 : i32 to vector<16xi32>
        %and3A_184 = arith.constant 127 : i32
        %and3A_185 = arith.andi %while3A_172, %and3A_184 : i32
        %add3A_186 = arith.constant 0 : i32
        %add3A_187 = vector.broadcast %add3A_186 : i32 to vector<16xi32>
        %add3A_188 = arith.addi %iota3A, %add3A_187 : vector<16xi32>
        %gather3A = tpu.vector_load_idx %arg12[%broadcast_in_dim3A_183, %add3A_188] : memref<64x64xf32, #tpu.memory_space<vmem>>[vector<16xi32>, vector<16xi32>], vector<16xf32>,
        %swap3A_189 = arith.index_cast %and3A_185 : i32 to index
        %swap3A_190 = arith.constant 0 : index
        %swap3A_191 = tpu.vector_load %arg10[%swap3A_189, %swap3A_190] {strides = array<i32>} : memref<128x128xf32, #tpu.memory_space<vmem>>, vector<16xf32>,
        tpu.vector_store %arg10[%swap3A_189, %swap3A_190], %gather3A {strides = array<i32>} : memref<128x128xf32, #tpu.memory_space<vmem>>, vector<16xf32>,
        %add3A_192 = arith.constant 16 : i32
        %add3A_193 = vector.broadcast %add3A_192 : i32 to vector<16xi32>
        %add3A_194 = arith.addi %iota3A, %add3A_193 : vector<16xi32>
        %gather3A_195 = tpu.vector_load_idx %arg12[%broadcast_in_dim3A_183, %add3A_194] : memref<64x64xf32, #tpu.memory_space<vmem>>[vector<16xi32>, vector<16xi32>], vector<16xf32>,
        %swap3A_196 = arith.index_cast %and3A_185 : i32 to index
        %swap3A_197 = arith.constant 16 : index
        %swap3A_198 = tpu.vector_load %arg10[%swap3A_196, %swap3A_197] {strides = array<i32>} : memref<128x128xf32, #tpu.memory_space<vmem>>, vector<16xf32>,
        tpu.vector_store %arg10[%swap3A_196, %swap3A_197], %gather3A_195 {strides = array<i32>} : memref<128x128xf32, #tpu.memory_space<vmem>>, vector<16xf32>,
        %add3A_199 = arith.constant 32 : i32
        %add3A_200 = vector.broadcast %add3A_199 : i32 to vector<16xi32>
        %add3A_201 = arith.addi %iota3A, %add3A_200 : vector<16xi32>
        %gather3A_202 = tpu.vector_load_idx %arg12[%broadcast_in_dim3A_183, %add3A_201] : memref<64x64xf32, #tpu.memory_space<vmem>>[vector<16xi32>, vector<16xi32>], vector<16xf32>,
        %swap3A_203 = arith.index_cast %and3A_185 : i32 to index
        %swap3A_204 = arith.constant 32 : index
        %swap3A_205 = tpu.vector_load %arg10[%swap3A_203, %swap3A_204] {strides = array<i32>} : memref<128x128xf32, #tpu.memory_space<vmem>>, vector<16xf32>,
        tpu.vector_store %arg10[%swap3A_203, %swap3A_204], %gather3A_202 {strides = array<i32>} : memref<128x128xf32, #tpu.memory_space<vmem>>, vector<16xf32>,
        %add3A_206 = arith.constant 48 : i32
        %add3A_207 = vector.broadcast %add3A_206 : i32 to vector<16xi32>
        %add3A_208 = arith.addi %iota3A, %add3A_207 : vector<16xi32>
        %gather3A_209 = tpu.vector_load_idx %arg12[%broadcast_in_dim3A_183, %add3A_208] : memref<64x64xf32, #tpu.memory_space<vmem>>[vector<16xi32>, vector<16xi32>], vector<16xf32>,
        %swap3A_210 = arith.index_cast %and3A_185 : i32 to index
        %swap3A_211 = arith.constant 48 : index
        %swap3A_212 = tpu.vector_load %arg10[%swap3A_210, %swap3A_211] {strides = array<i32>} : memref<128x128xf32, #tpu.memory_space<vmem>>, vector<16xf32>,
        tpu.vector_store %arg10[%swap3A_210, %swap3A_211], %gather3A_209 {strides = array<i32>} : memref<128x128xf32, #tpu.memory_space<vmem>>, vector<16xf32>,
        %mul3A_213 = arith.constant 16384 : i32
        %mul3A_214 = arith.muli %arg0, %mul3A_213 : i32
        %add3A_215 = arith.addi %mul3A_214, %and3A_182 : i32
        %broadcast_in_dim3A_216 = vector.broadcast %add3A_215 : i32 to vector<16xi32>
        %swap3A_217 = arith.index_cast %and3A_185 : i32 to index
        %swap3A_218 = tpu.vector_load %arg11[%swap3A_217] {strides = array<i32>} : memref<144xi32, #tpu.memory_space<vmem>>, vector<16xi32>,
        tpu.vector_store %arg11[%swap3A_217], %broadcast_in_dim3A_216 {strides = array<i32>} : memref<144xi32, #tpu.memory_space<vmem>>, vector<16xi32>,
        %eq3A_219 = arith.constant 127 : i32
        %eq3A_220 = arith.cmpi eq, %and3A_185, %eq3A_219 : i32
        %convert_element_type3A = arith.extui %eq3A_220 : i1 to i32
        %cond3A = arith.constant 0 : i32
        %cond3A_221 = arith.cmpi ne, %convert_element_type3A, %cond3A : i32
        scf.if %cond3A_221 {
          "tpu.region"() ({
            %run_scoped3A = tpu.sem_alloc : memref<!tpu.dma_semaphore, #tpu.memory_space<semaphore_mem>>
            %dma_start3A = arith.constant 0 : i32
            %dma_start3A_240 = tpu.memref_slice %arg11[%dma_start3A] : memref<144xi32, #tpu.memory_space<vmem>> -> memref<128xi32, #tpu.memory_space<vmem>>
            %dma_start3A_241 = arith.constant 0 : i32
            %dma_start3A_242 = arith.constant 0 : i32
            %dma_start3A_243 = tpu.memref_slice %arg5[%dma_start3A_241, %dma_start3A_242] : memref<32768x128xf32, #tpu.memory_space<hbm>> -> memref<32768x128xf32, #tpu.memory_space<hbm>>
            %dma_start3A_244 = arith.constant -1 : i32
            tpu.enqueue_indirect_dma source(%arg10 : memref<128x128xf32, #tpu.memory_space<vmem>>) target(%dma_start3A_243 : memref<32768x128xf32, #tpu.memory_space<hbm>>) offsets(%dma_start3A_240 : memref<128xi32, #tpu.memory_space<vmem>>) offset_filter(%dma_start3A_244) semaphore(%run_scoped3A : memref<!tpu.dma_semaphore, #tpu.memory_space<semaphore_mem>>)
            %dma_wait3A = arith.constant 0 : i32
            %dma_wait3A_245 = tpu.memref_slice %arg11[%dma_wait3A] : memref<144xi32, #tpu.memory_space<vmem>> -> memref<128xi32, #tpu.memory_space<vmem>>
            %dma_wait3A_246 = arith.constant 0 : i32
            %dma_wait3A_247 = arith.constant 0 : i32
            %dma_wait3A_248 = tpu.memref_slice %arg5[%dma_wait3A_246, %dma_wait3A_247] : memref<32768x128xf32, #tpu.memory_space<hbm>> -> memref<32768x128xf32, #tpu.memory_space<hbm>>
            tpu.wait_indirect_dma semaphore(%run_scoped3A : memref<!tpu.dma_semaphore, #tpu.memory_space<semaphore_mem>>) src(%arg10 : memref<128x128xf32, #tpu.memory_space<vmem>>) dst(%dma_wait3A_248 : memref<32768x128xf32, #tpu.memory_space<hbm>>)
            tpu.yield
          }) : () -> ()
          %swap3A_224 = arith.constant 0 : index
          %swap3A_225 = tpu.vector_load %arg11[%swap3A_224] {strides = array<i32>} : memref<144xi32, #tpu.memory_space<vmem>>, vector<16xi32>,
          tpu.vector_store %arg11[%swap3A_224], %broadcast_in_dim3A_54 {strides = array<i32>} : memref<144xi32, #tpu.memory_space<vmem>>, vector<16xi32>,
          %swap3A_226 = arith.constant 16 : index
          %swap3A_227 = tpu.vector_load %arg11[%swap3A_226] {strides = array<i32>} : memref<144xi32, #tpu.memory_space<vmem>>, vector<16xi32>,
          tpu.vector_store %arg11[%swap3A_226], %broadcast_in_dim3A_54 {strides = array<i32>} : memref<144xi32, #tpu.memory_space<vmem>>, vector<16xi32>,
          %swap3A_228 = arith.constant 32 : index
          %swap3A_229 = tpu.vector_load %arg11[%swap3A_228] {strides = array<i32>} : memref<144xi32, #tpu.memory_space<vmem>>, vector<16xi32>,
          tpu.vector_store %arg11[%swap3A_228], %broadcast_in_dim3A_54 {strides = array<i32>} : memref<144xi32, #tpu.memory_space<vmem>>, vector<16xi32>,
          %swap3A_230 = arith.constant 48 : index
          %swap3A_231 = tpu.vector_load %arg11[%swap3A_230] {strides = array<i32>} : memref<144xi32, #tpu.memory_space<vmem>>, vector<16xi32>,
          tpu.vector_store %arg11[%swap3A_230], %broadcast_in_dim3A_54 {strides = array<i32>} : memref<144xi32, #tpu.memory_space<vmem>>, vector<16xi32>,
          %swap3A_232 = arith.constant 64 : index
          %swap3A_233 = tpu.vector_load %arg11[%swap3A_232] {strides = array<i32>} : memref<144xi32, #tpu.memory_space<vmem>>, vector<16xi32>,
          tpu.vector_store %arg11[%swap3A_232], %broadcast_in_dim3A_54 {strides = array<i32>} : memref<144xi32, #tpu.memory_space<vmem>>, vector<16xi32>,
          %swap3A_234 = arith.constant 80 : index
          %swap3A_235 = tpu.vector_load %arg11[%swap3A_234] {strides = array<i32>} : memref<144xi32, #tpu.memory_space<vmem>>, vector<16xi32>,
          tpu.vector_store %arg11[%swap3A_234], %broadcast_in_dim3A_54 {strides = array<i32>} : memref<144xi32, #tpu.memory_space<vmem>>, vector<16xi32>,
          %swap3A_236 = arith.constant 96 : index
          %swap3A_237 = tpu.vector_load %arg11[%swap3A_236] {strides = array<i32>} : memref<144xi32, #tpu.memory_space<vmem>>, vector<16xi32>,
          tpu.vector_store %arg11[%swap3A_236], %broadcast_in_dim3A_54 {strides = array<i32>} : memref<144xi32, #tpu.memory_space<vmem>>, vector<16xi32>,
          %swap3A_238 = arith.constant 112 : index
          %swap3A_239 = tpu.vector_load %arg11[%swap3A_238] {strides = array<i32>} : memref<144xi32, #tpu.memory_space<vmem>>, vector<16xi32>,
          tpu.vector_store %arg11[%swap3A_238], %broadcast_in_dim3A_54 {strides = array<i32>} : memref<144xi32, #tpu.memory_space<vmem>>, vector<16xi32>,
        } else {
        }
        %add3A_222 = arith.constant 1 : i32
        %add3A_223 = arith.addi %while3A_172, %add3A_222 : i32
        scf.yield %add3A_223 : i32
      }
      %while3A_169 = arith.constant 1 : i32
      %while3A_170 = scf.for %while3A_171 = %while3A_166 to %while3A_162 step %while3A_169 iter_args(%while3A_172 = %while3A_168) -> (i32)  : i32 {
        %get3A_173 = arith.index_cast %while3A_171 : i32 to index
        %get3A_174 = tpu.vector_load %arg8[%get3A_173] {strides = array<i32>} : memref<32xi32, #tpu.memory_space<vmem>>, vector<16xi32>,
        %slice3A_175 = vector.extract_strided_slice %get3A_174 {offsets = [0], sizes = [1], strides = [1]} : vector<16xi32> to vector<1xi32>
        %squeeze3A_176 = vector.extract %slice3A_175[0] : i32 from vector<1xi32>
        %shift_right_arithmetic3A = arith.constant 14 : i32
        %shift_right_arithmetic3A_177 = arith.shrsi %squeeze3A_176, %shift_right_arithmetic3A : i32
        %sub3A_178 = arith.constant 999936 : i32
        %sub3A_179 = arith.subi %sub3A_178, %mul3A_48 : i32
        %sub3A_180 = arith.subi %shift_right_arithmetic3A_177, %sub3A_179 : i32
        %and3A_181 = arith.constant 16383 : i32
        %and3A_182 = arith.andi %squeeze3A_176, %and3A_181 : i32
        %broadcast_in_dim3A_183 = vector.broadcast %sub3A_180 : i32 to vector<16xi32>
        %and3A_184 = arith.constant 127 : i32
        %and3A_185 = arith.andi %while3A_172, %and3A_184 : i32
        %add3A_186 = arith.constant 0 : i32
        %add3A_187 = vector.broadcast %add3A_186 : i32 to vector<16xi32>
        %add3A_188 = arith.addi %iota3A, %add3A_187 : vector<16xi32>
        %gather3A = tpu.vector_load_idx %arg12[%broadcast_in_dim3A_183, %add3A_188] : memref<64x64xf32, #tpu.memory_space<vmem>>[vector<16xi32>, vector<16xi32>], vector<16xf32>,
        %swap3A_189 = arith.index_cast %and3A_185 : i32 to index
        %swap3A_190 = arith.constant 0 : index
        %swap3A_191 = tpu.vector_load %arg10[%swap3A_189, %swap3A_190] {strides = array<i32>} : memref<128x128xf32, #tpu.memory_space<vmem>>, vector<16xf32>,
        tpu.vector_store %arg10[%swap3A_189, %swap3A_190], %gather3A {strides = array<i32>} : memref<128x128xf32, #tpu.memory_space<vmem>>, vector<16xf32>,
        %add3A_192 = arith.constant 16 : i32
        %add3A_193 = vector.broadcast %add3A_192 : i32 to vector<16xi32>
        %add3A_194 = arith.addi %iota3A, %add3A_193 : vector<16xi32>
        %gather3A_195 = tpu.vector_load_idx %arg12[%broadcast_in_dim3A_183, %add3A_194] : memref<64x64xf32, #tpu.memory_space<vmem>>[vector<16xi32>, vector<16xi32>], vector<16xf32>,
        %swap3A_196 = arith.index_cast %and3A_185 : i32 to index
        %swap3A_197 = arith.constant 16 : index
        %swap3A_198 = tpu.vector_load %arg10[%swap3A_196, %swap3A_197] {strides = array<i32>} : memref<128x128xf32, #tpu.memory_space<vmem>>, vector<16xf32>,
        tpu.vector_store %arg10[%swap3A_196, %swap3A_197], %gather3A_195 {strides = array<i32>} : memref<128x128xf32, #tpu.memory_space<vmem>>, vector<16xf32>,
        %add3A_199 = arith.constant 32 : i32
        %add3A_200 = vector.broadcast %add3A_199 : i32 to vector<16xi32>
        %add3A_201 = arith.addi %iota3A, %add3A_200 : vector<16xi32>
        %gather3A_202 = tpu.vector_load_idx %arg12[%broadcast_in_dim3A_183, %add3A_201] : memref<64x64xf32, #tpu.memory_space<vmem>>[vector<16xi32>, vector<16xi32>], vector<16xf32>,
        %swap3A_203 = arith.index_cast %and3A_185 : i32 to index
        %swap3A_204 = arith.constant 32 : index
        %swap3A_205 = tpu.vector_load %arg10[%swap3A_203, %swap3A_204] {strides = array<i32>} : memref<128x128xf32, #tpu.memory_space<vmem>>, vector<16xf32>,
        tpu.vector_store %arg10[%swap3A_203, %swap3A_204], %gather3A_202 {strides = array<i32>} : memref<128x128xf32, #tpu.memory_space<vmem>>, vector<16xf32>,
        %add3A_206 = arith.constant 48 : i32
        %add3A_207 = vector.broadcast %add3A_206 : i32 to vector<16xi32>
        %add3A_208 = arith.addi %iota3A, %add3A_207 : vector<16xi32>
        %gather3A_209 = tpu.vector_load_idx %arg12[%broadcast_in_dim3A_183, %add3A_208] : memref<64x64xf32, #tpu.memory_space<vmem>>[vector<16xi32>, vector<16xi32>], vector<16xf32>,
        %swap3A_210 = arith.index_cast %and3A_185 : i32 to index
        %swap3A_211 = arith.constant 48 : index
        %swap3A_212 = tpu.vector_load %arg10[%swap3A_210, %swap3A_211] {strides = array<i32>} : memref<128x128xf32, #tpu.memory_space<vmem>>, vector<16xf32>,
        tpu.vector_store %arg10[%swap3A_210, %swap3A_211], %gather3A_209 {strides = array<i32>} : memref<128x128xf32, #tpu.memory_space<vmem>>, vector<16xf32>,
        %mul3A_213 = arith.constant 16384 : i32
        %mul3A_214 = arith.muli %arg0, %mul3A_213 : i32
        %add3A_215 = arith.addi %mul3A_214, %and3A_182 : i32
        %broadcast_in_dim3A_216 = vector.broadcast %add3A_215 : i32 to vector<16xi32>
        %swap3A_217 = arith.index_cast %and3A_185 : i32 to index
        %swap3A_218 = tpu.vector_load %arg11[%swap3A_217] {strides = array<i32>} : memref<144xi32, #tpu.memory_space<vmem>>, vector<16xi32>,
        tpu.vector_store %arg11[%swap3A_217], %broadcast_in_dim3A_216 {strides = array<i32>} : memref<144xi32, #tpu.memory_space<vmem>>, vector<16xi32>,
        %eq3A_219 = arith.constant 127 : i32
        %eq3A_220 = arith.cmpi eq, %and3A_185, %eq3A_219 : i32
        %convert_element_type3A = arith.extui %eq3A_220 : i1 to i32
        %cond3A = arith.constant 0 : i32
        %cond3A_221 = arith.cmpi ne, %convert_element_type3A, %cond3A : i32
        scf.if %cond3A_221 {
          "tpu.region"() ({
            %run_scoped3A = tpu.sem_alloc : memref<!tpu.dma_semaphore, #tpu.memory_space<semaphore_mem>>
            %dma_start3A = arith.constant 0 : i32
            %dma_start3A_240 = tpu.memref_slice %arg11[%dma_start3A] : memref<144xi32, #tpu.memory_space<vmem>> -> memref<128xi32, #tpu.memory_space<vmem>>
            %dma_start3A_241 = arith.constant 0 : i32
            %dma_start3A_242 = arith.constant 0 : i32
            %dma_start3A_243 = tpu.memref_slice %arg5[%dma_start3A_241, %dma_start3A_242] : memref<32768x128xf32, #tpu.memory_space<hbm>> -> memref<32768x128xf32, #tpu.memory_space<hbm>>
            %dma_start3A_244 = arith.constant -1 : i32
            tpu.enqueue_indirect_dma source(%arg10 : memref<128x128xf32, #tpu.memory_space<vmem>>) target(%dma_start3A_243 : memref<32768x128xf32, #tpu.memory_space<hbm>>) offsets(%dma_start3A_240 : memref<128xi32, #tpu.memory_space<vmem>>) offset_filter(%dma_start3A_244) semaphore(%run_scoped3A : memref<!tpu.dma_semaphore, #tpu.memory_space<semaphore_mem>>)
            %dma_wait3A = arith.constant 0 : i32
            %dma_wait3A_245 = tpu.memref_slice %arg11[%dma_wait3A] : memref<144xi32, #tpu.memory_space<vmem>> -> memref<128xi32, #tpu.memory_space<vmem>>
            %dma_wait3A_246 = arith.constant 0 : i32
            %dma_wait3A_247 = arith.constant 0 : i32
            %dma_wait3A_248 = tpu.memref_slice %arg5[%dma_wait3A_246, %dma_wait3A_247] : memref<32768x128xf32, #tpu.memory_space<hbm>> -> memref<32768x128xf32, #tpu.memory_space<hbm>>
            tpu.wait_indirect_dma semaphore(%run_scoped3A : memref<!tpu.dma_semaphore, #tpu.memory_space<semaphore_mem>>) src(%arg10 : memref<128x128xf32, #tpu.memory_space<vmem>>) dst(%dma_wait3A_248 : memref<32768x128xf32, #tpu.memory_space<hbm>>)
            tpu.yield
          }) : () -> ()
          %swap3A_224 = arith.constant 0 : index
          %swap3A_225 = tpu.vector_load %arg11[%swap3A_224] {strides = array<i32>} : memref<144xi32, #tpu.memory_space<vmem>>, vector<16xi32>,
          tpu.vector_store %arg11[%swap3A_224], %broadcast_in_dim3A_54 {strides = array<i32>} : memref<144xi32, #tpu.memory_space<vmem>>, vector<16xi32>,
          %swap3A_226 = arith.constant 16 : index
          %swap3A_227 = tpu.vector_load %arg11[%swap3A_226] {strides = array<i32>} : memref<144xi32, #tpu.memory_space<vmem>>, vector<16xi32>,
          tpu.vector_store %arg11[%swap3A_226], %broadcast_in_dim3A_54 {strides = array<i32>} : memref<144xi32, #tpu.memory_space<vmem>>, vector<16xi32>,
          %swap3A_228 = arith.constant 32 : index
          %swap3A_229 = tpu.vector_load %arg11[%swap3A_228] {strides = array<i32>} : memref<144xi32, #tpu.memory_space<vmem>>, vector<16xi32>,
          tpu.vector_store %arg11[%swap3A_228], %broadcast_in_dim3A_54 {strides = array<i32>} : memref<144xi32, #tpu.memory_space<vmem>>, vector<16xi32>,
          %swap3A_230 = arith.constant 48 : index
          %swap3A_231 = tpu.vector_load %arg11[%swap3A_230] {strides = array<i32>} : memref<144xi32, #tpu.memory_space<vmem>>, vector<16xi32>,
          tpu.vector_store %arg11[%swap3A_230], %broadcast_in_dim3A_54 {strides = array<i32>} : memref<144xi32, #tpu.memory_space<vmem>>, vector<16xi32>,
          %swap3A_232 = arith.constant 64 : index
          %swap3A_233 = tpu.vector_load %arg11[%swap3A_232] {strides = array<i32>} : memref<144xi32, #tpu.memory_space<vmem>>, vector<16xi32>,
          tpu.vector_store %arg11[%swap3A_232], %broadcast_in_dim3A_54 {strides = array<i32>} : memref<144xi32, #tpu.memory_space<vmem>>, vector<16xi32>,
          %swap3A_234 = arith.constant 80 : index
          %swap3A_235 = tpu.vector_load %arg11[%swap3A_234] {strides = array<i32>} : memref<144xi32, #tpu.memory_space<vmem>>, vector<16xi32>,
          tpu.vector_store %arg11[%swap3A_234], %broadcast_in_dim3A_54 {strides = array<i32>} : memref<144xi32, #tpu.memory_space<vmem>>, vector<16xi32>,
          %swap3A_236 = arith.constant 96 : index
          %swap3A_237 = tpu.vector_load %arg11[%swap3A_236] {strides = array<i32>} : memref<144xi32, #tpu.memory_space<vmem>>, vector<16xi32>,
          tpu.vector_store %arg11[%swap3A_236], %broadcast_in_dim3A_54 {strides = array<i32>} : memref<144xi32, #tpu.memory_space<vmem>>, vector<16xi32>,
          %swap3A_238 = arith.constant 112 : index
          %swap3A_239 = tpu.vector_load %arg11[%swap3A_238] {strides = array<i32>} : memref<144xi32, #tpu.memory_space<vmem>>, vector<16xi32>,
          tpu.vector_store %arg11[%swap3A_238], %broadcast_in_dim3A_54 {strides = array<i32>} : memref<144xi32, #tpu.memory_space<vmem>>, vector<16xi32>,
        } else {
        }
        %add3A_222 = arith.constant 1 : i32
        %add3A_223 = arith.addi %while3A_172, %add3A_222 : i32
        scf.yield %add3A_223 : i32
      }
      scf.yield %while3A_170 : i32
    }
    %while3A_130 = arith.constant 1 : i32
    %while3A_131 = scf.for %while3A_152 = %while3A_127 to %while3A_123 step %while3A_130 iter_args(%while3A_153 = %while3A_129) -> (i32)  : i32 {
      %mul3A_154 = arith.constant 16 : i32
      %mul3A_155 = arith.muli %while3A_152, %mul3A_154 : i32
      %get3A = arith.index_cast %mul3A_155 : i32 to index
      %get3A_156 = tpu.vector_load %arg7[%get3A] {strides = array<i32>} : memref<16416xi32, #tpu.memory_space<vmem>>, vector<16xi32>,
      %ge3A = vector.broadcast %shift_left3A_116 : i32 to vector<16xi32>
      %ge3A_157 = arith.cmpi sge, %get3A_156, %ge3A : vector<16xi32>
      %swap3A_158 = arith.constant 0 : index
      %swap3A_159 = tpu.vector_load %arg8[%swap3A_158] masked %ge3A_157 {strides = array<i32>} : memref<32xi32, #tpu.memory_space<vmem>>, vector<16xi32>, vector<16xi1>
      tpu.vector_store %arg8[%swap3A_158], %get3A_156 masked %ge3A_157 {strides = array<i32>} : memref<32xi32, #tpu.memory_space<vmem>>, vector<16xi32>, vector<16xi1>
      %all_reduce_population_count3A = tpu.all_reduce %ge3A_157 {dim = 0 : i64, kind = #tpu.reduction_kind<sum>} : vector<16xi1> -> vector<16xi32>
      %slice3A = vector.extract_strided_slice %all_reduce_population_count3A {offsets = [0], sizes = [1], strides = [1]} : vector<16xi32> to vector<1xi32>
      %squeeze3A = vector.extract %slice3A[0] : i32 from vector<1xi32>
      %while3A_160 = arith.constant 0 : i32
      %while3A_161 = arith.subi %squeeze3A, %while3A_160 : i32
      %while3A_162 = arith.addi %while3A_160, %while3A_161 : i32
      %while3A_163 = arith.constant 1 : i32
      %while3A_164 = arith.divsi %while3A_161, %while3A_163 : i32
      %while3A_165 = arith.muli %while3A_164, %while3A_163 : i32
      %while3A_166 = arith.addi %while3A_160, %while3A_165 : i32
      %while3A_167 = arith.constant 1 : i32
      %while3A_168 = scf.for %while3A_171 = %while3A_160 to %while3A_166 step %while3A_167 iter_args(%while3A_172 = %while3A_153) -> (i32)  : i32 {
        %get3A_173 = arith.index_cast %while3A_171 : i32 to index
        %get3A_174 = tpu.vector_load %arg8[%get3A_173] {strides = array<i32>} : memref<32xi32, #tpu.memory_space<vmem>>, vector<16xi32>,
        %slice3A_175 = vector.extract_strided_slice %get3A_174 {offsets = [0], sizes = [1], strides = [1]} : vector<16xi32> to vector<1xi32>
        %squeeze3A_176 = vector.extract %slice3A_175[0] : i32 from vector<1xi32>
        %shift_right_arithmetic3A = arith.constant 14 : i32
        %shift_right_arithmetic3A_177 = arith.shrsi %squeeze3A_176, %shift_right_arithmetic3A : i32
        %sub3A_178 = arith.constant 999936 : i32
        %sub3A_179 = arith.subi %sub3A_178, %mul3A_48 : i32
        %sub3A_180 = arith.subi %shift_right_arithmetic3A_177, %sub3A_179 : i32
        %and3A_181 = arith.constant 16383 : i32
        %and3A_182 = arith.andi %squeeze3A_176, %and3A_181 : i32
        %broadcast_in_dim3A_183 = vector.broadcast %sub3A_180 : i32 to vector<16xi32>
        %and3A_184 = arith.constant 127 : i32
        %and3A_185 = arith.andi %while3A_172, %and3A_184 : i32
        %add3A_186 = arith.constant 0 : i32
        %add3A_187 = vector.broadcast %add3A_186 : i32 to vector<16xi32>
        %add3A_188 = arith.addi %iota3A, %add3A_187 : vector<16xi32>
        %gather3A = tpu.vector_load_idx %arg12[%broadcast_in_dim3A_183, %add3A_188] : memref<64x64xf32, #tpu.memory_space<vmem>>[vector<16xi32>, vector<16xi32>], vector<16xf32>,
        %swap3A_189 = arith.index_cast %and3A_185 : i32 to index
        %swap3A_190 = arith.constant 0 : index
        %swap3A_191 = tpu.vector_load %arg10[%swap3A_189, %swap3A_190] {strides = array<i32>} : memref<128x128xf32, #tpu.memory_space<vmem>>, vector<16xf32>,
        tpu.vector_store %arg10[%swap3A_189, %swap3A_190], %gather3A {strides = array<i32>} : memref<128x128xf32, #tpu.memory_space<vmem>>, vector<16xf32>,
        %add3A_192 = arith.constant 16 : i32
        %add3A_193 = vector.broadcast %add3A_192 : i32 to vector<16xi32>
        %add3A_194 = arith.addi %iota3A, %add3A_193 : vector<16xi32>
        %gather3A_195 = tpu.vector_load_idx %arg12[%broadcast_in_dim3A_183, %add3A_194] : memref<64x64xf32, #tpu.memory_space<vmem>>[vector<16xi32>, vector<16xi32>], vector<16xf32>,
        %swap3A_196 = arith.index_cast %and3A_185 : i32 to index
        %swap3A_197 = arith.constant 16 : index
        %swap3A_198 = tpu.vector_load %arg10[%swap3A_196, %swap3A_197] {strides = array<i32>} : memref<128x128xf32, #tpu.memory_space<vmem>>, vector<16xf32>,
        tpu.vector_store %arg10[%swap3A_196, %swap3A_197], %gather3A_195 {strides = array<i32>} : memref<128x128xf32, #tpu.memory_space<vmem>>, vector<16xf32>,
        %add3A_199 = arith.constant 32 : i32
        %add3A_200 = vector.broadcast %add3A_199 : i32 to vector<16xi32>
        %add3A_201 = arith.addi %iota3A, %add3A_200 : vector<16xi32>
        %gather3A_202 = tpu.vector_load_idx %arg12[%broadcast_in_dim3A_183, %add3A_201] : memref<64x64xf32, #tpu.memory_space<vmem>>[vector<16xi32>, vector<16xi32>], vector<16xf32>,
        %swap3A_203 = arith.index_cast %and3A_185 : i32 to index
        %swap3A_204 = arith.constant 32 : index
        %swap3A_205 = tpu.vector_load %arg10[%swap3A_203, %swap3A_204] {strides = array<i32>} : memref<128x128xf32, #tpu.memory_space<vmem>>, vector<16xf32>,
        tpu.vector_store %arg10[%swap3A_203, %swap3A_204], %gather3A_202 {strides = array<i32>} : memref<128x128xf32, #tpu.memory_space<vmem>>, vector<16xf32>,
        %add3A_206 = arith.constant 48 : i32
        %add3A_207 = vector.broadcast %add3A_206 : i32 to vector<16xi32>
        %add3A_208 = arith.addi %iota3A, %add3A_207 : vector<16xi32>
        %gather3A_209 = tpu.vector_load_idx %arg12[%broadcast_in_dim3A_183, %add3A_208] : memref<64x64xf32, #tpu.memory_space<vmem>>[vector<16xi32>, vector<16xi32>], vector<16xf32>,
        %swap3A_210 = arith.index_cast %and3A_185 : i32 to index
        %swap3A_211 = arith.constant 48 : index
        %swap3A_212 = tpu.vector_load %arg10[%swap3A_210, %swap3A_211] {strides = array<i32>} : memref<128x128xf32, #tpu.memory_space<vmem>>, vector<16xf32>,
        tpu.vector_store %arg10[%swap3A_210, %swap3A_211], %gather3A_209 {strides = array<i32>} : memref<128x128xf32, #tpu.memory_space<vmem>>, vector<16xf32>,
        %mul3A_213 = arith.constant 16384 : i32
        %mul3A_214 = arith.muli %arg0, %mul3A_213 : i32
        %add3A_215 = arith.addi %mul3A_214, %and3A_182 : i32
        %broadcast_in_dim3A_216 = vector.broadcast %add3A_215 : i32 to vector<16xi32>
        %swap3A_217 = arith.index_cast %and3A_185 : i32 to index
        %swap3A_218 = tpu.vector_load %arg11[%swap3A_217] {strides = array<i32>} : memref<144xi32, #tpu.memory_space<vmem>>, vector<16xi32>,
        tpu.vector_store %arg11[%swap3A_217], %broadcast_in_dim3A_216 {strides = array<i32>} : memref<144xi32, #tpu.memory_space<vmem>>, vector<16xi32>,
        %eq3A_219 = arith.constant 127 : i32
        %eq3A_220 = arith.cmpi eq, %and3A_185, %eq3A_219 : i32
        %convert_element_type3A = arith.extui %eq3A_220 : i1 to i32
        %cond3A = arith.constant 0 : i32
        %cond3A_221 = arith.cmpi ne, %convert_element_type3A, %cond3A : i32
        scf.if %cond3A_221 {
          "tpu.region"() ({
            %run_scoped3A = tpu.sem_alloc : memref<!tpu.dma_semaphore, #tpu.memory_space<semaphore_mem>>
            %dma_start3A = arith.constant 0 : i32
            %dma_start3A_240 = tpu.memref_slice %arg11[%dma_start3A] : memref<144xi32, #tpu.memory_space<vmem>> -> memref<128xi32, #tpu.memory_space<vmem>>
            %dma_start3A_241 = arith.constant 0 : i32
            %dma_start3A_242 = arith.constant 0 : i32
            %dma_start3A_243 = tpu.memref_slice %arg5[%dma_start3A_241, %dma_start3A_242] : memref<32768x128xf32, #tpu.memory_space<hbm>> -> memref<32768x128xf32, #tpu.memory_space<hbm>>
            %dma_start3A_244 = arith.constant -1 : i32
            tpu.enqueue_indirect_dma source(%arg10 : memref<128x128xf32, #tpu.memory_space<vmem>>) target(%dma_start3A_243 : memref<32768x128xf32, #tpu.memory_space<hbm>>) offsets(%dma_start3A_240 : memref<128xi32, #tpu.memory_space<vmem>>) offset_filter(%dma_start3A_244) semaphore(%run_scoped3A : memref<!tpu.dma_semaphore, #tpu.memory_space<semaphore_mem>>)
            %dma_wait3A = arith.constant 0 : i32
            %dma_wait3A_245 = tpu.memref_slice %arg11[%dma_wait3A] : memref<144xi32, #tpu.memory_space<vmem>> -> memref<128xi32, #tpu.memory_space<vmem>>
            %dma_wait3A_246 = arith.constant 0 : i32
            %dma_wait3A_247 = arith.constant 0 : i32
            %dma_wait3A_248 = tpu.memref_slice %arg5[%dma_wait3A_246, %dma_wait3A_247] : memref<32768x128xf32, #tpu.memory_space<hbm>> -> memref<32768x128xf32, #tpu.memory_space<hbm>>
            tpu.wait_indirect_dma semaphore(%run_scoped3A : memref<!tpu.dma_semaphore, #tpu.memory_space<semaphore_mem>>) src(%arg10 : memref<128x128xf32, #tpu.memory_space<vmem>>) dst(%dma_wait3A_248 : memref<32768x128xf32, #tpu.memory_space<hbm>>)
            tpu.yield
          }) : () -> ()
          %swap3A_224 = arith.constant 0 : index
          %swap3A_225 = tpu.vector_load %arg11[%swap3A_224] {strides = array<i32>} : memref<144xi32, #tpu.memory_space<vmem>>, vector<16xi32>,
          tpu.vector_store %arg11[%swap3A_224], %broadcast_in_dim3A_54 {strides = array<i32>} : memref<144xi32, #tpu.memory_space<vmem>>, vector<16xi32>,
          %swap3A_226 = arith.constant 16 : index
          %swap3A_227 = tpu.vector_load %arg11[%swap3A_226] {strides = array<i32>} : memref<144xi32, #tpu.memory_space<vmem>>, vector<16xi32>,
          tpu.vector_store %arg11[%swap3A_226], %broadcast_in_dim3A_54 {strides = array<i32>} : memref<144xi32, #tpu.memory_space<vmem>>, vector<16xi32>,
          %swap3A_228 = arith.constant 32 : index
          %swap3A_229 = tpu.vector_load %arg11[%swap3A_228] {strides = array<i32>} : memref<144xi32, #tpu.memory_space<vmem>>, vector<16xi32>,
          tpu.vector_store %arg11[%swap3A_228], %broadcast_in_dim3A_54 {strides = array<i32>} : memref<144xi32, #tpu.memory_space<vmem>>, vector<16xi32>,
          %swap3A_230 = arith.constant 48 : index
          %swap3A_231 = tpu.vector_load %arg11[%swap3A_230] {strides = array<i32>} : memref<144xi32, #tpu.memory_space<vmem>>, vector<16xi32>,
          tpu.vector_store %arg11[%swap3A_230], %broadcast_in_dim3A_54 {strides = array<i32>} : memref<144xi32, #tpu.memory_space<vmem>>, vector<16xi32>,
          %swap3A_232 = arith.constant 64 : index
          %swap3A_233 = tpu.vector_load %arg11[%swap3A_232] {strides = array<i32>} : memref<144xi32, #tpu.memory_space<vmem>>, vector<16xi32>,
          tpu.vector_store %arg11[%swap3A_232], %broadcast_in_dim3A_54 {strides = array<i32>} : memref<144xi32, #tpu.memory_space<vmem>>, vector<16xi32>,
          %swap3A_234 = arith.constant 80 : index
          %swap3A_235 = tpu.vector_load %arg11[%swap3A_234] {strides = array<i32>} : memref<144xi32, #tpu.memory_space<vmem>>, vector<16xi32>,
          tpu.vector_store %arg11[%swap3A_234], %broadcast_in_dim3A_54 {strides = array<i32>} : memref<144xi32, #tpu.memory_space<vmem>>, vector<16xi32>,
          %swap3A_236 = arith.constant 96 : index
          %swap3A_237 = tpu.vector_load %arg11[%swap3A_236] {strides = array<i32>} : memref<144xi32, #tpu.memory_space<vmem>>, vector<16xi32>,
          tpu.vector_store %arg11[%swap3A_236], %broadcast_in_dim3A_54 {strides = array<i32>} : memref<144xi32, #tpu.memory_space<vmem>>, vector<16xi32>,
          %swap3A_238 = arith.constant 112 : index
          %swap3A_239 = tpu.vector_load %arg11[%swap3A_238] {strides = array<i32>} : memref<144xi32, #tpu.memory_space<vmem>>, vector<16xi32>,
          tpu.vector_store %arg11[%swap3A_238], %broadcast_in_dim3A_54 {strides = array<i32>} : memref<144xi32, #tpu.memory_space<vmem>>, vector<16xi32>,
        } else {
        }
        %add3A_222 = arith.constant 1 : i32
        %add3A_223 = arith.addi %while3A_172, %add3A_222 : i32
        scf.yield %add3A_223 : i32
      }
      %while3A_169 = arith.constant 1 : i32
      %while3A_170 = scf.for %while3A_171 = %while3A_166 to %while3A_162 step %while3A_169 iter_args(%while3A_172 = %while3A_168) -> (i32)  : i32 {
        %get3A_173 = arith.index_cast %while3A_171 : i32 to index
        %get3A_174 = tpu.vector_load %arg8[%get3A_173] {strides = array<i32>} : memref<32xi32, #tpu.memory_space<vmem>>, vector<16xi32>,
        %slice3A_175 = vector.extract_strided_slice %get3A_174 {offsets = [0], sizes = [1], strides = [1]} : vector<16xi32> to vector<1xi32>
        %squeeze3A_176 = vector.extract %slice3A_175[0] : i32 from vector<1xi32>
        %shift_right_arithmetic3A = arith.constant 14 : i32
        %shift_right_arithmetic3A_177 = arith.shrsi %squeeze3A_176, %shift_right_arithmetic3A : i32
        %sub3A_178 = arith.constant 999936 : i32
        %sub3A_179 = arith.subi %sub3A_178, %mul3A_48 : i32
        %sub3A_180 = arith.subi %shift_right_arithmetic3A_177, %sub3A_179 : i32
        %and3A_181 = arith.constant 16383 : i32
        %and3A_182 = arith.andi %squeeze3A_176, %and3A_181 : i32
        %broadcast_in_dim3A_183 = vector.broadcast %sub3A_180 : i32 to vector<16xi32>
        %and3A_184 = arith.constant 127 : i32
        %and3A_185 = arith.andi %while3A_172, %and3A_184 : i32
        %add3A_186 = arith.constant 0 : i32
        %add3A_187 = vector.broadcast %add3A_186 : i32 to vector<16xi32>
        %add3A_188 = arith.addi %iota3A, %add3A_187 : vector<16xi32>
        %gather3A = tpu.vector_load_idx %arg12[%broadcast_in_dim3A_183, %add3A_188] : memref<64x64xf32, #tpu.memory_space<vmem>>[vector<16xi32>, vector<16xi32>], vector<16xf32>,
        %swap3A_189 = arith.index_cast %and3A_185 : i32 to index
        %swap3A_190 = arith.constant 0 : index
        %swap3A_191 = tpu.vector_load %arg10[%swap3A_189, %swap3A_190] {strides = array<i32>} : memref<128x128xf32, #tpu.memory_space<vmem>>, vector<16xf32>,
        tpu.vector_store %arg10[%swap3A_189, %swap3A_190], %gather3A {strides = array<i32>} : memref<128x128xf32, #tpu.memory_space<vmem>>, vector<16xf32>,
        %add3A_192 = arith.constant 16 : i32
        %add3A_193 = vector.broadcast %add3A_192 : i32 to vector<16xi32>
        %add3A_194 = arith.addi %iota3A, %add3A_193 : vector<16xi32>
        %gather3A_195 = tpu.vector_load_idx %arg12[%broadcast_in_dim3A_183, %add3A_194] : memref<64x64xf32, #tpu.memory_space<vmem>>[vector<16xi32>, vector<16xi32>], vector<16xf32>,
        %swap3A_196 = arith.index_cast %and3A_185 : i32 to index
        %swap3A_197 = arith.constant 16 : index
        %swap3A_198 = tpu.vector_load %arg10[%swap3A_196, %swap3A_197] {strides = array<i32>} : memref<128x128xf32, #tpu.memory_space<vmem>>, vector<16xf32>,
        tpu.vector_store %arg10[%swap3A_196, %swap3A_197], %gather3A_195 {strides = array<i32>} : memref<128x128xf32, #tpu.memory_space<vmem>>, vector<16xf32>,
        %add3A_199 = arith.constant 32 : i32
        %add3A_200 = vector.broadcast %add3A_199 : i32 to vector<16xi32>
        %add3A_201 = arith.addi %iota3A, %add3A_200 : vector<16xi32>
        %gather3A_202 = tpu.vector_load_idx %arg12[%broadcast_in_dim3A_183, %add3A_201] : memref<64x64xf32, #tpu.memory_space<vmem>>[vector<16xi32>, vector<16xi32>], vector<16xf32>,
        %swap3A_203 = arith.index_cast %and3A_185 : i32 to index
        %swap3A_204 = arith.constant 32 : index
        %swap3A_205 = tpu.vector_load %arg10[%swap3A_203, %swap3A_204] {strides = array<i32>} : memref<128x128xf32, #tpu.memory_space<vmem>>, vector<16xf32>,
        tpu.vector_store %arg10[%swap3A_203, %swap3A_204], %gather3A_202 {strides = array<i32>} : memref<128x128xf32, #tpu.memory_space<vmem>>, vector<16xf32>,
        %add3A_206 = arith.constant 48 : i32
        %add3A_207 = vector.broadcast %add3A_206 : i32 to vector<16xi32>
        %add3A_208 = arith.addi %iota3A, %add3A_207 : vector<16xi32>
        %gather3A_209 = tpu.vector_load_idx %arg12[%broadcast_in_dim3A_183, %add3A_208] : memref<64x64xf32, #tpu.memory_space<vmem>>[vector<16xi32>, vector<16xi32>], vector<16xf32>,
        %swap3A_210 = arith.index_cast %and3A_185 : i32 to index
        %swap3A_211 = arith.constant 48 : index
        %swap3A_212 = tpu.vector_load %arg10[%swap3A_210, %swap3A_211] {strides = array<i32>} : memref<128x128xf32, #tpu.memory_space<vmem>>, vector<16xf32>,
        tpu.vector_store %arg10[%swap3A_210, %swap3A_211], %gather3A_209 {strides = array<i32>} : memref<128x128xf32, #tpu.memory_space<vmem>>, vector<16xf32>,
        %mul3A_213 = arith.constant 16384 : i32
        %mul3A_214 = arith.muli %arg0, %mul3A_213 : i32
        %add3A_215 = arith.addi %mul3A_214, %and3A_182 : i32
        %broadcast_in_dim3A_216 = vector.broadcast %add3A_215 : i32 to vector<16xi32>
        %swap3A_217 = arith.index_cast %and3A_185 : i32 to index
        %swap3A_218 = tpu.vector_load %arg11[%swap3A_217] {strides = array<i32>} : memref<144xi32, #tpu.memory_space<vmem>>, vector<16xi32>,
        tpu.vector_store %arg11[%swap3A_217], %broadcast_in_dim3A_216 {strides = array<i32>} : memref<144xi32, #tpu.memory_space<vmem>>, vector<16xi32>,
        %eq3A_219 = arith.constant 127 : i32
        %eq3A_220 = arith.cmpi eq, %and3A_185, %eq3A_219 : i32
        %convert_element_type3A = arith.extui %eq3A_220 : i1 to i32
        %cond3A = arith.constant 0 : i32
        %cond3A_221 = arith.cmpi ne, %convert_element_type3A, %cond3A : i32
        scf.if %cond3A_221 {
          "tpu.region"() ({
            %run_scoped3A = tpu.sem_alloc : memref<!tpu.dma_semaphore, #tpu.memory_space<semaphore_mem>>
            %dma_start3A = arith.constant 0 : i32
            %dma_start3A_240 = tpu.memref_slice %arg11[%dma_start3A] : memref<144xi32, #tpu.memory_space<vmem>> -> memref<128xi32, #tpu.memory_space<vmem>>
            %dma_start3A_241 = arith.constant 0 : i32
            %dma_start3A_242 = arith.constant 0 : i32
            %dma_start3A_243 = tpu.memref_slice %arg5[%dma_start3A_241, %dma_start3A_242] : memref<32768x128xf32, #tpu.memory_space<hbm>> -> memref<32768x128xf32, #tpu.memory_space<hbm>>
            %dma_start3A_244 = arith.constant -1 : i32
            tpu.enqueue_indirect_dma source(%arg10 : memref<128x128xf32, #tpu.memory_space<vmem>>) target(%dma_start3A_243 : memref<32768x128xf32, #tpu.memory_space<hbm>>) offsets(%dma_start3A_240 : memref<128xi32, #tpu.memory_space<vmem>>) offset_filter(%dma_start3A_244) semaphore(%run_scoped3A : memref<!tpu.dma_semaphore, #tpu.memory_space<semaphore_mem>>)
            %dma_wait3A = arith.constant 0 : i32
            %dma_wait3A_245 = tpu.memref_slice %arg11[%dma_wait3A] : memref<144xi32, #tpu.memory_space<vmem>> -> memref<128xi32, #tpu.memory_space<vmem>>
            %dma_wait3A_246 = arith.constant 0 : i32
            %dma_wait3A_247 = arith.constant 0 : i32
            %dma_wait3A_248 = tpu.memref_slice %arg5[%dma_wait3A_246, %dma_wait3A_247] : memref<32768x128xf32, #tpu.memory_space<hbm>> -> memref<32768x128xf32, #tpu.memory_space<hbm>>
            tpu.wait_indirect_dma semaphore(%run_scoped3A : memref<!tpu.dma_semaphore, #tpu.memory_space<semaphore_mem>>) src(%arg10 : memref<128x128xf32, #tpu.memory_space<vmem>>) dst(%dma_wait3A_248 : memref<32768x128xf32, #tpu.memory_space<hbm>>)
            tpu.yield
          }) : () -> ()
          %swap3A_224 = arith.constant 0 : index
          %swap3A_225 = tpu.vector_load %arg11[%swap3A_224] {strides = array<i32>} : memref<144xi32, #tpu.memory_space<vmem>>, vector<16xi32>,
          tpu.vector_store %arg11[%swap3A_224], %broadcast_in_dim3A_54 {strides = array<i32>} : memref<144xi32, #tpu.memory_space<vmem>>, vector<16xi32>,
          %swap3A_226 = arith.constant 16 : index
          %swap3A_227 = tpu.vector_load %arg11[%swap3A_226] {strides = array<i32>} : memref<144xi32, #tpu.memory_space<vmem>>, vector<16xi32>,
          tpu.vector_store %arg11[%swap3A_226], %broadcast_in_dim3A_54 {strides = array<i32>} : memref<144xi32, #tpu.memory_space<vmem>>, vector<16xi32>,
          %swap3A_228 = arith.constant 32 : index
          %swap3A_229 = tpu.vector_load %arg11[%swap3A_228] {strides = array<i32>} : memref<144xi32, #tpu.memory_space<vmem>>, vector<16xi32>,
          tpu.vector_store %arg11[%swap3A_228], %broadcast_in_dim3A_54 {strides = array<i32>} : memref<144xi32, #tpu.memory_space<vmem>>, vector<16xi32>,
          %swap3A_230 = arith.constant 48 : index
          %swap3A_231 = tpu.vector_load %arg11[%swap3A_230] {strides = array<i32>} : memref<144xi32, #tpu.memory_space<vmem>>, vector<16xi32>,
          tpu.vector_store %arg11[%swap3A_230], %broadcast_in_dim3A_54 {strides = array<i32>} : memref<144xi32, #tpu.memory_space<vmem>>, vector<16xi32>,
          %swap3A_232 = arith.constant 64 : index
          %swap3A_233 = tpu.vector_load %arg11[%swap3A_232] {strides = array<i32>} : memref<144xi32, #tpu.memory_space<vmem>>, vector<16xi32>,
          tpu.vector_store %arg11[%swap3A_232], %broadcast_in_dim3A_54 {strides = array<i32>} : memref<144xi32, #tpu.memory_space<vmem>>, vector<16xi32>,
          %swap3A_234 = arith.constant 80 : index
          %swap3A_235 = tpu.vector_load %arg11[%swap3A_234] {strides = array<i32>} : memref<144xi32, #tpu.memory_space<vmem>>, vector<16xi32>,
          tpu.vector_store %arg11[%swap3A_234], %broadcast_in_dim3A_54 {strides = array<i32>} : memref<144xi32, #tpu.memory_space<vmem>>, vector<16xi32>,
          %swap3A_236 = arith.constant 96 : index
          %swap3A_237 = tpu.vector_load %arg11[%swap3A_236] {strides = array<i32>} : memref<144xi32, #tpu.memory_space<vmem>>, vector<16xi32>,
          tpu.vector_store %arg11[%swap3A_236], %broadcast_in_dim3A_54 {strides = array<i32>} : memref<144xi32, #tpu.memory_space<vmem>>, vector<16xi32>,
          %swap3A_238 = arith.constant 112 : index
          %swap3A_239 = tpu.vector_load %arg11[%swap3A_238] {strides = array<i32>} : memref<144xi32, #tpu.memory_space<vmem>>, vector<16xi32>,
          tpu.vector_store %arg11[%swap3A_238], %broadcast_in_dim3A_54 {strides = array<i32>} : memref<144xi32, #tpu.memory_space<vmem>>, vector<16xi32>,
        } else {
        }
        %add3A_222 = arith.constant 1 : i32
        %add3A_223 = arith.addi %while3A_172, %add3A_222 : i32
        scf.yield %add3A_223 : i32
      }
      scf.yield %while3A_170 : i32
    }
    %and3A_132 = arith.constant 127 : i32
    %and3A_133 = arith.andi %while3A_131, %and3A_132 : i32
    %swap3A_134 = arith.index_cast %and3A_133 : i32 to index
    %swap3A_135 = tpu.vector_load %arg11[%swap3A_134] {strides = array<i32>} : memref<144xi32, #tpu.memory_space<vmem>>, vector<16xi32>,
    tpu.vector_store %arg11[%swap3A_134], %broadcast_in_dim3A_54 {strides = array<i32>} : memref<144xi32, #tpu.memory_space<vmem>>, vector<16xi32>,
    "tpu.region"() ({
      %run_scoped3A = tpu.sem_alloc : memref<!tpu.dma_semaphore, #tpu.memory_space<semaphore_mem>>
      %dma_start3A = arith.constant 0 : i32
      %dma_start3A_152 = tpu.memref_slice %arg11[%dma_start3A] : memref<144xi32, #tpu.memory_space<vmem>> -> memref<128xi32, #tpu.memory_space<vmem>>
      %dma_start3A_153 = arith.constant 0 : i32
      %dma_start3A_154 = arith.constant 0 : i32
      %dma_start3A_155 = tpu.memref_slice %arg5[%dma_start3A_153, %dma_start3A_154] : memref<32768x128xf32, #tpu.memory_space<hbm>> -> memref<32768x128xf32, #tpu.memory_space<hbm>>
      %dma_start3A_156 = arith.constant -1 : i32
      tpu.enqueue_indirect_dma source(%arg10 : memref<128x128xf32, #tpu.memory_space<vmem>>) target(%dma_start3A_155 : memref<32768x128xf32, #tpu.memory_space<hbm>>) offsets(%dma_start3A_152 : memref<128xi32, #tpu.memory_space<vmem>>) offset_filter(%dma_start3A_156) semaphore(%run_scoped3A : memref<!tpu.dma_semaphore, #tpu.memory_space<semaphore_mem>>)
      %dma_wait3A = arith.constant 0 : i32
      %dma_wait3A_157 = tpu.memref_slice %arg11[%dma_wait3A] : memref<144xi32, #tpu.memory_space<vmem>> -> memref<128xi32, #tpu.memory_space<vmem>>
      %dma_wait3A_158 = arith.constant 0 : i32
      %dma_wait3A_159 = arith.constant 0 : i32
      %dma_wait3A_160 = tpu.memref_slice %arg5[%dma_wait3A_158, %dma_wait3A_159] : memref<32768x128xf32, #tpu.memory_space<hbm>> -> memref<32768x128xf32, #tpu.memory_space<hbm>>
      tpu.wait_indirect_dma semaphore(%run_scoped3A : memref<!tpu.dma_semaphore, #tpu.memory_space<semaphore_mem>>) src(%arg10 : memref<128x128xf32, #tpu.memory_space<vmem>>) dst(%dma_wait3A_160 : memref<32768x128xf32, #tpu.memory_space<hbm>>)
      tpu.yield
    }) : () -> ()
    %swap3A_136 = arith.constant 0 : index
    %swap3A_137 = tpu.vector_load %arg11[%swap3A_136] {strides = array<i32>} : memref<144xi32, #tpu.memory_space<vmem>>, vector<16xi32>,
    tpu.vector_store %arg11[%swap3A_136], %broadcast_in_dim3A_54 {strides = array<i32>} : memref<144xi32, #tpu.memory_space<vmem>>, vector<16xi32>,
    %swap3A_138 = arith.constant 16 : index
    %swap3A_139 = tpu.vector_load %arg11[%swap3A_138] {strides = array<i32>} : memref<144xi32, #tpu.memory_space<vmem>>, vector<16xi32>,
    tpu.vector_store %arg11[%swap3A_138], %broadcast_in_dim3A_54 {strides = array<i32>} : memref<144xi32, #tpu.memory_space<vmem>>, vector<16xi32>,
    %swap3A_140 = arith.constant 32 : index
    %swap3A_141 = tpu.vector_load %arg11[%swap3A_140] {strides = array<i32>} : memref<144xi32, #tpu.memory_space<vmem>>, vector<16xi32>,
    tpu.vector_store %arg11[%swap3A_140], %broadcast_in_dim3A_54 {strides = array<i32>} : memref<144xi32, #tpu.memory_space<vmem>>, vector<16xi32>,
    %swap3A_142 = arith.constant 48 : index
    %swap3A_143 = tpu.vector_load %arg11[%swap3A_142] {strides = array<i32>} : memref<144xi32, #tpu.memory_space<vmem>>, vector<16xi32>,
    tpu.vector_store %arg11[%swap3A_142], %broadcast_in_dim3A_54 {strides = array<i32>} : memref<144xi32, #tpu.memory_space<vmem>>, vector<16xi32>,
    %swap3A_144 = arith.constant 64 : index
    %swap3A_145 = tpu.vector_load %arg11[%swap3A_144] {strides = array<i32>} : memref<144xi32, #tpu.memory_space<vmem>>, vector<16xi32>,
    tpu.vector_store %arg11[%swap3A_144], %broadcast_in_dim3A_54 {strides = array<i32>} : memref<144xi32, #tpu.memory_space<vmem>>, vector<16xi32>,
    %swap3A_146 = arith.constant 80 : index
    %swap3A_147 = tpu.vector_load %arg11[%swap3A_146] {strides = array<i32>} : memref<144xi32, #tpu.memory_space<vmem>>, vector<16xi32>,
    tpu.vector_store %arg11[%swap3A_146], %broadcast_in_dim3A_54 {strides = array<i32>} : memref<144xi32, #tpu.memory_space<vmem>>, vector<16xi32>,
    %swap3A_148 = arith.constant 96 : index
    %swap3A_149 = tpu.vector_load %arg11[%swap3A_148] {strides = array<i32>} : memref<144xi32, #tpu.memory_space<vmem>>, vector<16xi32>,
    tpu.vector_store %arg11[%swap3A_148], %broadcast_in_dim3A_54 {strides = array<i32>} : memref<144xi32, #tpu.memory_space<vmem>>, vector<16xi32>,
    %swap3A_150 = arith.constant 112 : index
    %swap3A_151 = tpu.vector_load %arg11[%swap3A_150] {strides = array<i32>} : memref<144xi32, #tpu.memory_space<vmem>>, vector<16xi32>,
    tpu.vector_store %arg11[%swap3A_150], %broadcast_in_dim3A_54 {strides = array<i32>} : memref<144xi32, #tpu.memory_space<vmem>>, vector<16xi32>,
    return
  }
}

#map = affine_map<(d0, d1) -> (0, 0)>
#map1 = affine_map<(d0, d1) -> (0)>
module attributes {stable_mosaic.version = 14 : i64} {
  func.func @kb(%arg0: i32, %arg1: i32, %arg2: memref<32768x128xf32, #tpu.memory_space<hbm>>, %arg3: memref<16384xi32, #tpu.memory_space<hbm>>, %arg4: memref<64x16384xf32, #tpu.memory_space<hbm>>, %arg5: memref<512xi32, #tpu.memory_space<vmem>>, %arg6: memref<512x128xf32, #tpu.memory_space<vmem>>, %arg7: memref<64x512xf32, #tpu.memory_space<vmem>>) attributes {dimension_semantics = [#tpu.dimension_semantics<core_parallel>, #tpu.dimension_semantics<subcore_parallel>], iteration_bounds = array<i64: 2, 16>, scalar_prefetch = 0 : i64, scratch_operands = 3 : i64, tpu.core_type = #tpu.core_type<sc_vector_subcore>, window_params = [{transform_indices = #map}, {transform_indices = #map1}, {transform_indices = #map}]} {
    %mul3A = arith.constant 16 : i32
    %mul3A_0 = arith.muli %arg0, %mul3A : i32
    %add3A = arith.addi %mul3A_0, %arg1 : i32
    %mul3A_1 = arith.constant 512 : i32
    %mul3A_2 = arith.muli %add3A, %mul3A_1 : i32
    "tpu.region"() ({
      %run_scoped3A = tpu.sem_alloc : memref<!tpu.dma_semaphore, #tpu.memory_space<semaphore_mem>>
      %dma_start3A = tpu.memref_slice %arg3[%mul3A_2] : memref<16384xi32, #tpu.memory_space<hbm>> -> memref<512xi32, #tpu.memory_space<hbm>>
      %dma_start3A_22 = tpu.memref_slice %arg3[%mul3A_2] : memref<16384xi32, #tpu.memory_space<hbm>> -> memref<512xi32, #tpu.memory_space<hbm>>
      tpu.enqueue_dma source(%dma_start3A_22 : memref<512xi32, #tpu.memory_space<hbm>>) target(%arg5 : memref<512xi32, #tpu.memory_space<vmem>>) target_semaphore(%run_scoped3A : memref<!tpu.dma_semaphore, #tpu.memory_space<semaphore_mem>>)
      %dma_wait3A = tpu.memref_slice %arg3[%mul3A_2] : memref<16384xi32, #tpu.memory_space<hbm>> -> memref<512xi32, #tpu.memory_space<hbm>>
      %dma_wait3A_23 = tpu.memref_slice %arg3[%mul3A_2] : memref<16384xi32, #tpu.memory_space<hbm>> -> memref<512xi32, #tpu.memory_space<hbm>>
      tpu.wait_dma2 semaphore(%run_scoped3A : memref<!tpu.dma_semaphore, #tpu.memory_space<semaphore_mem>>) src(%dma_wait3A_23 : memref<512xi32, #tpu.memory_space<hbm>>) dst(%arg5 : memref<512xi32, #tpu.memory_space<vmem>>)
      tpu.yield
    }) : () -> ()
    %iota3A = tpu.iota {dimensions = array<i32: 0>} : vector<16xi32>
    %add3A_3 = arith.constant 0 : i32
    %add3A_4 = arith.addi %mul3A_2, %add3A_3 : i32
    "tpu.region"() ({
      %run_scoped3A = tpu.sem_alloc : memref<!tpu.dma_semaphore, #tpu.memory_space<semaphore_mem>>
      %dma_start3A = arith.constant 0 : i32
      %dma_start3A_22 = arith.constant 0 : i32
      %dma_start3A_23 = tpu.memref_slice %arg6[%dma_start3A, %dma_start3A_22] : memref<512x128xf32, #tpu.memory_space<vmem>> -> memref<256x128xf32, #tpu.memory_space<vmem>>
      %dma_start3A_24 = arith.constant 0 : i32
      %dma_start3A_25 = tpu.memref_slice %arg2[%add3A_4, %dma_start3A_24] : memref<32768x128xf32, #tpu.memory_space<hbm>> -> memref<256x128xf32, #tpu.memory_space<hbm>>
      %dma_start3A_26 = arith.constant 0 : i32
      %dma_start3A_27 = arith.constant 0 : i32
      %dma_start3A_28 = tpu.memref_slice %arg6[%dma_start3A_26, %dma_start3A_27] : memref<512x128xf32, #tpu.memory_space<vmem>> -> memref<256x128xf32, #tpu.memory_space<vmem>>
      %dma_start3A_29 = arith.constant 0 : i32
      %dma_start3A_30 = tpu.memref_slice %arg2[%add3A_4, %dma_start3A_29] : memref<32768x128xf32, #tpu.memory_space<hbm>> -> memref<256x128xf32, #tpu.memory_space<hbm>>
      tpu.enqueue_dma source(%dma_start3A_30 : memref<256x128xf32, #tpu.memory_space<hbm>>) target(%dma_start3A_28 : memref<256x128xf32, #tpu.memory_space<vmem>>) target_semaphore(%run_scoped3A : memref<!tpu.dma_semaphore, #tpu.memory_space<semaphore_mem>>)
      %dma_wait3A = arith.constant 0 : i32
      %dma_wait3A_31 = arith.constant 0 : i32
      %dma_wait3A_32 = tpu.memref_slice %arg6[%dma_wait3A, %dma_wait3A_31] : memref<512x128xf32, #tpu.memory_space<vmem>> -> memref<256x128xf32, #tpu.memory_space<vmem>>
      %dma_wait3A_33 = arith.constant 0 : i32
      %dma_wait3A_34 = tpu.memref_slice %arg2[%add3A_4, %dma_wait3A_33] : memref<32768x128xf32, #tpu.memory_space<hbm>> -> memref<256x128xf32, #tpu.memory_space<hbm>>
      %dma_wait3A_35 = arith.constant 0 : i32
      %dma_wait3A_36 = arith.constant 0 : i32
      %dma_wait3A_37 = tpu.memref_slice %arg6[%dma_wait3A_35, %dma_wait3A_36] : memref<512x128xf32, #tpu.memory_space<vmem>> -> memref<256x128xf32, #tpu.memory_space<vmem>>
      %dma_wait3A_38 = arith.constant 0 : i32
      %dma_wait3A_39 = tpu.memref_slice %arg2[%add3A_4, %dma_wait3A_38] : memref<32768x128xf32, #tpu.memory_space<hbm>> -> memref<256x128xf32, #tpu.memory_space<hbm>>
      tpu.wait_dma2 semaphore(%run_scoped3A : memref<!tpu.dma_semaphore, #tpu.memory_space<semaphore_mem>>) src(%dma_wait3A_39 : memref<256x128xf32, #tpu.memory_space<hbm>>) dst(%dma_wait3A_37 : memref<256x128xf32, #tpu.memory_space<vmem>>)
      tpu.yield
    }) : () -> ()
    %add3A_5 = arith.constant 16384 : i32
    %add3A_6 = arith.addi %add3A_5, %add3A_4 : i32
    "tpu.region"() ({
      %run_scoped3A = tpu.sem_alloc : memref<!tpu.dma_semaphore, #tpu.memory_space<semaphore_mem>>
      %dma_start3A = arith.constant 256 : i32
      %dma_start3A_22 = arith.constant 0 : i32
      %dma_start3A_23 = tpu.memref_slice %arg6[%dma_start3A, %dma_start3A_22] : memref<512x128xf32, #tpu.memory_space<vmem>> -> memref<256x128xf32, #tpu.memory_space<vmem>>
      %dma_start3A_24 = arith.constant 0 : i32
      %dma_start3A_25 = tpu.memref_slice %arg2[%add3A_6, %dma_start3A_24] : memref<32768x128xf32, #tpu.memory_space<hbm>> -> memref<256x128xf32, #tpu.memory_space<hbm>>
      %dma_start3A_26 = arith.constant 256 : i32
      %dma_start3A_27 = arith.constant 0 : i32
      %dma_start3A_28 = tpu.memref_slice %arg6[%dma_start3A_26, %dma_start3A_27] : memref<512x128xf32, #tpu.memory_space<vmem>> -> memref<256x128xf32, #tpu.memory_space<vmem>>
      %dma_start3A_29 = arith.constant 0 : i32
      %dma_start3A_30 = tpu.memref_slice %arg2[%add3A_6, %dma_start3A_29] : memref<32768x128xf32, #tpu.memory_space<hbm>> -> memref<256x128xf32, #tpu.memory_space<hbm>>
      tpu.enqueue_dma source(%dma_start3A_30 : memref<256x128xf32, #tpu.memory_space<hbm>>) target(%dma_start3A_28 : memref<256x128xf32, #tpu.memory_space<vmem>>) target_semaphore(%run_scoped3A : memref<!tpu.dma_semaphore, #tpu.memory_space<semaphore_mem>>)
      %dma_wait3A = arith.constant 256 : i32
      %dma_wait3A_31 = arith.constant 0 : i32
      %dma_wait3A_32 = tpu.memref_slice %arg6[%dma_wait3A, %dma_wait3A_31] : memref<512x128xf32, #tpu.memory_space<vmem>> -> memref<256x128xf32, #tpu.memory_space<vmem>>
      %dma_wait3A_33 = arith.constant 0 : i32
      %dma_wait3A_34 = tpu.memref_slice %arg2[%add3A_6, %dma_wait3A_33] : memref<32768x128xf32, #tpu.memory_space<hbm>> -> memref<256x128xf32, #tpu.memory_space<hbm>>
      %dma_wait3A_35 = arith.constant 256 : i32
      %dma_wait3A_36 = arith.constant 0 : i32
      %dma_wait3A_37 = tpu.memref_slice %arg6[%dma_wait3A_35, %dma_wait3A_36] : memref<512x128xf32, #tpu.memory_space<vmem>> -> memref<256x128xf32, #tpu.memory_space<vmem>>
      %dma_wait3A_38 = arith.constant 0 : i32
      %dma_wait3A_39 = tpu.memref_slice %arg2[%add3A_6, %dma_wait3A_38] : memref<32768x128xf32, #tpu.memory_space<hbm>> -> memref<256x128xf32, #tpu.memory_space<hbm>>
      tpu.wait_dma2 semaphore(%run_scoped3A : memref<!tpu.dma_semaphore, #tpu.memory_space<semaphore_mem>>) src(%dma_wait3A_39 : memref<256x128xf32, #tpu.memory_space<hbm>>) dst(%dma_wait3A_37 : memref<256x128xf32, #tpu.memory_space<vmem>>)
      tpu.yield
    }) : () -> ()
    %scan3A = arith.constant 0 : i32
    %scan3A_7 = arith.constant 0 : i32
    %scan3A_8 = arith.constant 16 : i32
    %scan3A_9 = arith.addi %scan3A_7, %scan3A_8 : i32
    %scan3A_10 = arith.constant 1 : i32
    scf.for %scan3A_22 = %scan3A_7 to %scan3A_9 step %scan3A_10  : i32 {
      %mul3A_23 = arith.constant 16 : i32
      %mul3A_24 = arith.muli %scan3A_22, %mul3A_23 : i32
      %add3A_25 = arith.constant 0 : i32
      %add3A_26 = arith.addi %add3A_25, %mul3A_24 : i32
      %get3A = arith.index_cast %add3A_26 : i32 to index
      %get3A_27 = tpu.vector_load %arg5[%get3A] {strides = array<i32>} : memref<512xi32, #tpu.memory_space<vmem>>, vector<16xi32>,
      %ge3A = arith.constant 499968 : i32
      %ge3A_28 = vector.broadcast %ge3A : i32 to vector<16xi32>
      %ge3A_29 = arith.cmpi sge, %get3A_27, %ge3A_28 : vector<16xi32>
      %mul3A_30 = arith.constant 16 : i32
      %mul3A_31 = arith.muli %scan3A_22, %mul3A_30 : i32
      %add3A_32 = vector.broadcast %mul3A_31 : i32 to vector<16xi32>
      %add3A_33 = arith.addi %iota3A, %add3A_32 : vector<16xi32>
      %jit3A = arith.constant 256 : i32
      %jit3A_34 = arith.constant 0 : i32
      %broadcast_in_dim3A = vector.broadcast %jit3A : i32 to vector<16xi32>
      %broadcast_in_dim3A_35 = vector.broadcast %jit3A_34 : i32 to vector<16xi32>
      %select_n3A = arith.select %ge3A_29, %broadcast_in_dim3A, %broadcast_in_dim3A_35 : vector<16xi1>, vector<16xi32>
      %add3A_36 = arith.addi %add3A_33, %select_n3A : vector<16xi32>
      %broadcast_in_dim3A_37 = arith.constant 0 : i32
      %broadcast_in_dim3A_38 = vector.broadcast %broadcast_in_dim3A_37 : i32 to vector<16xi32>
      %gather3A = tpu.vector_load_idx %arg6[%add3A_36, %broadcast_in_dim3A_38] : memref<512x128xf32, #tpu.memory_space<vmem>>[vector<16xi32>, vector<16xi32>], vector<16xf32>,
      %mul3A_39 = arith.constant 16 : i32
      %mul3A_40 = arith.muli %scan3A_22, %mul3A_39 : i32
      %add3A_41 = arith.constant 0 : i32
      %add3A_42 = arith.addi %add3A_41, %mul3A_40 : i32
      %swap3A = arith.constant 0 : i32
      %swap3A_43 = arith.index_cast %swap3A : i32 to index
      %swap3A_44 = arith.index_cast %add3A_42 : i32 to index
      %swap3A_45 = tpu.vector_load %arg7[%swap3A_43, %swap3A_44] {strides = array<i32>} : memref<64x512xf32, #tpu.memory_space<vmem>>, vector<16xf32>,
      tpu.vector_store %arg7[%swap3A_43, %swap3A_44], %gather3A {strides = array<i32>} : memref<64x512xf32, #tpu.memory_space<vmem>>, vector<16xf32>,
      %broadcast_in_dim3A_46 = arith.constant 1 : i32
      %broadcast_in_dim3A_47 = vector.broadcast %broadcast_in_dim3A_46 : i32 to vector<16xi32>
      %gather3A_48 = tpu.vector_load_idx %arg6[%add3A_36, %broadcast_in_dim3A_47] : memref<512x128xf32, #tpu.memory_space<vmem>>[vector<16xi32>, vector<16xi32>], vector<16xf32>,
      %mul3A_49 = arith.constant 16 : i32
      %mul3A_50 = arith.muli %scan3A_22, %mul3A_49 : i32
      %add3A_51 = arith.constant 0 : i32
      %add3A_52 = arith.addi %add3A_51, %mul3A_50 : i32
      %swap3A_53 = arith.constant 1 : i32
      %swap3A_54 = arith.index_cast %swap3A_53 : i32 to index
      %swap3A_55 = arith.index_cast %add3A_52 : i32 to index
      %swap3A_56 = tpu.vector_load %arg7[%swap3A_54, %swap3A_55] {strides = array<i32>} : memref<64x512xf32, #tpu.memory_space<vmem>>, vector<16xf32>,
      tpu.vector_store %arg7[%swap3A_54, %swap3A_55], %gather3A_48 {strides = array<i32>} : memref<64x512xf32, #tpu.memory_space<vmem>>, vector<16xf32>,
      %broadcast_in_dim3A_57 = arith.constant 2 : i32
      %broadcast_in_dim3A_58 = vector.broadcast %broadcast_in_dim3A_57 : i32 to vector<16xi32>
      %gather3A_59 = tpu.vector_load_idx %arg6[%add3A_36, %broadcast_in_dim3A_58] : memref<512x128xf32, #tpu.memory_space<vmem>>[vector<16xi32>, vector<16xi32>], vector<16xf32>,
      %mul3A_60 = arith.constant 16 : i32
      %mul3A_61 = arith.muli %scan3A_22, %mul3A_60 : i32
      %add3A_62 = arith.constant 0 : i32
      %add3A_63 = arith.addi %add3A_62, %mul3A_61 : i32
      %swap3A_64 = arith.constant 2 : i32
      %swap3A_65 = arith.index_cast %swap3A_64 : i32 to index
      %swap3A_66 = arith.index_cast %add3A_63 : i32 to index
      %swap3A_67 = tpu.vector_load %arg7[%swap3A_65, %swap3A_66] {strides = array<i32>} : memref<64x512xf32, #tpu.memory_space<vmem>>, vector<16xf32>,
      tpu.vector_store %arg7[%swap3A_65, %swap3A_66], %gather3A_59 {strides = array<i32>} : memref<64x512xf32, #tpu.memory_space<vmem>>, vector<16xf32>,
      %broadcast_in_dim3A_68 = arith.constant 3 : i32
      %broadcast_in_dim3A_69 = vector.broadcast %broadcast_in_dim3A_68 : i32 to vector<16xi32>
      %gather3A_70 = tpu.vector_load_idx %arg6[%add3A_36, %broadcast_in_dim3A_69] : memref<512x128xf32, #tpu.memory_space<vmem>>[vector<16xi32>, vector<16xi32>], vector<16xf32>,
      %mul3A_71 = arith.constant 16 : i32
      %mul3A_72 = arith.muli %scan3A_22, %mul3A_71 : i32
      %add3A_73 = arith.constant 0 : i32
      %add3A_74 = arith.addi %add3A_73, %mul3A_72 : i32
      %swap3A_75 = arith.constant 3 : i32
      %swap3A_76 = arith.index_cast %swap3A_75 : i32 to index
      %swap3A_77 = arith.index_cast %add3A_74 : i32 to index
      %swap3A_78 = tpu.vector_load %arg7[%swap3A_76, %swap3A_77] {strides = array<i32>} : memref<64x512xf32, #tpu.memory_space<vmem>>, vector<16xf32>,
      tpu.vector_store %arg7[%swap3A_76, %swap3A_77], %gather3A_70 {strides = array<i32>} : memref<64x512xf32, #tpu.memory_space<vmem>>, vector<16xf32>,
      %broadcast_in_dim3A_79 = arith.constant 4 : i32
      %broadcast_in_dim3A_80 = vector.broadcast %broadcast_in_dim3A_79 : i32 to vector<16xi32>
      %gather3A_81 = tpu.vector_load_idx %arg6[%add3A_36, %broadcast_in_dim3A_80] : memref<512x128xf32, #tpu.memory_space<vmem>>[vector<16xi32>, vector<16xi32>], vector<16xf32>,
      %mul3A_82 = arith.constant 16 : i32
      %mul3A_83 = arith.muli %scan3A_22, %mul3A_82 : i32
      %add3A_84 = arith.constant 0 : i32
      %add3A_85 = arith.addi %add3A_84, %mul3A_83 : i32
      %swap3A_86 = arith.constant 4 : i32
      %swap3A_87 = arith.index_cast %swap3A_86 : i32 to index
      %swap3A_88 = arith.index_cast %add3A_85 : i32 to index
      %swap3A_89 = tpu.vector_load %arg7[%swap3A_87, %swap3A_88] {strides = array<i32>} : memref<64x512xf32, #tpu.memory_space<vmem>>, vector<16xf32>,
      tpu.vector_store %arg7[%swap3A_87, %swap3A_88], %gather3A_81 {strides = array<i32>} : memref<64x512xf32, #tpu.memory_space<vmem>>, vector<16xf32>,
      %broadcast_in_dim3A_90 = arith.constant 5 : i32
      %broadcast_in_dim3A_91 = vector.broadcast %broadcast_in_dim3A_90 : i32 to vector<16xi32>
      %gather3A_92 = tpu.vector_load_idx %arg6[%add3A_36, %broadcast_in_dim3A_91] : memref<512x128xf32, #tpu.memory_space<vmem>>[vector<16xi32>, vector<16xi32>], vector<16xf32>,
      %mul3A_93 = arith.constant 16 : i32
      %mul3A_94 = arith.muli %scan3A_22, %mul3A_93 : i32
      %add3A_95 = arith.constant 0 : i32
      %add3A_96 = arith.addi %add3A_95, %mul3A_94 : i32
      %swap3A_97 = arith.constant 5 : i32
      %swap3A_98 = arith.index_cast %swap3A_97 : i32 to index
      %swap3A_99 = arith.index_cast %add3A_96 : i32 to index
      %swap3A_100 = tpu.vector_load %arg7[%swap3A_98, %swap3A_99] {strides = array<i32>} : memref<64x512xf32, #tpu.memory_space<vmem>>, vector<16xf32>,
      tpu.vector_store %arg7[%swap3A_98, %swap3A_99], %gather3A_92 {strides = array<i32>} : memref<64x512xf32, #tpu.memory_space<vmem>>, vector<16xf32>,
      %broadcast_in_dim3A_101 = arith.constant 6 : i32
      %broadcast_in_dim3A_102 = vector.broadcast %broadcast_in_dim3A_101 : i32 to vector<16xi32>
      %gather3A_103 = tpu.vector_load_idx %arg6[%add3A_36, %broadcast_in_dim3A_102] : memref<512x128xf32, #tpu.memory_space<vmem>>[vector<16xi32>, vector<16xi32>], vector<16xf32>,
      %mul3A_104 = arith.constant 16 : i32
      %mul3A_105 = arith.muli %scan3A_22, %mul3A_104 : i32
      %add3A_106 = arith.constant 0 : i32
      %add3A_107 = arith.addi %add3A_106, %mul3A_105 : i32
      %swap3A_108 = arith.constant 6 : i32
      %swap3A_109 = arith.index_cast %swap3A_108 : i32 to index
      %swap3A_110 = arith.index_cast %add3A_107 : i32 to index
      %swap3A_111 = tpu.vector_load %arg7[%swap3A_109, %swap3A_110] {strides = array<i32>} : memref<64x512xf32, #tpu.memory_space<vmem>>, vector<16xf32>,
      tpu.vector_store %arg7[%swap3A_109, %swap3A_110], %gather3A_103 {strides = array<i32>} : memref<64x512xf32, #tpu.memory_space<vmem>>, vector<16xf32>,
      %broadcast_in_dim3A_112 = arith.constant 7 : i32
      %broadcast_in_dim3A_113 = vector.broadcast %broadcast_in_dim3A_112 : i32 to vector<16xi32>
      %gather3A_114 = tpu.vector_load_idx %arg6[%add3A_36, %broadcast_in_dim3A_113] : memref<512x128xf32, #tpu.memory_space<vmem>>[vector<16xi32>, vector<16xi32>], vector<16xf32>,
      %mul3A_115 = arith.constant 16 : i32
      %mul3A_116 = arith.muli %scan3A_22, %mul3A_115 : i32
      %add3A_117 = arith.constant 0 : i32
      %add3A_118 = arith.addi %add3A_117, %mul3A_116 : i32
      %swap3A_119 = arith.constant 7 : i32
      %swap3A_120 = arith.index_cast %swap3A_119 : i32 to index
      %swap3A_121 = arith.index_cast %add3A_118 : i32 to index
      %swap3A_122 = tpu.vector_load %arg7[%swap3A_120, %swap3A_121] {strides = array<i32>} : memref<64x512xf32, #tpu.memory_space<vmem>>, vector<16xf32>,
      tpu.vector_store %arg7[%swap3A_120, %swap3A_121], %gather3A_114 {strides = array<i32>} : memref<64x512xf32, #tpu.memory_space<vmem>>, vector<16xf32>,
      %broadcast_in_dim3A_123 = arith.constant 8 : i32
      %broadcast_in_dim3A_124 = vector.broadcast %broadcast_in_dim3A_123 : i32 to vector<16xi32>
      %gather3A_125 = tpu.vector_load_idx %arg6[%add3A_36, %broadcast_in_dim3A_124] : memref<512x128xf32, #tpu.memory_space<vmem>>[vector<16xi32>, vector<16xi32>], vector<16xf32>,
      %mul3A_126 = arith.constant 16 : i32
      %mul3A_127 = arith.muli %scan3A_22, %mul3A_126 : i32
      %add3A_128 = arith.constant 0 : i32
      %add3A_129 = arith.addi %add3A_128, %mul3A_127 : i32
      %swap3A_130 = arith.constant 8 : i32
      %swap3A_131 = arith.index_cast %swap3A_130 : i32 to index
      %swap3A_132 = arith.index_cast %add3A_129 : i32 to index
      %swap3A_133 = tpu.vector_load %arg7[%swap3A_131, %swap3A_132] {strides = array<i32>} : memref<64x512xf32, #tpu.memory_space<vmem>>, vector<16xf32>,
      tpu.vector_store %arg7[%swap3A_131, %swap3A_132], %gather3A_125 {strides = array<i32>} : memref<64x512xf32, #tpu.memory_space<vmem>>, vector<16xf32>,
      %broadcast_in_dim3A_134 = arith.constant 9 : i32
      %broadcast_in_dim3A_135 = vector.broadcast %broadcast_in_dim3A_134 : i32 to vector<16xi32>
      %gather3A_136 = tpu.vector_load_idx %arg6[%add3A_36, %broadcast_in_dim3A_135] : memref<512x128xf32, #tpu.memory_space<vmem>>[vector<16xi32>, vector<16xi32>], vector<16xf32>,
      %mul3A_137 = arith.constant 16 : i32
      %mul3A_138 = arith.muli %scan3A_22, %mul3A_137 : i32
      %add3A_139 = arith.constant 0 : i32
      %add3A_140 = arith.addi %add3A_139, %mul3A_138 : i32
      %swap3A_141 = arith.constant 9 : i32
      %swap3A_142 = arith.index_cast %swap3A_141 : i32 to index
      %swap3A_143 = arith.index_cast %add3A_140 : i32 to index
      %swap3A_144 = tpu.vector_load %arg7[%swap3A_142, %swap3A_143] {strides = array<i32>} : memref<64x512xf32, #tpu.memory_space<vmem>>, vector<16xf32>,
      tpu.vector_store %arg7[%swap3A_142, %swap3A_143], %gather3A_136 {strides = array<i32>} : memref<64x512xf32, #tpu.memory_space<vmem>>, vector<16xf32>,
      %broadcast_in_dim3A_145 = arith.constant 10 : i32
      %broadcast_in_dim3A_146 = vector.broadcast %broadcast_in_dim3A_145 : i32 to vector<16xi32>
      %gather3A_147 = tpu.vector_load_idx %arg6[%add3A_36, %broadcast_in_dim3A_146] : memref<512x128xf32, #tpu.memory_space<vmem>>[vector<16xi32>, vector<16xi32>], vector<16xf32>,
      %mul3A_148 = arith.constant 16 : i32
      %mul3A_149 = arith.muli %scan3A_22, %mul3A_148 : i32
      %add3A_150 = arith.constant 0 : i32
      %add3A_151 = arith.addi %add3A_150, %mul3A_149 : i32
      %swap3A_152 = arith.constant 10 : i32
      %swap3A_153 = arith.index_cast %swap3A_152 : i32 to index
      %swap3A_154 = arith.index_cast %add3A_151 : i32 to index
      %swap3A_155 = tpu.vector_load %arg7[%swap3A_153, %swap3A_154] {strides = array<i32>} : memref<64x512xf32, #tpu.memory_space<vmem>>, vector<16xf32>,
      tpu.vector_store %arg7[%swap3A_153, %swap3A_154], %gather3A_147 {strides = array<i32>} : memref<64x512xf32, #tpu.memory_space<vmem>>, vector<16xf32>,
      %broadcast_in_dim3A_156 = arith.constant 11 : i32
      %broadcast_in_dim3A_157 = vector.broadcast %broadcast_in_dim3A_156 : i32 to vector<16xi32>
      %gather3A_158 = tpu.vector_load_idx %arg6[%add3A_36, %broadcast_in_dim3A_157] : memref<512x128xf32, #tpu.memory_space<vmem>>[vector<16xi32>, vector<16xi32>], vector<16xf32>,
      %mul3A_159 = arith.constant 16 : i32
      %mul3A_160 = arith.muli %scan3A_22, %mul3A_159 : i32
      %add3A_161 = arith.constant 0 : i32
      %add3A_162 = arith.addi %add3A_161, %mul3A_160 : i32
      %swap3A_163 = arith.constant 11 : i32
      %swap3A_164 = arith.index_cast %swap3A_163 : i32 to index
      %swap3A_165 = arith.index_cast %add3A_162 : i32 to index
      %swap3A_166 = tpu.vector_load %arg7[%swap3A_164, %swap3A_165] {strides = array<i32>} : memref<64x512xf32, #tpu.memory_space<vmem>>, vector<16xf32>,
      tpu.vector_store %arg7[%swap3A_164, %swap3A_165], %gather3A_158 {strides = array<i32>} : memref<64x512xf32, #tpu.memory_space<vmem>>, vector<16xf32>,
      %broadcast_in_dim3A_167 = arith.constant 12 : i32
      %broadcast_in_dim3A_168 = vector.broadcast %broadcast_in_dim3A_167 : i32 to vector<16xi32>
      %gather3A_169 = tpu.vector_load_idx %arg6[%add3A_36, %broadcast_in_dim3A_168] : memref<512x128xf32, #tpu.memory_space<vmem>>[vector<16xi32>, vector<16xi32>], vector<16xf32>,
      %mul3A_170 = arith.constant 16 : i32
      %mul3A_171 = arith.muli %scan3A_22, %mul3A_170 : i32
      %add3A_172 = arith.constant 0 : i32
      %add3A_173 = arith.addi %add3A_172, %mul3A_171 : i32
      %swap3A_174 = arith.constant 12 : i32
      %swap3A_175 = arith.index_cast %swap3A_174 : i32 to index
      %swap3A_176 = arith.index_cast %add3A_173 : i32 to index
      %swap3A_177 = tpu.vector_load %arg7[%swap3A_175, %swap3A_176] {strides = array<i32>} : memref<64x512xf32, #tpu.memory_space<vmem>>, vector<16xf32>,
      tpu.vector_store %arg7[%swap3A_175, %swap3A_176], %gather3A_169 {strides = array<i32>} : memref<64x512xf32, #tpu.memory_space<vmem>>, vector<16xf32>,
      %broadcast_in_dim3A_178 = arith.constant 13 : i32
      %broadcast_in_dim3A_179 = vector.broadcast %broadcast_in_dim3A_178 : i32 to vector<16xi32>
      %gather3A_180 = tpu.vector_load_idx %arg6[%add3A_36, %broadcast_in_dim3A_179] : memref<512x128xf32, #tpu.memory_space<vmem>>[vector<16xi32>, vector<16xi32>], vector<16xf32>,
      %mul3A_181 = arith.constant 16 : i32
      %mul3A_182 = arith.muli %scan3A_22, %mul3A_181 : i32
      %add3A_183 = arith.constant 0 : i32
      %add3A_184 = arith.addi %add3A_183, %mul3A_182 : i32
      %swap3A_185 = arith.constant 13 : i32
      %swap3A_186 = arith.index_cast %swap3A_185 : i32 to index
      %swap3A_187 = arith.index_cast %add3A_184 : i32 to index
      %swap3A_188 = tpu.vector_load %arg7[%swap3A_186, %swap3A_187] {strides = array<i32>} : memref<64x512xf32, #tpu.memory_space<vmem>>, vector<16xf32>,
      tpu.vector_store %arg7[%swap3A_186, %swap3A_187], %gather3A_180 {strides = array<i32>} : memref<64x512xf32, #tpu.memory_space<vmem>>, vector<16xf32>,
      %broadcast_in_dim3A_189 = arith.constant 14 : i32
      %broadcast_in_dim3A_190 = vector.broadcast %broadcast_in_dim3A_189 : i32 to vector<16xi32>
      %gather3A_191 = tpu.vector_load_idx %arg6[%add3A_36, %broadcast_in_dim3A_190] : memref<512x128xf32, #tpu.memory_space<vmem>>[vector<16xi32>, vector<16xi32>], vector<16xf32>,
      %mul3A_192 = arith.constant 16 : i32
      %mul3A_193 = arith.muli %scan3A_22, %mul3A_192 : i32
      %add3A_194 = arith.constant 0 : i32
      %add3A_195 = arith.addi %add3A_194, %mul3A_193 : i32
      %swap3A_196 = arith.constant 14 : i32
      %swap3A_197 = arith.index_cast %swap3A_196 : i32 to index
      %swap3A_198 = arith.index_cast %add3A_195 : i32 to index
      %swap3A_199 = tpu.vector_load %arg7[%swap3A_197, %swap3A_198] {strides = array<i32>} : memref<64x512xf32, #tpu.memory_space<vmem>>, vector<16xf32>,
      tpu.vector_store %arg7[%swap3A_197, %swap3A_198], %gather3A_191 {strides = array<i32>} : memref<64x512xf32, #tpu.memory_space<vmem>>, vector<16xf32>,
      %broadcast_in_dim3A_200 = arith.constant 15 : i32
      %broadcast_in_dim3A_201 = vector.broadcast %broadcast_in_dim3A_200 : i32 to vector<16xi32>
      %gather3A_202 = tpu.vector_load_idx %arg6[%add3A_36, %broadcast_in_dim3A_201] : memref<512x128xf32, #tpu.memory_space<vmem>>[vector<16xi32>, vector<16xi32>], vector<16xf32>,
      %mul3A_203 = arith.constant 16 : i32
      %mul3A_204 = arith.muli %scan3A_22, %mul3A_203 : i32
      %add3A_205 = arith.constant 0 : i32
      %add3A_206 = arith.addi %add3A_205, %mul3A_204 : i32
      %swap3A_207 = arith.constant 15 : i32
      %swap3A_208 = arith.index_cast %swap3A_207 : i32 to index
      %swap3A_209 = arith.index_cast %add3A_206 : i32 to index
      %swap3A_210 = tpu.vector_load %arg7[%swap3A_208, %swap3A_209] {strides = array<i32>} : memref<64x512xf32, #tpu.memory_space<vmem>>, vector<16xf32>,
      tpu.vector_store %arg7[%swap3A_208, %swap3A_209], %gather3A_202 {strides = array<i32>} : memref<64x512xf32, #tpu.memory_space<vmem>>, vector<16xf32>,
      %broadcast_in_dim3A_211 = arith.constant 16 : i32
      %broadcast_in_dim3A_212 = vector.broadcast %broadcast_in_dim3A_211 : i32 to vector<16xi32>
      %gather3A_213 = tpu.vector_load_idx %arg6[%add3A_36, %broadcast_in_dim3A_212] : memref<512x128xf32, #tpu.memory_space<vmem>>[vector<16xi32>, vector<16xi32>], vector<16xf32>,
      %mul3A_214 = arith.constant 16 : i32
      %mul3A_215 = arith.muli %scan3A_22, %mul3A_214 : i32
      %add3A_216 = arith.constant 0 : i32
      %add3A_217 = arith.addi %add3A_216, %mul3A_215 : i32
      %swap3A_218 = arith.constant 16 : i32
      %swap3A_219 = arith.index_cast %swap3A_218 : i32 to index
      %swap3A_220 = arith.index_cast %add3A_217 : i32 to index
      %swap3A_221 = tpu.vector_load %arg7[%swap3A_219, %swap3A_220] {strides = array<i32>} : memref<64x512xf32, #tpu.memory_space<vmem>>, vector<16xf32>,
      tpu.vector_store %arg7[%swap3A_219, %swap3A_220], %gather3A_213 {strides = array<i32>} : memref<64x512xf32, #tpu.memory_space<vmem>>, vector<16xf32>,
      %broadcast_in_dim3A_222 = arith.constant 17 : i32
      %broadcast_in_dim3A_223 = vector.broadcast %broadcast_in_dim3A_222 : i32 to vector<16xi32>
      %gather3A_224 = tpu.vector_load_idx %arg6[%add3A_36, %broadcast_in_dim3A_223] : memref<512x128xf32, #tpu.memory_space<vmem>>[vector<16xi32>, vector<16xi32>], vector<16xf32>,
      %mul3A_225 = arith.constant 16 : i32
      %mul3A_226 = arith.muli %scan3A_22, %mul3A_225 : i32
      %add3A_227 = arith.constant 0 : i32
      %add3A_228 = arith.addi %add3A_227, %mul3A_226 : i32
      %swap3A_229 = arith.constant 17 : i32
      %swap3A_230 = arith.index_cast %swap3A_229 : i32 to index
      %swap3A_231 = arith.index_cast %add3A_228 : i32 to index
      %swap3A_232 = tpu.vector_load %arg7[%swap3A_230, %swap3A_231] {strides = array<i32>} : memref<64x512xf32, #tpu.memory_space<vmem>>, vector<16xf32>,
      tpu.vector_store %arg7[%swap3A_230, %swap3A_231], %gather3A_224 {strides = array<i32>} : memref<64x512xf32, #tpu.memory_space<vmem>>, vector<16xf32>,
      %broadcast_in_dim3A_233 = arith.constant 18 : i32
      %broadcast_in_dim3A_234 = vector.broadcast %broadcast_in_dim3A_233 : i32 to vector<16xi32>
      %gather3A_235 = tpu.vector_load_idx %arg6[%add3A_36, %broadcast_in_dim3A_234] : memref<512x128xf32, #tpu.memory_space<vmem>>[vector<16xi32>, vector<16xi32>], vector<16xf32>,
      %mul3A_236 = arith.constant 16 : i32
      %mul3A_237 = arith.muli %scan3A_22, %mul3A_236 : i32
      %add3A_238 = arith.constant 0 : i32
      %add3A_239 = arith.addi %add3A_238, %mul3A_237 : i32
      %swap3A_240 = arith.constant 18 : i32
      %swap3A_241 = arith.index_cast %swap3A_240 : i32 to index
      %swap3A_242 = arith.index_cast %add3A_239 : i32 to index
      %swap3A_243 = tpu.vector_load %arg7[%swap3A_241, %swap3A_242] {strides = array<i32>} : memref<64x512xf32, #tpu.memory_space<vmem>>, vector<16xf32>,
      tpu.vector_store %arg7[%swap3A_241, %swap3A_242], %gather3A_235 {strides = array<i32>} : memref<64x512xf32, #tpu.memory_space<vmem>>, vector<16xf32>,
      %broadcast_in_dim3A_244 = arith.constant 19 : i32
      %broadcast_in_dim3A_245 = vector.broadcast %broadcast_in_dim3A_244 : i32 to vector<16xi32>
      %gather3A_246 = tpu.vector_load_idx %arg6[%add3A_36, %broadcast_in_dim3A_245] : memref<512x128xf32, #tpu.memory_space<vmem>>[vector<16xi32>, vector<16xi32>], vector<16xf32>,
      %mul3A_247 = arith.constant 16 : i32
      %mul3A_248 = arith.muli %scan3A_22, %mul3A_247 : i32
      %add3A_249 = arith.constant 0 : i32
      %add3A_250 = arith.addi %add3A_249, %mul3A_248 : i32
      %swap3A_251 = arith.constant 19 : i32
      %swap3A_252 = arith.index_cast %swap3A_251 : i32 to index
      %swap3A_253 = arith.index_cast %add3A_250 : i32 to index
      %swap3A_254 = tpu.vector_load %arg7[%swap3A_252, %swap3A_253] {strides = array<i32>} : memref<64x512xf32, #tpu.memory_space<vmem>>, vector<16xf32>,
      tpu.vector_store %arg7[%swap3A_252, %swap3A_253], %gather3A_246 {strides = array<i32>} : memref<64x512xf32, #tpu.memory_space<vmem>>, vector<16xf32>,
      %broadcast_in_dim3A_255 = arith.constant 20 : i32
      %broadcast_in_dim3A_256 = vector.broadcast %broadcast_in_dim3A_255 : i32 to vector<16xi32>
      %gather3A_257 = tpu.vector_load_idx %arg6[%add3A_36, %broadcast_in_dim3A_256] : memref<512x128xf32, #tpu.memory_space<vmem>>[vector<16xi32>, vector<16xi32>], vector<16xf32>,
      %mul3A_258 = arith.constant 16 : i32
      %mul3A_259 = arith.muli %scan3A_22, %mul3A_258 : i32
      %add3A_260 = arith.constant 0 : i32
      %add3A_261 = arith.addi %add3A_260, %mul3A_259 : i32
      %swap3A_262 = arith.constant 20 : i32
      %swap3A_263 = arith.index_cast %swap3A_262 : i32 to index
      %swap3A_264 = arith.index_cast %add3A_261 : i32 to index
      %swap3A_265 = tpu.vector_load %arg7[%swap3A_263, %swap3A_264] {strides = array<i32>} : memref<64x512xf32, #tpu.memory_space<vmem>>, vector<16xf32>,
      tpu.vector_store %arg7[%swap3A_263, %swap3A_264], %gather3A_257 {strides = array<i32>} : memref<64x512xf32, #tpu.memory_space<vmem>>, vector<16xf32>,
      %broadcast_in_dim3A_266 = arith.constant 21 : i32
      %broadcast_in_dim3A_267 = vector.broadcast %broadcast_in_dim3A_266 : i32 to vector<16xi32>
      %gather3A_268 = tpu.vector_load_idx %arg6[%add3A_36, %broadcast_in_dim3A_267] : memref<512x128xf32, #tpu.memory_space<vmem>>[vector<16xi32>, vector<16xi32>], vector<16xf32>,
      %mul3A_269 = arith.constant 16 : i32
      %mul3A_270 = arith.muli %scan3A_22, %mul3A_269 : i32
      %add3A_271 = arith.constant 0 : i32
      %add3A_272 = arith.addi %add3A_271, %mul3A_270 : i32
      %swap3A_273 = arith.constant 21 : i32
      %swap3A_274 = arith.index_cast %swap3A_273 : i32 to index
      %swap3A_275 = arith.index_cast %add3A_272 : i32 to index
      %swap3A_276 = tpu.vector_load %arg7[%swap3A_274, %swap3A_275] {strides = array<i32>} : memref<64x512xf32, #tpu.memory_space<vmem>>, vector<16xf32>,
      tpu.vector_store %arg7[%swap3A_274, %swap3A_275], %gather3A_268 {strides = array<i32>} : memref<64x512xf32, #tpu.memory_space<vmem>>, vector<16xf32>,
      %broadcast_in_dim3A_277 = arith.constant 22 : i32
      %broadcast_in_dim3A_278 = vector.broadcast %broadcast_in_dim3A_277 : i32 to vector<16xi32>
      %gather3A_279 = tpu.vector_load_idx %arg6[%add3A_36, %broadcast_in_dim3A_278] : memref<512x128xf32, #tpu.memory_space<vmem>>[vector<16xi32>, vector<16xi32>], vector<16xf32>,
      %mul3A_280 = arith.constant 16 : i32
      %mul3A_281 = arith.muli %scan3A_22, %mul3A_280 : i32
      %add3A_282 = arith.constant 0 : i32
      %add3A_283 = arith.addi %add3A_282, %mul3A_281 : i32
      %swap3A_284 = arith.constant 22 : i32
      %swap3A_285 = arith.index_cast %swap3A_284 : i32 to index
      %swap3A_286 = arith.index_cast %add3A_283 : i32 to index
      %swap3A_287 = tpu.vector_load %arg7[%swap3A_285, %swap3A_286] {strides = array<i32>} : memref<64x512xf32, #tpu.memory_space<vmem>>, vector<16xf32>,
      tpu.vector_store %arg7[%swap3A_285, %swap3A_286], %gather3A_279 {strides = array<i32>} : memref<64x512xf32, #tpu.memory_space<vmem>>, vector<16xf32>,
      %broadcast_in_dim3A_288 = arith.constant 23 : i32
      %broadcast_in_dim3A_289 = vector.broadcast %broadcast_in_dim3A_288 : i32 to vector<16xi32>
      %gather3A_290 = tpu.vector_load_idx %arg6[%add3A_36, %broadcast_in_dim3A_289] : memref<512x128xf32, #tpu.memory_space<vmem>>[vector<16xi32>, vector<16xi32>], vector<16xf32>,
      %mul3A_291 = arith.constant 16 : i32
      %mul3A_292 = arith.muli %scan3A_22, %mul3A_291 : i32
      %add3A_293 = arith.constant 0 : i32
      %add3A_294 = arith.addi %add3A_293, %mul3A_292 : i32
      %swap3A_295 = arith.constant 23 : i32
      %swap3A_296 = arith.index_cast %swap3A_295 : i32 to index
      %swap3A_297 = arith.index_cast %add3A_294 : i32 to index
      %swap3A_298 = tpu.vector_load %arg7[%swap3A_296, %swap3A_297] {strides = array<i32>} : memref<64x512xf32, #tpu.memory_space<vmem>>, vector<16xf32>,
      tpu.vector_store %arg7[%swap3A_296, %swap3A_297], %gather3A_290 {strides = array<i32>} : memref<64x512xf32, #tpu.memory_space<vmem>>, vector<16xf32>,
      %broadcast_in_dim3A_299 = arith.constant 24 : i32
      %broadcast_in_dim3A_300 = vector.broadcast %broadcast_in_dim3A_299 : i32 to vector<16xi32>
      %gather3A_301 = tpu.vector_load_idx %arg6[%add3A_36, %broadcast_in_dim3A_300] : memref<512x128xf32, #tpu.memory_space<vmem>>[vector<16xi32>, vector<16xi32>], vector<16xf32>,
      %mul3A_302 = arith.constant 16 : i32
      %mul3A_303 = arith.muli %scan3A_22, %mul3A_302 : i32
      %add3A_304 = arith.constant 0 : i32
      %add3A_305 = arith.addi %add3A_304, %mul3A_303 : i32
      %swap3A_306 = arith.constant 24 : i32
      %swap3A_307 = arith.index_cast %swap3A_306 : i32 to index
      %swap3A_308 = arith.index_cast %add3A_305 : i32 to index
      %swap3A_309 = tpu.vector_load %arg7[%swap3A_307, %swap3A_308] {strides = array<i32>} : memref<64x512xf32, #tpu.memory_space<vmem>>, vector<16xf32>,
      tpu.vector_store %arg7[%swap3A_307, %swap3A_308], %gather3A_301 {strides = array<i32>} : memref<64x512xf32, #tpu.memory_space<vmem>>, vector<16xf32>,
      %broadcast_in_dim3A_310 = arith.constant 25 : i32
      %broadcast_in_dim3A_311 = vector.broadcast %broadcast_in_dim3A_310 : i32 to vector<16xi32>
      %gather3A_312 = tpu.vector_load_idx %arg6[%add3A_36, %broadcast_in_dim3A_311] : memref<512x128xf32, #tpu.memory_space<vmem>>[vector<16xi32>, vector<16xi32>], vector<16xf32>,
      %mul3A_313 = arith.constant 16 : i32
      %mul3A_314 = arith.muli %scan3A_22, %mul3A_313 : i32
      %add3A_315 = arith.constant 0 : i32
      %add3A_316 = arith.addi %add3A_315, %mul3A_314 : i32
      %swap3A_317 = arith.constant 25 : i32
      %swap3A_318 = arith.index_cast %swap3A_317 : i32 to index
      %swap3A_319 = arith.index_cast %add3A_316 : i32 to index
      %swap3A_320 = tpu.vector_load %arg7[%swap3A_318, %swap3A_319] {strides = array<i32>} : memref<64x512xf32, #tpu.memory_space<vmem>>, vector<16xf32>,
      tpu.vector_store %arg7[%swap3A_318, %swap3A_319], %gather3A_312 {strides = array<i32>} : memref<64x512xf32, #tpu.memory_space<vmem>>, vector<16xf32>,
      %broadcast_in_dim3A_321 = arith.constant 26 : i32
      %broadcast_in_dim3A_322 = vector.broadcast %broadcast_in_dim3A_321 : i32 to vector<16xi32>
      %gather3A_323 = tpu.vector_load_idx %arg6[%add3A_36, %broadcast_in_dim3A_322] : memref<512x128xf32, #tpu.memory_space<vmem>>[vector<16xi32>, vector<16xi32>], vector<16xf32>,
      %mul3A_324 = arith.constant 16 : i32
      %mul3A_325 = arith.muli %scan3A_22, %mul3A_324 : i32
      %add3A_326 = arith.constant 0 : i32
      %add3A_327 = arith.addi %add3A_326, %mul3A_325 : i32
      %swap3A_328 = arith.constant 26 : i32
      %swap3A_329 = arith.index_cast %swap3A_328 : i32 to index
      %swap3A_330 = arith.index_cast %add3A_327 : i32 to index
      %swap3A_331 = tpu.vector_load %arg7[%swap3A_329, %swap3A_330] {strides = array<i32>} : memref<64x512xf32, #tpu.memory_space<vmem>>, vector<16xf32>,
      tpu.vector_store %arg7[%swap3A_329, %swap3A_330], %gather3A_323 {strides = array<i32>} : memref<64x512xf32, #tpu.memory_space<vmem>>, vector<16xf32>,
      %broadcast_in_dim3A_332 = arith.constant 27 : i32
      %broadcast_in_dim3A_333 = vector.broadcast %broadcast_in_dim3A_332 : i32 to vector<16xi32>
      %gather3A_334 = tpu.vector_load_idx %arg6[%add3A_36, %broadcast_in_dim3A_333] : memref<512x128xf32, #tpu.memory_space<vmem>>[vector<16xi32>, vector<16xi32>], vector<16xf32>,
      %mul3A_335 = arith.constant 16 : i32
      %mul3A_336 = arith.muli %scan3A_22, %mul3A_335 : i32
      %add3A_337 = arith.constant 0 : i32
      %add3A_338 = arith.addi %add3A_337, %mul3A_336 : i32
      %swap3A_339 = arith.constant 27 : i32
      %swap3A_340 = arith.index_cast %swap3A_339 : i32 to index
      %swap3A_341 = arith.index_cast %add3A_338 : i32 to index
      %swap3A_342 = tpu.vector_load %arg7[%swap3A_340, %swap3A_341] {strides = array<i32>} : memref<64x512xf32, #tpu.memory_space<vmem>>, vector<16xf32>,
      tpu.vector_store %arg7[%swap3A_340, %swap3A_341], %gather3A_334 {strides = array<i32>} : memref<64x512xf32, #tpu.memory_space<vmem>>, vector<16xf32>,
      %broadcast_in_dim3A_343 = arith.constant 28 : i32
      %broadcast_in_dim3A_344 = vector.broadcast %broadcast_in_dim3A_343 : i32 to vector<16xi32>
      %gather3A_345 = tpu.vector_load_idx %arg6[%add3A_36, %broadcast_in_dim3A_344] : memref<512x128xf32, #tpu.memory_space<vmem>>[vector<16xi32>, vector<16xi32>], vector<16xf32>,
      %mul3A_346 = arith.constant 16 : i32
      %mul3A_347 = arith.muli %scan3A_22, %mul3A_346 : i32
      %add3A_348 = arith.constant 0 : i32
      %add3A_349 = arith.addi %add3A_348, %mul3A_347 : i32
      %swap3A_350 = arith.constant 28 : i32
      %swap3A_351 = arith.index_cast %swap3A_350 : i32 to index
      %swap3A_352 = arith.index_cast %add3A_349 : i32 to index
      %swap3A_353 = tpu.vector_load %arg7[%swap3A_351, %swap3A_352] {strides = array<i32>} : memref<64x512xf32, #tpu.memory_space<vmem>>, vector<16xf32>,
      tpu.vector_store %arg7[%swap3A_351, %swap3A_352], %gather3A_345 {strides = array<i32>} : memref<64x512xf32, #tpu.memory_space<vmem>>, vector<16xf32>,
      %broadcast_in_dim3A_354 = arith.constant 29 : i32
      %broadcast_in_dim3A_355 = vector.broadcast %broadcast_in_dim3A_354 : i32 to vector<16xi32>
      %gather3A_356 = tpu.vector_load_idx %arg6[%add3A_36, %broadcast_in_dim3A_355] : memref<512x128xf32, #tpu.memory_space<vmem>>[vector<16xi32>, vector<16xi32>], vector<16xf32>,
      %mul3A_357 = arith.constant 16 : i32
      %mul3A_358 = arith.muli %scan3A_22, %mul3A_357 : i32
      %add3A_359 = arith.constant 0 : i32
      %add3A_360 = arith.addi %add3A_359, %mul3A_358 : i32
      %swap3A_361 = arith.constant 29 : i32
      %swap3A_362 = arith.index_cast %swap3A_361 : i32 to index
      %swap3A_363 = arith.index_cast %add3A_360 : i32 to index
      %swap3A_364 = tpu.vector_load %arg7[%swap3A_362, %swap3A_363] {strides = array<i32>} : memref<64x512xf32, #tpu.memory_space<vmem>>, vector<16xf32>,
      tpu.vector_store %arg7[%swap3A_362, %swap3A_363], %gather3A_356 {strides = array<i32>} : memref<64x512xf32, #tpu.memory_space<vmem>>, vector<16xf32>,
      %broadcast_in_dim3A_365 = arith.constant 30 : i32
      %broadcast_in_dim3A_366 = vector.broadcast %broadcast_in_dim3A_365 : i32 to vector<16xi32>
      %gather3A_367 = tpu.vector_load_idx %arg6[%add3A_36, %broadcast_in_dim3A_366] : memref<512x128xf32, #tpu.memory_space<vmem>>[vector<16xi32>, vector<16xi32>], vector<16xf32>,
      %mul3A_368 = arith.constant 16 : i32
      %mul3A_369 = arith.muli %scan3A_22, %mul3A_368 : i32
      %add3A_370 = arith.constant 0 : i32
      %add3A_371 = arith.addi %add3A_370, %mul3A_369 : i32
      %swap3A_372 = arith.constant 30 : i32
      %swap3A_373 = arith.index_cast %swap3A_372 : i32 to index
      %swap3A_374 = arith.index_cast %add3A_371 : i32 to index
      %swap3A_375 = tpu.vector_load %arg7[%swap3A_373, %swap3A_374] {strides = array<i32>} : memref<64x512xf32, #tpu.memory_space<vmem>>, vector<16xf32>,
      tpu.vector_store %arg7[%swap3A_373, %swap3A_374], %gather3A_367 {strides = array<i32>} : memref<64x512xf32, #tpu.memory_space<vmem>>, vector<16xf32>,
      %broadcast_in_dim3A_376 = arith.constant 31 : i32
      %broadcast_in_dim3A_377 = vector.broadcast %broadcast_in_dim3A_376 : i32 to vector<16xi32>
      %gather3A_378 = tpu.vector_load_idx %arg6[%add3A_36, %broadcast_in_dim3A_377] : memref<512x128xf32, #tpu.memory_space<vmem>>[vector<16xi32>, vector<16xi32>], vector<16xf32>,
      %mul3A_379 = arith.constant 16 : i32
      %mul3A_380 = arith.muli %scan3A_22, %mul3A_379 : i32
      %add3A_381 = arith.constant 0 : i32
      %add3A_382 = arith.addi %add3A_381, %mul3A_380 : i32
      %swap3A_383 = arith.constant 31 : i32
      %swap3A_384 = arith.index_cast %swap3A_383 : i32 to index
      %swap3A_385 = arith.index_cast %add3A_382 : i32 to index
      %swap3A_386 = tpu.vector_load %arg7[%swap3A_384, %swap3A_385] {strides = array<i32>} : memref<64x512xf32, #tpu.memory_space<vmem>>, vector<16xf32>,
      tpu.vector_store %arg7[%swap3A_384, %swap3A_385], %gather3A_378 {strides = array<i32>} : memref<64x512xf32, #tpu.memory_space<vmem>>, vector<16xf32>,
      %broadcast_in_dim3A_387 = arith.constant 32 : i32
      %broadcast_in_dim3A_388 = vector.broadcast %broadcast_in_dim3A_387 : i32 to vector<16xi32>
      %gather3A_389 = tpu.vector_load_idx %arg6[%add3A_36, %broadcast_in_dim3A_388] : memref<512x128xf32, #tpu.memory_space<vmem>>[vector<16xi32>, vector<16xi32>], vector<16xf32>,
      %mul3A_390 = arith.constant 16 : i32
      %mul3A_391 = arith.muli %scan3A_22, %mul3A_390 : i32
      %add3A_392 = arith.constant 0 : i32
      %add3A_393 = arith.addi %add3A_392, %mul3A_391 : i32
      %swap3A_394 = arith.constant 32 : i32
      %swap3A_395 = arith.index_cast %swap3A_394 : i32 to index
      %swap3A_396 = arith.index_cast %add3A_393 : i32 to index
      %swap3A_397 = tpu.vector_load %arg7[%swap3A_395, %swap3A_396] {strides = array<i32>} : memref<64x512xf32, #tpu.memory_space<vmem>>, vector<16xf32>,
      tpu.vector_store %arg7[%swap3A_395, %swap3A_396], %gather3A_389 {strides = array<i32>} : memref<64x512xf32, #tpu.memory_space<vmem>>, vector<16xf32>,
      %broadcast_in_dim3A_398 = arith.constant 33 : i32
      %broadcast_in_dim3A_399 = vector.broadcast %broadcast_in_dim3A_398 : i32 to vector<16xi32>
      %gather3A_400 = tpu.vector_load_idx %arg6[%add3A_36, %broadcast_in_dim3A_399] : memref<512x128xf32, #tpu.memory_space<vmem>>[vector<16xi32>, vector<16xi32>], vector<16xf32>,
      %mul3A_401 = arith.constant 16 : i32
      %mul3A_402 = arith.muli %scan3A_22, %mul3A_401 : i32
      %add3A_403 = arith.constant 0 : i32
      %add3A_404 = arith.addi %add3A_403, %mul3A_402 : i32
      %swap3A_405 = arith.constant 33 : i32
      %swap3A_406 = arith.index_cast %swap3A_405 : i32 to index
      %swap3A_407 = arith.index_cast %add3A_404 : i32 to index
      %swap3A_408 = tpu.vector_load %arg7[%swap3A_406, %swap3A_407] {strides = array<i32>} : memref<64x512xf32, #tpu.memory_space<vmem>>, vector<16xf32>,
      tpu.vector_store %arg7[%swap3A_406, %swap3A_407], %gather3A_400 {strides = array<i32>} : memref<64x512xf32, #tpu.memory_space<vmem>>, vector<16xf32>,
      %broadcast_in_dim3A_409 = arith.constant 34 : i32
      %broadcast_in_dim3A_410 = vector.broadcast %broadcast_in_dim3A_409 : i32 to vector<16xi32>
      %gather3A_411 = tpu.vector_load_idx %arg6[%add3A_36, %broadcast_in_dim3A_410] : memref<512x128xf32, #tpu.memory_space<vmem>>[vector<16xi32>, vector<16xi32>], vector<16xf32>,
      %mul3A_412 = arith.constant 16 : i32
      %mul3A_413 = arith.muli %scan3A_22, %mul3A_412 : i32
      %add3A_414 = arith.constant 0 : i32
      %add3A_415 = arith.addi %add3A_414, %mul3A_413 : i32
      %swap3A_416 = arith.constant 34 : i32
      %swap3A_417 = arith.index_cast %swap3A_416 : i32 to index
      %swap3A_418 = arith.index_cast %add3A_415 : i32 to index
      %swap3A_419 = tpu.vector_load %arg7[%swap3A_417, %swap3A_418] {strides = array<i32>} : memref<64x512xf32, #tpu.memory_space<vmem>>, vector<16xf32>,
      tpu.vector_store %arg7[%swap3A_417, %swap3A_418], %gather3A_411 {strides = array<i32>} : memref<64x512xf32, #tpu.memory_space<vmem>>, vector<16xf32>,
      %broadcast_in_dim3A_420 = arith.constant 35 : i32
      %broadcast_in_dim3A_421 = vector.broadcast %broadcast_in_dim3A_420 : i32 to vector<16xi32>
      %gather3A_422 = tpu.vector_load_idx %arg6[%add3A_36, %broadcast_in_dim3A_421] : memref<512x128xf32, #tpu.memory_space<vmem>>[vector<16xi32>, vector<16xi32>], vector<16xf32>,
      %mul3A_423 = arith.constant 16 : i32
      %mul3A_424 = arith.muli %scan3A_22, %mul3A_423 : i32
      %add3A_425 = arith.constant 0 : i32
      %add3A_426 = arith.addi %add3A_425, %mul3A_424 : i32
      %swap3A_427 = arith.constant 35 : i32
      %swap3A_428 = arith.index_cast %swap3A_427 : i32 to index
      %swap3A_429 = arith.index_cast %add3A_426 : i32 to index
      %swap3A_430 = tpu.vector_load %arg7[%swap3A_428, %swap3A_429] {strides = array<i32>} : memref<64x512xf32, #tpu.memory_space<vmem>>, vector<16xf32>,
      tpu.vector_store %arg7[%swap3A_428, %swap3A_429], %gather3A_422 {strides = array<i32>} : memref<64x512xf32, #tpu.memory_space<vmem>>, vector<16xf32>,
      %broadcast_in_dim3A_431 = arith.constant 36 : i32
      %broadcast_in_dim3A_432 = vector.broadcast %broadcast_in_dim3A_431 : i32 to vector<16xi32>
      %gather3A_433 = tpu.vector_load_idx %arg6[%add3A_36, %broadcast_in_dim3A_432] : memref<512x128xf32, #tpu.memory_space<vmem>>[vector<16xi32>, vector<16xi32>], vector<16xf32>,
      %mul3A_434 = arith.constant 16 : i32
      %mul3A_435 = arith.muli %scan3A_22, %mul3A_434 : i32
      %add3A_436 = arith.constant 0 : i32
      %add3A_437 = arith.addi %add3A_436, %mul3A_435 : i32
      %swap3A_438 = arith.constant 36 : i32
      %swap3A_439 = arith.index_cast %swap3A_438 : i32 to index
      %swap3A_440 = arith.index_cast %add3A_437 : i32 to index
      %swap3A_441 = tpu.vector_load %arg7[%swap3A_439, %swap3A_440] {strides = array<i32>} : memref<64x512xf32, #tpu.memory_space<vmem>>, vector<16xf32>,
      tpu.vector_store %arg7[%swap3A_439, %swap3A_440], %gather3A_433 {strides = array<i32>} : memref<64x512xf32, #tpu.memory_space<vmem>>, vector<16xf32>,
      %broadcast_in_dim3A_442 = arith.constant 37 : i32
      %broadcast_in_dim3A_443 = vector.broadcast %broadcast_in_dim3A_442 : i32 to vector<16xi32>
      %gather3A_444 = tpu.vector_load_idx %arg6[%add3A_36, %broadcast_in_dim3A_443] : memref<512x128xf32, #tpu.memory_space<vmem>>[vector<16xi32>, vector<16xi32>], vector<16xf32>,
      %mul3A_445 = arith.constant 16 : i32
      %mul3A_446 = arith.muli %scan3A_22, %mul3A_445 : i32
      %add3A_447 = arith.constant 0 : i32
      %add3A_448 = arith.addi %add3A_447, %mul3A_446 : i32
      %swap3A_449 = arith.constant 37 : i32
      %swap3A_450 = arith.index_cast %swap3A_449 : i32 to index
      %swap3A_451 = arith.index_cast %add3A_448 : i32 to index
      %swap3A_452 = tpu.vector_load %arg7[%swap3A_450, %swap3A_451] {strides = array<i32>} : memref<64x512xf32, #tpu.memory_space<vmem>>, vector<16xf32>,
      tpu.vector_store %arg7[%swap3A_450, %swap3A_451], %gather3A_444 {strides = array<i32>} : memref<64x512xf32, #tpu.memory_space<vmem>>, vector<16xf32>,
      %broadcast_in_dim3A_453 = arith.constant 38 : i32
      %broadcast_in_dim3A_454 = vector.broadcast %broadcast_in_dim3A_453 : i32 to vector<16xi32>
      %gather3A_455 = tpu.vector_load_idx %arg6[%add3A_36, %broadcast_in_dim3A_454] : memref<512x128xf32, #tpu.memory_space<vmem>>[vector<16xi32>, vector<16xi32>], vector<16xf32>,
      %mul3A_456 = arith.constant 16 : i32
      %mul3A_457 = arith.muli %scan3A_22, %mul3A_456 : i32
      %add3A_458 = arith.constant 0 : i32
      %add3A_459 = arith.addi %add3A_458, %mul3A_457 : i32
      %swap3A_460 = arith.constant 38 : i32
      %swap3A_461 = arith.index_cast %swap3A_460 : i32 to index
      %swap3A_462 = arith.index_cast %add3A_459 : i32 to index
      %swap3A_463 = tpu.vector_load %arg7[%swap3A_461, %swap3A_462] {strides = array<i32>} : memref<64x512xf32, #tpu.memory_space<vmem>>, vector<16xf32>,
      tpu.vector_store %arg7[%swap3A_461, %swap3A_462], %gather3A_455 {strides = array<i32>} : memref<64x512xf32, #tpu.memory_space<vmem>>, vector<16xf32>,
      %broadcast_in_dim3A_464 = arith.constant 39 : i32
      %broadcast_in_dim3A_465 = vector.broadcast %broadcast_in_dim3A_464 : i32 to vector<16xi32>
      %gather3A_466 = tpu.vector_load_idx %arg6[%add3A_36, %broadcast_in_dim3A_465] : memref<512x128xf32, #tpu.memory_space<vmem>>[vector<16xi32>, vector<16xi32>], vector<16xf32>,
      %mul3A_467 = arith.constant 16 : i32
      %mul3A_468 = arith.muli %scan3A_22, %mul3A_467 : i32
      %add3A_469 = arith.constant 0 : i32
      %add3A_470 = arith.addi %add3A_469, %mul3A_468 : i32
      %swap3A_471 = arith.constant 39 : i32
      %swap3A_472 = arith.index_cast %swap3A_471 : i32 to index
      %swap3A_473 = arith.index_cast %add3A_470 : i32 to index
      %swap3A_474 = tpu.vector_load %arg7[%swap3A_472, %swap3A_473] {strides = array<i32>} : memref<64x512xf32, #tpu.memory_space<vmem>>, vector<16xf32>,
      tpu.vector_store %arg7[%swap3A_472, %swap3A_473], %gather3A_466 {strides = array<i32>} : memref<64x512xf32, #tpu.memory_space<vmem>>, vector<16xf32>,
      %broadcast_in_dim3A_475 = arith.constant 40 : i32
      %broadcast_in_dim3A_476 = vector.broadcast %broadcast_in_dim3A_475 : i32 to vector<16xi32>
      %gather3A_477 = tpu.vector_load_idx %arg6[%add3A_36, %broadcast_in_dim3A_476] : memref<512x128xf32, #tpu.memory_space<vmem>>[vector<16xi32>, vector<16xi32>], vector<16xf32>,
      %mul3A_478 = arith.constant 16 : i32
      %mul3A_479 = arith.muli %scan3A_22, %mul3A_478 : i32
      %add3A_480 = arith.constant 0 : i32
      %add3A_481 = arith.addi %add3A_480, %mul3A_479 : i32
      %swap3A_482 = arith.constant 40 : i32
      %swap3A_483 = arith.index_cast %swap3A_482 : i32 to index
      %swap3A_484 = arith.index_cast %add3A_481 : i32 to index
      %swap3A_485 = tpu.vector_load %arg7[%swap3A_483, %swap3A_484] {strides = array<i32>} : memref<64x512xf32, #tpu.memory_space<vmem>>, vector<16xf32>,
      tpu.vector_store %arg7[%swap3A_483, %swap3A_484], %gather3A_477 {strides = array<i32>} : memref<64x512xf32, #tpu.memory_space<vmem>>, vector<16xf32>,
      %broadcast_in_dim3A_486 = arith.constant 41 : i32
      %broadcast_in_dim3A_487 = vector.broadcast %broadcast_in_dim3A_486 : i32 to vector<16xi32>
      %gather3A_488 = tpu.vector_load_idx %arg6[%add3A_36, %broadcast_in_dim3A_487] : memref<512x128xf32, #tpu.memory_space<vmem>>[vector<16xi32>, vector<16xi32>], vector<16xf32>,
      %mul3A_489 = arith.constant 16 : i32
      %mul3A_490 = arith.muli %scan3A_22, %mul3A_489 : i32
      %add3A_491 = arith.constant 0 : i32
      %add3A_492 = arith.addi %add3A_491, %mul3A_490 : i32
      %swap3A_493 = arith.constant 41 : i32
      %swap3A_494 = arith.index_cast %swap3A_493 : i32 to index
      %swap3A_495 = arith.index_cast %add3A_492 : i32 to index
      %swap3A_496 = tpu.vector_load %arg7[%swap3A_494, %swap3A_495] {strides = array<i32>} : memref<64x512xf32, #tpu.memory_space<vmem>>, vector<16xf32>,
      tpu.vector_store %arg7[%swap3A_494, %swap3A_495], %gather3A_488 {strides = array<i32>} : memref<64x512xf32, #tpu.memory_space<vmem>>, vector<16xf32>,
      %broadcast_in_dim3A_497 = arith.constant 42 : i32
      %broadcast_in_dim3A_498 = vector.broadcast %broadcast_in_dim3A_497 : i32 to vector<16xi32>
      %gather3A_499 = tpu.vector_load_idx %arg6[%add3A_36, %broadcast_in_dim3A_498] : memref<512x128xf32, #tpu.memory_space<vmem>>[vector<16xi32>, vector<16xi32>], vector<16xf32>,
      %mul3A_500 = arith.constant 16 : i32
      %mul3A_501 = arith.muli %scan3A_22, %mul3A_500 : i32
      %add3A_502 = arith.constant 0 : i32
      %add3A_503 = arith.addi %add3A_502, %mul3A_501 : i32
      %swap3A_504 = arith.constant 42 : i32
      %swap3A_505 = arith.index_cast %swap3A_504 : i32 to index
      %swap3A_506 = arith.index_cast %add3A_503 : i32 to index
      %swap3A_507 = tpu.vector_load %arg7[%swap3A_505, %swap3A_506] {strides = array<i32>} : memref<64x512xf32, #tpu.memory_space<vmem>>, vector<16xf32>,
      tpu.vector_store %arg7[%swap3A_505, %swap3A_506], %gather3A_499 {strides = array<i32>} : memref<64x512xf32, #tpu.memory_space<vmem>>, vector<16xf32>,
      %broadcast_in_dim3A_508 = arith.constant 43 : i32
      %broadcast_in_dim3A_509 = vector.broadcast %broadcast_in_dim3A_508 : i32 to vector<16xi32>
      %gather3A_510 = tpu.vector_load_idx %arg6[%add3A_36, %broadcast_in_dim3A_509] : memref<512x128xf32, #tpu.memory_space<vmem>>[vector<16xi32>, vector<16xi32>], vector<16xf32>,
      %mul3A_511 = arith.constant 16 : i32
      %mul3A_512 = arith.muli %scan3A_22, %mul3A_511 : i32
      %add3A_513 = arith.constant 0 : i32
      %add3A_514 = arith.addi %add3A_513, %mul3A_512 : i32
      %swap3A_515 = arith.constant 43 : i32
      %swap3A_516 = arith.index_cast %swap3A_515 : i32 to index
      %swap3A_517 = arith.index_cast %add3A_514 : i32 to index
      %swap3A_518 = tpu.vector_load %arg7[%swap3A_516, %swap3A_517] {strides = array<i32>} : memref<64x512xf32, #tpu.memory_space<vmem>>, vector<16xf32>,
      tpu.vector_store %arg7[%swap3A_516, %swap3A_517], %gather3A_510 {strides = array<i32>} : memref<64x512xf32, #tpu.memory_space<vmem>>, vector<16xf32>,
      %broadcast_in_dim3A_519 = arith.constant 44 : i32
      %broadcast_in_dim3A_520 = vector.broadcast %broadcast_in_dim3A_519 : i32 to vector<16xi32>
      %gather3A_521 = tpu.vector_load_idx %arg6[%add3A_36, %broadcast_in_dim3A_520] : memref<512x128xf32, #tpu.memory_space<vmem>>[vector<16xi32>, vector<16xi32>], vector<16xf32>,
      %mul3A_522 = arith.constant 16 : i32
      %mul3A_523 = arith.muli %scan3A_22, %mul3A_522 : i32
      %add3A_524 = arith.constant 0 : i32
      %add3A_525 = arith.addi %add3A_524, %mul3A_523 : i32
      %swap3A_526 = arith.constant 44 : i32
      %swap3A_527 = arith.index_cast %swap3A_526 : i32 to index
      %swap3A_528 = arith.index_cast %add3A_525 : i32 to index
      %swap3A_529 = tpu.vector_load %arg7[%swap3A_527, %swap3A_528] {strides = array<i32>} : memref<64x512xf32, #tpu.memory_space<vmem>>, vector<16xf32>,
      tpu.vector_store %arg7[%swap3A_527, %swap3A_528], %gather3A_521 {strides = array<i32>} : memref<64x512xf32, #tpu.memory_space<vmem>>, vector<16xf32>,
      %broadcast_in_dim3A_530 = arith.constant 45 : i32
      %broadcast_in_dim3A_531 = vector.broadcast %broadcast_in_dim3A_530 : i32 to vector<16xi32>
      %gather3A_532 = tpu.vector_load_idx %arg6[%add3A_36, %broadcast_in_dim3A_531] : memref<512x128xf32, #tpu.memory_space<vmem>>[vector<16xi32>, vector<16xi32>], vector<16xf32>,
      %mul3A_533 = arith.constant 16 : i32
      %mul3A_534 = arith.muli %scan3A_22, %mul3A_533 : i32
      %add3A_535 = arith.constant 0 : i32
      %add3A_536 = arith.addi %add3A_535, %mul3A_534 : i32
      %swap3A_537 = arith.constant 45 : i32
      %swap3A_538 = arith.index_cast %swap3A_537 : i32 to index
      %swap3A_539 = arith.index_cast %add3A_536 : i32 to index
      %swap3A_540 = tpu.vector_load %arg7[%swap3A_538, %swap3A_539] {strides = array<i32>} : memref<64x512xf32, #tpu.memory_space<vmem>>, vector<16xf32>,
      tpu.vector_store %arg7[%swap3A_538, %swap3A_539], %gather3A_532 {strides = array<i32>} : memref<64x512xf32, #tpu.memory_space<vmem>>, vector<16xf32>,
      %broadcast_in_dim3A_541 = arith.constant 46 : i32
      %broadcast_in_dim3A_542 = vector.broadcast %broadcast_in_dim3A_541 : i32 to vector<16xi32>
      %gather3A_543 = tpu.vector_load_idx %arg6[%add3A_36, %broadcast_in_dim3A_542] : memref<512x128xf32, #tpu.memory_space<vmem>>[vector<16xi32>, vector<16xi32>], vector<16xf32>,
      %mul3A_544 = arith.constant 16 : i32
      %mul3A_545 = arith.muli %scan3A_22, %mul3A_544 : i32
      %add3A_546 = arith.constant 0 : i32
      %add3A_547 = arith.addi %add3A_546, %mul3A_545 : i32
      %swap3A_548 = arith.constant 46 : i32
      %swap3A_549 = arith.index_cast %swap3A_548 : i32 to index
      %swap3A_550 = arith.index_cast %add3A_547 : i32 to index
      %swap3A_551 = tpu.vector_load %arg7[%swap3A_549, %swap3A_550] {strides = array<i32>} : memref<64x512xf32, #tpu.memory_space<vmem>>, vector<16xf32>,
      tpu.vector_store %arg7[%swap3A_549, %swap3A_550], %gather3A_543 {strides = array<i32>} : memref<64x512xf32, #tpu.memory_space<vmem>>, vector<16xf32>,
      %broadcast_in_dim3A_552 = arith.constant 47 : i32
      %broadcast_in_dim3A_553 = vector.broadcast %broadcast_in_dim3A_552 : i32 to vector<16xi32>
      %gather3A_554 = tpu.vector_load_idx %arg6[%add3A_36, %broadcast_in_dim3A_553] : memref<512x128xf32, #tpu.memory_space<vmem>>[vector<16xi32>, vector<16xi32>], vector<16xf32>,
      %mul3A_555 = arith.constant 16 : i32
      %mul3A_556 = arith.muli %scan3A_22, %mul3A_555 : i32
      %add3A_557 = arith.constant 0 : i32
      %add3A_558 = arith.addi %add3A_557, %mul3A_556 : i32
      %swap3A_559 = arith.constant 47 : i32
      %swap3A_560 = arith.index_cast %swap3A_559 : i32 to index
      %swap3A_561 = arith.index_cast %add3A_558 : i32 to index
      %swap3A_562 = tpu.vector_load %arg7[%swap3A_560, %swap3A_561] {strides = array<i32>} : memref<64x512xf32, #tpu.memory_space<vmem>>, vector<16xf32>,
      tpu.vector_store %arg7[%swap3A_560, %swap3A_561], %gather3A_554 {strides = array<i32>} : memref<64x512xf32, #tpu.memory_space<vmem>>, vector<16xf32>,
      %broadcast_in_dim3A_563 = arith.constant 48 : i32
      %broadcast_in_dim3A_564 = vector.broadcast %broadcast_in_dim3A_563 : i32 to vector<16xi32>
      %gather3A_565 = tpu.vector_load_idx %arg6[%add3A_36, %broadcast_in_dim3A_564] : memref<512x128xf32, #tpu.memory_space<vmem>>[vector<16xi32>, vector<16xi32>], vector<16xf32>,
      %mul3A_566 = arith.constant 16 : i32
      %mul3A_567 = arith.muli %scan3A_22, %mul3A_566 : i32
      %add3A_568 = arith.constant 0 : i32
      %add3A_569 = arith.addi %add3A_568, %mul3A_567 : i32
      %swap3A_570 = arith.constant 48 : i32
      %swap3A_571 = arith.index_cast %swap3A_570 : i32 to index
      %swap3A_572 = arith.index_cast %add3A_569 : i32 to index
      %swap3A_573 = tpu.vector_load %arg7[%swap3A_571, %swap3A_572] {strides = array<i32>} : memref<64x512xf32, #tpu.memory_space<vmem>>, vector<16xf32>,
      tpu.vector_store %arg7[%swap3A_571, %swap3A_572], %gather3A_565 {strides = array<i32>} : memref<64x512xf32, #tpu.memory_space<vmem>>, vector<16xf32>,
      %broadcast_in_dim3A_574 = arith.constant 49 : i32
      %broadcast_in_dim3A_575 = vector.broadcast %broadcast_in_dim3A_574 : i32 to vector<16xi32>
      %gather3A_576 = tpu.vector_load_idx %arg6[%add3A_36, %broadcast_in_dim3A_575] : memref<512x128xf32, #tpu.memory_space<vmem>>[vector<16xi32>, vector<16xi32>], vector<16xf32>,
      %mul3A_577 = arith.constant 16 : i32
      %mul3A_578 = arith.muli %scan3A_22, %mul3A_577 : i32
      %add3A_579 = arith.constant 0 : i32
      %add3A_580 = arith.addi %add3A_579, %mul3A_578 : i32
      %swap3A_581 = arith.constant 49 : i32
      %swap3A_582 = arith.index_cast %swap3A_581 : i32 to index
      %swap3A_583 = arith.index_cast %add3A_580 : i32 to index
      %swap3A_584 = tpu.vector_load %arg7[%swap3A_582, %swap3A_583] {strides = array<i32>} : memref<64x512xf32, #tpu.memory_space<vmem>>, vector<16xf32>,
      tpu.vector_store %arg7[%swap3A_582, %swap3A_583], %gather3A_576 {strides = array<i32>} : memref<64x512xf32, #tpu.memory_space<vmem>>, vector<16xf32>,
      %broadcast_in_dim3A_585 = arith.constant 50 : i32
      %broadcast_in_dim3A_586 = vector.broadcast %broadcast_in_dim3A_585 : i32 to vector<16xi32>
      %gather3A_587 = tpu.vector_load_idx %arg6[%add3A_36, %broadcast_in_dim3A_586] : memref<512x128xf32, #tpu.memory_space<vmem>>[vector<16xi32>, vector<16xi32>], vector<16xf32>,
      %mul3A_588 = arith.constant 16 : i32
      %mul3A_589 = arith.muli %scan3A_22, %mul3A_588 : i32
      %add3A_590 = arith.constant 0 : i32
      %add3A_591 = arith.addi %add3A_590, %mul3A_589 : i32
      %swap3A_592 = arith.constant 50 : i32
      %swap3A_593 = arith.index_cast %swap3A_592 : i32 to index
      %swap3A_594 = arith.index_cast %add3A_591 : i32 to index
      %swap3A_595 = tpu.vector_load %arg7[%swap3A_593, %swap3A_594] {strides = array<i32>} : memref<64x512xf32, #tpu.memory_space<vmem>>, vector<16xf32>,
      tpu.vector_store %arg7[%swap3A_593, %swap3A_594], %gather3A_587 {strides = array<i32>} : memref<64x512xf32, #tpu.memory_space<vmem>>, vector<16xf32>,
      %broadcast_in_dim3A_596 = arith.constant 51 : i32
      %broadcast_in_dim3A_597 = vector.broadcast %broadcast_in_dim3A_596 : i32 to vector<16xi32>
      %gather3A_598 = tpu.vector_load_idx %arg6[%add3A_36, %broadcast_in_dim3A_597] : memref<512x128xf32, #tpu.memory_space<vmem>>[vector<16xi32>, vector<16xi32>], vector<16xf32>,
      %mul3A_599 = arith.constant 16 : i32
      %mul3A_600 = arith.muli %scan3A_22, %mul3A_599 : i32
      %add3A_601 = arith.constant 0 : i32
      %add3A_602 = arith.addi %add3A_601, %mul3A_600 : i32
      %swap3A_603 = arith.constant 51 : i32
      %swap3A_604 = arith.index_cast %swap3A_603 : i32 to index
      %swap3A_605 = arith.index_cast %add3A_602 : i32 to index
      %swap3A_606 = tpu.vector_load %arg7[%swap3A_604, %swap3A_605] {strides = array<i32>} : memref<64x512xf32, #tpu.memory_space<vmem>>, vector<16xf32>,
      tpu.vector_store %arg7[%swap3A_604, %swap3A_605], %gather3A_598 {strides = array<i32>} : memref<64x512xf32, #tpu.memory_space<vmem>>, vector<16xf32>,
      %broadcast_in_dim3A_607 = arith.constant 52 : i32
      %broadcast_in_dim3A_608 = vector.broadcast %broadcast_in_dim3A_607 : i32 to vector<16xi32>
      %gather3A_609 = tpu.vector_load_idx %arg6[%add3A_36, %broadcast_in_dim3A_608] : memref<512x128xf32, #tpu.memory_space<vmem>>[vector<16xi32>, vector<16xi32>], vector<16xf32>,
      %mul3A_610 = arith.constant 16 : i32
      %mul3A_611 = arith.muli %scan3A_22, %mul3A_610 : i32
      %add3A_612 = arith.constant 0 : i32
      %add3A_613 = arith.addi %add3A_612, %mul3A_611 : i32
      %swap3A_614 = arith.constant 52 : i32
      %swap3A_615 = arith.index_cast %swap3A_614 : i32 to index
      %swap3A_616 = arith.index_cast %add3A_613 : i32 to index
      %swap3A_617 = tpu.vector_load %arg7[%swap3A_615, %swap3A_616] {strides = array<i32>} : memref<64x512xf32, #tpu.memory_space<vmem>>, vector<16xf32>,
      tpu.vector_store %arg7[%swap3A_615, %swap3A_616], %gather3A_609 {strides = array<i32>} : memref<64x512xf32, #tpu.memory_space<vmem>>, vector<16xf32>,
      %broadcast_in_dim3A_618 = arith.constant 53 : i32
      %broadcast_in_dim3A_619 = vector.broadcast %broadcast_in_dim3A_618 : i32 to vector<16xi32>
      %gather3A_620 = tpu.vector_load_idx %arg6[%add3A_36, %broadcast_in_dim3A_619] : memref<512x128xf32, #tpu.memory_space<vmem>>[vector<16xi32>, vector<16xi32>], vector<16xf32>,
      %mul3A_621 = arith.constant 16 : i32
      %mul3A_622 = arith.muli %scan3A_22, %mul3A_621 : i32
      %add3A_623 = arith.constant 0 : i32
      %add3A_624 = arith.addi %add3A_623, %mul3A_622 : i32
      %swap3A_625 = arith.constant 53 : i32
      %swap3A_626 = arith.index_cast %swap3A_625 : i32 to index
      %swap3A_627 = arith.index_cast %add3A_624 : i32 to index
      %swap3A_628 = tpu.vector_load %arg7[%swap3A_626, %swap3A_627] {strides = array<i32>} : memref<64x512xf32, #tpu.memory_space<vmem>>, vector<16xf32>,
      tpu.vector_store %arg7[%swap3A_626, %swap3A_627], %gather3A_620 {strides = array<i32>} : memref<64x512xf32, #tpu.memory_space<vmem>>, vector<16xf32>,
      %broadcast_in_dim3A_629 = arith.constant 54 : i32
      %broadcast_in_dim3A_630 = vector.broadcast %broadcast_in_dim3A_629 : i32 to vector<16xi32>
      %gather3A_631 = tpu.vector_load_idx %arg6[%add3A_36, %broadcast_in_dim3A_630] : memref<512x128xf32, #tpu.memory_space<vmem>>[vector<16xi32>, vector<16xi32>], vector<16xf32>,
      %mul3A_632 = arith.constant 16 : i32
      %mul3A_633 = arith.muli %scan3A_22, %mul3A_632 : i32
      %add3A_634 = arith.constant 0 : i32
      %add3A_635 = arith.addi %add3A_634, %mul3A_633 : i32
      %swap3A_636 = arith.constant 54 : i32
      %swap3A_637 = arith.index_cast %swap3A_636 : i32 to index
      %swap3A_638 = arith.index_cast %add3A_635 : i32 to index
      %swap3A_639 = tpu.vector_load %arg7[%swap3A_637, %swap3A_638] {strides = array<i32>} : memref<64x512xf32, #tpu.memory_space<vmem>>, vector<16xf32>,
      tpu.vector_store %arg7[%swap3A_637, %swap3A_638], %gather3A_631 {strides = array<i32>} : memref<64x512xf32, #tpu.memory_space<vmem>>, vector<16xf32>,
      %broadcast_in_dim3A_640 = arith.constant 55 : i32
      %broadcast_in_dim3A_641 = vector.broadcast %broadcast_in_dim3A_640 : i32 to vector<16xi32>
      %gather3A_642 = tpu.vector_load_idx %arg6[%add3A_36, %broadcast_in_dim3A_641] : memref<512x128xf32, #tpu.memory_space<vmem>>[vector<16xi32>, vector<16xi32>], vector<16xf32>,
      %mul3A_643 = arith.constant 16 : i32
      %mul3A_644 = arith.muli %scan3A_22, %mul3A_643 : i32
      %add3A_645 = arith.constant 0 : i32
      %add3A_646 = arith.addi %add3A_645, %mul3A_644 : i32
      %swap3A_647 = arith.constant 55 : i32
      %swap3A_648 = arith.index_cast %swap3A_647 : i32 to index
      %swap3A_649 = arith.index_cast %add3A_646 : i32 to index
      %swap3A_650 = tpu.vector_load %arg7[%swap3A_648, %swap3A_649] {strides = array<i32>} : memref<64x512xf32, #tpu.memory_space<vmem>>, vector<16xf32>,
      tpu.vector_store %arg7[%swap3A_648, %swap3A_649], %gather3A_642 {strides = array<i32>} : memref<64x512xf32, #tpu.memory_space<vmem>>, vector<16xf32>,
      %broadcast_in_dim3A_651 = arith.constant 56 : i32
      %broadcast_in_dim3A_652 = vector.broadcast %broadcast_in_dim3A_651 : i32 to vector<16xi32>
      %gather3A_653 = tpu.vector_load_idx %arg6[%add3A_36, %broadcast_in_dim3A_652] : memref<512x128xf32, #tpu.memory_space<vmem>>[vector<16xi32>, vector<16xi32>], vector<16xf32>,
      %mul3A_654 = arith.constant 16 : i32
      %mul3A_655 = arith.muli %scan3A_22, %mul3A_654 : i32
      %add3A_656 = arith.constant 0 : i32
      %add3A_657 = arith.addi %add3A_656, %mul3A_655 : i32
      %swap3A_658 = arith.constant 56 : i32
      %swap3A_659 = arith.index_cast %swap3A_658 : i32 to index
      %swap3A_660 = arith.index_cast %add3A_657 : i32 to index
      %swap3A_661 = tpu.vector_load %arg7[%swap3A_659, %swap3A_660] {strides = array<i32>} : memref<64x512xf32, #tpu.memory_space<vmem>>, vector<16xf32>,
      tpu.vector_store %arg7[%swap3A_659, %swap3A_660], %gather3A_653 {strides = array<i32>} : memref<64x512xf32, #tpu.memory_space<vmem>>, vector<16xf32>,
      %broadcast_in_dim3A_662 = arith.constant 57 : i32
      %broadcast_in_dim3A_663 = vector.broadcast %broadcast_in_dim3A_662 : i32 to vector<16xi32>
      %gather3A_664 = tpu.vector_load_idx %arg6[%add3A_36, %broadcast_in_dim3A_663] : memref<512x128xf32, #tpu.memory_space<vmem>>[vector<16xi32>, vector<16xi32>], vector<16xf32>,
      %mul3A_665 = arith.constant 16 : i32
      %mul3A_666 = arith.muli %scan3A_22, %mul3A_665 : i32
      %add3A_667 = arith.constant 0 : i32
      %add3A_668 = arith.addi %add3A_667, %mul3A_666 : i32
      %swap3A_669 = arith.constant 57 : i32
      %swap3A_670 = arith.index_cast %swap3A_669 : i32 to index
      %swap3A_671 = arith.index_cast %add3A_668 : i32 to index
      %swap3A_672 = tpu.vector_load %arg7[%swap3A_670, %swap3A_671] {strides = array<i32>} : memref<64x512xf32, #tpu.memory_space<vmem>>, vector<16xf32>,
      tpu.vector_store %arg7[%swap3A_670, %swap3A_671], %gather3A_664 {strides = array<i32>} : memref<64x512xf32, #tpu.memory_space<vmem>>, vector<16xf32>,
      %broadcast_in_dim3A_673 = arith.constant 58 : i32
      %broadcast_in_dim3A_674 = vector.broadcast %broadcast_in_dim3A_673 : i32 to vector<16xi32>
      %gather3A_675 = tpu.vector_load_idx %arg6[%add3A_36, %broadcast_in_dim3A_674] : memref<512x128xf32, #tpu.memory_space<vmem>>[vector<16xi32>, vector<16xi32>], vector<16xf32>,
      %mul3A_676 = arith.constant 16 : i32
      %mul3A_677 = arith.muli %scan3A_22, %mul3A_676 : i32
      %add3A_678 = arith.constant 0 : i32
      %add3A_679 = arith.addi %add3A_678, %mul3A_677 : i32
      %swap3A_680 = arith.constant 58 : i32
      %swap3A_681 = arith.index_cast %swap3A_680 : i32 to index
      %swap3A_682 = arith.index_cast %add3A_679 : i32 to index
      %swap3A_683 = tpu.vector_load %arg7[%swap3A_681, %swap3A_682] {strides = array<i32>} : memref<64x512xf32, #tpu.memory_space<vmem>>, vector<16xf32>,
      tpu.vector_store %arg7[%swap3A_681, %swap3A_682], %gather3A_675 {strides = array<i32>} : memref<64x512xf32, #tpu.memory_space<vmem>>, vector<16xf32>,
      %broadcast_in_dim3A_684 = arith.constant 59 : i32
      %broadcast_in_dim3A_685 = vector.broadcast %broadcast_in_dim3A_684 : i32 to vector<16xi32>
      %gather3A_686 = tpu.vector_load_idx %arg6[%add3A_36, %broadcast_in_dim3A_685] : memref<512x128xf32, #tpu.memory_space<vmem>>[vector<16xi32>, vector<16xi32>], vector<16xf32>,
      %mul3A_687 = arith.constant 16 : i32
      %mul3A_688 = arith.muli %scan3A_22, %mul3A_687 : i32
      %add3A_689 = arith.constant 0 : i32
      %add3A_690 = arith.addi %add3A_689, %mul3A_688 : i32
      %swap3A_691 = arith.constant 59 : i32
      %swap3A_692 = arith.index_cast %swap3A_691 : i32 to index
      %swap3A_693 = arith.index_cast %add3A_690 : i32 to index
      %swap3A_694 = tpu.vector_load %arg7[%swap3A_692, %swap3A_693] {strides = array<i32>} : memref<64x512xf32, #tpu.memory_space<vmem>>, vector<16xf32>,
      tpu.vector_store %arg7[%swap3A_692, %swap3A_693], %gather3A_686 {strides = array<i32>} : memref<64x512xf32, #tpu.memory_space<vmem>>, vector<16xf32>,
      %broadcast_in_dim3A_695 = arith.constant 60 : i32
      %broadcast_in_dim3A_696 = vector.broadcast %broadcast_in_dim3A_695 : i32 to vector<16xi32>
      %gather3A_697 = tpu.vector_load_idx %arg6[%add3A_36, %broadcast_in_dim3A_696] : memref<512x128xf32, #tpu.memory_space<vmem>>[vector<16xi32>, vector<16xi32>], vector<16xf32>,
      %mul3A_698 = arith.constant 16 : i32
      %mul3A_699 = arith.muli %scan3A_22, %mul3A_698 : i32
      %add3A_700 = arith.constant 0 : i32
      %add3A_701 = arith.addi %add3A_700, %mul3A_699 : i32
      %swap3A_702 = arith.constant 60 : i32
      %swap3A_703 = arith.index_cast %swap3A_702 : i32 to index
      %swap3A_704 = arith.index_cast %add3A_701 : i32 to index
      %swap3A_705 = tpu.vector_load %arg7[%swap3A_703, %swap3A_704] {strides = array<i32>} : memref<64x512xf32, #tpu.memory_space<vmem>>, vector<16xf32>,
      tpu.vector_store %arg7[%swap3A_703, %swap3A_704], %gather3A_697 {strides = array<i32>} : memref<64x512xf32, #tpu.memory_space<vmem>>, vector<16xf32>,
      %broadcast_in_dim3A_706 = arith.constant 61 : i32
      %broadcast_in_dim3A_707 = vector.broadcast %broadcast_in_dim3A_706 : i32 to vector<16xi32>
      %gather3A_708 = tpu.vector_load_idx %arg6[%add3A_36, %broadcast_in_dim3A_707] : memref<512x128xf32, #tpu.memory_space<vmem>>[vector<16xi32>, vector<16xi32>], vector<16xf32>,
      %mul3A_709 = arith.constant 16 : i32
      %mul3A_710 = arith.muli %scan3A_22, %mul3A_709 : i32
      %add3A_711 = arith.constant 0 : i32
      %add3A_712 = arith.addi %add3A_711, %mul3A_710 : i32
      %swap3A_713 = arith.constant 61 : i32
      %swap3A_714 = arith.index_cast %swap3A_713 : i32 to index
      %swap3A_715 = arith.index_cast %add3A_712 : i32 to index
      %swap3A_716 = tpu.vector_load %arg7[%swap3A_714, %swap3A_715] {strides = array<i32>} : memref<64x512xf32, #tpu.memory_space<vmem>>, vector<16xf32>,
      tpu.vector_store %arg7[%swap3A_714, %swap3A_715], %gather3A_708 {strides = array<i32>} : memref<64x512xf32, #tpu.memory_space<vmem>>, vector<16xf32>,
      %broadcast_in_dim3A_717 = arith.constant 62 : i32
      %broadcast_in_dim3A_718 = vector.broadcast %broadcast_in_dim3A_717 : i32 to vector<16xi32>
      %gather3A_719 = tpu.vector_load_idx %arg6[%add3A_36, %broadcast_in_dim3A_718] : memref<512x128xf32, #tpu.memory_space<vmem>>[vector<16xi32>, vector<16xi32>], vector<16xf32>,
      %mul3A_720 = arith.constant 16 : i32
      %mul3A_721 = arith.muli %scan3A_22, %mul3A_720 : i32
      %add3A_722 = arith.constant 0 : i32
      %add3A_723 = arith.addi %add3A_722, %mul3A_721 : i32
      %swap3A_724 = arith.constant 62 : i32
      %swap3A_725 = arith.index_cast %swap3A_724 : i32 to index
      %swap3A_726 = arith.index_cast %add3A_723 : i32 to index
      %swap3A_727 = tpu.vector_load %arg7[%swap3A_725, %swap3A_726] {strides = array<i32>} : memref<64x512xf32, #tpu.memory_space<vmem>>, vector<16xf32>,
      tpu.vector_store %arg7[%swap3A_725, %swap3A_726], %gather3A_719 {strides = array<i32>} : memref<64x512xf32, #tpu.memory_space<vmem>>, vector<16xf32>,
      %broadcast_in_dim3A_728 = arith.constant 63 : i32
      %broadcast_in_dim3A_729 = vector.broadcast %broadcast_in_dim3A_728 : i32 to vector<16xi32>
      %gather3A_730 = tpu.vector_load_idx %arg6[%add3A_36, %broadcast_in_dim3A_729] : memref<512x128xf32, #tpu.memory_space<vmem>>[vector<16xi32>, vector<16xi32>], vector<16xf32>,
      %mul3A_731 = arith.constant 16 : i32
      %mul3A_732 = arith.muli %scan3A_22, %mul3A_731 : i32
      %add3A_733 = arith.constant 0 : i32
      %add3A_734 = arith.addi %add3A_733, %mul3A_732 : i32
      %swap3A_735 = arith.constant 63 : i32
      %swap3A_736 = arith.index_cast %swap3A_735 : i32 to index
      %swap3A_737 = arith.index_cast %add3A_734 : i32 to index
      %swap3A_738 = tpu.vector_load %arg7[%swap3A_736, %swap3A_737] {strides = array<i32>} : memref<64x512xf32, #tpu.memory_space<vmem>>, vector<16xf32>,
      tpu.vector_store %arg7[%swap3A_736, %swap3A_737], %gather3A_730 {strides = array<i32>} : memref<64x512xf32, #tpu.memory_space<vmem>>, vector<16xf32>,
    }
    %scan3A_11 = arith.constant 16 : i32
    %add3A_12 = arith.constant 256 : i32
    %add3A_13 = arith.addi %mul3A_2, %add3A_12 : i32
    "tpu.region"() ({
      %run_scoped3A = tpu.sem_alloc : memref<!tpu.dma_semaphore, #tpu.memory_space<semaphore_mem>>
      %dma_start3A = arith.constant 0 : i32
      %dma_start3A_22 = arith.constant 0 : i32
      %dma_start3A_23 = tpu.memref_slice %arg6[%dma_start3A, %dma_start3A_22] : memref<512x128xf32, #tpu.memory_space<vmem>> -> memref<256x128xf32, #tpu.memory_space<vmem>>
      %dma_start3A_24 = arith.constant 0 : i32
      %dma_start3A_25 = tpu.memref_slice %arg2[%add3A_13, %dma_start3A_24] : memref<32768x128xf32, #tpu.memory_space<hbm>> -> memref<256x128xf32, #tpu.memory_space<hbm>>
      %dma_start3A_26 = arith.constant 0 : i32
      %dma_start3A_27 = arith.constant 0 : i32
      %dma_start3A_28 = tpu.memref_slice %arg6[%dma_start3A_26, %dma_start3A_27] : memref<512x128xf32, #tpu.memory_space<vmem>> -> memref<256x128xf32, #tpu.memory_space<vmem>>
      %dma_start3A_29 = arith.constant 0 : i32
      %dma_start3A_30 = tpu.memref_slice %arg2[%add3A_13, %dma_start3A_29] : memref<32768x128xf32, #tpu.memory_space<hbm>> -> memref<256x128xf32, #tpu.memory_space<hbm>>
      tpu.enqueue_dma source(%dma_start3A_30 : memref<256x128xf32, #tpu.memory_space<hbm>>) target(%dma_start3A_28 : memref<256x128xf32, #tpu.memory_space<vmem>>) target_semaphore(%run_scoped3A : memref<!tpu.dma_semaphore, #tpu.memory_space<semaphore_mem>>)
      %dma_wait3A = arith.constant 0 : i32
      %dma_wait3A_31 = arith.constant 0 : i32
      %dma_wait3A_32 = tpu.memref_slice %arg6[%dma_wait3A, %dma_wait3A_31] : memref<512x128xf32, #tpu.memory_space<vmem>> -> memref<256x128xf32, #tpu.memory_space<vmem>>
      %dma_wait3A_33 = arith.constant 0 : i32
      %dma_wait3A_34 = tpu.memref_slice %arg2[%add3A_13, %dma_wait3A_33] : memref<32768x128xf32, #tpu.memory_space<hbm>> -> memref<256x128xf32, #tpu.memory_space<hbm>>
      %dma_wait3A_35 = arith.constant 0 : i32
      %dma_wait3A_36 = arith.constant 0 : i32
      %dma_wait3A_37 = tpu.memref_slice %arg6[%dma_wait3A_35, %dma_wait3A_36] : memref<512x128xf32, #tpu.memory_space<vmem>> -> memref<256x128xf32, #tpu.memory_space<vmem>>
      %dma_wait3A_38 = arith.constant 0 : i32
      %dma_wait3A_39 = tpu.memref_slice %arg2[%add3A_13, %dma_wait3A_38] : memref<32768x128xf32, #tpu.memory_space<hbm>> -> memref<256x128xf32, #tpu.memory_space<hbm>>
      tpu.wait_dma2 semaphore(%run_scoped3A : memref<!tpu.dma_semaphore, #tpu.memory_space<semaphore_mem>>) src(%dma_wait3A_39 : memref<256x128xf32, #tpu.memory_space<hbm>>) dst(%dma_wait3A_37 : memref<256x128xf32, #tpu.memory_space<vmem>>)
      tpu.yield
    }) : () -> ()
    %add3A_14 = arith.constant 16384 : i32
    %add3A_15 = arith.addi %add3A_14, %add3A_13 : i32
    "tpu.region"() ({
      %run_scoped3A = tpu.sem_alloc : memref<!tpu.dma_semaphore, #tpu.memory_space<semaphore_mem>>
      %dma_start3A = arith.constant 256 : i32
      %dma_start3A_22 = arith.constant 0 : i32
      %dma_start3A_23 = tpu.memref_slice %arg6[%dma_start3A, %dma_start3A_22] : memref<512x128xf32, #tpu.memory_space<vmem>> -> memref<256x128xf32, #tpu.memory_space<vmem>>
      %dma_start3A_24 = arith.constant 0 : i32
      %dma_start3A_25 = tpu.memref_slice %arg2[%add3A_15, %dma_start3A_24] : memref<32768x128xf32, #tpu.memory_space<hbm>> -> memref<256x128xf32, #tpu.memory_space<hbm>>
      %dma_start3A_26 = arith.constant 256 : i32
      %dma_start3A_27 = arith.constant 0 : i32
      %dma_start3A_28 = tpu.memref_slice %arg6[%dma_start3A_26, %dma_start3A_27] : memref<512x128xf32, #tpu.memory_space<vmem>> -> memref<256x128xf32, #tpu.memory_space<vmem>>
      %dma_start3A_29 = arith.constant 0 : i32
      %dma_start3A_30 = tpu.memref_slice %arg2[%add3A_15, %dma_start3A_29] : memref<32768x128xf32, #tpu.memory_space<hbm>> -> memref<256x128xf32, #tpu.memory_space<hbm>>
      tpu.enqueue_dma source(%dma_start3A_30 : memref<256x128xf32, #tpu.memory_space<hbm>>) target(%dma_start3A_28 : memref<256x128xf32, #tpu.memory_space<vmem>>) target_semaphore(%run_scoped3A : memref<!tpu.dma_semaphore, #tpu.memory_space<semaphore_mem>>)
      %dma_wait3A = arith.constant 256 : i32
      %dma_wait3A_31 = arith.constant 0 : i32
      %dma_wait3A_32 = tpu.memref_slice %arg6[%dma_wait3A, %dma_wait3A_31] : memref<512x128xf32, #tpu.memory_space<vmem>> -> memref<256x128xf32, #tpu.memory_space<vmem>>
      %dma_wait3A_33 = arith.constant 0 : i32
      %dma_wait3A_34 = tpu.memref_slice %arg2[%add3A_15, %dma_wait3A_33] : memref<32768x128xf32, #tpu.memory_space<hbm>> -> memref<256x128xf32, #tpu.memory_space<hbm>>
      %dma_wait3A_35 = arith.constant 256 : i32
      %dma_wait3A_36 = arith.constant 0 : i32
      %dma_wait3A_37 = tpu.memref_slice %arg6[%dma_wait3A_35, %dma_wait3A_36] : memref<512x128xf32, #tpu.memory_space<vmem>> -> memref<256x128xf32, #tpu.memory_space<vmem>>
      %dma_wait3A_38 = arith.constant 0 : i32
      %dma_wait3A_39 = tpu.memref_slice %arg2[%add3A_15, %dma_wait3A_38] : memref<32768x128xf32, #tpu.memory_space<hbm>> -> memref<256x128xf32, #tpu.memory_space<hbm>>
      tpu.wait_dma2 semaphore(%run_scoped3A : memref<!tpu.dma_semaphore, #tpu.memory_space<semaphore_mem>>) src(%dma_wait3A_39 : memref<256x128xf32, #tpu.memory_space<hbm>>) dst(%dma_wait3A_37 : memref<256x128xf32, #tpu.memory_space<vmem>>)
      tpu.yield
    }) : () -> ()
    %scan3A_16 = arith.constant 0 : i32
    %scan3A_17 = arith.constant 0 : i32
    %scan3A_18 = arith.constant 16 : i32
    %scan3A_19 = arith.addi %scan3A_17, %scan3A_18 : i32
    %scan3A_20 = arith.constant 1 : i32
    scf.for %scan3A_22 = %scan3A_17 to %scan3A_19 step %scan3A_20  : i32 {
      %mul3A_23 = arith.constant 16 : i32
      %mul3A_24 = arith.muli %scan3A_22, %mul3A_23 : i32
      %add3A_25 = arith.constant 256 : i32
      %add3A_26 = arith.addi %add3A_25, %mul3A_24 : i32
      %get3A = arith.index_cast %add3A_26 : i32 to index
      %get3A_27 = tpu.vector_load %arg5[%get3A] {strides = array<i32>} : memref<512xi32, #tpu.memory_space<vmem>>, vector<16xi32>,
      %ge3A = arith.constant 499968 : i32
      %ge3A_28 = vector.broadcast %ge3A : i32 to vector<16xi32>
      %ge3A_29 = arith.cmpi sge, %get3A_27, %ge3A_28 : vector<16xi32>
      %mul3A_30 = arith.constant 16 : i32
      %mul3A_31 = arith.muli %scan3A_22, %mul3A_30 : i32
      %add3A_32 = vector.broadcast %mul3A_31 : i32 to vector<16xi32>
      %add3A_33 = arith.addi %iota3A, %add3A_32 : vector<16xi32>
      %jit3A = arith.constant 256 : i32
      %jit3A_34 = arith.constant 0 : i32
      %broadcast_in_dim3A = vector.broadcast %jit3A : i32 to vector<16xi32>
      %broadcast_in_dim3A_35 = vector.broadcast %jit3A_34 : i32 to vector<16xi32>
      %select_n3A = arith.select %ge3A_29, %broadcast_in_dim3A, %broadcast_in_dim3A_35 : vector<16xi1>, vector<16xi32>
      %add3A_36 = arith.addi %add3A_33, %select_n3A : vector<16xi32>
      %broadcast_in_dim3A_37 = arith.constant 0 : i32
      %broadcast_in_dim3A_38 = vector.broadcast %broadcast_in_dim3A_37 : i32 to vector<16xi32>
      %gather3A = tpu.vector_load_idx %arg6[%add3A_36, %broadcast_in_dim3A_38] : memref<512x128xf32, #tpu.memory_space<vmem>>[vector<16xi32>, vector<16xi32>], vector<16xf32>,
      %mul3A_39 = arith.constant 16 : i32
      %mul3A_40 = arith.muli %scan3A_22, %mul3A_39 : i32
      %add3A_41 = arith.constant 256 : i32
      %add3A_42 = arith.addi %add3A_41, %mul3A_40 : i32
      %swap3A = arith.constant 0 : i32
      %swap3A_43 = arith.index_cast %swap3A : i32 to index
      %swap3A_44 = arith.index_cast %add3A_42 : i32 to index
      %swap3A_45 = tpu.vector_load %arg7[%swap3A_43, %swap3A_44] {strides = array<i32>} : memref<64x512xf32, #tpu.memory_space<vmem>>, vector<16xf32>,
      tpu.vector_store %arg7[%swap3A_43, %swap3A_44], %gather3A {strides = array<i32>} : memref<64x512xf32, #tpu.memory_space<vmem>>, vector<16xf32>,
      %broadcast_in_dim3A_46 = arith.constant 1 : i32
      %broadcast_in_dim3A_47 = vector.broadcast %broadcast_in_dim3A_46 : i32 to vector<16xi32>
      %gather3A_48 = tpu.vector_load_idx %arg6[%add3A_36, %broadcast_in_dim3A_47] : memref<512x128xf32, #tpu.memory_space<vmem>>[vector<16xi32>, vector<16xi32>], vector<16xf32>,
      %mul3A_49 = arith.constant 16 : i32
      %mul3A_50 = arith.muli %scan3A_22, %mul3A_49 : i32
      %add3A_51 = arith.constant 256 : i32
      %add3A_52 = arith.addi %add3A_51, %mul3A_50 : i32
      %swap3A_53 = arith.constant 1 : i32
      %swap3A_54 = arith.index_cast %swap3A_53 : i32 to index
      %swap3A_55 = arith.index_cast %add3A_52 : i32 to index
      %swap3A_56 = tpu.vector_load %arg7[%swap3A_54, %swap3A_55] {strides = array<i32>} : memref<64x512xf32, #tpu.memory_space<vmem>>, vector<16xf32>,
      tpu.vector_store %arg7[%swap3A_54, %swap3A_55], %gather3A_48 {strides = array<i32>} : memref<64x512xf32, #tpu.memory_space<vmem>>, vector<16xf32>,
      %broadcast_in_dim3A_57 = arith.constant 2 : i32
      %broadcast_in_dim3A_58 = vector.broadcast %broadcast_in_dim3A_57 : i32 to vector<16xi32>
      %gather3A_59 = tpu.vector_load_idx %arg6[%add3A_36, %broadcast_in_dim3A_58] : memref<512x128xf32, #tpu.memory_space<vmem>>[vector<16xi32>, vector<16xi32>], vector<16xf32>,
      %mul3A_60 = arith.constant 16 : i32
      %mul3A_61 = arith.muli %scan3A_22, %mul3A_60 : i32
      %add3A_62 = arith.constant 256 : i32
      %add3A_63 = arith.addi %add3A_62, %mul3A_61 : i32
      %swap3A_64 = arith.constant 2 : i32
      %swap3A_65 = arith.index_cast %swap3A_64 : i32 to index
      %swap3A_66 = arith.index_cast %add3A_63 : i32 to index
      %swap3A_67 = tpu.vector_load %arg7[%swap3A_65, %swap3A_66] {strides = array<i32>} : memref<64x512xf32, #tpu.memory_space<vmem>>, vector<16xf32>,
      tpu.vector_store %arg7[%swap3A_65, %swap3A_66], %gather3A_59 {strides = array<i32>} : memref<64x512xf32, #tpu.memory_space<vmem>>, vector<16xf32>,
      %broadcast_in_dim3A_68 = arith.constant 3 : i32
      %broadcast_in_dim3A_69 = vector.broadcast %broadcast_in_dim3A_68 : i32 to vector<16xi32>
      %gather3A_70 = tpu.vector_load_idx %arg6[%add3A_36, %broadcast_in_dim3A_69] : memref<512x128xf32, #tpu.memory_space<vmem>>[vector<16xi32>, vector<16xi32>], vector<16xf32>,
      %mul3A_71 = arith.constant 16 : i32
      %mul3A_72 = arith.muli %scan3A_22, %mul3A_71 : i32
      %add3A_73 = arith.constant 256 : i32
      %add3A_74 = arith.addi %add3A_73, %mul3A_72 : i32
      %swap3A_75 = arith.constant 3 : i32
      %swap3A_76 = arith.index_cast %swap3A_75 : i32 to index
      %swap3A_77 = arith.index_cast %add3A_74 : i32 to index
      %swap3A_78 = tpu.vector_load %arg7[%swap3A_76, %swap3A_77] {strides = array<i32>} : memref<64x512xf32, #tpu.memory_space<vmem>>, vector<16xf32>,
      tpu.vector_store %arg7[%swap3A_76, %swap3A_77], %gather3A_70 {strides = array<i32>} : memref<64x512xf32, #tpu.memory_space<vmem>>, vector<16xf32>,
      %broadcast_in_dim3A_79 = arith.constant 4 : i32
      %broadcast_in_dim3A_80 = vector.broadcast %broadcast_in_dim3A_79 : i32 to vector<16xi32>
      %gather3A_81 = tpu.vector_load_idx %arg6[%add3A_36, %broadcast_in_dim3A_80] : memref<512x128xf32, #tpu.memory_space<vmem>>[vector<16xi32>, vector<16xi32>], vector<16xf32>,
      %mul3A_82 = arith.constant 16 : i32
      %mul3A_83 = arith.muli %scan3A_22, %mul3A_82 : i32
      %add3A_84 = arith.constant 256 : i32
      %add3A_85 = arith.addi %add3A_84, %mul3A_83 : i32
      %swap3A_86 = arith.constant 4 : i32
      %swap3A_87 = arith.index_cast %swap3A_86 : i32 to index
      %swap3A_88 = arith.index_cast %add3A_85 : i32 to index
      %swap3A_89 = tpu.vector_load %arg7[%swap3A_87, %swap3A_88] {strides = array<i32>} : memref<64x512xf32, #tpu.memory_space<vmem>>, vector<16xf32>,
      tpu.vector_store %arg7[%swap3A_87, %swap3A_88], %gather3A_81 {strides = array<i32>} : memref<64x512xf32, #tpu.memory_space<vmem>>, vector<16xf32>,
      %broadcast_in_dim3A_90 = arith.constant 5 : i32
      %broadcast_in_dim3A_91 = vector.broadcast %broadcast_in_dim3A_90 : i32 to vector<16xi32>
      %gather3A_92 = tpu.vector_load_idx %arg6[%add3A_36, %broadcast_in_dim3A_91] : memref<512x128xf32, #tpu.memory_space<vmem>>[vector<16xi32>, vector<16xi32>], vector<16xf32>,
      %mul3A_93 = arith.constant 16 : i32
      %mul3A_94 = arith.muli %scan3A_22, %mul3A_93 : i32
      %add3A_95 = arith.constant 256 : i32
      %add3A_96 = arith.addi %add3A_95, %mul3A_94 : i32
      %swap3A_97 = arith.constant 5 : i32
      %swap3A_98 = arith.index_cast %swap3A_97 : i32 to index
      %swap3A_99 = arith.index_cast %add3A_96 : i32 to index
      %swap3A_100 = tpu.vector_load %arg7[%swap3A_98, %swap3A_99] {strides = array<i32>} : memref<64x512xf32, #tpu.memory_space<vmem>>, vector<16xf32>,
      tpu.vector_store %arg7[%swap3A_98, %swap3A_99], %gather3A_92 {strides = array<i32>} : memref<64x512xf32, #tpu.memory_space<vmem>>, vector<16xf32>,
      %broadcast_in_dim3A_101 = arith.constant 6 : i32
      %broadcast_in_dim3A_102 = vector.broadcast %broadcast_in_dim3A_101 : i32 to vector<16xi32>
      %gather3A_103 = tpu.vector_load_idx %arg6[%add3A_36, %broadcast_in_dim3A_102] : memref<512x128xf32, #tpu.memory_space<vmem>>[vector<16xi32>, vector<16xi32>], vector<16xf32>,
      %mul3A_104 = arith.constant 16 : i32
      %mul3A_105 = arith.muli %scan3A_22, %mul3A_104 : i32
      %add3A_106 = arith.constant 256 : i32
      %add3A_107 = arith.addi %add3A_106, %mul3A_105 : i32
      %swap3A_108 = arith.constant 6 : i32
      %swap3A_109 = arith.index_cast %swap3A_108 : i32 to index
      %swap3A_110 = arith.index_cast %add3A_107 : i32 to index
      %swap3A_111 = tpu.vector_load %arg7[%swap3A_109, %swap3A_110] {strides = array<i32>} : memref<64x512xf32, #tpu.memory_space<vmem>>, vector<16xf32>,
      tpu.vector_store %arg7[%swap3A_109, %swap3A_110], %gather3A_103 {strides = array<i32>} : memref<64x512xf32, #tpu.memory_space<vmem>>, vector<16xf32>,
      %broadcast_in_dim3A_112 = arith.constant 7 : i32
      %broadcast_in_dim3A_113 = vector.broadcast %broadcast_in_dim3A_112 : i32 to vector<16xi32>
      %gather3A_114 = tpu.vector_load_idx %arg6[%add3A_36, %broadcast_in_dim3A_113] : memref<512x128xf32, #tpu.memory_space<vmem>>[vector<16xi32>, vector<16xi32>], vector<16xf32>,
      %mul3A_115 = arith.constant 16 : i32
      %mul3A_116 = arith.muli %scan3A_22, %mul3A_115 : i32
      %add3A_117 = arith.constant 256 : i32
      %add3A_118 = arith.addi %add3A_117, %mul3A_116 : i32
      %swap3A_119 = arith.constant 7 : i32
      %swap3A_120 = arith.index_cast %swap3A_119 : i32 to index
      %swap3A_121 = arith.index_cast %add3A_118 : i32 to index
      %swap3A_122 = tpu.vector_load %arg7[%swap3A_120, %swap3A_121] {strides = array<i32>} : memref<64x512xf32, #tpu.memory_space<vmem>>, vector<16xf32>,
      tpu.vector_store %arg7[%swap3A_120, %swap3A_121], %gather3A_114 {strides = array<i32>} : memref<64x512xf32, #tpu.memory_space<vmem>>, vector<16xf32>,
      %broadcast_in_dim3A_123 = arith.constant 8 : i32
      %broadcast_in_dim3A_124 = vector.broadcast %broadcast_in_dim3A_123 : i32 to vector<16xi32>
      %gather3A_125 = tpu.vector_load_idx %arg6[%add3A_36, %broadcast_in_dim3A_124] : memref<512x128xf32, #tpu.memory_space<vmem>>[vector<16xi32>, vector<16xi32>], vector<16xf32>,
      %mul3A_126 = arith.constant 16 : i32
      %mul3A_127 = arith.muli %scan3A_22, %mul3A_126 : i32
      %add3A_128 = arith.constant 256 : i32
      %add3A_129 = arith.addi %add3A_128, %mul3A_127 : i32
      %swap3A_130 = arith.constant 8 : i32
      %swap3A_131 = arith.index_cast %swap3A_130 : i32 to index
      %swap3A_132 = arith.index_cast %add3A_129 : i32 to index
      %swap3A_133 = tpu.vector_load %arg7[%swap3A_131, %swap3A_132] {strides = array<i32>} : memref<64x512xf32, #tpu.memory_space<vmem>>, vector<16xf32>,
      tpu.vector_store %arg7[%swap3A_131, %swap3A_132], %gather3A_125 {strides = array<i32>} : memref<64x512xf32, #tpu.memory_space<vmem>>, vector<16xf32>,
      %broadcast_in_dim3A_134 = arith.constant 9 : i32
      %broadcast_in_dim3A_135 = vector.broadcast %broadcast_in_dim3A_134 : i32 to vector<16xi32>
      %gather3A_136 = tpu.vector_load_idx %arg6[%add3A_36, %broadcast_in_dim3A_135] : memref<512x128xf32, #tpu.memory_space<vmem>>[vector<16xi32>, vector<16xi32>], vector<16xf32>,
      %mul3A_137 = arith.constant 16 : i32
      %mul3A_138 = arith.muli %scan3A_22, %mul3A_137 : i32
      %add3A_139 = arith.constant 256 : i32
      %add3A_140 = arith.addi %add3A_139, %mul3A_138 : i32
      %swap3A_141 = arith.constant 9 : i32
      %swap3A_142 = arith.index_cast %swap3A_141 : i32 to index
      %swap3A_143 = arith.index_cast %add3A_140 : i32 to index
      %swap3A_144 = tpu.vector_load %arg7[%swap3A_142, %swap3A_143] {strides = array<i32>} : memref<64x512xf32, #tpu.memory_space<vmem>>, vector<16xf32>,
      tpu.vector_store %arg7[%swap3A_142, %swap3A_143], %gather3A_136 {strides = array<i32>} : memref<64x512xf32, #tpu.memory_space<vmem>>, vector<16xf32>,
      %broadcast_in_dim3A_145 = arith.constant 10 : i32
      %broadcast_in_dim3A_146 = vector.broadcast %broadcast_in_dim3A_145 : i32 to vector<16xi32>
      %gather3A_147 = tpu.vector_load_idx %arg6[%add3A_36, %broadcast_in_dim3A_146] : memref<512x128xf32, #tpu.memory_space<vmem>>[vector<16xi32>, vector<16xi32>], vector<16xf32>,
      %mul3A_148 = arith.constant 16 : i32
      %mul3A_149 = arith.muli %scan3A_22, %mul3A_148 : i32
      %add3A_150 = arith.constant 256 : i32
      %add3A_151 = arith.addi %add3A_150, %mul3A_149 : i32
      %swap3A_152 = arith.constant 10 : i32
      %swap3A_153 = arith.index_cast %swap3A_152 : i32 to index
      %swap3A_154 = arith.index_cast %add3A_151 : i32 to index
      %swap3A_155 = tpu.vector_load %arg7[%swap3A_153, %swap3A_154] {strides = array<i32>} : memref<64x512xf32, #tpu.memory_space<vmem>>, vector<16xf32>,
      tpu.vector_store %arg7[%swap3A_153, %swap3A_154], %gather3A_147 {strides = array<i32>} : memref<64x512xf32, #tpu.memory_space<vmem>>, vector<16xf32>,
      %broadcast_in_dim3A_156 = arith.constant 11 : i32
      %broadcast_in_dim3A_157 = vector.broadcast %broadcast_in_dim3A_156 : i32 to vector<16xi32>
      %gather3A_158 = tpu.vector_load_idx %arg6[%add3A_36, %broadcast_in_dim3A_157] : memref<512x128xf32, #tpu.memory_space<vmem>>[vector<16xi32>, vector<16xi32>], vector<16xf32>,
      %mul3A_159 = arith.constant 16 : i32
      %mul3A_160 = arith.muli %scan3A_22, %mul3A_159 : i32
      %add3A_161 = arith.constant 256 : i32
      %add3A_162 = arith.addi %add3A_161, %mul3A_160 : i32
      %swap3A_163 = arith.constant 11 : i32
      %swap3A_164 = arith.index_cast %swap3A_163 : i32 to index
      %swap3A_165 = arith.index_cast %add3A_162 : i32 to index
      %swap3A_166 = tpu.vector_load %arg7[%swap3A_164, %swap3A_165] {strides = array<i32>} : memref<64x512xf32, #tpu.memory_space<vmem>>, vector<16xf32>,
      tpu.vector_store %arg7[%swap3A_164, %swap3A_165], %gather3A_158 {strides = array<i32>} : memref<64x512xf32, #tpu.memory_space<vmem>>, vector<16xf32>,
      %broadcast_in_dim3A_167 = arith.constant 12 : i32
      %broadcast_in_dim3A_168 = vector.broadcast %broadcast_in_dim3A_167 : i32 to vector<16xi32>
      %gather3A_169 = tpu.vector_load_idx %arg6[%add3A_36, %broadcast_in_dim3A_168] : memref<512x128xf32, #tpu.memory_space<vmem>>[vector<16xi32>, vector<16xi32>], vector<16xf32>,
      %mul3A_170 = arith.constant 16 : i32
      %mul3A_171 = arith.muli %scan3A_22, %mul3A_170 : i32
      %add3A_172 = arith.constant 256 : i32
      %add3A_173 = arith.addi %add3A_172, %mul3A_171 : i32
      %swap3A_174 = arith.constant 12 : i32
      %swap3A_175 = arith.index_cast %swap3A_174 : i32 to index
      %swap3A_176 = arith.index_cast %add3A_173 : i32 to index
      %swap3A_177 = tpu.vector_load %arg7[%swap3A_175, %swap3A_176] {strides = array<i32>} : memref<64x512xf32, #tpu.memory_space<vmem>>, vector<16xf32>,
      tpu.vector_store %arg7[%swap3A_175, %swap3A_176], %gather3A_169 {strides = array<i32>} : memref<64x512xf32, #tpu.memory_space<vmem>>, vector<16xf32>,
      %broadcast_in_dim3A_178 = arith.constant 13 : i32
      %broadcast_in_dim3A_179 = vector.broadcast %broadcast_in_dim3A_178 : i32 to vector<16xi32>
      %gather3A_180 = tpu.vector_load_idx %arg6[%add3A_36, %broadcast_in_dim3A_179] : memref<512x128xf32, #tpu.memory_space<vmem>>[vector<16xi32>, vector<16xi32>], vector<16xf32>,
      %mul3A_181 = arith.constant 16 : i32
      %mul3A_182 = arith.muli %scan3A_22, %mul3A_181 : i32
      %add3A_183 = arith.constant 256 : i32
      %add3A_184 = arith.addi %add3A_183, %mul3A_182 : i32
      %swap3A_185 = arith.constant 13 : i32
      %swap3A_186 = arith.index_cast %swap3A_185 : i32 to index
      %swap3A_187 = arith.index_cast %add3A_184 : i32 to index
      %swap3A_188 = tpu.vector_load %arg7[%swap3A_186, %swap3A_187] {strides = array<i32>} : memref<64x512xf32, #tpu.memory_space<vmem>>, vector<16xf32>,
      tpu.vector_store %arg7[%swap3A_186, %swap3A_187], %gather3A_180 {strides = array<i32>} : memref<64x512xf32, #tpu.memory_space<vmem>>, vector<16xf32>,
      %broadcast_in_dim3A_189 = arith.constant 14 : i32
      %broadcast_in_dim3A_190 = vector.broadcast %broadcast_in_dim3A_189 : i32 to vector<16xi32>
      %gather3A_191 = tpu.vector_load_idx %arg6[%add3A_36, %broadcast_in_dim3A_190] : memref<512x128xf32, #tpu.memory_space<vmem>>[vector<16xi32>, vector<16xi32>], vector<16xf32>,
      %mul3A_192 = arith.constant 16 : i32
      %mul3A_193 = arith.muli %scan3A_22, %mul3A_192 : i32
      %add3A_194 = arith.constant 256 : i32
      %add3A_195 = arith.addi %add3A_194, %mul3A_193 : i32
      %swap3A_196 = arith.constant 14 : i32
      %swap3A_197 = arith.index_cast %swap3A_196 : i32 to index
      %swap3A_198 = arith.index_cast %add3A_195 : i32 to index
      %swap3A_199 = tpu.vector_load %arg7[%swap3A_197, %swap3A_198] {strides = array<i32>} : memref<64x512xf32, #tpu.memory_space<vmem>>, vector<16xf32>,
      tpu.vector_store %arg7[%swap3A_197, %swap3A_198], %gather3A_191 {strides = array<i32>} : memref<64x512xf32, #tpu.memory_space<vmem>>, vector<16xf32>,
      %broadcast_in_dim3A_200 = arith.constant 15 : i32
      %broadcast_in_dim3A_201 = vector.broadcast %broadcast_in_dim3A_200 : i32 to vector<16xi32>
      %gather3A_202 = tpu.vector_load_idx %arg6[%add3A_36, %broadcast_in_dim3A_201] : memref<512x128xf32, #tpu.memory_space<vmem>>[vector<16xi32>, vector<16xi32>], vector<16xf32>,
      %mul3A_203 = arith.constant 16 : i32
      %mul3A_204 = arith.muli %scan3A_22, %mul3A_203 : i32
      %add3A_205 = arith.constant 256 : i32
      %add3A_206 = arith.addi %add3A_205, %mul3A_204 : i32
      %swap3A_207 = arith.constant 15 : i32
      %swap3A_208 = arith.index_cast %swap3A_207 : i32 to index
      %swap3A_209 = arith.index_cast %add3A_206 : i32 to index
      %swap3A_210 = tpu.vector_load %arg7[%swap3A_208, %swap3A_209] {strides = array<i32>} : memref<64x512xf32, #tpu.memory_space<vmem>>, vector<16xf32>,
      tpu.vector_store %arg7[%swap3A_208, %swap3A_209], %gather3A_202 {strides = array<i32>} : memref<64x512xf32, #tpu.memory_space<vmem>>, vector<16xf32>,
      %broadcast_in_dim3A_211 = arith.constant 16 : i32
      %broadcast_in_dim3A_212 = vector.broadcast %broadcast_in_dim3A_211 : i32 to vector<16xi32>
      %gather3A_213 = tpu.vector_load_idx %arg6[%add3A_36, %broadcast_in_dim3A_212] : memref<512x128xf32, #tpu.memory_space<vmem>>[vector<16xi32>, vector<16xi32>], vector<16xf32>,
      %mul3A_214 = arith.constant 16 : i32
      %mul3A_215 = arith.muli %scan3A_22, %mul3A_214 : i32
      %add3A_216 = arith.constant 256 : i32
      %add3A_217 = arith.addi %add3A_216, %mul3A_215 : i32
      %swap3A_218 = arith.constant 16 : i32
      %swap3A_219 = arith.index_cast %swap3A_218 : i32 to index
      %swap3A_220 = arith.index_cast %add3A_217 : i32 to index
      %swap3A_221 = tpu.vector_load %arg7[%swap3A_219, %swap3A_220] {strides = array<i32>} : memref<64x512xf32, #tpu.memory_space<vmem>>, vector<16xf32>,
      tpu.vector_store %arg7[%swap3A_219, %swap3A_220], %gather3A_213 {strides = array<i32>} : memref<64x512xf32, #tpu.memory_space<vmem>>, vector<16xf32>,
      %broadcast_in_dim3A_222 = arith.constant 17 : i32
      %broadcast_in_dim3A_223 = vector.broadcast %broadcast_in_dim3A_222 : i32 to vector<16xi32>
      %gather3A_224 = tpu.vector_load_idx %arg6[%add3A_36, %broadcast_in_dim3A_223] : memref<512x128xf32, #tpu.memory_space<vmem>>[vector<16xi32>, vector<16xi32>], vector<16xf32>,
      %mul3A_225 = arith.constant 16 : i32
      %mul3A_226 = arith.muli %scan3A_22, %mul3A_225 : i32
      %add3A_227 = arith.constant 256 : i32
      %add3A_228 = arith.addi %add3A_227, %mul3A_226 : i32
      %swap3A_229 = arith.constant 17 : i32
      %swap3A_230 = arith.index_cast %swap3A_229 : i32 to index
      %swap3A_231 = arith.index_cast %add3A_228 : i32 to index
      %swap3A_232 = tpu.vector_load %arg7[%swap3A_230, %swap3A_231] {strides = array<i32>} : memref<64x512xf32, #tpu.memory_space<vmem>>, vector<16xf32>,
      tpu.vector_store %arg7[%swap3A_230, %swap3A_231], %gather3A_224 {strides = array<i32>} : memref<64x512xf32, #tpu.memory_space<vmem>>, vector<16xf32>,
      %broadcast_in_dim3A_233 = arith.constant 18 : i32
      %broadcast_in_dim3A_234 = vector.broadcast %broadcast_in_dim3A_233 : i32 to vector<16xi32>
      %gather3A_235 = tpu.vector_load_idx %arg6[%add3A_36, %broadcast_in_dim3A_234] : memref<512x128xf32, #tpu.memory_space<vmem>>[vector<16xi32>, vector<16xi32>], vector<16xf32>,
      %mul3A_236 = arith.constant 16 : i32
      %mul3A_237 = arith.muli %scan3A_22, %mul3A_236 : i32
      %add3A_238 = arith.constant 256 : i32
      %add3A_239 = arith.addi %add3A_238, %mul3A_237 : i32
      %swap3A_240 = arith.constant 18 : i32
      %swap3A_241 = arith.index_cast %swap3A_240 : i32 to index
      %swap3A_242 = arith.index_cast %add3A_239 : i32 to index
      %swap3A_243 = tpu.vector_load %arg7[%swap3A_241, %swap3A_242] {strides = array<i32>} : memref<64x512xf32, #tpu.memory_space<vmem>>, vector<16xf32>,
      tpu.vector_store %arg7[%swap3A_241, %swap3A_242], %gather3A_235 {strides = array<i32>} : memref<64x512xf32, #tpu.memory_space<vmem>>, vector<16xf32>,
      %broadcast_in_dim3A_244 = arith.constant 19 : i32
      %broadcast_in_dim3A_245 = vector.broadcast %broadcast_in_dim3A_244 : i32 to vector<16xi32>
      %gather3A_246 = tpu.vector_load_idx %arg6[%add3A_36, %broadcast_in_dim3A_245] : memref<512x128xf32, #tpu.memory_space<vmem>>[vector<16xi32>, vector<16xi32>], vector<16xf32>,
      %mul3A_247 = arith.constant 16 : i32
      %mul3A_248 = arith.muli %scan3A_22, %mul3A_247 : i32
      %add3A_249 = arith.constant 256 : i32
      %add3A_250 = arith.addi %add3A_249, %mul3A_248 : i32
      %swap3A_251 = arith.constant 19 : i32
      %swap3A_252 = arith.index_cast %swap3A_251 : i32 to index
      %swap3A_253 = arith.index_cast %add3A_250 : i32 to index
      %swap3A_254 = tpu.vector_load %arg7[%swap3A_252, %swap3A_253] {strides = array<i32>} : memref<64x512xf32, #tpu.memory_space<vmem>>, vector<16xf32>,
      tpu.vector_store %arg7[%swap3A_252, %swap3A_253], %gather3A_246 {strides = array<i32>} : memref<64x512xf32, #tpu.memory_space<vmem>>, vector<16xf32>,
      %broadcast_in_dim3A_255 = arith.constant 20 : i32
      %broadcast_in_dim3A_256 = vector.broadcast %broadcast_in_dim3A_255 : i32 to vector<16xi32>
      %gather3A_257 = tpu.vector_load_idx %arg6[%add3A_36, %broadcast_in_dim3A_256] : memref<512x128xf32, #tpu.memory_space<vmem>>[vector<16xi32>, vector<16xi32>], vector<16xf32>,
      %mul3A_258 = arith.constant 16 : i32
      %mul3A_259 = arith.muli %scan3A_22, %mul3A_258 : i32
      %add3A_260 = arith.constant 256 : i32
      %add3A_261 = arith.addi %add3A_260, %mul3A_259 : i32
      %swap3A_262 = arith.constant 20 : i32
      %swap3A_263 = arith.index_cast %swap3A_262 : i32 to index
      %swap3A_264 = arith.index_cast %add3A_261 : i32 to index
      %swap3A_265 = tpu.vector_load %arg7[%swap3A_263, %swap3A_264] {strides = array<i32>} : memref<64x512xf32, #tpu.memory_space<vmem>>, vector<16xf32>,
      tpu.vector_store %arg7[%swap3A_263, %swap3A_264], %gather3A_257 {strides = array<i32>} : memref<64x512xf32, #tpu.memory_space<vmem>>, vector<16xf32>,
      %broadcast_in_dim3A_266 = arith.constant 21 : i32
      %broadcast_in_dim3A_267 = vector.broadcast %broadcast_in_dim3A_266 : i32 to vector<16xi32>
      %gather3A_268 = tpu.vector_load_idx %arg6[%add3A_36, %broadcast_in_dim3A_267] : memref<512x128xf32, #tpu.memory_space<vmem>>[vector<16xi32>, vector<16xi32>], vector<16xf32>,
      %mul3A_269 = arith.constant 16 : i32
      %mul3A_270 = arith.muli %scan3A_22, %mul3A_269 : i32
      %add3A_271 = arith.constant 256 : i32
      %add3A_272 = arith.addi %add3A_271, %mul3A_270 : i32
      %swap3A_273 = arith.constant 21 : i32
      %swap3A_274 = arith.index_cast %swap3A_273 : i32 to index
      %swap3A_275 = arith.index_cast %add3A_272 : i32 to index
      %swap3A_276 = tpu.vector_load %arg7[%swap3A_274, %swap3A_275] {strides = array<i32>} : memref<64x512xf32, #tpu.memory_space<vmem>>, vector<16xf32>,
      tpu.vector_store %arg7[%swap3A_274, %swap3A_275], %gather3A_268 {strides = array<i32>} : memref<64x512xf32, #tpu.memory_space<vmem>>, vector<16xf32>,
      %broadcast_in_dim3A_277 = arith.constant 22 : i32
      %broadcast_in_dim3A_278 = vector.broadcast %broadcast_in_dim3A_277 : i32 to vector<16xi32>
      %gather3A_279 = tpu.vector_load_idx %arg6[%add3A_36, %broadcast_in_dim3A_278] : memref<512x128xf32, #tpu.memory_space<vmem>>[vector<16xi32>, vector<16xi32>], vector<16xf32>,
      %mul3A_280 = arith.constant 16 : i32
      %mul3A_281 = arith.muli %scan3A_22, %mul3A_280 : i32
      %add3A_282 = arith.constant 256 : i32
      %add3A_283 = arith.addi %add3A_282, %mul3A_281 : i32
      %swap3A_284 = arith.constant 22 : i32
      %swap3A_285 = arith.index_cast %swap3A_284 : i32 to index
      %swap3A_286 = arith.index_cast %add3A_283 : i32 to index
      %swap3A_287 = tpu.vector_load %arg7[%swap3A_285, %swap3A_286] {strides = array<i32>} : memref<64x512xf32, #tpu.memory_space<vmem>>, vector<16xf32>,
      tpu.vector_store %arg7[%swap3A_285, %swap3A_286], %gather3A_279 {strides = array<i32>} : memref<64x512xf32, #tpu.memory_space<vmem>>, vector<16xf32>,
      %broadcast_in_dim3A_288 = arith.constant 23 : i32
      %broadcast_in_dim3A_289 = vector.broadcast %broadcast_in_dim3A_288 : i32 to vector<16xi32>
      %gather3A_290 = tpu.vector_load_idx %arg6[%add3A_36, %broadcast_in_dim3A_289] : memref<512x128xf32, #tpu.memory_space<vmem>>[vector<16xi32>, vector<16xi32>], vector<16xf32>,
      %mul3A_291 = arith.constant 16 : i32
      %mul3A_292 = arith.muli %scan3A_22, %mul3A_291 : i32
      %add3A_293 = arith.constant 256 : i32
      %add3A_294 = arith.addi %add3A_293, %mul3A_292 : i32
      %swap3A_295 = arith.constant 23 : i32
      %swap3A_296 = arith.index_cast %swap3A_295 : i32 to index
      %swap3A_297 = arith.index_cast %add3A_294 : i32 to index
      %swap3A_298 = tpu.vector_load %arg7[%swap3A_296, %swap3A_297] {strides = array<i32>} : memref<64x512xf32, #tpu.memory_space<vmem>>, vector<16xf32>,
      tpu.vector_store %arg7[%swap3A_296, %swap3A_297], %gather3A_290 {strides = array<i32>} : memref<64x512xf32, #tpu.memory_space<vmem>>, vector<16xf32>,
      %broadcast_in_dim3A_299 = arith.constant 24 : i32
      %broadcast_in_dim3A_300 = vector.broadcast %broadcast_in_dim3A_299 : i32 to vector<16xi32>
      %gather3A_301 = tpu.vector_load_idx %arg6[%add3A_36, %broadcast_in_dim3A_300] : memref<512x128xf32, #tpu.memory_space<vmem>>[vector<16xi32>, vector<16xi32>], vector<16xf32>,
      %mul3A_302 = arith.constant 16 : i32
      %mul3A_303 = arith.muli %scan3A_22, %mul3A_302 : i32
      %add3A_304 = arith.constant 256 : i32
      %add3A_305 = arith.addi %add3A_304, %mul3A_303 : i32
      %swap3A_306 = arith.constant 24 : i32
      %swap3A_307 = arith.index_cast %swap3A_306 : i32 to index
      %swap3A_308 = arith.index_cast %add3A_305 : i32 to index
      %swap3A_309 = tpu.vector_load %arg7[%swap3A_307, %swap3A_308] {strides = array<i32>} : memref<64x512xf32, #tpu.memory_space<vmem>>, vector<16xf32>,
      tpu.vector_store %arg7[%swap3A_307, %swap3A_308], %gather3A_301 {strides = array<i32>} : memref<64x512xf32, #tpu.memory_space<vmem>>, vector<16xf32>,
      %broadcast_in_dim3A_310 = arith.constant 25 : i32
      %broadcast_in_dim3A_311 = vector.broadcast %broadcast_in_dim3A_310 : i32 to vector<16xi32>
      %gather3A_312 = tpu.vector_load_idx %arg6[%add3A_36, %broadcast_in_dim3A_311] : memref<512x128xf32, #tpu.memory_space<vmem>>[vector<16xi32>, vector<16xi32>], vector<16xf32>,
      %mul3A_313 = arith.constant 16 : i32
      %mul3A_314 = arith.muli %scan3A_22, %mul3A_313 : i32
      %add3A_315 = arith.constant 256 : i32
      %add3A_316 = arith.addi %add3A_315, %mul3A_314 : i32
      %swap3A_317 = arith.constant 25 : i32
      %swap3A_318 = arith.index_cast %swap3A_317 : i32 to index
      %swap3A_319 = arith.index_cast %add3A_316 : i32 to index
      %swap3A_320 = tpu.vector_load %arg7[%swap3A_318, %swap3A_319] {strides = array<i32>} : memref<64x512xf32, #tpu.memory_space<vmem>>, vector<16xf32>,
      tpu.vector_store %arg7[%swap3A_318, %swap3A_319], %gather3A_312 {strides = array<i32>} : memref<64x512xf32, #tpu.memory_space<vmem>>, vector<16xf32>,
      %broadcast_in_dim3A_321 = arith.constant 26 : i32
      %broadcast_in_dim3A_322 = vector.broadcast %broadcast_in_dim3A_321 : i32 to vector<16xi32>
      %gather3A_323 = tpu.vector_load_idx %arg6[%add3A_36, %broadcast_in_dim3A_322] : memref<512x128xf32, #tpu.memory_space<vmem>>[vector<16xi32>, vector<16xi32>], vector<16xf32>,
      %mul3A_324 = arith.constant 16 : i32
      %mul3A_325 = arith.muli %scan3A_22, %mul3A_324 : i32
      %add3A_326 = arith.constant 256 : i32
      %add3A_327 = arith.addi %add3A_326, %mul3A_325 : i32
      %swap3A_328 = arith.constant 26 : i32
      %swap3A_329 = arith.index_cast %swap3A_328 : i32 to index
      %swap3A_330 = arith.index_cast %add3A_327 : i32 to index
      %swap3A_331 = tpu.vector_load %arg7[%swap3A_329, %swap3A_330] {strides = array<i32>} : memref<64x512xf32, #tpu.memory_space<vmem>>, vector<16xf32>,
      tpu.vector_store %arg7[%swap3A_329, %swap3A_330], %gather3A_323 {strides = array<i32>} : memref<64x512xf32, #tpu.memory_space<vmem>>, vector<16xf32>,
      %broadcast_in_dim3A_332 = arith.constant 27 : i32
      %broadcast_in_dim3A_333 = vector.broadcast %broadcast_in_dim3A_332 : i32 to vector<16xi32>
      %gather3A_334 = tpu.vector_load_idx %arg6[%add3A_36, %broadcast_in_dim3A_333] : memref<512x128xf32, #tpu.memory_space<vmem>>[vector<16xi32>, vector<16xi32>], vector<16xf32>,
      %mul3A_335 = arith.constant 16 : i32
      %mul3A_336 = arith.muli %scan3A_22, %mul3A_335 : i32
      %add3A_337 = arith.constant 256 : i32
      %add3A_338 = arith.addi %add3A_337, %mul3A_336 : i32
      %swap3A_339 = arith.constant 27 : i32
      %swap3A_340 = arith.index_cast %swap3A_339 : i32 to index
      %swap3A_341 = arith.index_cast %add3A_338 : i32 to index
      %swap3A_342 = tpu.vector_load %arg7[%swap3A_340, %swap3A_341] {strides = array<i32>} : memref<64x512xf32, #tpu.memory_space<vmem>>, vector<16xf32>,
      tpu.vector_store %arg7[%swap3A_340, %swap3A_341], %gather3A_334 {strides = array<i32>} : memref<64x512xf32, #tpu.memory_space<vmem>>, vector<16xf32>,
      %broadcast_in_dim3A_343 = arith.constant 28 : i32
      %broadcast_in_dim3A_344 = vector.broadcast %broadcast_in_dim3A_343 : i32 to vector<16xi32>
      %gather3A_345 = tpu.vector_load_idx %arg6[%add3A_36, %broadcast_in_dim3A_344] : memref<512x128xf32, #tpu.memory_space<vmem>>[vector<16xi32>, vector<16xi32>], vector<16xf32>,
      %mul3A_346 = arith.constant 16 : i32
      %mul3A_347 = arith.muli %scan3A_22, %mul3A_346 : i32
      %add3A_348 = arith.constant 256 : i32
      %add3A_349 = arith.addi %add3A_348, %mul3A_347 : i32
      %swap3A_350 = arith.constant 28 : i32
      %swap3A_351 = arith.index_cast %swap3A_350 : i32 to index
      %swap3A_352 = arith.index_cast %add3A_349 : i32 to index
      %swap3A_353 = tpu.vector_load %arg7[%swap3A_351, %swap3A_352] {strides = array<i32>} : memref<64x512xf32, #tpu.memory_space<vmem>>, vector<16xf32>,
      tpu.vector_store %arg7[%swap3A_351, %swap3A_352], %gather3A_345 {strides = array<i32>} : memref<64x512xf32, #tpu.memory_space<vmem>>, vector<16xf32>,
      %broadcast_in_dim3A_354 = arith.constant 29 : i32
      %broadcast_in_dim3A_355 = vector.broadcast %broadcast_in_dim3A_354 : i32 to vector<16xi32>
      %gather3A_356 = tpu.vector_load_idx %arg6[%add3A_36, %broadcast_in_dim3A_355] : memref<512x128xf32, #tpu.memory_space<vmem>>[vector<16xi32>, vector<16xi32>], vector<16xf32>,
      %mul3A_357 = arith.constant 16 : i32
      %mul3A_358 = arith.muli %scan3A_22, %mul3A_357 : i32
      %add3A_359 = arith.constant 256 : i32
      %add3A_360 = arith.addi %add3A_359, %mul3A_358 : i32
      %swap3A_361 = arith.constant 29 : i32
      %swap3A_362 = arith.index_cast %swap3A_361 : i32 to index
      %swap3A_363 = arith.index_cast %add3A_360 : i32 to index
      %swap3A_364 = tpu.vector_load %arg7[%swap3A_362, %swap3A_363] {strides = array<i32>} : memref<64x512xf32, #tpu.memory_space<vmem>>, vector<16xf32>,
      tpu.vector_store %arg7[%swap3A_362, %swap3A_363], %gather3A_356 {strides = array<i32>} : memref<64x512xf32, #tpu.memory_space<vmem>>, vector<16xf32>,
      %broadcast_in_dim3A_365 = arith.constant 30 : i32
      %broadcast_in_dim3A_366 = vector.broadcast %broadcast_in_dim3A_365 : i32 to vector<16xi32>
      %gather3A_367 = tpu.vector_load_idx %arg6[%add3A_36, %broadcast_in_dim3A_366] : memref<512x128xf32, #tpu.memory_space<vmem>>[vector<16xi32>, vector<16xi32>], vector<16xf32>,
      %mul3A_368 = arith.constant 16 : i32
      %mul3A_369 = arith.muli %scan3A_22, %mul3A_368 : i32
      %add3A_370 = arith.constant 256 : i32
      %add3A_371 = arith.addi %add3A_370, %mul3A_369 : i32
      %swap3A_372 = arith.constant 30 : i32
      %swap3A_373 = arith.index_cast %swap3A_372 : i32 to index
      %swap3A_374 = arith.index_cast %add3A_371 : i32 to index
      %swap3A_375 = tpu.vector_load %arg7[%swap3A_373, %swap3A_374] {strides = array<i32>} : memref<64x512xf32, #tpu.memory_space<vmem>>, vector<16xf32>,
      tpu.vector_store %arg7[%swap3A_373, %swap3A_374], %gather3A_367 {strides = array<i32>} : memref<64x512xf32, #tpu.memory_space<vmem>>, vector<16xf32>,
      %broadcast_in_dim3A_376 = arith.constant 31 : i32
      %broadcast_in_dim3A_377 = vector.broadcast %broadcast_in_dim3A_376 : i32 to vector<16xi32>
      %gather3A_378 = tpu.vector_load_idx %arg6[%add3A_36, %broadcast_in_dim3A_377] : memref<512x128xf32, #tpu.memory_space<vmem>>[vector<16xi32>, vector<16xi32>], vector<16xf32>,
      %mul3A_379 = arith.constant 16 : i32
      %mul3A_380 = arith.muli %scan3A_22, %mul3A_379 : i32
      %add3A_381 = arith.constant 256 : i32
      %add3A_382 = arith.addi %add3A_381, %mul3A_380 : i32
      %swap3A_383 = arith.constant 31 : i32
      %swap3A_384 = arith.index_cast %swap3A_383 : i32 to index
      %swap3A_385 = arith.index_cast %add3A_382 : i32 to index
      %swap3A_386 = tpu.vector_load %arg7[%swap3A_384, %swap3A_385] {strides = array<i32>} : memref<64x512xf32, #tpu.memory_space<vmem>>, vector<16xf32>,
      tpu.vector_store %arg7[%swap3A_384, %swap3A_385], %gather3A_378 {strides = array<i32>} : memref<64x512xf32, #tpu.memory_space<vmem>>, vector<16xf32>,
      %broadcast_in_dim3A_387 = arith.constant 32 : i32
      %broadcast_in_dim3A_388 = vector.broadcast %broadcast_in_dim3A_387 : i32 to vector<16xi32>
      %gather3A_389 = tpu.vector_load_idx %arg6[%add3A_36, %broadcast_in_dim3A_388] : memref<512x128xf32, #tpu.memory_space<vmem>>[vector<16xi32>, vector<16xi32>], vector<16xf32>,
      %mul3A_390 = arith.constant 16 : i32
      %mul3A_391 = arith.muli %scan3A_22, %mul3A_390 : i32
      %add3A_392 = arith.constant 256 : i32
      %add3A_393 = arith.addi %add3A_392, %mul3A_391 : i32
      %swap3A_394 = arith.constant 32 : i32
      %swap3A_395 = arith.index_cast %swap3A_394 : i32 to index
      %swap3A_396 = arith.index_cast %add3A_393 : i32 to index
      %swap3A_397 = tpu.vector_load %arg7[%swap3A_395, %swap3A_396] {strides = array<i32>} : memref<64x512xf32, #tpu.memory_space<vmem>>, vector<16xf32>,
      tpu.vector_store %arg7[%swap3A_395, %swap3A_396], %gather3A_389 {strides = array<i32>} : memref<64x512xf32, #tpu.memory_space<vmem>>, vector<16xf32>,
      %broadcast_in_dim3A_398 = arith.constant 33 : i32
      %broadcast_in_dim3A_399 = vector.broadcast %broadcast_in_dim3A_398 : i32 to vector<16xi32>
      %gather3A_400 = tpu.vector_load_idx %arg6[%add3A_36, %broadcast_in_dim3A_399] : memref<512x128xf32, #tpu.memory_space<vmem>>[vector<16xi32>, vector<16xi32>], vector<16xf32>,
      %mul3A_401 = arith.constant 16 : i32
      %mul3A_402 = arith.muli %scan3A_22, %mul3A_401 : i32
      %add3A_403 = arith.constant 256 : i32
      %add3A_404 = arith.addi %add3A_403, %mul3A_402 : i32
      %swap3A_405 = arith.constant 33 : i32
      %swap3A_406 = arith.index_cast %swap3A_405 : i32 to index
      %swap3A_407 = arith.index_cast %add3A_404 : i32 to index
      %swap3A_408 = tpu.vector_load %arg7[%swap3A_406, %swap3A_407] {strides = array<i32>} : memref<64x512xf32, #tpu.memory_space<vmem>>, vector<16xf32>,
      tpu.vector_store %arg7[%swap3A_406, %swap3A_407], %gather3A_400 {strides = array<i32>} : memref<64x512xf32, #tpu.memory_space<vmem>>, vector<16xf32>,
      %broadcast_in_dim3A_409 = arith.constant 34 : i32
      %broadcast_in_dim3A_410 = vector.broadcast %broadcast_in_dim3A_409 : i32 to vector<16xi32>
      %gather3A_411 = tpu.vector_load_idx %arg6[%add3A_36, %broadcast_in_dim3A_410] : memref<512x128xf32, #tpu.memory_space<vmem>>[vector<16xi32>, vector<16xi32>], vector<16xf32>,
      %mul3A_412 = arith.constant 16 : i32
      %mul3A_413 = arith.muli %scan3A_22, %mul3A_412 : i32
      %add3A_414 = arith.constant 256 : i32
      %add3A_415 = arith.addi %add3A_414, %mul3A_413 : i32
      %swap3A_416 = arith.constant 34 : i32
      %swap3A_417 = arith.index_cast %swap3A_416 : i32 to index
      %swap3A_418 = arith.index_cast %add3A_415 : i32 to index
      %swap3A_419 = tpu.vector_load %arg7[%swap3A_417, %swap3A_418] {strides = array<i32>} : memref<64x512xf32, #tpu.memory_space<vmem>>, vector<16xf32>,
      tpu.vector_store %arg7[%swap3A_417, %swap3A_418], %gather3A_411 {strides = array<i32>} : memref<64x512xf32, #tpu.memory_space<vmem>>, vector<16xf32>,
      %broadcast_in_dim3A_420 = arith.constant 35 : i32
      %broadcast_in_dim3A_421 = vector.broadcast %broadcast_in_dim3A_420 : i32 to vector<16xi32>
      %gather3A_422 = tpu.vector_load_idx %arg6[%add3A_36, %broadcast_in_dim3A_421] : memref<512x128xf32, #tpu.memory_space<vmem>>[vector<16xi32>, vector<16xi32>], vector<16xf32>,
      %mul3A_423 = arith.constant 16 : i32
      %mul3A_424 = arith.muli %scan3A_22, %mul3A_423 : i32
      %add3A_425 = arith.constant 256 : i32
      %add3A_426 = arith.addi %add3A_425, %mul3A_424 : i32
      %swap3A_427 = arith.constant 35 : i32
      %swap3A_428 = arith.index_cast %swap3A_427 : i32 to index
      %swap3A_429 = arith.index_cast %add3A_426 : i32 to index
      %swap3A_430 = tpu.vector_load %arg7[%swap3A_428, %swap3A_429] {strides = array<i32>} : memref<64x512xf32, #tpu.memory_space<vmem>>, vector<16xf32>,
      tpu.vector_store %arg7[%swap3A_428, %swap3A_429], %gather3A_422 {strides = array<i32>} : memref<64x512xf32, #tpu.memory_space<vmem>>, vector<16xf32>,
      %broadcast_in_dim3A_431 = arith.constant 36 : i32
      %broadcast_in_dim3A_432 = vector.broadcast %broadcast_in_dim3A_431 : i32 to vector<16xi32>
      %gather3A_433 = tpu.vector_load_idx %arg6[%add3A_36, %broadcast_in_dim3A_432] : memref<512x128xf32, #tpu.memory_space<vmem>>[vector<16xi32>, vector<16xi32>], vector<16xf32>,
      %mul3A_434 = arith.constant 16 : i32
      %mul3A_435 = arith.muli %scan3A_22, %mul3A_434 : i32
      %add3A_436 = arith.constant 256 : i32
      %add3A_437 = arith.addi %add3A_436, %mul3A_435 : i32
      %swap3A_438 = arith.constant 36 : i32
      %swap3A_439 = arith.index_cast %swap3A_438 : i32 to index
      %swap3A_440 = arith.index_cast %add3A_437 : i32 to index
      %swap3A_441 = tpu.vector_load %arg7[%swap3A_439, %swap3A_440] {strides = array<i32>} : memref<64x512xf32, #tpu.memory_space<vmem>>, vector<16xf32>,
      tpu.vector_store %arg7[%swap3A_439, %swap3A_440], %gather3A_433 {strides = array<i32>} : memref<64x512xf32, #tpu.memory_space<vmem>>, vector<16xf32>,
      %broadcast_in_dim3A_442 = arith.constant 37 : i32
      %broadcast_in_dim3A_443 = vector.broadcast %broadcast_in_dim3A_442 : i32 to vector<16xi32>
      %gather3A_444 = tpu.vector_load_idx %arg6[%add3A_36, %broadcast_in_dim3A_443] : memref<512x128xf32, #tpu.memory_space<vmem>>[vector<16xi32>, vector<16xi32>], vector<16xf32>,
      %mul3A_445 = arith.constant 16 : i32
      %mul3A_446 = arith.muli %scan3A_22, %mul3A_445 : i32
      %add3A_447 = arith.constant 256 : i32
      %add3A_448 = arith.addi %add3A_447, %mul3A_446 : i32
      %swap3A_449 = arith.constant 37 : i32
      %swap3A_450 = arith.index_cast %swap3A_449 : i32 to index
      %swap3A_451 = arith.index_cast %add3A_448 : i32 to index
      %swap3A_452 = tpu.vector_load %arg7[%swap3A_450, %swap3A_451] {strides = array<i32>} : memref<64x512xf32, #tpu.memory_space<vmem>>, vector<16xf32>,
      tpu.vector_store %arg7[%swap3A_450, %swap3A_451], %gather3A_444 {strides = array<i32>} : memref<64x512xf32, #tpu.memory_space<vmem>>, vector<16xf32>,
      %broadcast_in_dim3A_453 = arith.constant 38 : i32
      %broadcast_in_dim3A_454 = vector.broadcast %broadcast_in_dim3A_453 : i32 to vector<16xi32>
      %gather3A_455 = tpu.vector_load_idx %arg6[%add3A_36, %broadcast_in_dim3A_454] : memref<512x128xf32, #tpu.memory_space<vmem>>[vector<16xi32>, vector<16xi32>], vector<16xf32>,
      %mul3A_456 = arith.constant 16 : i32
      %mul3A_457 = arith.muli %scan3A_22, %mul3A_456 : i32
      %add3A_458 = arith.constant 256 : i32
      %add3A_459 = arith.addi %add3A_458, %mul3A_457 : i32
      %swap3A_460 = arith.constant 38 : i32
      %swap3A_461 = arith.index_cast %swap3A_460 : i32 to index
      %swap3A_462 = arith.index_cast %add3A_459 : i32 to index
      %swap3A_463 = tpu.vector_load %arg7[%swap3A_461, %swap3A_462] {strides = array<i32>} : memref<64x512xf32, #tpu.memory_space<vmem>>, vector<16xf32>,
      tpu.vector_store %arg7[%swap3A_461, %swap3A_462], %gather3A_455 {strides = array<i32>} : memref<64x512xf32, #tpu.memory_space<vmem>>, vector<16xf32>,
      %broadcast_in_dim3A_464 = arith.constant 39 : i32
      %broadcast_in_dim3A_465 = vector.broadcast %broadcast_in_dim3A_464 : i32 to vector<16xi32>
      %gather3A_466 = tpu.vector_load_idx %arg6[%add3A_36, %broadcast_in_dim3A_465] : memref<512x128xf32, #tpu.memory_space<vmem>>[vector<16xi32>, vector<16xi32>], vector<16xf32>,
      %mul3A_467 = arith.constant 16 : i32
      %mul3A_468 = arith.muli %scan3A_22, %mul3A_467 : i32
      %add3A_469 = arith.constant 256 : i32
      %add3A_470 = arith.addi %add3A_469, %mul3A_468 : i32
      %swap3A_471 = arith.constant 39 : i32
      %swap3A_472 = arith.index_cast %swap3A_471 : i32 to index
      %swap3A_473 = arith.index_cast %add3A_470 : i32 to index
      %swap3A_474 = tpu.vector_load %arg7[%swap3A_472, %swap3A_473] {strides = array<i32>} : memref<64x512xf32, #tpu.memory_space<vmem>>, vector<16xf32>,
      tpu.vector_store %arg7[%swap3A_472, %swap3A_473], %gather3A_466 {strides = array<i32>} : memref<64x512xf32, #tpu.memory_space<vmem>>, vector<16xf32>,
      %broadcast_in_dim3A_475 = arith.constant 40 : i32
      %broadcast_in_dim3A_476 = vector.broadcast %broadcast_in_dim3A_475 : i32 to vector<16xi32>
      %gather3A_477 = tpu.vector_load_idx %arg6[%add3A_36, %broadcast_in_dim3A_476] : memref<512x128xf32, #tpu.memory_space<vmem>>[vector<16xi32>, vector<16xi32>], vector<16xf32>,
      %mul3A_478 = arith.constant 16 : i32
      %mul3A_479 = arith.muli %scan3A_22, %mul3A_478 : i32
      %add3A_480 = arith.constant 256 : i32
      %add3A_481 = arith.addi %add3A_480, %mul3A_479 : i32
      %swap3A_482 = arith.constant 40 : i32
      %swap3A_483 = arith.index_cast %swap3A_482 : i32 to index
      %swap3A_484 = arith.index_cast %add3A_481 : i32 to index
      %swap3A_485 = tpu.vector_load %arg7[%swap3A_483, %swap3A_484] {strides = array<i32>} : memref<64x512xf32, #tpu.memory_space<vmem>>, vector<16xf32>,
      tpu.vector_store %arg7[%swap3A_483, %swap3A_484], %gather3A_477 {strides = array<i32>} : memref<64x512xf32, #tpu.memory_space<vmem>>, vector<16xf32>,
      %broadcast_in_dim3A_486 = arith.constant 41 : i32
      %broadcast_in_dim3A_487 = vector.broadcast %broadcast_in_dim3A_486 : i32 to vector<16xi32>
      %gather3A_488 = tpu.vector_load_idx %arg6[%add3A_36, %broadcast_in_dim3A_487] : memref<512x128xf32, #tpu.memory_space<vmem>>[vector<16xi32>, vector<16xi32>], vector<16xf32>,
      %mul3A_489 = arith.constant 16 : i32
      %mul3A_490 = arith.muli %scan3A_22, %mul3A_489 : i32
      %add3A_491 = arith.constant 256 : i32
      %add3A_492 = arith.addi %add3A_491, %mul3A_490 : i32
      %swap3A_493 = arith.constant 41 : i32
      %swap3A_494 = arith.index_cast %swap3A_493 : i32 to index
      %swap3A_495 = arith.index_cast %add3A_492 : i32 to index
      %swap3A_496 = tpu.vector_load %arg7[%swap3A_494, %swap3A_495] {strides = array<i32>} : memref<64x512xf32, #tpu.memory_space<vmem>>, vector<16xf32>,
      tpu.vector_store %arg7[%swap3A_494, %swap3A_495], %gather3A_488 {strides = array<i32>} : memref<64x512xf32, #tpu.memory_space<vmem>>, vector<16xf32>,
      %broadcast_in_dim3A_497 = arith.constant 42 : i32
      %broadcast_in_dim3A_498 = vector.broadcast %broadcast_in_dim3A_497 : i32 to vector<16xi32>
      %gather3A_499 = tpu.vector_load_idx %arg6[%add3A_36, %broadcast_in_dim3A_498] : memref<512x128xf32, #tpu.memory_space<vmem>>[vector<16xi32>, vector<16xi32>], vector<16xf32>,
      %mul3A_500 = arith.constant 16 : i32
      %mul3A_501 = arith.muli %scan3A_22, %mul3A_500 : i32
      %add3A_502 = arith.constant 256 : i32
      %add3A_503 = arith.addi %add3A_502, %mul3A_501 : i32
      %swap3A_504 = arith.constant 42 : i32
      %swap3A_505 = arith.index_cast %swap3A_504 : i32 to index
      %swap3A_506 = arith.index_cast %add3A_503 : i32 to index
      %swap3A_507 = tpu.vector_load %arg7[%swap3A_505, %swap3A_506] {strides = array<i32>} : memref<64x512xf32, #tpu.memory_space<vmem>>, vector<16xf32>,
      tpu.vector_store %arg7[%swap3A_505, %swap3A_506], %gather3A_499 {strides = array<i32>} : memref<64x512xf32, #tpu.memory_space<vmem>>, vector<16xf32>,
      %broadcast_in_dim3A_508 = arith.constant 43 : i32
      %broadcast_in_dim3A_509 = vector.broadcast %broadcast_in_dim3A_508 : i32 to vector<16xi32>
      %gather3A_510 = tpu.vector_load_idx %arg6[%add3A_36, %broadcast_in_dim3A_509] : memref<512x128xf32, #tpu.memory_space<vmem>>[vector<16xi32>, vector<16xi32>], vector<16xf32>,
      %mul3A_511 = arith.constant 16 : i32
      %mul3A_512 = arith.muli %scan3A_22, %mul3A_511 : i32
      %add3A_513 = arith.constant 256 : i32
      %add3A_514 = arith.addi %add3A_513, %mul3A_512 : i32
      %swap3A_515 = arith.constant 43 : i32
      %swap3A_516 = arith.index_cast %swap3A_515 : i32 to index
      %swap3A_517 = arith.index_cast %add3A_514 : i32 to index
      %swap3A_518 = tpu.vector_load %arg7[%swap3A_516, %swap3A_517] {strides = array<i32>} : memref<64x512xf32, #tpu.memory_space<vmem>>, vector<16xf32>,
      tpu.vector_store %arg7[%swap3A_516, %swap3A_517], %gather3A_510 {strides = array<i32>} : memref<64x512xf32, #tpu.memory_space<vmem>>, vector<16xf32>,
      %broadcast_in_dim3A_519 = arith.constant 44 : i32
      %broadcast_in_dim3A_520 = vector.broadcast %broadcast_in_dim3A_519 : i32 to vector<16xi32>
      %gather3A_521 = tpu.vector_load_idx %arg6[%add3A_36, %broadcast_in_dim3A_520] : memref<512x128xf32, #tpu.memory_space<vmem>>[vector<16xi32>, vector<16xi32>], vector<16xf32>,
      %mul3A_522 = arith.constant 16 : i32
      %mul3A_523 = arith.muli %scan3A_22, %mul3A_522 : i32
      %add3A_524 = arith.constant 256 : i32
      %add3A_525 = arith.addi %add3A_524, %mul3A_523 : i32
      %swap3A_526 = arith.constant 44 : i32
      %swap3A_527 = arith.index_cast %swap3A_526 : i32 to index
      %swap3A_528 = arith.index_cast %add3A_525 : i32 to index
      %swap3A_529 = tpu.vector_load %arg7[%swap3A_527, %swap3A_528] {strides = array<i32>} : memref<64x512xf32, #tpu.memory_space<vmem>>, vector<16xf32>,
      tpu.vector_store %arg7[%swap3A_527, %swap3A_528], %gather3A_521 {strides = array<i32>} : memref<64x512xf32, #tpu.memory_space<vmem>>, vector<16xf32>,
      %broadcast_in_dim3A_530 = arith.constant 45 : i32
      %broadcast_in_dim3A_531 = vector.broadcast %broadcast_in_dim3A_530 : i32 to vector<16xi32>
      %gather3A_532 = tpu.vector_load_idx %arg6[%add3A_36, %broadcast_in_dim3A_531] : memref<512x128xf32, #tpu.memory_space<vmem>>[vector<16xi32>, vector<16xi32>], vector<16xf32>,
      %mul3A_533 = arith.constant 16 : i32
      %mul3A_534 = arith.muli %scan3A_22, %mul3A_533 : i32
      %add3A_535 = arith.constant 256 : i32
      %add3A_536 = arith.addi %add3A_535, %mul3A_534 : i32
      %swap3A_537 = arith.constant 45 : i32
      %swap3A_538 = arith.index_cast %swap3A_537 : i32 to index
      %swap3A_539 = arith.index_cast %add3A_536 : i32 to index
      %swap3A_540 = tpu.vector_load %arg7[%swap3A_538, %swap3A_539] {strides = array<i32>} : memref<64x512xf32, #tpu.memory_space<vmem>>, vector<16xf32>,
      tpu.vector_store %arg7[%swap3A_538, %swap3A_539], %gather3A_532 {strides = array<i32>} : memref<64x512xf32, #tpu.memory_space<vmem>>, vector<16xf32>,
      %broadcast_in_dim3A_541 = arith.constant 46 : i32
      %broadcast_in_dim3A_542 = vector.broadcast %broadcast_in_dim3A_541 : i32 to vector<16xi32>
      %gather3A_543 = tpu.vector_load_idx %arg6[%add3A_36, %broadcast_in_dim3A_542] : memref<512x128xf32, #tpu.memory_space<vmem>>[vector<16xi32>, vector<16xi32>], vector<16xf32>,
      %mul3A_544 = arith.constant 16 : i32
      %mul3A_545 = arith.muli %scan3A_22, %mul3A_544 : i32
      %add3A_546 = arith.constant 256 : i32
      %add3A_547 = arith.addi %add3A_546, %mul3A_545 : i32
      %swap3A_548 = arith.constant 46 : i32
      %swap3A_549 = arith.index_cast %swap3A_548 : i32 to index
      %swap3A_550 = arith.index_cast %add3A_547 : i32 to index
      %swap3A_551 = tpu.vector_load %arg7[%swap3A_549, %swap3A_550] {strides = array<i32>} : memref<64x512xf32, #tpu.memory_space<vmem>>, vector<16xf32>,
      tpu.vector_store %arg7[%swap3A_549, %swap3A_550], %gather3A_543 {strides = array<i32>} : memref<64x512xf32, #tpu.memory_space<vmem>>, vector<16xf32>,
      %broadcast_in_dim3A_552 = arith.constant 47 : i32
      %broadcast_in_dim3A_553 = vector.broadcast %broadcast_in_dim3A_552 : i32 to vector<16xi32>
      %gather3A_554 = tpu.vector_load_idx %arg6[%add3A_36, %broadcast_in_dim3A_553] : memref<512x128xf32, #tpu.memory_space<vmem>>[vector<16xi32>, vector<16xi32>], vector<16xf32>,
      %mul3A_555 = arith.constant 16 : i32
      %mul3A_556 = arith.muli %scan3A_22, %mul3A_555 : i32
      %add3A_557 = arith.constant 256 : i32
      %add3A_558 = arith.addi %add3A_557, %mul3A_556 : i32
      %swap3A_559 = arith.constant 47 : i32
      %swap3A_560 = arith.index_cast %swap3A_559 : i32 to index
      %swap3A_561 = arith.index_cast %add3A_558 : i32 to index
      %swap3A_562 = tpu.vector_load %arg7[%swap3A_560, %swap3A_561] {strides = array<i32>} : memref<64x512xf32, #tpu.memory_space<vmem>>, vector<16xf32>,
      tpu.vector_store %arg7[%swap3A_560, %swap3A_561], %gather3A_554 {strides = array<i32>} : memref<64x512xf32, #tpu.memory_space<vmem>>, vector<16xf32>,
      %broadcast_in_dim3A_563 = arith.constant 48 : i32
      %broadcast_in_dim3A_564 = vector.broadcast %broadcast_in_dim3A_563 : i32 to vector<16xi32>
      %gather3A_565 = tpu.vector_load_idx %arg6[%add3A_36, %broadcast_in_dim3A_564] : memref<512x128xf32, #tpu.memory_space<vmem>>[vector<16xi32>, vector<16xi32>], vector<16xf32>,
      %mul3A_566 = arith.constant 16 : i32
      %mul3A_567 = arith.muli %scan3A_22, %mul3A_566 : i32
      %add3A_568 = arith.constant 256 : i32
      %add3A_569 = arith.addi %add3A_568, %mul3A_567 : i32
      %swap3A_570 = arith.constant 48 : i32
      %swap3A_571 = arith.index_cast %swap3A_570 : i32 to index
      %swap3A_572 = arith.index_cast %add3A_569 : i32 to index
      %swap3A_573 = tpu.vector_load %arg7[%swap3A_571, %swap3A_572] {strides = array<i32>} : memref<64x512xf32, #tpu.memory_space<vmem>>, vector<16xf32>,
      tpu.vector_store %arg7[%swap3A_571, %swap3A_572], %gather3A_565 {strides = array<i32>} : memref<64x512xf32, #tpu.memory_space<vmem>>, vector<16xf32>,
      %broadcast_in_dim3A_574 = arith.constant 49 : i32
      %broadcast_in_dim3A_575 = vector.broadcast %broadcast_in_dim3A_574 : i32 to vector<16xi32>
      %gather3A_576 = tpu.vector_load_idx %arg6[%add3A_36, %broadcast_in_dim3A_575] : memref<512x128xf32, #tpu.memory_space<vmem>>[vector<16xi32>, vector<16xi32>], vector<16xf32>,
      %mul3A_577 = arith.constant 16 : i32
      %mul3A_578 = arith.muli %scan3A_22, %mul3A_577 : i32
      %add3A_579 = arith.constant 256 : i32
      %add3A_580 = arith.addi %add3A_579, %mul3A_578 : i32
      %swap3A_581 = arith.constant 49 : i32
      %swap3A_582 = arith.index_cast %swap3A_581 : i32 to index
      %swap3A_583 = arith.index_cast %add3A_580 : i32 to index
      %swap3A_584 = tpu.vector_load %arg7[%swap3A_582, %swap3A_583] {strides = array<i32>} : memref<64x512xf32, #tpu.memory_space<vmem>>, vector<16xf32>,
      tpu.vector_store %arg7[%swap3A_582, %swap3A_583], %gather3A_576 {strides = array<i32>} : memref<64x512xf32, #tpu.memory_space<vmem>>, vector<16xf32>,
      %broadcast_in_dim3A_585 = arith.constant 50 : i32
      %broadcast_in_dim3A_586 = vector.broadcast %broadcast_in_dim3A_585 : i32 to vector<16xi32>
      %gather3A_587 = tpu.vector_load_idx %arg6[%add3A_36, %broadcast_in_dim3A_586] : memref<512x128xf32, #tpu.memory_space<vmem>>[vector<16xi32>, vector<16xi32>], vector<16xf32>,
      %mul3A_588 = arith.constant 16 : i32
      %mul3A_589 = arith.muli %scan3A_22, %mul3A_588 : i32
      %add3A_590 = arith.constant 256 : i32
      %add3A_591 = arith.addi %add3A_590, %mul3A_589 : i32
      %swap3A_592 = arith.constant 50 : i32
      %swap3A_593 = arith.index_cast %swap3A_592 : i32 to index
      %swap3A_594 = arith.index_cast %add3A_591 : i32 to index
      %swap3A_595 = tpu.vector_load %arg7[%swap3A_593, %swap3A_594] {strides = array<i32>} : memref<64x512xf32, #tpu.memory_space<vmem>>, vector<16xf32>,
      tpu.vector_store %arg7[%swap3A_593, %swap3A_594], %gather3A_587 {strides = array<i32>} : memref<64x512xf32, #tpu.memory_space<vmem>>, vector<16xf32>,
      %broadcast_in_dim3A_596 = arith.constant 51 : i32
      %broadcast_in_dim3A_597 = vector.broadcast %broadcast_in_dim3A_596 : i32 to vector<16xi32>
      %gather3A_598 = tpu.vector_load_idx %arg6[%add3A_36, %broadcast_in_dim3A_597] : memref<512x128xf32, #tpu.memory_space<vmem>>[vector<16xi32>, vector<16xi32>], vector<16xf32>,
      %mul3A_599 = arith.constant 16 : i32
      %mul3A_600 = arith.muli %scan3A_22, %mul3A_599 : i32
      %add3A_601 = arith.constant 256 : i32
      %add3A_602 = arith.addi %add3A_601, %mul3A_600 : i32
      %swap3A_603 = arith.constant 51 : i32
      %swap3A_604 = arith.index_cast %swap3A_603 : i32 to index
      %swap3A_605 = arith.index_cast %add3A_602 : i32 to index
      %swap3A_606 = tpu.vector_load %arg7[%swap3A_604, %swap3A_605] {strides = array<i32>} : memref<64x512xf32, #tpu.memory_space<vmem>>, vector<16xf32>,
      tpu.vector_store %arg7[%swap3A_604, %swap3A_605], %gather3A_598 {strides = array<i32>} : memref<64x512xf32, #tpu.memory_space<vmem>>, vector<16xf32>,
      %broadcast_in_dim3A_607 = arith.constant 52 : i32
      %broadcast_in_dim3A_608 = vector.broadcast %broadcast_in_dim3A_607 : i32 to vector<16xi32>
      %gather3A_609 = tpu.vector_load_idx %arg6[%add3A_36, %broadcast_in_dim3A_608] : memref<512x128xf32, #tpu.memory_space<vmem>>[vector<16xi32>, vector<16xi32>], vector<16xf32>,
      %mul3A_610 = arith.constant 16 : i32
      %mul3A_611 = arith.muli %scan3A_22, %mul3A_610 : i32
      %add3A_612 = arith.constant 256 : i32
      %add3A_613 = arith.addi %add3A_612, %mul3A_611 : i32
      %swap3A_614 = arith.constant 52 : i32
      %swap3A_615 = arith.index_cast %swap3A_614 : i32 to index
      %swap3A_616 = arith.index_cast %add3A_613 : i32 to index
      %swap3A_617 = tpu.vector_load %arg7[%swap3A_615, %swap3A_616] {strides = array<i32>} : memref<64x512xf32, #tpu.memory_space<vmem>>, vector<16xf32>,
      tpu.vector_store %arg7[%swap3A_615, %swap3A_616], %gather3A_609 {strides = array<i32>} : memref<64x512xf32, #tpu.memory_space<vmem>>, vector<16xf32>,
      %broadcast_in_dim3A_618 = arith.constant 53 : i32
      %broadcast_in_dim3A_619 = vector.broadcast %broadcast_in_dim3A_618 : i32 to vector<16xi32>
      %gather3A_620 = tpu.vector_load_idx %arg6[%add3A_36, %broadcast_in_dim3A_619] : memref<512x128xf32, #tpu.memory_space<vmem>>[vector<16xi32>, vector<16xi32>], vector<16xf32>,
      %mul3A_621 = arith.constant 16 : i32
      %mul3A_622 = arith.muli %scan3A_22, %mul3A_621 : i32
      %add3A_623 = arith.constant 256 : i32
      %add3A_624 = arith.addi %add3A_623, %mul3A_622 : i32
      %swap3A_625 = arith.constant 53 : i32
      %swap3A_626 = arith.index_cast %swap3A_625 : i32 to index
      %swap3A_627 = arith.index_cast %add3A_624 : i32 to index
      %swap3A_628 = tpu.vector_load %arg7[%swap3A_626, %swap3A_627] {strides = array<i32>} : memref<64x512xf32, #tpu.memory_space<vmem>>, vector<16xf32>,
      tpu.vector_store %arg7[%swap3A_626, %swap3A_627], %gather3A_620 {strides = array<i32>} : memref<64x512xf32, #tpu.memory_space<vmem>>, vector<16xf32>,
      %broadcast_in_dim3A_629 = arith.constant 54 : i32
      %broadcast_in_dim3A_630 = vector.broadcast %broadcast_in_dim3A_629 : i32 to vector<16xi32>
      %gather3A_631 = tpu.vector_load_idx %arg6[%add3A_36, %broadcast_in_dim3A_630] : memref<512x128xf32, #tpu.memory_space<vmem>>[vector<16xi32>, vector<16xi32>], vector<16xf32>,
      %mul3A_632 = arith.constant 16 : i32
      %mul3A_633 = arith.muli %scan3A_22, %mul3A_632 : i32
      %add3A_634 = arith.constant 256 : i32
      %add3A_635 = arith.addi %add3A_634, %mul3A_633 : i32
      %swap3A_636 = arith.constant 54 : i32
      %swap3A_637 = arith.index_cast %swap3A_636 : i32 to index
      %swap3A_638 = arith.index_cast %add3A_635 : i32 to index
      %swap3A_639 = tpu.vector_load %arg7[%swap3A_637, %swap3A_638] {strides = array<i32>} : memref<64x512xf32, #tpu.memory_space<vmem>>, vector<16xf32>,
      tpu.vector_store %arg7[%swap3A_637, %swap3A_638], %gather3A_631 {strides = array<i32>} : memref<64x512xf32, #tpu.memory_space<vmem>>, vector<16xf32>,
      %broadcast_in_dim3A_640 = arith.constant 55 : i32
      %broadcast_in_dim3A_641 = vector.broadcast %broadcast_in_dim3A_640 : i32 to vector<16xi32>
      %gather3A_642 = tpu.vector_load_idx %arg6[%add3A_36, %broadcast_in_dim3A_641] : memref<512x128xf32, #tpu.memory_space<vmem>>[vector<16xi32>, vector<16xi32>], vector<16xf32>,
      %mul3A_643 = arith.constant 16 : i32
      %mul3A_644 = arith.muli %scan3A_22, %mul3A_643 : i32
      %add3A_645 = arith.constant 256 : i32
      %add3A_646 = arith.addi %add3A_645, %mul3A_644 : i32
      %swap3A_647 = arith.constant 55 : i32
      %swap3A_648 = arith.index_cast %swap3A_647 : i32 to index
      %swap3A_649 = arith.index_cast %add3A_646 : i32 to index
      %swap3A_650 = tpu.vector_load %arg7[%swap3A_648, %swap3A_649] {strides = array<i32>} : memref<64x512xf32, #tpu.memory_space<vmem>>, vector<16xf32>,
      tpu.vector_store %arg7[%swap3A_648, %swap3A_649], %gather3A_642 {strides = array<i32>} : memref<64x512xf32, #tpu.memory_space<vmem>>, vector<16xf32>,
      %broadcast_in_dim3A_651 = arith.constant 56 : i32
      %broadcast_in_dim3A_652 = vector.broadcast %broadcast_in_dim3A_651 : i32 to vector<16xi32>
      %gather3A_653 = tpu.vector_load_idx %arg6[%add3A_36, %broadcast_in_dim3A_652] : memref<512x128xf32, #tpu.memory_space<vmem>>[vector<16xi32>, vector<16xi32>], vector<16xf32>,
      %mul3A_654 = arith.constant 16 : i32
      %mul3A_655 = arith.muli %scan3A_22, %mul3A_654 : i32
      %add3A_656 = arith.constant 256 : i32
      %add3A_657 = arith.addi %add3A_656, %mul3A_655 : i32
      %swap3A_658 = arith.constant 56 : i32
      %swap3A_659 = arith.index_cast %swap3A_658 : i32 to index
      %swap3A_660 = arith.index_cast %add3A_657 : i32 to index
      %swap3A_661 = tpu.vector_load %arg7[%swap3A_659, %swap3A_660] {strides = array<i32>} : memref<64x512xf32, #tpu.memory_space<vmem>>, vector<16xf32>,
      tpu.vector_store %arg7[%swap3A_659, %swap3A_660], %gather3A_653 {strides = array<i32>} : memref<64x512xf32, #tpu.memory_space<vmem>>, vector<16xf32>,
      %broadcast_in_dim3A_662 = arith.constant 57 : i32
      %broadcast_in_dim3A_663 = vector.broadcast %broadcast_in_dim3A_662 : i32 to vector<16xi32>
      %gather3A_664 = tpu.vector_load_idx %arg6[%add3A_36, %broadcast_in_dim3A_663] : memref<512x128xf32, #tpu.memory_space<vmem>>[vector<16xi32>, vector<16xi32>], vector<16xf32>,
      %mul3A_665 = arith.constant 16 : i32
      %mul3A_666 = arith.muli %scan3A_22, %mul3A_665 : i32
      %add3A_667 = arith.constant 256 : i32
      %add3A_668 = arith.addi %add3A_667, %mul3A_666 : i32
      %swap3A_669 = arith.constant 57 : i32
      %swap3A_670 = arith.index_cast %swap3A_669 : i32 to index
      %swap3A_671 = arith.index_cast %add3A_668 : i32 to index
      %swap3A_672 = tpu.vector_load %arg7[%swap3A_670, %swap3A_671] {strides = array<i32>} : memref<64x512xf32, #tpu.memory_space<vmem>>, vector<16xf32>,
      tpu.vector_store %arg7[%swap3A_670, %swap3A_671], %gather3A_664 {strides = array<i32>} : memref<64x512xf32, #tpu.memory_space<vmem>>, vector<16xf32>,
      %broadcast_in_dim3A_673 = arith.constant 58 : i32
      %broadcast_in_dim3A_674 = vector.broadcast %broadcast_in_dim3A_673 : i32 to vector<16xi32>
      %gather3A_675 = tpu.vector_load_idx %arg6[%add3A_36, %broadcast_in_dim3A_674] : memref<512x128xf32, #tpu.memory_space<vmem>>[vector<16xi32>, vector<16xi32>], vector<16xf32>,
      %mul3A_676 = arith.constant 16 : i32
      %mul3A_677 = arith.muli %scan3A_22, %mul3A_676 : i32
      %add3A_678 = arith.constant 256 : i32
      %add3A_679 = arith.addi %add3A_678, %mul3A_677 : i32
      %swap3A_680 = arith.constant 58 : i32
      %swap3A_681 = arith.index_cast %swap3A_680 : i32 to index
      %swap3A_682 = arith.index_cast %add3A_679 : i32 to index
      %swap3A_683 = tpu.vector_load %arg7[%swap3A_681, %swap3A_682] {strides = array<i32>} : memref<64x512xf32, #tpu.memory_space<vmem>>, vector<16xf32>,
      tpu.vector_store %arg7[%swap3A_681, %swap3A_682], %gather3A_675 {strides = array<i32>} : memref<64x512xf32, #tpu.memory_space<vmem>>, vector<16xf32>,
      %broadcast_in_dim3A_684 = arith.constant 59 : i32
      %broadcast_in_dim3A_685 = vector.broadcast %broadcast_in_dim3A_684 : i32 to vector<16xi32>
      %gather3A_686 = tpu.vector_load_idx %arg6[%add3A_36, %broadcast_in_dim3A_685] : memref<512x128xf32, #tpu.memory_space<vmem>>[vector<16xi32>, vector<16xi32>], vector<16xf32>,
      %mul3A_687 = arith.constant 16 : i32
      %mul3A_688 = arith.muli %scan3A_22, %mul3A_687 : i32
      %add3A_689 = arith.constant 256 : i32
      %add3A_690 = arith.addi %add3A_689, %mul3A_688 : i32
      %swap3A_691 = arith.constant 59 : i32
      %swap3A_692 = arith.index_cast %swap3A_691 : i32 to index
      %swap3A_693 = arith.index_cast %add3A_690 : i32 to index
      %swap3A_694 = tpu.vector_load %arg7[%swap3A_692, %swap3A_693] {strides = array<i32>} : memref<64x512xf32, #tpu.memory_space<vmem>>, vector<16xf32>,
      tpu.vector_store %arg7[%swap3A_692, %swap3A_693], %gather3A_686 {strides = array<i32>} : memref<64x512xf32, #tpu.memory_space<vmem>>, vector<16xf32>,
      %broadcast_in_dim3A_695 = arith.constant 60 : i32
      %broadcast_in_dim3A_696 = vector.broadcast %broadcast_in_dim3A_695 : i32 to vector<16xi32>
      %gather3A_697 = tpu.vector_load_idx %arg6[%add3A_36, %broadcast_in_dim3A_696] : memref<512x128xf32, #tpu.memory_space<vmem>>[vector<16xi32>, vector<16xi32>], vector<16xf32>,
      %mul3A_698 = arith.constant 16 : i32
      %mul3A_699 = arith.muli %scan3A_22, %mul3A_698 : i32
      %add3A_700 = arith.constant 256 : i32
      %add3A_701 = arith.addi %add3A_700, %mul3A_699 : i32
      %swap3A_702 = arith.constant 60 : i32
      %swap3A_703 = arith.index_cast %swap3A_702 : i32 to index
      %swap3A_704 = arith.index_cast %add3A_701 : i32 to index
      %swap3A_705 = tpu.vector_load %arg7[%swap3A_703, %swap3A_704] {strides = array<i32>} : memref<64x512xf32, #tpu.memory_space<vmem>>, vector<16xf32>,
      tpu.vector_store %arg7[%swap3A_703, %swap3A_704], %gather3A_697 {strides = array<i32>} : memref<64x512xf32, #tpu.memory_space<vmem>>, vector<16xf32>,
      %broadcast_in_dim3A_706 = arith.constant 61 : i32
      %broadcast_in_dim3A_707 = vector.broadcast %broadcast_in_dim3A_706 : i32 to vector<16xi32>
      %gather3A_708 = tpu.vector_load_idx %arg6[%add3A_36, %broadcast_in_dim3A_707] : memref<512x128xf32, #tpu.memory_space<vmem>>[vector<16xi32>, vector<16xi32>], vector<16xf32>,
      %mul3A_709 = arith.constant 16 : i32
      %mul3A_710 = arith.muli %scan3A_22, %mul3A_709 : i32
      %add3A_711 = arith.constant 256 : i32
      %add3A_712 = arith.addi %add3A_711, %mul3A_710 : i32
      %swap3A_713 = arith.constant 61 : i32
      %swap3A_714 = arith.index_cast %swap3A_713 : i32 to index
      %swap3A_715 = arith.index_cast %add3A_712 : i32 to index
      %swap3A_716 = tpu.vector_load %arg7[%swap3A_714, %swap3A_715] {strides = array<i32>} : memref<64x512xf32, #tpu.memory_space<vmem>>, vector<16xf32>,
      tpu.vector_store %arg7[%swap3A_714, %swap3A_715], %gather3A_708 {strides = array<i32>} : memref<64x512xf32, #tpu.memory_space<vmem>>, vector<16xf32>,
      %broadcast_in_dim3A_717 = arith.constant 62 : i32
      %broadcast_in_dim3A_718 = vector.broadcast %broadcast_in_dim3A_717 : i32 to vector<16xi32>
      %gather3A_719 = tpu.vector_load_idx %arg6[%add3A_36, %broadcast_in_dim3A_718] : memref<512x128xf32, #tpu.memory_space<vmem>>[vector<16xi32>, vector<16xi32>], vector<16xf32>,
      %mul3A_720 = arith.constant 16 : i32
      %mul3A_721 = arith.muli %scan3A_22, %mul3A_720 : i32
      %add3A_722 = arith.constant 256 : i32
      %add3A_723 = arith.addi %add3A_722, %mul3A_721 : i32
      %swap3A_724 = arith.constant 62 : i32
      %swap3A_725 = arith.index_cast %swap3A_724 : i32 to index
      %swap3A_726 = arith.index_cast %add3A_723 : i32 to index
      %swap3A_727 = tpu.vector_load %arg7[%swap3A_725, %swap3A_726] {strides = array<i32>} : memref<64x512xf32, #tpu.memory_space<vmem>>, vector<16xf32>,
      tpu.vector_store %arg7[%swap3A_725, %swap3A_726], %gather3A_719 {strides = array<i32>} : memref<64x512xf32, #tpu.memory_space<vmem>>, vector<16xf32>,
      %broadcast_in_dim3A_728 = arith.constant 63 : i32
      %broadcast_in_dim3A_729 = vector.broadcast %broadcast_in_dim3A_728 : i32 to vector<16xi32>
      %gather3A_730 = tpu.vector_load_idx %arg6[%add3A_36, %broadcast_in_dim3A_729] : memref<512x128xf32, #tpu.memory_space<vmem>>[vector<16xi32>, vector<16xi32>], vector<16xf32>,
      %mul3A_731 = arith.constant 16 : i32
      %mul3A_732 = arith.muli %scan3A_22, %mul3A_731 : i32
      %add3A_733 = arith.constant 256 : i32
      %add3A_734 = arith.addi %add3A_733, %mul3A_732 : i32
      %swap3A_735 = arith.constant 63 : i32
      %swap3A_736 = arith.index_cast %swap3A_735 : i32 to index
      %swap3A_737 = arith.index_cast %add3A_734 : i32 to index
      %swap3A_738 = tpu.vector_load %arg7[%swap3A_736, %swap3A_737] {strides = array<i32>} : memref<64x512xf32, #tpu.memory_space<vmem>>, vector<16xf32>,
      tpu.vector_store %arg7[%swap3A_736, %swap3A_737], %gather3A_730 {strides = array<i32>} : memref<64x512xf32, #tpu.memory_space<vmem>>, vector<16xf32>,
    }
    %scan3A_21 = arith.constant 16 : i32
    "tpu.region"() ({
      %run_scoped3A = tpu.sem_alloc : memref<!tpu.dma_semaphore, #tpu.memory_space<semaphore_mem>>
      %dma_start3A = arith.constant 0 : i32
      %dma_start3A_22 = tpu.memref_slice %arg4[%dma_start3A, %mul3A_2] : memref<64x16384xf32, #tpu.memory_space<hbm>> -> memref<64x512xf32, #tpu.memory_space<hbm>>
      %dma_start3A_23 = arith.constant 0 : i32
      %dma_start3A_24 = tpu.memref_slice %arg4[%dma_start3A_23, %mul3A_2] : memref<64x16384xf32, #tpu.memory_space<hbm>> -> memref<64x512xf32, #tpu.memory_space<hbm>>
      tpu.enqueue_dma source(%arg7 : memref<64x512xf32, #tpu.memory_space<vmem>>) target(%dma_start3A_24 : memref<64x512xf32, #tpu.memory_space<hbm>>) target_semaphore(%run_scoped3A : memref<!tpu.dma_semaphore, #tpu.memory_space<semaphore_mem>>)
      %dma_wait3A = arith.constant 0 : i32
      %dma_wait3A_25 = tpu.memref_slice %arg4[%dma_wait3A, %mul3A_2] : memref<64x16384xf32, #tpu.memory_space<hbm>> -> memref<64x512xf32, #tpu.memory_space<hbm>>
      %dma_wait3A_26 = arith.constant 0 : i32
      %dma_wait3A_27 = tpu.memref_slice %arg4[%dma_wait3A_26, %mul3A_2] : memref<64x16384xf32, #tpu.memory_space<hbm>> -> memref<64x512xf32, #tpu.memory_space<hbm>>
      tpu.wait_dma2 semaphore(%run_scoped3A : memref<!tpu.dma_semaphore, #tpu.memory_space<semaphore_mem>>) src(%arg7 : memref<64x512xf32, #tpu.memory_space<vmem>>) dst(%dma_wait3A_27 : memref<64x512xf32, #tpu.memory_space<hbm>>)
      tpu.yield
    }) : () -> ()
    return
  }
}

</mosaic_0001>

<sc_bundles>
// kernel: kernel.4.cloned.1.call-start
scs
__scs_entry_jumppad:
0x0: {  	(pc) =	sbr.rel $0x88, $3  }
0x1: {  	(tag) =	ssettag $0x0;
	lr =	simm.s32 $0x1  }
0x2: {  	[smem:$0x3F9F] =	sst lr;
	_ =	strace $0xD0000000  }
0x3: {  	_ = 	snop  }
0x4: {  	_ = 	snop  }
0x5: {  	_ = 	snop  }
0x6: {  	_ = 	snop  }
0x7: {  	_ = 	snop  }
__scs_overlays_trampoline_lowered:
0x8: {  	[smem:$0x3FAE] =	sst s0  }
0x9: {  	[smem:$0x3FAF] =	sst s1  }
0xa: {  	[smem:$0x3FB0] =	sst s2  }
0xb: {  	[smem:$0x3FB1] =	sst s3  }
0xc: {  	[smem:$0x3FB2] =	sst s4  }
0xd: {  	[smem:$0x3FB3] =	sst s5  }
0xe: {  	[smem:$0x3FB4] =	sst s6  }
0xf: {  	[smem:$0x3FB5] =	sst s7  }
0x10: {  	[smem:$0x3FB6] =	sst s8  }
0x11: {  	[smem:$0x3FB7] =	sst s9;
	s0 =	simm.s32 @!p0 $0x0  }
0x12: {  	s1 =	sld [smem:$0x3F9D];
	s0 =	simm.s32 @p0 $0x1  }
0x13: {  	[smem:$0x3FB8] =	sst s0;
	s0 =	simm.s32 @!p1 $0x0  }
0x14: {  	s2 =	sld [smem:$0x3F9C];
	s0 =	simm.s32 @p1 $0x1  }
0x15: {  	[smem:$0x3FB9] =	sst s0;
	s0 =	simm.s32 @!p2 $0x0  }
0x16: {  	s3 =	sld [smem:$0x3FDB];
	s0 =	simm.s32 @p2 $0x1  }
0x17: {  	s4 =	simm.s32 $0x1BF5;
	[smem:$0x3FBB] =	sst s0  }
0x18: {  	s0 =	sld [smem:$0x3F9E];
	_ =	swait.ge [sflag:s4], $0x0  }
0x19: {  	s7 =	sld [smem:$0x3F9F]  }
0x1a: {  	s8 =	sadd.s32 $0xFFFFE003, lr  }
0x1b: {  	s9 =	sadd.s32 $0xFFFFFEF7, lr;
	s5 =	simm.s32 $0xFFFFFFFF;
	p2 =	slt.u32 s8, $0xFFFFF086  }
0x1c: {  	p1 =	slt.u32 s9, $0xF7A;
	s5 =	simm.s32 @!p2 $0x0  }
0x1d: {  	s5 =	simm.s32 @p1 $0x1;
	p0 =	seq.s32 s7, s2  }
0x1e: {  	s7 =	smul.u32 @!p0 $0xF7A, s2;
	p2 =	seq.s32 @!p0 s5, $0x0  }
0x1f: {  	s9 =	smul.u32 $0xF7A, s1;
	s8 =	simm.s32 @!p0 $0x1BF5;
	p2 =	por !p2, p0  }
0x20: {  	[sflag:s8] =	ssyncset.s32 @!p0 $0xFFFFF086;
	s6 =	sadd.s32 @!p0 s3, s7;
	s7 =	simm.s32 @!p0 $0x108  }
0x21: {  	s3 =	sadd.s32 s3, s9;
	s6 =	sadd.s32 @!p0 $0x88, s6;
	s7 =	simm.s32 @p2 $0x1082  }
0x22: {  	[simem:s7], [sflag:s8] =	dma.local @!p0 [hbm:s6], $0xF7A  }
0x23: {  	s9 =	sor.u32 $0xD0000000, s2;
	s6 =	simm.s32 $0x108;
	_ =	swait.ge @!p0 [sflag:s8], $0x0  }
0x24: {  	s3 =	sadd.s32 $0x88, s3;
	s6 =	simm.s32 @!p1 $0x1082;
	[sflag:s4] =	ssyncset.s32 $0xFFFFF086  }
0x25: {  	[simem:s6], [sflag:s4] =	dma.local [hbm:s3], $0xF7A  }
0x26: {  	[smem:$0x3F9F] =	sst s1;
	(tag) =	ssettag s2;
	_ =	strace s9  }
0x27: {  	s1 =	sld [smem:$0x3FAF]  }
0x28: {  	s2 =	sld [smem:$0x3FB0]  }
0x29: {  	s4 =	sld [smem:$0x3FB2]  }
0x2a: {  	p0 =	seq.s32 s5, $0x0;
	s5 =	sld [smem:$0x3FB3]  }
0x2b: {  	s6 =	sld [smem:$0x3FB4]  }
0x2c: {  	s7 =	sld [smem:$0x3FB5]  }
0x2d: {  	s3 =	simm.s32 $0x108;
	s8 =	sld [smem:$0x3FB6]  }
0x2e: {  	s3 =	simm.s32 @!p0 $0x1082;
	s9 =	sld [smem:$0x3FB7]  }
0x2f: {  	lr =	sadd.s32 s0, s3;
	s0 =	sld [smem:$0x3FAE]  }
0x30: {  	s3 =	sld [smem:$0x3FB1]  }
0x31: {  	[smem:$0x3FBA] =	sst s10  }
0x32: {  	s10 =	sld [smem:$0x3FB8];
	_ =	sdelay $0x3  }
0x33: {  	p0 =	seq.s32 s10, $0x1;
	s10 =	sld [smem:$0x3FBA];
	_ =	sdelay $0x3  }
0x34: {  	[smem:$0x3FBA] =	sst s10  }
0x35: {  	s10 =	sld [smem:$0x3FB9];
	_ =	sdelay $0x3  }
0x36: {  	p1 =	seq.s32 s10, $0x1;
	s10 =	sld [smem:$0x3FBA];
	_ =	sdelay $0x3  }
0x37: {  	[smem:$0x3FBA] =	sst s10  }
0x38: {  	s10 =	sld [smem:$0x3FBB]  }
0x39: {  	_ = 	snop;
	(pc) =	sbr.ind lr, $3  }
0x3a: {  	_ = 	snop  }
0x3b: {  	_ = 	snop  }
0x3c: {  	p2 =	seq.s32 s10, $0x1;
	s10 =	sld [smem:$0x3FBA]  }
0x3d: {  	_ =	shalt  }
0x3e: {  	_ =	shalt  }
0x3f: {  	_ =	shalt  }
0x40: {  	_ =	shalt  }
0x41: {  	_ =	shalt  }
0x42: {  	_ =	shalt  }
0x43: {  	_ =	shalt  }
0x44: {  	_ =	shalt  }
0x45: {  	_ =	shalt  }
0x46: {  	_ =	shalt  }
0x47: {  	_ =	shalt  }
0x48: {  	_ =	shalt  }
0x49: {  	_ =	shalt  }
0x4a: {  	_ =	shalt  }
0x4b: {  	_ =	shalt  }
0x4c: {  	_ =	shalt  }
0x4d: {  	_ =	shalt  }
0x4e: {  	_ =	shalt  }
0x4f: {  	_ =	shalt  }
0x50: {  	_ =	shalt  }
0x51: {  	_ =	shalt  }
0x52: {  	_ =	shalt  }
0x53: {  	_ =	shalt  }
0x54: {  	_ =	shalt  }
0x55: {  	_ =	shalt  }
0x56: {  	_ =	shalt  }
0x57: {  	_ =	shalt  }
0x58: {  	_ =	shalt  }
0x59: {  	_ =	shalt  }
0x5a: {  	_ =	shalt  }
0x5b: {  	_ =	shalt  }
0x5c: {  	_ =	shalt  }
0x5d: {  	_ =	shalt  }
0x5e: {  	_ =	shalt  }
0x5f: {  	_ =	shalt  }
0x60: {  	_ =	shalt  }
0x61: {  	_ =	shalt  }
0x62: {  	_ =	shalt  }
0x63: {  	_ =	shalt  }
0x64: {  	_ =	shalt  }
0x65: {  	_ =	shalt  }
0x66: {  	_ =	shalt  }
0x67: {  	_ =	shalt  }
0x68: {  	_ =	shalt  }
0x69: {  	_ =	shalt  }
0x6a: {  	_ =	shalt  }
0x6b: {  	_ =	shalt  }
0x6c: {  	_ =	shalt  }
0x6d: {  	_ =	shalt  }
0x6e: {  	_ =	shalt  }
0x6f: {  	_ =	shalt  }
0x70: {  	_ =	shalt  }
0x71: {  	_ =	shalt  }
0x72: {  	_ =	shalt  }
0x73: {  	_ =	shalt  }
0x74: {  	_ =	shalt  }
0x75: {  	_ =	shalt  }
0x76: {  	_ =	shalt  }
0x77: {  	_ =	shalt  }
0x78: {  	_ =	shalt  }
0x79: {  	_ =	shalt  }
0x7a: {  	_ =	shalt  }
0x7b: {  	_ =	shalt  }
0x7c: {  	_ =	shalt  }
0x7d: {  	_ =	shalt  }
0x7e: {  	_ =	shalt  }
0x7f: {  	_ =	shalt  }
0x80: {  	_ =	shalt  }
0x81: {  	_ =	shalt  }
0x82: {  	_ =	shalt  }
0x83: {  	_ =	shalt  }
0x84: {  	_ =	shalt  }
0x85: {  	_ =	shalt  }
0x86: {  	_ =	shalt  }
0x87: {  	_ =	shalt  }
.Lfunc_end0:
.L_simem_size_0:
called_computation_lowered:
.L_overlay_start_0:
0x88: {  	s2 =	sld [smem:$0x3FD9]  }
0x89: {  	s3 =	sld [smem:$0x3FFE];
	_ =	sdelay $0x1  }
0x8a: {  	s1 =	srdreg.scid  }
0x8b: {  	s0 =	sand.u32 $0x1, s1  }
0x8c: {  	s17 =	sshll.u32 s0, $0xA;
	s2 =	sadd.s32 s3, s2  }
0x8d: {  	s2 =	sadd.s32 s2, s17  }
0x8e: {  	[smem:$0x3FC6] =	sst s2  }
0x8f: {  	_ = 	snop  }
0x90: {  	s2 =	sld [smem:$0x3FC9]  }
0x91: {  	s18 =	sld [smem:$0x3FC8]  }
0x92: {  	s4 =	sld [smem:$0x3FD0];
	(tm) =	ssettm $0x1  }
0x93: {  	s5 =	sld [smem:$0x3FFB];
	_ =	sdelay $0x3  }
0x94: {  	_ =	strace s5  }
0x95: {  	s5 =	sld [smem:$0x3FFC];
	_ =	sdelay $0x3  }
0x96: {  	_ =	strace s5  }
0x97: {  	s5 =	sld [smem:$0x3FFD];
	_ =	sdelay $0x3  }
0x98: {  	_ =	strace s5  }
0x99: {  	_ =	strace $0x8FFFFFFF  }
0x9a: {  	s19 =	sld [smem:$0x3FDB];
	_ =	sdelay $0x1  }
0x9b: {  	s6 =	simm.s32 $_scs_section_size  }
0x9c: {  	s7 =	simm.s32 $_size__tile_overlayer_lowered;
	s8 =	simm.s32 $_tile_overlayer_lowered  }
0x9d: {  	s22 =	simm.s32 $0x1BFF;
	s21 =	sshll.u32 s8, $0x1;
	s5 =	sadd.s32 s6, s19  }
0x9e: {  	s9 =	simm.s32 $0x0;
	s20 =	sshll.u32 s7, $0x1;
	s7 =	sadd.s32 s21, s5  }
0x9f: {  	[timem:s9], [sflag:s22] =	dma.local [hbm:s7], s20  }
0xa0: {  	_ =	swait.ge [sflag:s22], s20  }
0xa1: {  	s6 =	ssub.s32 $0x0, s20;
	[sflag:s22] =	ssyncset.done $0x0  }
0xa2: {  	[sflag:s22] =	ssyncadd.s32 s6;
	_ =	sdelay $0x1  }
0xa3: {  	s23 =	simm.s32 $0x1B8B  }
0xa4: {  	_ =	swait.ge [sflag:s23], $0x1  }
0xa5: {  	[sflag:s23] =	ssyncset.done $0x0  }
0xa6: {  	s25 =	simm.s32 $0x1B8E;
	s24 =	sld [smem:$0x3FFE];
	[sflag:s23] =	ssyncadd.s32 $0xFFFFFFFF  }
0xa7: {  	s26 =	simm.s32 $execute0_lowered;
	[smem:$0x3FD2] =	sst s25  }
0xa8: {  	s7 =	sshll.u32 s26, $0x1;
	_ =	strace $0x80000046;
	[dreg:$0x1] =	wrdreg $0xFFFFFFFF  }
0xa9: {  	s28 =	simm.s32 $_size_execute0_lowered;
	s5 =	sadd.s32 s5, s7;
	[dreg:$0x0] =	wrdreg $0x0  }
0xaa: {  	s7 =	sshll.u32 s28, $0x1;
	[dreg:$0x2] =	wrdreg s5  }
0xab: {  	[dreg:$0x3] =	wrdreg s7  }
0xac: {  	[dreg:$0x4] =	wrdreg $0xC0  }
0xad: {  	_ =	task [dreg:s9], $0x5FFFF  }
0xae: {  	[dreg:$0x1] =	wrdreg $0xFFFFFFFF  }
0xaf: {  	[dreg:$0x0] =	wrdreg $0x60  }
0xb0: {  	[dreg:$0x2] =	wrdreg s18  }
0xb1: {  	[dreg:$0x3] =	wrdreg s4  }
0xb2: {  	[dreg:$0x4] =	wrdreg s2  }
0xb3: {  	[dreg:$0x5] =	wrdreg s24  }
0xb4: {  	[dreg:$0x6] =	wrdreg $0x9  }
0xb5: {  	_ =	task.clear_ibuf [dreg:s9], $0x7FFFF;
	_ =	strace $0x90000046  }
0xb6: {  	s29 =	simm.s32 $0x9;
	_ =	strace $0x80000048  }
0xb7: {  	_ =	swait.ge [sflag:s29], $0x1  }
0xb8: {  	[sflag:s29] =	ssyncadd.s32 $0xFFFFFFFF  }
0xb9: {  	_ =	strace $0x90000048  }
0xba: {  	_ =	sfence  }
0xbb: {  	s30 =	sld [smem:$0x0];
	_ =	sdelay $0x2  }
0xbc: {  	s31 =	sshll.u32 s1, $0xD;
	s1 =	sshrl.u32 s1, $0x2  }
0xbd: {  	s3 =	sand.u32 $0x4000, s31;
	s1 =	sadd.s32 s1, s30  }
0xbe: {  	s0 =	sor.u32 s3, s0;
	s1 =	sshll.u32 s1, $0x11  }
0xbf: {  	s0 =	sor.u32 s1, s0  }
0xc0: {  	s0 =	sadd.s32 $0x8F2B, s0  }
0xc1: {  	[sflag:s0] =	ssyncadd.remote.s32 $0x1  }
0xc2: {  	_ =	sfence.sel $0xFFFF  }
0xc3: {  	[dreg:$0x0] =	wrdreg $0xFFFFFFFF;
	(pc) =	sbr.abs _section_cstart, $3  }
0xc4: {  	[dreg:$0x1] =	wrdreg $0xFFFFFFFF  }
0xc5: {  	_ =	task.clear_ibuf [dreg:s9], $0x2FFFF;
	_ =	strace $0x9FFFFFFF  }
0xc6: {  	(tm) =	ssettm $0x7FFFFFFF  }
0xc7: {  	_ =	shalt  }
tec
execute0_lowered:
.L_overlay_start_1:
0x0: {  	(tag) =	ssettag $0x1  }
0x1: {  	v0 =	vimm.s32 $0x1B80;
	vm14 =	vcmask $0x300;
	vm10 =	vcmask $0x704  }
0x2: {  	vm11 =	vcmask $0xB08;
	vm12 =	vcmask $0xF0C;
	vm13 =	vcmask $0x1310  }
0x3: {  	vm9 =	vcmask $0x1714;
	vm8 =	vcmask $0x1B18;
	vm7 =	vcmask $0x1F1C  }
0x4: {  	vm6 =	vcmask $0x2320;
	vm5 =	vcmask $0x2724;
	vm4 =	vcmask $0x2B28  }
0x5: {  	vm3 =	vcmask $0x2F2C;
	vm2 =	vcmask $0x3330;
	vm1 =	vcmask $0x3734  }
0x6: {  	vm0 =	vcmask $0x3B38;
	v4 =	vlaneseq.u32;
	v6 =	vimm.s32 $0x4B80  }
0x7: {  	v7 =	vimm.s32 $0x7B80;
	v8 =	vimm.s32 $0xAB80;
	v0 =	vsel vm14, $0x0, v0  }
0x8: {  	v6 =	vsel vm14, $0x3000, v6;
	v7 =	vsel vm14, $0x6000, v7;
	v8 =	vsel vm14, $0x9000, v8  }
0x9: {  	v9 =	vor.u32 $0x10, v4;
	v10 =	vor.u32 $0x20, v4;
	v11 =	vor.u32 $0x30, v4  }
0xa: {  	v0 =	vsel vm10, $0x80, v0;
	v6 =	vsel vm10, $0x3080, v6;
	v7 =	vsel vm10, $0x6080, v7  }
0xb: {  	v8 =	vsel vm10, $0x9080, v8;
	v0 =	vsel vm11, $0x100, v0;
	v6 =	vsel vm11, $0x3100, v6  }
0xc: {  	v7 =	vsel vm11, $0x6100, v7;
	v8 =	vsel vm11, $0x9100, v8;
	v0 =	vsel vm12, $0x180, v0  }
0xd: {  	s0 =	srdreg.scid;
	v6 =	vsel vm12, $0x3180, v6;
	v7 =	vsel vm12, $0x6180, v7;
	v8 =	vsel vm12, $0x9180, v8  }
0xe: {  	s10 =	sand.u32 $0x1, s0;
	v0 =	vsel vm13, $0x200, v0;
	v6 =	vsel vm13, $0x3200, v6;
	v7 =	vsel vm13, $0x6200, v7  }
0xf: {  	s30 =	stileid.u32;
	s1 =	sshll.u32 s10, $0x4;
	v8 =	vsel vm13, $0x9200, v8;
	v0 =	vsel vm9, $0x280, v0;
	v6 =	vsel vm9, $0x3280, v6  }
0x10: {  	s17 =	sor.u32 s30, s1;
	v7 =	vsel vm9, $0x6280, v7;
	v8 =	vsel vm9, $0x9280, v8;
	v0 =	vsel vm8, $0x300, v0  }
0x11: {  	s2 =	smul.u32 $0x516, s17;
	v6 =	vsel vm8, $0x3300, v6;
	v7 =	vsel vm8, $0x6300, v7;
	v8 =	vsel vm8, $0x9300, v8  }
0x12: {  	s5 =	rddreg [dreg:$0x1];
	v0 =	vsel vm7, $0x380, v0;
	v6 =	vsel vm7, $0x3380, v6;
	v7 =	vsel vm7, $0x6380, v7  }
0x13: {  	s6 =	rddreg [dreg:$0x2];
	s1 =	sshrl.u32 s2, $0x5;
	s2 =	sadd.s32 $0x516, s2;
	v8 =	vsel vm7, $0x9380, v8;
	v0 =	vsel vm6, $0x1800, v0;
	v6 =	vsel vm6, $0x4800, v6  }
0x14: {  	s9 =	rddreg [dreg:$0x3];
	s2 =	sshrl.u32 s2, $0x5;
	s3 =	smul.u32 $0x300, s1;
	v7 =	vsel vm6, $0x7800, v7;
	v8 =	vsel vm6, $0xA800, v8;
	v0 =	vsel vm5, $0x1880, v0  }
0x15: {  	s8 =	simm.s32 $0x0;
	s13 =	simm.s32 $0x1;
	s4 =	smul.u32 $0x300, s2;
	v6 =	vsel vm5, $0x4880, v6;
	v7 =	vsel vm5, $0x7880, v7;
	v8 =	vsel vm5, $0xA880, v8  }
0x16: {  	s14 =	simm.s32 $0x1800;
	s15 =	simm.s32 $0x7A1400;
	p0 =	seq.s32 s17, $0x1F;
	v1 =	vsel vm4, $0x1900, v0;
	v0 =	vmov s3;
	v6 =	vsel vm4, $0x4900, v6  }
0x17: {  	s16 =	simm.s32 $0x4900;
	s4 =	simm.s32 @p0 $0xF4240;
	s3 =	ssub.s32 $0xF4200, s3;
	v7 =	vsel vm4, $0x7900, v7;
	v8 =	vsel vm4, $0xA900, v8;
	v2 =	vsel vm3, $0x1980, v1  }
0x18: {  	s18 =	simm.s32 $0x14900;
	s19 =	simm.s32 $0x10900;
	v1 =	vmov s4;
	s31 =	sshll.u32 s3, $0xE;
	v6 =	vsel vm3, $0x4980, v6;
	v7 =	vsel vm3, $0x7980, v7  }
.Ltmp0:
0x19: {  	s20 =	simm.s32 $0x0;
	s11 =	ssub.s32 $0x2, s10;
	v8 =	vsel vm3, $0xA980, v8;
	v3 =	vsel vm2, $0x1A00, v2;
	v2 =	vmov s31;
	(pc) =	sbr.rel .LBB2_1-.Ltmp0, $4  }
0x1a: {  	[smem:$0x7FF] =	sst s8;
	s9 =	sadd.s32 $0x800, s9;
	s12 =	sshrl.u32 s11, $0x1;
	v6 =	vsel vm2, $0x4A00, v6;
	v7 =	vsel vm2, $0x7A00, v7;
	v8 =	vsel vm2, $0xAA00, v8  }
0x1b: {  	s10 =	sshll.u32 s10, $0xE;
	s11 =	ssub.s32 s11, s12;
	s12 =	simm.s32 $0x14A00;
	v5 =	vsel vm1, $0x1A80, v3;
	v3 =	vimm.s32 $0xFFFFFFFF;
	v6 =	vsel vm1, $0x4A80, v6  }
0x1c: {  	p1 =	sne.s32 s17, $0x1F;
	s17 =	simm.s32 $0x80;
	s11 =	smax.u32 s11, $0x1;
	v7 =	vsel vm1, $0x7A80, v7;
	v8 =	vsel vm1, $0xAA80, v8;
	v5 =	vsel vm0, $0x1B00, v5  }
0x1d: {  	p0 =	sge.u32 s1, s2;
	s4 =	rddreg [dreg:$0x0];
	_ =	strace $0x80000047;
	v6 =	vsel vm0, $0x4B00, v6;
	v7 =	vsel vm0, $0x7B00, v7;
	v8 =	vsel vm0, $0xAB00, v8  }
.LBB2_21:
0x1e: {  	s0 =	sand.u32 $0x7F, s21  }
0x1f: {  	[tilespmem:s0+$0x14900] =	vst v3;
	(ifvalue) =	ssetifvalue $0xFFFFFFFF  }
0x20: {  	(ifvalue) =	ssetifvalue $0xFFFFFFFF  }
0x21: {  	[hbm4b:s9+s17] =	stream.indirect.scatter [tilespmem:s19], [sflag:$0x1], $0x80, s18, s17, $0x40b8;
	[tilespmem:$0x16A00] =	vst v63  }
0x22: {  	_ =	swait.ge [sflag:s13], $0x4000  }
0x23: {  	[sflag:s13] =	ssyncset.done $0x0  }
0x24: {  	[sflag:s13] =	ssyncadd.s32 $0xFFFFC000  }
0x25: {  	[tilespmem:$0x14900] =	vst v3  }
0x26: {  	s20 =	sadd.s32 $0x1, s20;
	[tilespmem:$0x14910] =	vst v3  }
0x27: {  	p2 =	sne.s32 s20, s11;
	[tilespmem:$0x14920] =	vst v3  }
.Ltmp1:
0x28: {  	[tilespmem:$0x14930] =	vst v3;
	(pc) =	sbr.rel @!p2 .LBB2_22-.Ltmp1, $4  }
0x29: {  	[tilespmem:$0x14940] =	vst v3  }
0x2a: {  	[tilespmem:$0x14950] =	vst v3  }
0x2b: {  	[tilespmem:$0x14960] =	vst v3  }
0x2c: {  	[tilespmem:$0x14970] =	vst v3  }
.LBB2_1:
0x2d: {  	[tilespmem:s12], [sflag:$0x1] =	stream.linear.gather [hbm4b:s5+s8], $0x2000, $0x38;
	[tilespmem:$0x16A00] =	vst v63  }
0x2e: {  	_ =	swait.ge [sflag:s13], $0x2000  }
0x2f: {  	[sflag:s13] =	ssyncset.done $0x0  }
0x30: {  	[sflag:s13] =	ssyncadd.s32 $0xFFFFE000  }
0x31: {  	[tilespmem:$0x14900] =	vst v3  }
0x32: {  	[tilespmem:$0x14910] =	vst v3  }
0x33: {  	[tilespmem:$0x14920] =	vst v3  }
0x34: {  	[tilespmem:$0x14930] =	vst v3  }
0x35: {  	[tilespmem:$0x14940] =	vst v3  }
0x36: {  	[tilespmem:$0x14950] =	vst v3  }
0x37: {  	[tilespmem:$0x14960] =	vst v3  }
0x38: {  	s21 =	simm.s32 $0x0;
	s22 =	simm.s32 $0x0;
	[tilespmem:$0x14970] =	vst v3  }
.LBB2_2:
0x39: {  	s23 =	sshll.u32 s22, $0x8  }
0x3a: {  	s24 =	simm.s32 $0x0;
	s23 =	sadd.s32 s6, s23  }
0x3b: {  	[tilespmem:s24], [sflag:$0x1] =	stream.linear.gather [hbm4b:s23+s24], $0x800, $0x38;
	[tilespmem:$0x16A00] =	vst v63  }
0x3c: {  	_ =	swait.ge [sflag:s13], $0x800  }
0x3d: {  	[sflag:s13] =	ssyncset.done $0x0  }
0x3e: {  	[sflag:s13] =	ssyncadd.s32 $0xFFFFF800  }
0x3f: {  	v12 =	vld [tilespmem:s24+$0x0];
	_ =	sdelay $0x4  }
0x40: {  	vm0 =	vge.s32 v12, v0;
	vm1 =	vlt.s32 v12, v1  }
0x41: {  	vm0 =	vmand vm0, vm1  }
0x42: {  	v13 =	vmpcnt.ones.xlane vm0;
	_ =	sdelay $0x1  }
0x43: {  	(v2sf) =	vpush v13, $0x0  }
0x44: {  	s23 =	sshll.u32 s22, $0xB;
	v12 =	vsub.s32 v12, v0  }
0x45: {  	s24 =	sor.u32 s23, s24;
	v12 =	vshll.u32 v12, $0xE  }
0x46: {  	v12 =	vor.u32 s24, v12  }
0x47: {  	v12 =	vor.u32 v4, v12  }
0x48: {  	s24 =	simm.s32 $0x10;
	[tilespmem:s21+$0x800] =	vst.msk vm0, v12  }
0x49: {  	v12 =	vld [tilespmem:s24+$0x0];
	_ =	sdelay $0x4  }
0x4a: {  	vm0 =	vge.s32 v12, v0;
	vm1 =	vlt.s32 v12, v1  }
0x4b: {  	v12 =	vsub.s32 v12, v0;
	vm0 =	vmand vm0, vm1  }
0x4c: {  	s25 =	sor.u32 s23, s24;
	v12 =	vshll.u32 v12, $0xE;
	v13 =	vmpcnt.ones.xlane vm0  }
0x4d: {  	v12 =	vor.u32 s25, v12  }
0x4e: {  	s25 =	simm.s32 $0x20;
	v12 =	vor.u32 v4, v12;
	(v2sf) =	vpush v13, $0x0;
	s26 =	spop (v2sf)  }
.LBB2_3:
0x4f: {  	p2 =	sne.s32 s25, $0x7F0  }
0x50: {  	s21 =	sadd.s32 s21, s26;
	s26 =	smov.u32 s25;
	s25 =	sadd.s32 $0x10, s25  }
0x51: {  	[tilespmem:s21+$0x800] =	vst.msk vm0, v12  }
0x52: {  	s24 =	sadd.s32 $0x10, s24  }
0x53: {  	v12 =	vld [tilespmem:s24+$0x0];
	_ =	sdelay $0x4  }
0x54: {  	vm0 =	vge.s32 v12, v0;
	vm1 =	vlt.s32 v12, v1;
	v12 =	vsub.s32 v12, v0  }
.Ltmp2:
0x55: {  	s26 =	sor.u32 s23, s26;
	vm0 =	vmand vm0, vm1;
	v12 =	vshll.u32 v12, $0xE;
	(pc) =	sbr.rel @p2 .LBB2_3-.Ltmp2, $4  }
0x56: {  	v12 =	vor.u32 s26, v12;
	v13 =	vmpcnt.ones.xlane vm0  }
0x57: {  	v12 =	vor.u32 v4, v12  }
0x58: {  	(v2sf) =	vpush v13, $0x0  }
0x59: {  	s26 =	spop (v2sf)  }
0x5a: {  	_ =	sdelay $0x7  }
0x5b: {  	s22 =	sadd.s32 $0x1, s22  }
0x5c: {  	p2 =	sne.s32 s22, $0x8  }
.Ltmp3:
0x5d: {  	_ = 	snop;
	(pc) =	sbr.rel @p2 .LBB2_2-.Ltmp3, $3  }
0x5e: {  	_ =	sdelay $0x1  }
0x5f: {  	s21 =	sadd.s32 s21, s26;
	s23 =	spop (v2sf)  }
0x60: {  	[tilespmem:s21+$0x800] =	vst.msk vm0, v12;
	s21 =	sadd.s32 s21, s23  }
0x61: {  	s22 =	sadd.s32 $0xF, s21  }
0x62: {  	s23 =	sand.u32 $0xF, s22;
	s24 =	sshra.s32 s22, $0x1F  }
.Ltmp4:
0x63: {  	p2 =	slt.s32 s22, $0x1;
	p3 =	sne.s32 s23, $0x0;
	(pc) =	sbr.rel @!p0 .LBB2_6-.Ltmp4, $4  }
0x64: {  	s31 =	sshrl.u32 s24, $0x1C;
	p2 =	por !p2, !p3  }
0x65: {  	s23 =	simm.s32 $0x1;
	s22 =	sadd.s32 s31, s22;
	p2 =	por !p2, !p2  }
0x66: {  	[tilespmem:s21+$0x800] =	vst v3;
	s21 =	simm.s32 $0x0;
	s22 =	sshra.s32 s22, $0x4;
	s23 =	simm.s32 @!p2 $0x0  }
0x67: {  	s24 =	smov.u32 s1;
	s22 =	ssub.s32 s22, s23;
	s23 =	simm.s32 $0x0  }
.LBB2_14:
0x68: {  	p2 =	slt.s32 @!p1 s22, $0x1  }
0x69: {  	p2 =	por p1, p2  }
.Ltmp5:
0x6a: {  	_ = 	snop;
	(pc) =	sbr.rel @!p2 .LBB2_16-.Ltmp5, $1  }
0x6b: {  	_ =	sdelay $0x3  }
.Ltmp6:
0x6c: {  	(pc) =	sbr.rel .LBB2_21-.Ltmp6, $2  }
0x6d: {  	_ =	sdelay $0x2  }
0x6e: {  	s21 =	smov.u32 @p1 s21  }
.LBB2_13:
0x6f: {  	s24 =	sadd.s32 $0x1, s24  }
0x70: {  	p2 =	slt.u32 s24, s2  }
.Ltmp7:
0x71: {  	_ = 	snop;
	(pc) =	sbr.rel @!p2 .LBB2_14-.Ltmp7, $1  }
0x72: {  	_ =	sdelay $0x3  }
.LBB2_6:
0x73: {  	s25 =	smul.u32 $0x300, s24  }
0x74: {  	p2 =	slt.s32 s22, $0x1  }
.Ltmp8:
0x75: {  	s25 =	sadd.s32 s4, s25;
	(pc) =	sbr.rel @p2 .LBB2_13-.Ltmp8, $4  }
0x76: {  	[tilespmem:s16], [sflag:$0x1] =	stream.strided.gather [hbm4b:s25+s14], $0xC000, s15, s14, $0x38;
	[tilespmem:$0x16A00] =	vst v63  }
0x77: {  	_ =	swait.ge [sflag:s13], $0xC000  }
0x78: {  	[sflag:s13] =	ssyncset.done $0x0  }
0x79: {  	[sflag:s13] =	ssyncadd.s32 $0xFFFF4000  }
.Ltmp9:
0x7a: {  	s25 =	ssub.s32 s24, s1;
	(pc) =	sbr.rel .LBB2_8-.Ltmp9, $3  }
0x7b: {  	s26 =	smul.u32 $0xC00000, s25;
	_ =	sdelay $0x1  }
0x7c: {  	s28 =	sadd.s32 $0xC00000, s26  }
0x7d: {  	s25 =	smul.u32 $0xFFFFFD00, s25;
	v12 =	vmov s26;
	s26 =	simm.s32 $0x0;
	v13 =	vmov s28  }
.LBB2_11:
0x7e: {  	[tilespmem:$0x14970] =	vst @!p3 v14  }
0x7f: {  	[tilespmem:$0x14960] =	vst @!p3 v14  }
0x80: {  	[tilespmem:$0x14950] =	vst @!p3 v14  }
0x81: {  	[tilespmem:$0x14940] =	vst @!p3 v14  }
0x82: {  	[tilespmem:$0x14930] =	vst @!p3 v14  }
0x83: {  	[tilespmem:$0x14920] =	vst @!p3 v14  }
0x84: {  	[tilespmem:$0x14900] =	vst @!p3 v14  }
0x85: {  	s21 =	sadd.s32 $0x1, s21;
	[tilespmem:$0x14910] =	vst @!p3 v14  }
.LBB2_12:
0x86: {  	s26 =	sadd.s32 $0x1, s26  }
0x87: {  	p2 =	sne.s32 s26, s22  }
.Ltmp10:
0x88: {  	_ = 	snop;
	(pc) =	sbr.rel @!p2 .LBB2_13-.Ltmp10, $1  }
0x89: {  	_ =	sdelay $0x3  }
.LBB2_8:
0x8a: {  	s28 =	sshll.u32 s26, $0x6  }
0x8b: {  	s28 =	sshra.s32 s28, $0x2  }
0x8c: {  	v14 =	vld [tilespmem:s28+$0x800];
	_ =	sdelay $0x4  }
0x8d: {  	vm0 =	vge.s32 v14, v12;
	vm1 =	vlt.s32 v14, v13  }
0x8e: {  	vm0 =	vmand vm0, vm1  }
0x8f: {  	v15 =	vmpcnt.ones.xlane vm0;
	_ =	sdelay $0x1  }
0x90: {  	(v2sf) =	vpush v15, $0x0;
	_ =	sdelay $0xe  }
0x91: {  	s29 =	spop (v2sf)  }
0x92: {  	p2 =	slt.s32 s29, $0x1  }
.Ltmp11:
0x93: {  	_ = 	snop;
	(pc) =	sbr.rel @p2 .LBB2_12-.Ltmp11, $3  }
0x94: {  	_ =	sdelay $0x1  }
0x95: {  	s28 =	simm.s32 $0x4880  }
0x96: {  	[tilespmem:s28+$0x0] =	vst.msk vm0, v14  }
0x97: {  	v14 =	vld [tilespmem:s28+$0x0];
	_ =	sdelay $0x4  }
0x98: {  	(v2sf) =	vpush v14, $0x0;
	_ =	sdelay $0xe  }
0x99: {  	s30 =	spop (v2sf)  }
0x9a: {  	s31 =	sshra.s32 s30, $0xE  }
0x9b: {  	s31 =	sadd.s32 s31, s25  }
0x9c: {  	v14 =	vmov s31  }
0x9d: {  	v15 =	vshll.u32 v14, $0x3  }
0x9e: {  	v14 =	vand.u32 $0x7F, v14;
	v15 =	vand.u32 $0xFFFFFC00, v15  }
0x9f: {  	v14 =	vor.u32 v14, v15  }
0xa0: {  	v15 =	vadd.s32 v5, v14;
	_ =	sdelay $0x4  }
0xa1: {  	v15 =	vld.idx.msk [tilespmem:v15+s16+$0x0], $0xffff  }
0xa2: {  	v16 =	vadd.s32 v6, v14;
	_ =	sdelay $0x1  }
0xa3: {  	s0 =	sand.u32 $0x7F, s21  }
0xa4: {  	s7 =	sshll.u32 s0, $0x7  }
0xa5: {  	[tilespmem:s7+$0x10900] =	vst v15  }
0xa6: {  	v15 =	vld.idx.msk [tilespmem:v16+s16+$0x0], $0xffff  }
0xa7: {  	v63 =	vadd.s32 v7, v14;
	_ =	sdelay $0x3  }
0xa8: {  	[tilespmem:s7+$0x10910] =	vst v15  }
0xa9: {  	v15 =	vld.idx.msk [tilespmem:v63+s16+$0x0], $0xffff  }
0xaa: {  	v14 =	vadd.s32 v8, v14;
	_ =	sdelay $0x3  }
0xab: {  	[tilespmem:s7+$0x10920] =	vst v15  }
0xac: {  	v14 =	vld.idx.msk [tilespmem:v14+s16+$0x0], $0xffff;
	_ =	sdelay $0x2  }
0xad: {  	s30 =	sand.u32 $0x3FFF, s30  }
0xae: {  	s29 =	sadd.s32 $0xFFFFFFFF, s29;
	p3 =	sne.s32 s0, $0x7F;
	s30 =	sor.u32 s10, s30  }
0xaf: {  	p2 =	sne.s32 s29, $0x0;
	s31 =	simm.s32 @!p3 $0x80;
	[tilespmem:s7+$0x10930] =	vst v14;
	v14 =	vmov s30  }
0xb0: {  	s7 =	simm.s32 @!p3 $0x10900;
	s30 =	simm.s32 @!p3 $0x1;
	[tilespmem:s0+$0x14900] =	vst v14;
	(ifvalue) =	ssetifvalue @!p3 $0xFFFFFFFF  }
.Ltmp12:
0xb1: {  	s0 =	simm.s32 @!p3 $0x14900;
	(ifvalue) =	ssetifvalue @!p3 $0xFFFFFFFF;
	(pc) =	sbr.rel @!p2 .LBB2_11-.Ltmp12, $4  }
0xb2: {  	[hbm4b:s9+s31] =	stream.indirect.scatter @!p3 [tilespmem:s7], [sflag:$0x1], $0x80, s0, s31, $0x40b8;
	[tilespmem:$0x16A00] =	vst v63  }
0xb3: {  	_ =	swait.ge @!p3 [sflag:s30], $0x4000  }
0xb4: {  	[sflag:s30] =	ssyncset.done @!p3 $0x0  }
0xb5: {  	v14 =	vimm.s32 @!p3 $0xFFFFFFFF;
	[sflag:s30] =	ssyncadd.s32 @!p3 $0xFFFFC000  }
.LBB2_10:
0xb6: {  	s29 =	sadd.s32 $0xFFFFFFFF, s29;
	[tilespmem:$0x14970] =	vst @!p3 v14;
	s21 =	sadd.s32 $0x1, s21;
	s28 =	sadd.s32 $0x1, s28  }
0xb7: {  	p2 =	sne.s32 s29, $0x0;
	[tilespmem:$0x14960] =	vst @!p3 v14  }
0xb8: {  	[tilespmem:$0x14950] =	vst @!p3 v14  }
0xb9: {  	[tilespmem:$0x14940] =	vst @!p3 v14  }
0xba: {  	[tilespmem:$0x14930] =	vst @!p3 v14  }
0xbb: {  	[tilespmem:$0x14920] =	vst @!p3 v14  }
0xbc: {  	[tilespmem:$0x14900] =	vst @!p3 v14  }
0xbd: {  	[tilespmem:$0x14910] =	vst @!p3 v14  }
0xbe: {  	v14 =	vld [tilespmem:s28+$0x0];
	_ =	sdelay $0x4  }
0xbf: {  	(v2sf) =	vpush v14, $0x0;
	_ =	sdelay $0xe  }
0xc0: {  	s0 =	spop (v2sf)  }
0xc1: {  	s7 =	sshra.s32 s0, $0xE;
	s0 =	sand.u32 $0x3FFF, s0  }
0xc2: {  	s7 =	sadd.s32 s7, s25;
	s0 =	sor.u32 s10, s0  }
0xc3: {  	v14 =	vmov s7  }
0xc4: {  	v15 =	vshll.u32 v14, $0x3  }
0xc5: {  	v14 =	vand.u32 $0x7F, v14;
	v15 =	vand.u32 $0xFFFFFC00, v15  }
0xc6: {  	v14 =	vor.u32 v14, v15  }
0xc7: {  	v15 =	vadd.s32 v5, v14;
	_ =	sdelay $0x4  }
0xc8: {  	v15 =	vld.idx.msk [tilespmem:v15+s16+$0x0], $0xffff;
	_ =	sdelay $0x1  }
0xc9: {  	v16 =	vadd.s32 v6, v14;
	_ =	sdelay $0x1  }
0xca: {  	s7 =	sand.u32 $0x7F, s21  }
0xcb: {  	s30 =	sshll.u32 s7, $0x7  }
0xcc: {  	[tilespmem:s30+$0x10900] =	vst v15  }
0xcd: {  	v15 =	vld.idx.msk [tilespmem:v16+s16+$0x0], $0xffff;
	_ =	sdelay $0x1  }
0xce: {  	v16 =	vadd.s32 v7, v14;
	_ =	sdelay $0x3  }
0xcf: {  	[tilespmem:s30+$0x10910] =	vst v15  }
0xd0: {  	v15 =	vld.idx.msk [tilespmem:v16+s16+$0x0], $0xffff;
	_ =	sdelay $0x1  }
0xd1: {  	v14 =	vadd.s32 v8, v14;
	_ =	sdelay $0x3  }
0xd2: {  	[tilespmem:s30+$0x10920] =	vst v15  }
0xd3: {  	v14 =	vld.idx.msk [tilespmem:v14+s16+$0x0], $0xffff;
	_ =	sdelay $0x5  }
0xd4: {  	p3 =	sne.s32 s7, $0x7F;
	[tilespmem:s30+$0x10930] =	vst v14;
	v14 =	vmov s0  }
0xd5: {  	s31 =	simm.s32 @!p3 $0x14900;
	[tilespmem:s7+$0x14900] =	vst v14  }
0xd6: {  	s0 =	simm.s32 @!p3 $0x10900;
	s7 =	simm.s32 @!p3 $0x1;
	(ifvalue) =	ssetifvalue @!p3 $0xFFFFFFFF  }
.Ltmp13:
0xd7: {  	s30 =	simm.s32 @!p3 $0x80;
	(ifvalue) =	ssetifvalue @!p3 $0xFFFFFFFF;
	(pc) =	sbr.rel @p2 .LBB2_10-.Ltmp13, $4  }
0xd8: {  	[hbm4b:s9+s30] =	stream.indirect.scatter @!p3 [tilespmem:s0], [sflag:$0x1], $0x80, s31, s30, $0x40b8;
	[tilespmem:$0x16A00] =	vst v63  }
0xd9: {  	_ =	swait.ge @!p3 [sflag:s7], $0x4000  }
0xda: {  	[sflag:s7] =	ssyncset.done @!p3 $0x0  }
0xdb: {  	v14 =	vimm.s32 @!p3 $0xFFFFFFFF;
	[sflag:s7] =	ssyncadd.s32 @!p3 $0xFFFFC000  }
.Ltmp14:
0xdc: {  	_ = 	snop;
	(pc) =	sbr.rel .LBB2_11-.Ltmp14, $1  }
0xdd: {  	_ =	sdelay $0x3  }
.LBB2_19:
0xde: {  	[tilespmem:$0x14970] =	vst @!p3 v12  }
0xdf: {  	[tilespmem:$0x14960] =	vst @!p3 v12  }
0xe0: {  	[tilespmem:$0x14950] =	vst @!p3 v12  }
0xe1: {  	[tilespmem:$0x14940] =	vst @!p3 v12  }
0xe2: {  	[tilespmem:$0x14930] =	vst @!p3 v12  }
0xe3: {  	[tilespmem:$0x14920] =	vst @!p3 v12  }
0xe4: {  	[tilespmem:$0x14900] =	vst @!p3 v12  }
0xe5: {  	s21 =	sadd.s32 $0x1, s21;
	[tilespmem:$0x14910] =	vst @!p3 v12  }
.LBB2_20:
0xe6: {  	s23 =	sadd.s32 $0x1, s23  }
0xe7: {  	p2 =	sgt.s32 s22, s23  }
.Ltmp15:
0xe8: {  	_ = 	snop;
	(pc) =	sbr.rel @!p2 .LBB2_21-.Ltmp15, $1  }
0xe9: {  	_ =	sdelay $0x3  }
.LBB2_16:
0xea: {  	s0 =	sshll.u32 s23, $0x6  }
0xeb: {  	s0 =	sshra.s32 s0, $0x2  }
0xec: {  	v12 =	vld [tilespmem:s0+$0x800];
	_ =	sdelay $0x4  }
0xed: {  	vm0 =	vge.s32 v12, v2  }
0xee: {  	v13 =	vmpcnt.ones.xlane vm0;
	_ =	sdelay $0x1  }
0xef: {  	(v2sf) =	vpush v13, $0x0;
	_ =	sdelay $0xe  }
0xf0: {  	s25 =	spop (v2sf)  }
0xf1: {  	p2 =	slt.s32 s25, $0x1  }
.Ltmp16:
0xf2: {  	_ = 	snop;
	(pc) =	sbr.rel @p2 .LBB2_20-.Ltmp16, $3  }
0xf3: {  	_ =	sdelay $0x1  }
0xf4: {  	s24 =	simm.s32 $0x4880  }
0xf5: {  	[tilespmem:s24+$0x0] =	vst.msk vm0, v12  }
0xf6: {  	v12 =	vld [tilespmem:s24+$0x0];
	_ =	sdelay $0x4  }
0xf7: {  	(v2sf) =	vpush v12, $0x0;
	_ =	sdelay $0xe  }
0xf8: {  	s0 =	spop (v2sf)  }
0xf9: {  	s7 =	sshra.s32 s0, $0xE  }
0xfa: {  	s7 =	ssub.s32 s7, s3  }
0xfb: {  	s7 =	sshll.u32 s7, $0x7  }
0xfc: {  	v12 =	vor.u32 s7, v4;
	_ =	sdelay $0x4  }
0xfd: {  	v12 =	vld.idx.msk [tilespmem:v12+s12+$0x0], $0xffff  }
0xfe: {  	v13 =	vor.u32 s7, v9;
	_ =	sdelay $0x1  }
0xff: {  	s26 =	sand.u32 $0x7F, s21  }
0x100: {  	s28 =	sshll.u32 s26, $0x7  }
0x101: {  	[tilespmem:s28+$0x10900] =	vst v12  }
0x102: {  	v12 =	vld.idx.msk [tilespmem:v13+s12+$0x0], $0xffff  }
0x103: {  	v13 =	vor.u32 s7, v10;
	_ =	sdelay $0x3  }
0x104: {  	[tilespmem:s28+$0x10910] =	vst v12  }
0x105: {  	v12 =	vld.idx.msk [tilespmem:v13+s12+$0x0], $0xffff  }
0x106: {  	v13 =	vor.u32 s7, v11;
	_ =	sdelay $0x3  }
0x107: {  	[tilespmem:s28+$0x10920] =	vst v12  }
0x108: {  	v12 =	vld.idx.msk [tilespmem:v13+s12+$0x0], $0xffff;
	_ =	sdelay $0x2  }
0x109: {  	s0 =	sand.u32 $0x3FFF, s0  }
0x10a: {  	s25 =	sadd.s32 $0xFFFFFFFF, s25;
	p3 =	sne.s32 s26, $0x7F;
	s0 =	sor.u32 s10, s0  }
0x10b: {  	p2 =	sne.s32 s25, $0x0;
	s7 =	simm.s32 @!p3 $0x1;
	[tilespmem:s28+$0x10930] =	vst v12;
	v12 =	vmov s0  }
0x10c: {  	s0 =	simm.s32 @!p3 $0x10900;
	s28 =	simm.s32 @!p3 $0x14900;
	[tilespmem:s26+$0x14900] =	vst v12;
	(ifvalue) =	ssetifvalue @!p3 $0xFFFFFFFF  }
.Ltmp17:
0x10d: {  	s26 =	simm.s32 @!p3 $0x80;
	(ifvalue) =	ssetifvalue @!p3 $0xFFFFFFFF;
	(pc) =	sbr.rel @!p2 .LBB2_19-.Ltmp17, $4  }
0x10e: {  	[hbm4b:s9+s26] =	stream.indirect.scatter @!p3 [tilespmem:s0], [sflag:$0x1], $0x80, s28, s26, $0x40b8;
	[tilespmem:$0x16A00] =	vst v63  }
0x10f: {  	_ =	swait.ge @!p3 [sflag:s7], $0x4000  }
0x110: {  	[sflag:s7] =	ssyncset.done @!p3 $0x0  }
0x111: {  	v12 =	vimm.s32 @!p3 $0xFFFFFFFF;
	[sflag:s7] =	ssyncadd.s32 @!p3 $0xFFFFC000  }
.LBB2_18:
0x112: {  	s25 =	sadd.s32 $0xFFFFFFFF, s25;
	[tilespmem:$0x14970] =	vst @!p3 v12;
	s21 =	sadd.s32 $0x1, s21;
	s24 =	sadd.s32 $0x1, s24  }
0x113: {  	p2 =	sne.s32 s25, $0x0;
	[tilespmem:$0x14960] =	vst @!p3 v12  }
0x114: {  	[tilespmem:$0x14950] =	vst @!p3 v12  }
0x115: {  	[tilespmem:$0x14940] =	vst @!p3 v12  }
0x116: {  	[tilespmem:$0x14930] =	vst @!p3 v12  }
0x117: {  	[tilespmem:$0x14920] =	vst @!p3 v12  }
0x118: {  	[tilespmem:$0x14900] =	vst @!p3 v12  }
0x119: {  	[tilespmem:$0x14910] =	vst @!p3 v12  }
0x11a: {  	v12 =	vld [tilespmem:s24+$0x0];
	_ =	sdelay $0x4  }
0x11b: {  	(v2sf) =	vpush v12, $0x0;
	_ =	sdelay $0xe  }
0x11c: {  	s0 =	spop (v2sf)  }
0x11d: {  	s7 =	sshra.s32 s0, $0xE;
	s0 =	sand.u32 $0x3FFF, s0  }
0x11e: {  	s7 =	ssub.s32 s7, s3;
	s0 =	sor.u32 s10, s0  }
0x11f: {  	s7 =	sshll.u32 s7, $0x7  }
0x120: {  	v12 =	vor.u32 s7, v4;
	_ =	sdelay $0x4  }
0x121: {  	v12 =	vld.idx.msk [tilespmem:v12+s12+$0x0], $0xffff;
	_ =	sdelay $0x1  }
0x122: {  	v13 =	vor.u32 s7, v9;
	_ =	sdelay $0x1  }
0x123: {  	s26 =	sand.u32 $0x7F, s21  }
0x124: {  	s28 =	sshll.u32 s26, $0x7  }
0x125: {  	[tilespmem:s28+$0x10900] =	vst v12  }
0x126: {  	v12 =	vld.idx.msk [tilespmem:v13+s12+$0x0], $0xffff;
	_ =	sdelay $0x1  }
0x127: {  	v13 =	vor.u32 s7, v10;
	_ =	sdelay $0x3  }
0x128: {  	[tilespmem:s28+$0x10910] =	vst v12  }
0x129: {  	v12 =	vld.idx.msk [tilespmem:v13+s12+$0x0], $0xffff;
	_ =	sdelay $0x1  }
0x12a: {  	v13 =	vor.u32 s7, v11;
	_ =	sdelay $0x3  }
0x12b: {  	[tilespmem:s28+$0x10920] =	vst v12  }
0x12c: {  	v12 =	vld.idx.msk [tilespmem:v13+s12+$0x0], $0xffff;
	_ =	sdelay $0x5  }
0x12d: {  	p3 =	sne.s32 s26, $0x7F;
	[tilespmem:s28+$0x10930] =	vst v12;
	v12 =	vmov s0  }
0x12e: {  	s7 =	simm.s32 @!p3 $0x1;
	[tilespmem:s26+$0x14900] =	vst v12  }
0x12f: {  	s0 =	simm.s32 @!p3 $0x10900;
	s28 =	simm.s32 @!p3 $0x14900;
	(ifvalue) =	ssetifvalue @!p3 $0xFFFFFFFF  }
.Ltmp18:
0x130: {  	s26 =	simm.s32 @!p3 $0x80;
	(ifvalue) =	ssetifvalue @!p3 $0xFFFFFFFF;
	(pc) =	sbr.rel @p2 .LBB2_18-.Ltmp18, $4  }
0x131: {  	[hbm4b:s9+s26] =	stream.indirect.scatter @!p3 [tilespmem:s0], [sflag:$0x1], $0x80, s28, s26, $0x40b8;
	[tilespmem:$0x16A00] =	vst v63  }
0x132: {  	_ =	swait.ge @!p3 [sflag:s7], $0x4000  }
0x133: {  	[sflag:s7] =	ssyncset.done @!p3 $0x0  }
0x134: {  	v12 =	vimm.s32 @!p3 $0xFFFFFFFF;
	[sflag:s7] =	ssyncadd.s32 @!p3 $0xFFFFC000  }
.Ltmp19:
0x135: {  	_ = 	snop;
	(pc) =	sbr.rel .LBB2_19-.Ltmp19, $1  }
0x136: {  	_ =	sdelay $0x3  }
.LBB2_22:
0x137: {  	_ =	sfence.sel $0x180000  }
0x138: {  	[bflag:$0x0] =	sbarrier.arrive $0xFFFF  }
0x139: {  	_ =	strace $0x90000047  }
0x13a: {  	s0 =	stileid.u32;
	[bflag:$0x2] =	sbarrier.arrive $0xFFFF  }
0x13b: {  	p0 =	sne.s32 s0, $0x0;
	s0 =	rddreg [dreg:$0x4]  }
0x13c: {  	s0 =	sadd.s32 @!p0 $0x100000, s0  }
0x13d: {  	[sflag:s0] =	ssyncadd.tile.s32 @!p0 $0x1;
	_ =	shalt  }
.Lfunc_end2:
_tile_overlayer_lowered:
.L_overlay_start_2:
0x13e: {  	(tag) =	ssettag $0x2  }
0x13f: {  	s0 =	rddreg [dreg:$0x0];
	s2 =	stileid.u32  }
0x140: {  	s1 =	rddreg [dreg:$0x1];
	p0 =	sne.s32 s2, $0x0  }
0x141: {  	s3 =	rddreg [dreg:$0x2];
	[bflag:$0x3] =	sbarrier.arrive $0xFFFF;
	s2 =	simm.s32 @!p0 $0x1C01  }
0x142: {  	[timem:s3], [sflag:s2] =	dma.local @!p0 [hbm:s0], s1  }
0x143: {  	s0 =	simm.s32 @!p0 $0x1  }
0x144: {  	_ =	swait.ge @!p0 [sflag:s0], s1  }
0x145: {  	s1 =	ssub.s32 @!p0 $0x0, s1;
	[sflag:s0] =	ssyncset.done @!p0 $0x0  }
0x146: {  	[sflag:s0] =	ssyncadd.s32 @!p0 s1  }
0x147: {  	[bflag:$0x3] =	sbarrier.arrive $0xFFFF  }
0x148: {  	_ =	shalt  }

// kernel: kernel.7.cloned.1.call-start
scs
__scs_entry_jumppad:
0x0: {  	(pc) =	sbr.rel $0x88, $3  }
0x1: {  	(tag) =	ssettag $0x0;
	lr =	simm.s32 $0x1  }
0x2: {  	[smem:$0x3F9F] =	sst lr;
	_ =	strace $0xD0000000  }
0x3: {  	_ = 	snop  }
0x4: {  	_ = 	snop  }
0x5: {  	_ = 	snop  }
0x6: {  	_ = 	snop  }
0x7: {  	_ = 	snop  }
__scs_overlays_trampoline_lowered:
0x8: {  	[smem:$0x3FAE] =	sst s0  }
0x9: {  	[smem:$0x3FAF] =	sst s1  }
0xa: {  	[smem:$0x3FB0] =	sst s2  }
0xb: {  	[smem:$0x3FB1] =	sst s3  }
0xc: {  	[smem:$0x3FB2] =	sst s4  }
0xd: {  	[smem:$0x3FB3] =	sst s5  }
0xe: {  	[smem:$0x3FB4] =	sst s6  }
0xf: {  	[smem:$0x3FB5] =	sst s7  }
0x10: {  	[smem:$0x3FB6] =	sst s8  }
0x11: {  	[smem:$0x3FB7] =	sst s9;
	s0 =	simm.s32 @!p0 $0x0  }
0x12: {  	s1 =	sld [smem:$0x3F9D];
	s0 =	simm.s32 @p0 $0x1  }
0x13: {  	[smem:$0x3FB8] =	sst s0;
	s0 =	simm.s32 @!p1 $0x0  }
0x14: {  	s2 =	sld [smem:$0x3F9C];
	s0 =	simm.s32 @p1 $0x1  }
0x15: {  	[smem:$0x3FB9] =	sst s0;
	s0 =	simm.s32 @!p2 $0x0  }
0x16: {  	s3 =	sld [smem:$0x3FDB];
	s0 =	simm.s32 @p2 $0x1  }
0x17: {  	s4 =	simm.s32 $0x1BF5;
	[smem:$0x3FBB] =	sst s0  }
0x18: {  	s0 =	sld [smem:$0x3F9E];
	_ =	swait.ge [sflag:s4], $0x0  }
0x19: {  	s7 =	sld [smem:$0x3F9F]  }
0x1a: {  	s8 =	sadd.s32 $0xFFFFE003, lr  }
0x1b: {  	s9 =	sadd.s32 $0xFFFFFEF7, lr;
	s5 =	simm.s32 $0xFFFFFFFF;
	p2 =	slt.u32 s8, $0xFFFFF086  }
0x1c: {  	p1 =	slt.u32 s9, $0xF7A;
	s5 =	simm.s32 @!p2 $0x0  }
0x1d: {  	s5 =	simm.s32 @p1 $0x1;
	p0 =	seq.s32 s7, s2  }
0x1e: {  	s7 =	smul.u32 @!p0 $0xF7A, s2;
	p2 =	seq.s32 @!p0 s5, $0x0  }
0x1f: {  	s9 =	smul.u32 $0xF7A, s1;
	s8 =	simm.s32 @!p0 $0x1BF5;
	p2 =	por !p2, p0  }
0x20: {  	[sflag:s8] =	ssyncset.s32 @!p0 $0xFFFFF086;
	s6 =	sadd.s32 @!p0 s3, s7;
	s7 =	simm.s32 @!p0 $0x108  }
0x21: {  	s3 =	sadd.s32 s3, s9;
	s6 =	sadd.s32 @!p0 $0x88, s6;
	s7 =	simm.s32 @p2 $0x1082  }
0x22: {  	[simem:s7], [sflag:s8] =	dma.local @!p0 [hbm:s6], $0xF7A  }
0x23: {  	s9 =	sor.u32 $0xD0000000, s2;
	s6 =	simm.s32 $0x108;
	_ =	swait.ge @!p0 [sflag:s8], $0x0  }
0x24: {  	s3 =	sadd.s32 $0x88, s3;
	s6 =	simm.s32 @!p1 $0x1082;
	[sflag:s4] =	ssyncset.s32 $0xFFFFF086  }
0x25: {  	[simem:s6], [sflag:s4] =	dma.local [hbm:s3], $0xF7A  }
0x26: {  	[smem:$0x3F9F] =	sst s1;
	(tag) =	ssettag s2;
	_ =	strace s9  }
0x27: {  	s1 =	sld [smem:$0x3FAF]  }
0x28: {  	s2 =	sld [smem:$0x3FB0]  }
0x29: {  	s4 =	sld [smem:$0x3FB2]  }
0x2a: {  	p0 =	seq.s32 s5, $0x0;
	s5 =	sld [smem:$0x3FB3]  }
0x2b: {  	s6 =	sld [smem:$0x3FB4]  }
0x2c: {  	s7 =	sld [smem:$0x3FB5]  }
0x2d: {  	s3 =	simm.s32 $0x108;
	s8 =	sld [smem:$0x3FB6]  }
0x2e: {  	s3 =	simm.s32 @!p0 $0x1082;
	s9 =	sld [smem:$0x3FB7]  }
0x2f: {  	lr =	sadd.s32 s0, s3;
	s0 =	sld [smem:$0x3FAE]  }
0x30: {  	s3 =	sld [smem:$0x3FB1]  }
0x31: {  	[smem:$0x3FBA] =	sst s10  }
0x32: {  	s10 =	sld [smem:$0x3FB8];
	_ =	sdelay $0x3  }
0x33: {  	p0 =	seq.s32 s10, $0x1;
	s10 =	sld [smem:$0x3FBA];
	_ =	sdelay $0x3  }
0x34: {  	[smem:$0x3FBA] =	sst s10  }
0x35: {  	s10 =	sld [smem:$0x3FB9];
	_ =	sdelay $0x3  }
0x36: {  	p1 =	seq.s32 s10, $0x1;
	s10 =	sld [smem:$0x3FBA];
	_ =	sdelay $0x3  }
0x37: {  	[smem:$0x3FBA] =	sst s10  }
0x38: {  	s10 =	sld [smem:$0x3FBB]  }
0x39: {  	_ = 	snop;
	(pc) =	sbr.ind lr, $3  }
0x3a: {  	_ = 	snop  }
0x3b: {  	_ = 	snop  }
0x3c: {  	p2 =	seq.s32 s10, $0x1;
	s10 =	sld [smem:$0x3FBA]  }
0x3d: {  	_ =	shalt  }
0x3e: {  	_ =	shalt  }
0x3f: {  	_ =	shalt  }
0x40: {  	_ =	shalt  }
0x41: {  	_ =	shalt  }
0x42: {  	_ =	shalt  }
0x43: {  	_ =	shalt  }
0x44: {  	_ =	shalt  }
0x45: {  	_ =	shalt  }
0x46: {  	_ =	shalt  }
0x47: {  	_ =	shalt  }
0x48: {  	_ =	shalt  }
0x49: {  	_ =	shalt  }
0x4a: {  	_ =	shalt  }
0x4b: {  	_ =	shalt  }
0x4c: {  	_ =	shalt  }
0x4d: {  	_ =	shalt  }
0x4e: {  	_ =	shalt  }
0x4f: {  	_ =	shalt  }
0x50: {  	_ =	shalt  }
0x51: {  	_ =	shalt  }
0x52: {  	_ =	shalt  }
0x53: {  	_ =	shalt  }
0x54: {  	_ =	shalt  }
0x55: {  	_ =	shalt  }
0x56: {  	_ =	shalt  }
0x57: {  	_ =	shalt  }
0x58: {  	_ =	shalt  }
0x59: {  	_ =	shalt  }
0x5a: {  	_ =	shalt  }
0x5b: {  	_ =	shalt  }
0x5c: {  	_ =	shalt  }
0x5d: {  	_ =	shalt  }
0x5e: {  	_ =	shalt  }
0x5f: {  	_ =	shalt  }
0x60: {  	_ =	shalt  }
0x61: {  	_ =	shalt  }
0x62: {  	_ =	shalt  }
0x63: {  	_ =	shalt  }
0x64: {  	_ =	shalt  }
0x65: {  	_ =	shalt  }
0x66: {  	_ =	shalt  }
0x67: {  	_ =	shalt  }
0x68: {  	_ =	shalt  }
0x69: {  	_ =	shalt  }
0x6a: {  	_ =	shalt  }
0x6b: {  	_ =	shalt  }
0x6c: {  	_ =	shalt  }
0x6d: {  	_ =	shalt  }
0x6e: {  	_ =	shalt  }
0x6f: {  	_ =	shalt  }
0x70: {  	_ =	shalt  }
0x71: {  	_ =	shalt  }
0x72: {  	_ =	shalt  }
0x73: {  	_ =	shalt  }
0x74: {  	_ =	shalt  }
0x75: {  	_ =	shalt  }
0x76: {  	_ =	shalt  }
0x77: {  	_ =	shalt  }
0x78: {  	_ =	shalt  }
0x79: {  	_ =	shalt  }
0x7a: {  	_ =	shalt  }
0x7b: {  	_ =	shalt  }
0x7c: {  	_ =	shalt  }
0x7d: {  	_ =	shalt  }
0x7e: {  	_ =	shalt  }
0x7f: {  	_ =	shalt  }
0x80: {  	_ =	shalt  }
0x81: {  	_ =	shalt  }
0x82: {  	_ =	shalt  }
0x83: {  	_ =	shalt  }
0x84: {  	_ =	shalt  }
0x85: {  	_ =	shalt  }
0x86: {  	_ =	shalt  }
0x87: {  	_ =	shalt  }
.Lfunc_end0:
.L_simem_size_0:
called_computation.1_lowered:
.L_overlay_start_0:
0x88: {  	s2 =	sld [smem:$0x3FD9]  }
0x89: {  	s3 =	sld [smem:$0x3FFE];
	_ =	sdelay $0x1  }
0x8a: {  	s1 =	srdreg.scid  }
0x8b: {  	s0 =	sand.u32 $0x1, s1  }
0x8c: {  	s17 =	sshll.u32 s0, $0xA;
	s2 =	sadd.s32 s3, s2  }
0x8d: {  	s2 =	sadd.s32 s2, s17  }
0x8e: {  	[smem:$0x3FC6] =	sst s2  }
0x8f: {  	_ = 	snop  }
0x90: {  	s2 =	sld [smem:$0x3FC9]  }
0x91: {  	s18 =	sld [smem:$0x3FD0];
	(tm) =	ssettm $0x1  }
0x92: {  	s4 =	sld [smem:$0x3FFB];
	_ =	sdelay $0x3  }
0x93: {  	_ =	strace s4  }
0x94: {  	s4 =	sld [smem:$0x3FFC];
	_ =	sdelay $0x3  }
0x95: {  	_ =	strace s4  }
0x96: {  	s4 =	sld [smem:$0x3FFD];
	_ =	sdelay $0x3  }
0x97: {  	_ =	strace s4  }
0x98: {  	_ =	strace $0x8FFFFFFF  }
0x99: {  	s19 =	sld [smem:$0x3FDB];
	_ =	sdelay $0x1  }
0x9a: {  	s5 =	simm.s32 $_scs_section_size  }
0x9b: {  	s6 =	simm.s32 $_size__tile_overlayer_lowered;
	s7 =	simm.s32 $_tile_overlayer_lowered  }
0x9c: {  	s22 =	simm.s32 $0x1BFF;
	s21 =	sshll.u32 s7, $0x1;
	s4 =	sadd.s32 s5, s19  }
0x9d: {  	s8 =	simm.s32 $0x0;
	s20 =	sshll.u32 s6, $0x1;
	s6 =	sadd.s32 s21, s4  }
0x9e: {  	[timem:s8], [sflag:s22] =	dma.local [hbm:s6], s20  }
0x9f: {  	_ =	swait.ge [sflag:s22], s20  }
0xa0: {  	s5 =	ssub.s32 $0x0, s20;
	[sflag:s22] =	ssyncset.done $0x0  }
0xa1: {  	[sflag:s22] =	ssyncadd.s32 s5;
	_ =	sdelay $0x1  }
0xa2: {  	s23 =	simm.s32 $0x1B8B  }
0xa3: {  	_ =	swait.ge [sflag:s23], $0x1  }
0xa4: {  	[sflag:s23] =	ssyncset.done $0x0  }
0xa5: {  	s25 =	simm.s32 $0x1B8E;
	s24 =	sld [smem:$0x3FFE];
	[sflag:s23] =	ssyncadd.s32 $0xFFFFFFFF  }
0xa6: {  	s26 =	simm.s32 $execute0_lowered;
	[smem:$0x3FD2] =	sst s25  }
0xa7: {  	s6 =	sshll.u32 s26, $0x1;
	_ =	strace $0x80000049;
	[dreg:$0x1] =	wrdreg $0xFFFFFFFF  }
0xa8: {  	s28 =	simm.s32 $_size_execute0_lowered;
	s4 =	sadd.s32 s4, s6;
	[dreg:$0x0] =	wrdreg $0x0  }
0xa9: {  	s6 =	sshll.u32 s28, $0x1;
	[dreg:$0x2] =	wrdreg s4  }
0xaa: {  	[dreg:$0x3] =	wrdreg s6  }
0xab: {  	[dreg:$0x4] =	wrdreg $0xC0  }
0xac: {  	_ =	task [dreg:s8], $0x5FFFF  }
0xad: {  	[dreg:$0x1] =	wrdreg $0xFFFFFFFF  }
0xae: {  	[dreg:$0x0] =	wrdreg $0x60  }
0xaf: {  	[dreg:$0x2] =	wrdreg s24  }
0xb0: {  	[dreg:$0x3] =	wrdreg s2  }
0xb1: {  	[dreg:$0x4] =	wrdreg s18  }
0xb2: {  	[dreg:$0x5] =	wrdreg $0x9  }
0xb3: {  	_ =	task.clear_ibuf [dreg:s8], $0x6FFFF;
	_ =	strace $0x90000049  }
0xb4: {  	s29 =	simm.s32 $0x9;
	_ =	strace $0x8000004B  }
0xb5: {  	_ =	swait.ge [sflag:s29], $0x1  }
0xb6: {  	[sflag:s29] =	ssyncadd.s32 $0xFFFFFFFF  }
0xb7: {  	_ =	strace $0x9000004B  }
0xb8: {  	_ =	sfence  }
0xb9: {  	s30 =	sld [smem:$0x0];
	_ =	sdelay $0x2  }
0xba: {  	s31 =	sshll.u32 s1, $0xD;
	s1 =	sshrl.u32 s1, $0x2  }
0xbb: {  	s3 =	sand.u32 $0x4000, s31;
	s1 =	sadd.s32 s1, s30  }
0xbc: {  	s0 =	sor.u32 s3, s0;
	s1 =	sshll.u32 s1, $0x11  }
0xbd: {  	s0 =	sor.u32 s1, s0  }
0xbe: {  	s0 =	sadd.s32 $0x8F2B, s0  }
0xbf: {  	[sflag:s0] =	ssyncadd.remote.s32 $0x1  }
0xc0: {  	_ =	sfence.sel $0xFFFF  }
0xc1: {  	[dreg:$0x0] =	wrdreg $0xFFFFFFFF;
	(pc) =	sbr.abs _section_cstart, $3  }
0xc2: {  	[dreg:$0x1] =	wrdreg $0xFFFFFFFF  }
0xc3: {  	_ =	task.clear_ibuf [dreg:s8], $0x2FFFF;
	_ =	strace $0x9FFFFFFF  }
0xc4: {  	(tm) =	ssettm $0x7FFFFFFF  }
0xc5: {  	_ =	shalt  }
tec
execute0_lowered:
.L_overlay_start_1:
0x0: {  	(tag) =	ssettag $0x1  }
0x1: {  	s3 =	rddreg [dreg:$0x0]  }
0x2: {  	s4 =	rddreg [dreg:$0x1]  }
0x3: {  	s8 =	rddreg [dreg:$0x2];
	s2 =	srdreg.scid  }
0x4: {  	s0 =	rddreg [dreg:$0x3];
	s1 =	stileid.u32  }
0x5: {  	s11 =	simm.s32 $0x200;
	s12 =	simm.s32 $0x8200;
	s13 =	simm.s32 $0x1000  }
0x6: {  	s14 =	simm.s32 $0x20000;
	s15 =	simm.s32 $0x10200;
	s16 =	simm.s32 $0x0  }
0x7: {  	s5 =	sand.u32 $0x1, s2;
	s2 =	simm.s32 $0x0;
	s7 =	sshll.u32 s1, $0x9  }
0x8: {  	s6 =	sshll.u32 s5, $0xD;
	[smem:$0x7FF] =	sst s2;
	s5 =	ssub.s32 $0x2, s5  }
0x9: {  	s9 =	sor.u32 s7, s6;
	_ =	strace $0x8000004A;
	s30 =	sshrl.u32 s5, $0x1  }
0xa: {  	s6 =	sshll.u32 s9, $0x4;
	s31 =	sshrl.u32 s9, $0x3;
	s10 =	ssub.s32 s5, s30  }
0xb: {  	s8 =	sadd.s32 s8, s9;
	s29 =	sadd.s32 s6, s3;
	s3 =	sadd.s32 s4, s31  }
0xc: {  	s9 =	smax.u32 s10, $0x1;
	s10 =	simm.s32 $0x1;
	s4 =	sadd.s32 $0x800, s29  }
0xd: {  	v0 =	vimm.s32 $0x0;
	v1 =	vlaneseq.u32;
	s5 =	sadd.s32 $0x40800, s29;
	s6 =	sadd.s32 $0x1800, s29;
	s7 =	sadd.s32 $0x41800, s29  }
.LBB2_1:
0xe: {  	[tilespmem:s2], [sflag:$0x1] =	stream.linear.gather [hbm4b:s3+s2], $0x200, $0x38;
	[tilespmem:$0x18200] =	vst v63  }
0xf: {  	_ =	swait.ge [sflag:s10], $0x200  }
0x10: {  	[sflag:s10] =	ssyncset.done $0x0  }
0x11: {  	[sflag:s10] =	ssyncadd.s32 $0xFFFFFE00  }
0x12: {  	[tilespmem:s11], [sflag:$0x1] =	stream.linear.gather [hbm4b:s4+s2], $0x8000, $0x38;
	[tilespmem:$0x18200] =	vst v63  }
0x13: {  	_ =	swait.ge [sflag:s10], $0x8000  }
0x14: {  	[sflag:s10] =	ssyncset.done $0x0  }
0x15: {  	[sflag:s10] =	ssyncadd.s32 $0xFFFF8000  }
0x16: {  	[tilespmem:s12], [sflag:$0x1] =	stream.linear.gather [hbm4b:s5+s2], $0x8000, $0x38;
	[tilespmem:$0x18200] =	vst v63  }
0x17: {  	_ =	swait.ge [sflag:s10], $0x8000  }
0x18: {  	s17 =	simm.s32 $0x0;
	[sflag:s10] =	ssyncset.done $0x0  }
0x19: {  	s18 =	simm.s32 $0x0;
	s19 =	simm.s32 $0x0;
	[sflag:s10] =	ssyncadd.s32 $0xFFFF8000  }
.LBB2_2:
0x1a: {  	v2 =	vld [tilespmem:s17+$0x0];
	_ =	sdelay $0x4  }
0x1b: {  	vm0 =	vgt.s32 v2, $0x7A0FF  }
0x1c: {  	v2 =	vsel vm0, $0x100, v0  }
0x1d: {  	v2 =	vor.u32 s19, v2  }
0x1e: {  	v2 =	vor.u32 v1, v2  }
0x1f: {  	v2 =	vshll.u32 v2, $0x7;
	_ =	sdelay $0x4  }
0x20: {  	v3 =	vld.idx.msk [tilespmem:v2+s11+$0x0], $0xffff  }
0x21: {  	v4 =	vor.u32 $0x1, v2;
	_ =	sdelay $0x1  }
0x22: {  	s20 =	sand.u32 $0x70, s19;
	s21 =	sand.u32 $0x400, s18  }
0x23: {  	s20 =	sor.u32 s20, s21  }
0x24: {  	[tilespmem:s20+$0x10200] =	vst v3  }
0x25: {  	v3 =	vld.idx.msk [tilespmem:v4+s11+$0x0], $0xffff  }
0x26: {  	v59 =	vor.u32 $0x2, v2;
	_ =	sdelay $0x3  }
0x27: {  	[tilespmem:s20+$0x10280] =	vst v3  }
0x28: {  	v3 =	vld.idx.msk [tilespmem:v59+s11+$0x0], $0xffff  }
0x29: {  	v60 =	vor.u32 $0x3, v2;
	_ =	sdelay $0x3  }
0x2a: {  	[tilespmem:s20+$0x10300] =	vst v3  }
0x2b: {  	v3 =	vld.idx.msk [tilespmem:v60+s11+$0x0], $0xffff  }
0x2c: {  	v61 =	vor.u32 $0x4, v2;
	_ =	sdelay $0x3  }
0x2d: {  	[tilespmem:s20+$0x10380] =	vst v3  }
0x2e: {  	v3 =	vld.idx.msk [tilespmem:v61+s11+$0x0], $0xffff  }
0x2f: {  	v62 =	vor.u32 $0x5, v2;
	_ =	sdelay $0x3  }
0x30: {  	[tilespmem:s20+$0x10400] =	vst v3  }
0x31: {  	v3 =	vld.idx.msk [tilespmem:v62+s11+$0x0], $0xffff  }
0x32: {  	v63 =	vor.u32 $0x6, v2;
	_ =	sdelay $0x3  }
0x33: {  	[tilespmem:s20+$0x10480] =	vst v3  }
0x34: {  	v3 =	vld.idx.msk [tilespmem:v63+s11+$0x0], $0xffff  }
0x35: {  	v8 =	vor.u32 $0x7, v2;
	_ =	sdelay $0x3  }
0x36: {  	[tilespmem:s20+$0x10500] =	vst v3  }
0x37: {  	v3 =	vld.idx.msk [tilespmem:v8+s11+$0x0], $0xffff  }
0x38: {  	v9 =	vor.u32 $0x8, v2;
	_ =	sdelay $0x1  }
0x39: {  	s31 =	sor.u32 s18, s19  }
0x3a: {  	s21 =	sor.u32 $0x380, s31  }
0x3b: {  	[tilespmem:s21+$0x10200] =	vst v3  }
0x3c: {  	v3 =	vld.idx.msk [tilespmem:v9+s11+$0x0], $0xffff  }
0x3d: {  	v10 =	vor.u32 $0x9, v2;
	_ =	sdelay $0x3  }
0x3e: {  	[tilespmem:s20+$0x11200] =	vst v3  }
0x3f: {  	v3 =	vld.idx.msk [tilespmem:v10+s11+$0x0], $0xffff  }
0x40: {  	v11 =	vor.u32 $0xA, v2;
	_ =	sdelay $0x3  }
0x41: {  	[tilespmem:s20+$0x11280] =	vst v3  }
0x42: {  	v3 =	vld.idx.msk [tilespmem:v11+s11+$0x0], $0xffff  }
0x43: {  	v12 =	vor.u32 $0xB, v2;
	_ =	sdelay $0x3  }
0x44: {  	[tilespmem:s20+$0x11300] =	vst v3  }
0x45: {  	v3 =	vld.idx.msk [tilespmem:v12+s11+$0x0], $0xffff  }
0x46: {  	v13 =	vor.u32 $0xC, v2;
	_ =	sdelay $0x3  }
0x47: {  	[tilespmem:s20+$0x11380] =	vst v3  }
0x48: {  	v3 =	vld.idx.msk [tilespmem:v13+s11+$0x0], $0xffff  }
0x49: {  	v14 =	vor.u32 $0xD, v2;
	_ =	sdelay $0x3  }
0x4a: {  	[tilespmem:s20+$0x11400] =	vst v3  }
0x4b: {  	v3 =	vld.idx.msk [tilespmem:v14+s11+$0x0], $0xffff  }
0x4c: {  	v15 =	vor.u32 $0xE, v2;
	_ =	sdelay $0x3  }
0x4d: {  	[tilespmem:s20+$0x11480] =	vst v3  }
0x4e: {  	v3 =	vld.idx.msk [tilespmem:v15+s11+$0x0], $0xffff  }
0x4f: {  	v16 =	vor.u32 $0xF, v2;
	_ =	sdelay $0x3  }
0x50: {  	[tilespmem:s20+$0x11500] =	vst v3  }
0x51: {  	v3 =	vld.idx.msk [tilespmem:v16+s11+$0x0], $0xffff  }
0x52: {  	v17 =	vor.u32 $0x10, v2;
	_ =	sdelay $0x3  }
0x53: {  	[tilespmem:s20+$0x11580] =	vst v3  }
0x54: {  	v3 =	vld.idx.msk [tilespmem:v17+s11+$0x0], $0xffff  }
0x55: {  	v18 =	vor.u32 $0x11, v2;
	_ =	sdelay $0x3  }
0x56: {  	[tilespmem:s20+$0x12200] =	vst v3  }
0x57: {  	v3 =	vld.idx.msk [tilespmem:v18+s11+$0x0], $0xffff  }
0x58: {  	v19 =	vor.u32 $0x12, v2;
	_ =	sdelay $0x3  }
0x59: {  	[tilespmem:s20+$0x12280] =	vst v3  }
0x5a: {  	v3 =	vld.idx.msk [tilespmem:v19+s11+$0x0], $0xffff  }
0x5b: {  	v20 =	vor.u32 $0x13, v2;
	_ =	sdelay $0x3  }
0x5c: {  	[tilespmem:s20+$0x12300] =	vst v3  }
0x5d: {  	v3 =	vld.idx.msk [tilespmem:v20+s11+$0x0], $0xffff  }
0x5e: {  	v21 =	vor.u32 $0x14, v2;
	_ =	sdelay $0x3  }
0x5f: {  	[tilespmem:s20+$0x12380] =	vst v3  }
0x60: {  	v3 =	vld.idx.msk [tilespmem:v21+s11+$0x0], $0xffff  }
0x61: {  	v22 =	vor.u32 $0x15, v2;
	_ =	sdelay $0x3  }
0x62: {  	[tilespmem:s20+$0x12400] =	vst v3  }
0x63: {  	v3 =	vld.idx.msk [tilespmem:v22+s11+$0x0], $0xffff  }
0x64: {  	v23 =	vor.u32 $0x16, v2;
	_ =	sdelay $0x3  }
0x65: {  	[tilespmem:s20+$0x12480] =	vst v3  }
0x66: {  	v3 =	vld.idx.msk [tilespmem:v23+s11+$0x0], $0xffff  }
0x67: {  	v24 =	vor.u32 $0x17, v2;
	_ =	sdelay $0x3  }
0x68: {  	[tilespmem:s20+$0x12500] =	vst v3  }
0x69: {  	v3 =	vld.idx.msk [tilespmem:v24+s11+$0x0], $0xffff  }
0x6a: {  	v25 =	vor.u32 $0x18, v2;
	_ =	sdelay $0x3  }
0x6b: {  	[tilespmem:s20+$0x12580] =	vst v3  }
0x6c: {  	v3 =	vld.idx.msk [tilespmem:v25+s11+$0x0], $0xffff  }
0x6d: {  	v26 =	vor.u32 $0x19, v2;
	_ =	sdelay $0x3  }
0x6e: {  	[tilespmem:s20+$0x13200] =	vst v3  }
0x6f: {  	v3 =	vld.idx.msk [tilespmem:v26+s11+$0x0], $0xffff  }
0x70: {  	v27 =	vor.u32 $0x1A, v2;
	_ =	sdelay $0x3  }
0x71: {  	[tilespmem:s20+$0x13280] =	vst v3  }
0x72: {  	v3 =	vld.idx.msk [tilespmem:v27+s11+$0x0], $0xffff  }
0x73: {  	v28 =	vor.u32 $0x1B, v2;
	_ =	sdelay $0x3  }
0x74: {  	[tilespmem:s20+$0x13300] =	vst v3  }
0x75: {  	v3 =	vld.idx.msk [tilespmem:v28+s11+$0x0], $0xffff  }
0x76: {  	v29 =	vor.u32 $0x1C, v2;
	_ =	sdelay $0x3  }
0x77: {  	[tilespmem:s20+$0x13380] =	vst v3  }
0x78: {  	v3 =	vld.idx.msk [tilespmem:v29+s11+$0x0], $0xffff  }
0x79: {  	v30 =	vor.u32 $0x1D, v2;
	_ =	sdelay $0x3  }
0x7a: {  	[tilespmem:s20+$0x13400] =	vst v3  }
0x7b: {  	v3 =	vld.idx.msk [tilespmem:v30+s11+$0x0], $0xffff  }
0x7c: {  	v31 =	vor.u32 $0x1E, v2;
	_ =	sdelay $0x3  }
0x7d: {  	[tilespmem:s20+$0x13480] =	vst v3  }
0x7e: {  	v3 =	vld.idx.msk [tilespmem:v31+s11+$0x0], $0xffff  }
0x7f: {  	v32 =	vor.u32 $0x1F, v2;
	_ =	sdelay $0x3  }
0x80: {  	[tilespmem:s20+$0x13500] =	vst v3  }
0x81: {  	v3 =	vld.idx.msk [tilespmem:v32+s11+$0x0], $0xffff  }
0x82: {  	v33 =	vor.u32 $0x20, v2;
	_ =	sdelay $0x3  }
0x83: {  	[tilespmem:s20+$0x13580] =	vst v3  }
0x84: {  	v3 =	vld.idx.msk [tilespmem:v33+s11+$0x0], $0xffff  }
0x85: {  	v34 =	vor.u32 $0x21, v2;
	_ =	sdelay $0x3  }
0x86: {  	[tilespmem:s20+$0x14200] =	vst v3  }
0x87: {  	v3 =	vld.idx.msk [tilespmem:v34+s11+$0x0], $0xffff  }
0x88: {  	v35 =	vor.u32 $0x22, v2;
	_ =	sdelay $0x3  }
0x89: {  	[tilespmem:s20+$0x14280] =	vst v3  }
0x8a: {  	v3 =	vld.idx.msk [tilespmem:v35+s11+$0x0], $0xffff  }
0x8b: {  	v36 =	vor.u32 $0x23, v2;
	_ =	sdelay $0x3  }
0x8c: {  	[tilespmem:s20+$0x14300] =	vst v3  }
0x8d: {  	v3 =	vld.idx.msk [tilespmem:v36+s11+$0x0], $0xffff  }
0x8e: {  	v37 =	vor.u32 $0x24, v2;
	_ =	sdelay $0x3  }
0x8f: {  	[tilespmem:s20+$0x14380] =	vst v3  }
0x90: {  	v3 =	vld.idx.msk [tilespmem:v37+s11+$0x0], $0xffff  }
0x91: {  	v38 =	vor.u32 $0x25, v2;
	_ =	sdelay $0x3  }
0x92: {  	[tilespmem:s20+$0x14400] =	vst v3  }
0x93: {  	v3 =	vld.idx.msk [tilespmem:v38+s11+$0x0], $0xffff  }
0x94: {  	v39 =	vor.u32 $0x26, v2;
	_ =	sdelay $0x3  }
0x95: {  	[tilespmem:s20+$0x14480] =	vst v3  }
0x96: {  	v3 =	vld.idx.msk [tilespmem:v39+s11+$0x0], $0xffff  }
0x97: {  	v40 =	vor.u32 $0x27, v2;
	_ =	sdelay $0x3  }
0x98: {  	[tilespmem:s20+$0x14500] =	vst v3  }
0x99: {  	v3 =	vld.idx.msk [tilespmem:v40+s11+$0x0], $0xffff  }
0x9a: {  	v41 =	vor.u32 $0x28, v2;
	_ =	sdelay $0x3  }
0x9b: {  	[tilespmem:s20+$0x14580] =	vst v3  }
0x9c: {  	v3 =	vld.idx.msk [tilespmem:v41+s11+$0x0], $0xffff  }
0x9d: {  	v42 =	vor.u32 $0x29, v2;
	_ =	sdelay $0x3  }
0x9e: {  	[tilespmem:s20+$0x15200] =	vst v3  }
0x9f: {  	v3 =	vld.idx.msk [tilespmem:v42+s11+$0x0], $0xffff  }
0xa0: {  	v43 =	vor.u32 $0x2A, v2;
	_ =	sdelay $0x3  }
0xa1: {  	[tilespmem:s20+$0x15280] =	vst v3  }
0xa2: {  	v3 =	vld.idx.msk [tilespmem:v43+s11+$0x0], $0xffff  }
0xa3: {  	v44 =	vor.u32 $0x2B, v2;
	_ =	sdelay $0x3  }
0xa4: {  	[tilespmem:s20+$0x15300] =	vst v3  }
0xa5: {  	v3 =	vld.idx.msk [tilespmem:v44+s11+$0x0], $0xffff  }
0xa6: {  	v45 =	vor.u32 $0x2C, v2;
	_ =	sdelay $0x3  }
0xa7: {  	[tilespmem:s20+$0x15380] =	vst v3  }
0xa8: {  	v3 =	vld.idx.msk [tilespmem:v45+s11+$0x0], $0xffff  }
0xa9: {  	v46 =	vor.u32 $0x2D, v2;
	_ =	sdelay $0x3  }
0xaa: {  	[tilespmem:s20+$0x15400] =	vst v3  }
0xab: {  	v3 =	vld.idx.msk [tilespmem:v46+s11+$0x0], $0xffff  }
0xac: {  	v47 =	vor.u32 $0x2E, v2;
	_ =	sdelay $0x3  }
0xad: {  	[tilespmem:s20+$0x15480] =	vst v3  }
0xae: {  	v3 =	vld.idx.msk [tilespmem:v47+s11+$0x0], $0xffff  }
0xaf: {  	v48 =	vor.u32 $0x2F, v2;
	_ =	sdelay $0x3  }
0xb0: {  	[tilespmem:s20+$0x15500] =	vst v3  }
0xb1: {  	v3 =	vld.idx.msk [tilespmem:v48+s11+$0x0], $0xffff  }
0xb2: {  	v49 =	vor.u32 $0x30, v2;
	_ =	sdelay $0x3  }
0xb3: {  	[tilespmem:s20+$0x15580] =	vst v3  }
0xb4: {  	v3 =	vld.idx.msk [tilespmem:v49+s11+$0x0], $0xffff  }
0xb5: {  	v50 =	vor.u32 $0x31, v2;
	_ =	sdelay $0x3  }
0xb6: {  	[tilespmem:s20+$0x16200] =	vst v3  }
0xb7: {  	v3 =	vld.idx.msk [tilespmem:v50+s11+$0x0], $0xffff  }
0xb8: {  	v51 =	vor.u32 $0x32, v2;
	_ =	sdelay $0x3  }
0xb9: {  	[tilespmem:s20+$0x16280] =	vst v3  }
0xba: {  	v3 =	vld.idx.msk [tilespmem:v51+s11+$0x0], $0xffff  }
0xbb: {  	v52 =	vor.u32 $0x33, v2;
	_ =	sdelay $0x3  }
0xbc: {  	[tilespmem:s20+$0x16300] =	vst v3  }
0xbd: {  	v3 =	vld.idx.msk [tilespmem:v52+s11+$0x0], $0xffff  }
0xbe: {  	v53 =	vor.u32 $0x34, v2;
	_ =	sdelay $0x3  }
0xbf: {  	[tilespmem:s20+$0x16380] =	vst v3  }
0xc0: {  	v3 =	vld.idx.msk [tilespmem:v53+s11+$0x0], $0xffff  }
0xc1: {  	v54 =	vor.u32 $0x35, v2;
	_ =	sdelay $0x3  }
0xc2: {  	[tilespmem:s20+$0x16400] =	vst v3  }
0xc3: {  	v3 =	vld.idx.msk [tilespmem:v54+s11+$0x0], $0xffff  }
0xc4: {  	v55 =	vor.u32 $0x36, v2;
	_ =	sdelay $0x3  }
0xc5: {  	[tilespmem:s20+$0x16480] =	vst v3  }
0xc6: {  	v3 =	vld.idx.msk [tilespmem:v55+s11+$0x0], $0xffff  }
0xc7: {  	v56 =	vor.u32 $0x37, v2;
	_ =	sdelay $0x3  }
0xc8: {  	[tilespmem:s20+$0x16500] =	vst v3  }
0xc9: {  	v3 =	vld.idx.msk [tilespmem:v56+s11+$0x0], $0xffff  }
0xca: {  	v57 =	vor.u32 $0x38, v2;
	_ =	sdelay $0x3  }
0xcb: {  	[tilespmem:s20+$0x16580] =	vst v3  }
0xcc: {  	v3 =	vld.idx.msk [tilespmem:v57+s11+$0x0], $0xffff  }
0xcd: {  	v58 =	vor.u32 $0x39, v2;
	_ =	sdelay $0x3  }
0xce: {  	[tilespmem:s20+$0x17200] =	vst v3  }
0xcf: {  	v3 =	vld.idx.msk [tilespmem:v58+s11+$0x0], $0xffff  }
0xd0: {  	v59 =	vor.u32 $0x3A, v2;
	_ =	sdelay $0x3  }
0xd1: {  	[tilespmem:s20+$0x17280] =	vst v3  }
0xd2: {  	v3 =	vld.idx.msk [tilespmem:v59+s11+$0x0], $0xffff  }
0xd3: {  	v60 =	vor.u32 $0x3B, v2;
	_ =	sdelay $0x3  }
0xd4: {  	[tilespmem:s20+$0x17300] =	vst v3  }
0xd5: {  	v3 =	vld.idx.msk [tilespmem:v60+s11+$0x0], $0xffff  }
0xd6: {  	v61 =	vor.u32 $0x3C, v2;
	_ =	sdelay $0x3  }
0xd7: {  	[tilespmem:s20+$0x17380] =	vst v3  }
0xd8: {  	v3 =	vld.idx.msk [tilespmem:v61+s11+$0x0], $0xffff  }
0xd9: {  	v62 =	vor.u32 $0x3D, v2;
	_ =	sdelay $0x3  }
0xda: {  	[tilespmem:s20+$0x17400] =	vst v3  }
0xdb: {  	v3 =	vld.idx.msk [tilespmem:v62+s11+$0x0], $0xffff  }
0xdc: {  	v63 =	vor.u32 $0x3E, v2;
	_ =	sdelay $0x3  }
0xdd: {  	[tilespmem:s20+$0x17480] =	vst v3  }
0xde: {  	v3 =	vld.idx.msk [tilespmem:v63+s11+$0x0], $0xffff  }
0xdf: {  	v2 =	vor.u32 $0x3F, v2;
	_ =	sdelay $0x3  }
0xe0: {  	[tilespmem:s20+$0x17500] =	vst v3  }
0xe1: {  	p0 =	sne.s32 s19, $0xF0;
	v2 =	vld.idx.msk [tilespmem:v2+s11+$0x0], $0xffff  }
.Ltmp0:
0xe2: {  	_ = 	snop;
	(pc) =	sbr.rel @p0 .LBB2_2-.Ltmp0, $2  }
0xe3: {  	_ =	sdelay $0x2  }
0xe4: {  	s18 =	sadd.s32 $0x80, s18;
	s17 =	sadd.s32 $0x10, s17;
	s19 =	sadd.s32 $0x10, s19;
	[tilespmem:s20+$0x17580] =	vst v2  }
0xe5: {  	s17 =	simm.s32 $0x0  }
0xe6: {  	[tilespmem:s11], [sflag:$0x1] =	stream.linear.gather [hbm4b:s6+s17], $0x8000, $0x38;
	[tilespmem:$0x18200] =	vst v63  }
0xe7: {  	_ =	swait.ge [sflag:s10], $0x8000  }
0xe8: {  	[sflag:s10] =	ssyncset.done $0x0  }
0xe9: {  	[sflag:s10] =	ssyncadd.s32 $0xFFFF8000  }
0xea: {  	[tilespmem:s12], [sflag:$0x1] =	stream.linear.gather [hbm4b:s7+s17], $0x8000, $0x38;
	[tilespmem:$0x18200] =	vst v63  }
0xeb: {  	_ =	swait.ge [sflag:s10], $0x8000  }
0xec: {  	[sflag:s10] =	ssyncset.done $0x0  }
0xed: {  	s18 =	simm.s32 $0x800;
	[sflag:s10] =	ssyncadd.s32 $0xFFFF8000  }
.LBB2_4:
0xee: {  	s19 =	sadd.s32 $0x100, s17  }
0xef: {  	s20 =	sand.u32 $0x70, s17;
	s19 =	sand.u32 $0x180, s19  }
0xf0: {  	s19 =	sor.u32 s20, s19  }
0xf1: {  	v2 =	vld [tilespmem:s19+$0x0];
	_ =	sdelay $0x4  }
0xf2: {  	vm0 =	vgt.s32 v2, $0x7A0FF  }
0xf3: {  	v2 =	vsel vm0, $0x100, v0  }
0xf4: {  	v2 =	vor.u32 s17, v2  }
0xf5: {  	v2 =	vor.u32 v1, v2  }
0xf6: {  	v2 =	vshll.u32 v2, $0x7;
	_ =	sdelay $0x4  }
0xf7: {  	v3 =	vld.idx.msk [tilespmem:v2+s11+$0x0], $0xffff  }
0xf8: {  	v4 =	vor.u32 $0x1, v2;
	_ =	sdelay $0x1  }
0xf9: {  	s30 =	sand.u32 $0xC00, s18  }
0xfa: {  	s19 =	sor.u32 s20, s30  }
0xfb: {  	[tilespmem:s19+$0x10200] =	vst v3  }
0xfc: {  	v3 =	vld.idx.msk [tilespmem:v4+s11+$0x0], $0xffff  }
0xfd: {  	v59 =	vor.u32 $0x2, v2;
	_ =	sdelay $0x3  }
0xfe: {  	[tilespmem:s19+$0x10280] =	vst v3  }
0xff: {  	v3 =	vld.idx.msk [tilespmem:v59+s11+$0x0], $0xffff  }
0x100: {  	v60 =	vor.u32 $0x3, v2;
	_ =	sdelay $0x3  }
0x101: {  	[tilespmem:s19+$0x10300] =	vst v3  }
0x102: {  	v3 =	vld.idx.msk [tilespmem:v60+s11+$0x0], $0xffff  }
0x103: {  	v61 =	vor.u32 $0x4, v2;
	_ =	sdelay $0x3  }
0x104: {  	[tilespmem:s19+$0x10380] =	vst v3  }
0x105: {  	v3 =	vld.idx.msk [tilespmem:v61+s11+$0x0], $0xffff  }
0x106: {  	v62 =	vor.u32 $0x5, v2;
	_ =	sdelay $0x3  }
0x107: {  	[tilespmem:s19+$0x10400] =	vst v3  }
0x108: {  	v3 =	vld.idx.msk [tilespmem:v62+s11+$0x0], $0xffff  }
0x109: {  	v63 =	vor.u32 $0x6, v2;
	_ =	sdelay $0x3  }
0x10a: {  	[tilespmem:s19+$0x10480] =	vst v3  }
0x10b: {  	v3 =	vld.idx.msk [tilespmem:v63+s11+$0x0], $0xffff  }
0x10c: {  	v8 =	vor.u32 $0x7, v2;
	_ =	sdelay $0x3  }
0x10d: {  	[tilespmem:s19+$0x10500] =	vst v3  }
0x10e: {  	v3 =	vld.idx.msk [tilespmem:v8+s11+$0x0], $0xffff  }
0x10f: {  	v9 =	vor.u32 $0x8, v2;
	_ =	sdelay $0x1  }
0x110: {  	s31 =	sor.u32 s18, s17  }
0x111: {  	s20 =	sor.u32 $0x380, s31  }
0x112: {  	[tilespmem:s20+$0x10200] =	vst v3  }
0x113: {  	v3 =	vld.idx.msk [tilespmem:v9+s11+$0x0], $0xffff  }
0x114: {  	v10 =	vor.u32 $0x9, v2;
	_ =	sdelay $0x3  }
0x115: {  	[tilespmem:s19+$0x11200] =	vst v3  }
0x116: {  	v3 =	vld.idx.msk [tilespmem:v10+s11+$0x0], $0xffff  }
0x117: {  	v11 =	vor.u32 $0xA, v2;
	_ =	sdelay $0x3  }
0x118: {  	[tilespmem:s19+$0x11280] =	vst v3  }
0x119: {  	v3 =	vld.idx.msk [tilespmem:v11+s11+$0x0], $0xffff  }
0x11a: {  	v12 =	vor.u32 $0xB, v2;
	_ =	sdelay $0x3  }
0x11b: {  	[tilespmem:s19+$0x11300] =	vst v3  }
0x11c: {  	v3 =	vld.idx.msk [tilespmem:v12+s11+$0x0], $0xffff  }
0x11d: {  	v13 =	vor.u32 $0xC, v2;
	_ =	sdelay $0x3  }
0x11e: {  	[tilespmem:s19+$0x11380] =	vst v3  }
0x11f: {  	v3 =	vld.idx.msk [tilespmem:v13+s11+$0x0], $0xffff  }
0x120: {  	v14 =	vor.u32 $0xD, v2;
	_ =	sdelay $0x3  }
0x121: {  	[tilespmem:s19+$0x11400] =	vst v3  }
0x122: {  	v3 =	vld.idx.msk [tilespmem:v14+s11+$0x0], $0xffff  }
0x123: {  	v15 =	vor.u32 $0xE, v2;
	_ =	sdelay $0x3  }
0x124: {  	[tilespmem:s19+$0x11480] =	vst v3  }
0x125: {  	v3 =	vld.idx.msk [tilespmem:v15+s11+$0x0], $0xffff  }
0x126: {  	v16 =	vor.u32 $0xF, v2;
	_ =	sdelay $0x3  }
0x127: {  	[tilespmem:s19+$0x11500] =	vst v3  }
0x128: {  	v3 =	vld.idx.msk [tilespmem:v16+s11+$0x0], $0xffff  }
0x129: {  	v17 =	vor.u32 $0x10, v2;
	_ =	sdelay $0x3  }
0x12a: {  	[tilespmem:s19+$0x11580] =	vst v3  }
0x12b: {  	v3 =	vld.idx.msk [tilespmem:v17+s11+$0x0], $0xffff  }
0x12c: {  	v18 =	vor.u32 $0x11, v2;
	_ =	sdelay $0x3  }
0x12d: {  	[tilespmem:s19+$0x12200] =	vst v3  }
0x12e: {  	v3 =	vld.idx.msk [tilespmem:v18+s11+$0x0], $0xffff  }
0x12f: {  	v19 =	vor.u32 $0x12, v2;
	_ =	sdelay $0x3  }
0x130: {  	[tilespmem:s19+$0x12280] =	vst v3  }
0x131: {  	v3 =	vld.idx.msk [tilespmem:v19+s11+$0x0], $0xffff  }
0x132: {  	v20 =	vor.u32 $0x13, v2;
	_ =	sdelay $0x3  }
0x133: {  	[tilespmem:s19+$0x12300] =	vst v3  }
0x134: {  	v3 =	vld.idx.msk [tilespmem:v20+s11+$0x0], $0xffff  }
0x135: {  	v21 =	vor.u32 $0x14, v2;
	_ =	sdelay $0x3  }
0x136: {  	[tilespmem:s19+$0x12380] =	vst v3  }
0x137: {  	v3 =	vld.idx.msk [tilespmem:v21+s11+$0x0], $0xffff  }
0x138: {  	v22 =	vor.u32 $0x15, v2;
	_ =	sdelay $0x3  }
0x139: {  	[tilespmem:s19+$0x12400] =	vst v3  }
0x13a: {  	v3 =	vld.idx.msk [tilespmem:v22+s11+$0x0], $0xffff  }
0x13b: {  	v23 =	vor.u32 $0x16, v2;
	_ =	sdelay $0x3  }
0x13c: {  	[tilespmem:s19+$0x12480] =	vst v3  }
0x13d: {  	v3 =	vld.idx.msk [tilespmem:v23+s11+$0x0], $0xffff  }
0x13e: {  	v24 =	vor.u32 $0x17, v2;
	_ =	sdelay $0x3  }
0x13f: {  	[tilespmem:s19+$0x12500] =	vst v3  }
0x140: {  	v3 =	vld.idx.msk [tilespmem:v24+s11+$0x0], $0xffff  }
0x141: {  	v25 =	vor.u32 $0x18, v2;
	_ =	sdelay $0x3  }
0x142: {  	[tilespmem:s19+$0x12580] =	vst v3  }
0x143: {  	v3 =	vld.idx.msk [tilespmem:v25+s11+$0x0], $0xffff  }
0x144: {  	v26 =	vor.u32 $0x19, v2;
	_ =	sdelay $0x3  }
0x145: {  	[tilespmem:s19+$0x13200] =	vst v3  }
0x146: {  	v3 =	vld.idx.msk [tilespmem:v26+s11+$0x0], $0xffff  }
0x147: {  	v27 =	vor.u32 $0x1A, v2;
	_ =	sdelay $0x3  }
0x148: {  	[tilespmem:s19+$0x13280] =	vst v3  }
0x149: {  	v3 =	vld.idx.msk [tilespmem:v27+s11+$0x0], $0xffff  }
0x14a: {  	v28 =	vor.u32 $0x1B, v2;
	_ =	sdelay $0x3  }
0x14b: {  	[tilespmem:s19+$0x13300] =	vst v3  }
0x14c: {  	v3 =	vld.idx.msk [tilespmem:v28+s11+$0x0], $0xffff  }
0x14d: {  	v29 =	vor.u32 $0x1C, v2;
	_ =	sdelay $0x3  }
0x14e: {  	[tilespmem:s19+$0x13380] =	vst v3  }
0x14f: {  	v3 =	vld.idx.msk [tilespmem:v29+s11+$0x0], $0xffff  }
0x150: {  	v30 =	vor.u32 $0x1D, v2;
	_ =	sdelay $0x3  }
0x151: {  	[tilespmem:s19+$0x13400] =	vst v3  }
0x152: {  	v3 =	vld.idx.msk [tilespmem:v30+s11+$0x0], $0xffff  }
0x153: {  	v31 =	vor.u32 $0x1E, v2;
	_ =	sdelay $0x3  }
0x154: {  	[tilespmem:s19+$0x13480] =	vst v3  }
0x155: {  	v3 =	vld.idx.msk [tilespmem:v31+s11+$0x0], $0xffff  }
0x156: {  	v32 =	vor.u32 $0x1F, v2;
	_ =	sdelay $0x3  }
0x157: {  	[tilespmem:s19+$0x13500] =	vst v3  }
0x158: {  	v3 =	vld.idx.msk [tilespmem:v32+s11+$0x0], $0xffff  }
0x159: {  	v33 =	vor.u32 $0x20, v2;
	_ =	sdelay $0x3  }
0x15a: {  	[tilespmem:s19+$0x13580] =	vst v3  }
0x15b: {  	v3 =	vld.idx.msk [tilespmem:v33+s11+$0x0], $0xffff  }
0x15c: {  	v34 =	vor.u32 $0x21, v2;
	_ =	sdelay $0x3  }
0x15d: {  	[tilespmem:s19+$0x14200] =	vst v3  }
0x15e: {  	v3 =	vld.idx.msk [tilespmem:v34+s11+$0x0], $0xffff  }
0x15f: {  	v35 =	vor.u32 $0x22, v2;
	_ =	sdelay $0x3  }
0x160: {  	[tilespmem:s19+$0x14280] =	vst v3  }
0x161: {  	v3 =	vld.idx.msk [tilespmem:v35+s11+$0x0], $0xffff  }
0x162: {  	v36 =	vor.u32 $0x23, v2;
	_ =	sdelay $0x3  }
0x163: {  	[tilespmem:s19+$0x14300] =	vst v3  }
0x164: {  	v3 =	vld.idx.msk [tilespmem:v36+s11+$0x0], $0xffff  }
0x165: {  	v37 =	vor.u32 $0x24, v2;
	_ =	sdelay $0x3  }
0x166: {  	[tilespmem:s19+$0x14380] =	vst v3  }
0x167: {  	v3 =	vld.idx.msk [tilespmem:v37+s11+$0x0], $0xffff  }
0x168: {  	v38 =	vor.u32 $0x25, v2;
	_ =	sdelay $0x3  }
0x169: {  	[tilespmem:s19+$0x14400] =	vst v3  }
0x16a: {  	v3 =	vld.idx.msk [tilespmem:v38+s11+$0x0], $0xffff  }
0x16b: {  	v39 =	vor.u32 $0x26, v2;
	_ =	sdelay $0x3  }
0x16c: {  	[tilespmem:s19+$0x14480] =	vst v3  }
0x16d: {  	v3 =	vld.idx.msk [tilespmem:v39+s11+$0x0], $0xffff  }
0x16e: {  	v40 =	vor.u32 $0x27, v2;
	_ =	sdelay $0x3  }
0x16f: {  	[tilespmem:s19+$0x14500] =	vst v3  }
0x170: {  	v3 =	vld.idx.msk [tilespmem:v40+s11+$0x0], $0xffff  }
0x171: {  	v41 =	vor.u32 $0x28, v2;
	_ =	sdelay $0x3  }
0x172: {  	[tilespmem:s19+$0x14580] =	vst v3  }
0x173: {  	v3 =	vld.idx.msk [tilespmem:v41+s11+$0x0], $0xffff  }
0x174: {  	v42 =	vor.u32 $0x29, v2;
	_ =	sdelay $0x3  }
0x175: {  	[tilespmem:s19+$0x15200] =	vst v3  }
0x176: {  	v3 =	vld.idx.msk [tilespmem:v42+s11+$0x0], $0xffff  }
0x177: {  	v43 =	vor.u32 $0x2A, v2;
	_ =	sdelay $0x3  }
0x178: {  	[tilespmem:s19+$0x15280] =	vst v3  }
0x179: {  	v3 =	vld.idx.msk [tilespmem:v43+s11+$0x0], $0xffff  }
0x17a: {  	v44 =	vor.u32 $0x2B, v2;
	_ =	sdelay $0x3  }
0x17b: {  	[tilespmem:s19+$0x15300] =	vst v3  }
0x17c: {  	v3 =	vld.idx.msk [tilespmem:v44+s11+$0x0], $0xffff  }
0x17d: {  	v45 =	vor.u32 $0x2C, v2;
	_ =	sdelay $0x3  }
0x17e: {  	[tilespmem:s19+$0x15380] =	vst v3  }
0x17f: {  	v3 =	vld.idx.msk [tilespmem:v45+s11+$0x0], $0xffff  }
0x180: {  	v46 =	vor.u32 $0x2D, v2;
	_ =	sdelay $0x3  }
0x181: {  	[tilespmem:s19+$0x15400] =	vst v3  }
0x182: {  	v3 =	vld.idx.msk [tilespmem:v46+s11+$0x0], $0xffff  }
0x183: {  	v47 =	vor.u32 $0x2E, v2;
	_ =	sdelay $0x3  }
0x184: {  	[tilespmem:s19+$0x15480] =	vst v3  }
0x185: {  	v3 =	vld.idx.msk [tilespmem:v47+s11+$0x0], $0xffff  }
0x186: {  	v48 =	vor.u32 $0x2F, v2;
	_ =	sdelay $0x3  }
0x187: {  	[tilespmem:s19+$0x15500] =	vst v3  }
0x188: {  	v3 =	vld.idx.msk [tilespmem:v48+s11+$0x0], $0xffff  }
0x189: {  	v49 =	vor.u32 $0x30, v2;
	_ =	sdelay $0x3  }
0x18a: {  	[tilespmem:s19+$0x15580] =	vst v3  }
0x18b: {  	v3 =	vld.idx.msk [tilespmem:v49+s11+$0x0], $0xffff  }
0x18c: {  	v50 =	vor.u32 $0x31, v2;
	_ =	sdelay $0x3  }
0x18d: {  	[tilespmem:s19+$0x16200] =	vst v3  }
0x18e: {  	v3 =	vld.idx.msk [tilespmem:v50+s11+$0x0], $0xffff  }
0x18f: {  	v51 =	vor.u32 $0x32, v2;
	_ =	sdelay $0x3  }
0x190: {  	[tilespmem:s19+$0x16280] =	vst v3  }
0x191: {  	v3 =	vld.idx.msk [tilespmem:v51+s11+$0x0], $0xffff  }
0x192: {  	v52 =	vor.u32 $0x33, v2;
	_ =	sdelay $0x3  }
0x193: {  	[tilespmem:s19+$0x16300] =	vst v3  }
0x194: {  	v3 =	vld.idx.msk [tilespmem:v52+s11+$0x0], $0xffff  }
0x195: {  	v53 =	vor.u32 $0x34, v2;
	_ =	sdelay $0x3  }
0x196: {  	[tilespmem:s19+$0x16380] =	vst v3  }
0x197: {  	v3 =	vld.idx.msk [tilespmem:v53+s11+$0x0], $0xffff  }
0x198: {  	v54 =	vor.u32 $0x35, v2;
	_ =	sdelay $0x3  }
0x199: {  	[tilespmem:s19+$0x16400] =	vst v3  }
0x19a: {  	v3 =	vld.idx.msk [tilespmem:v54+s11+$0x0], $0xffff  }
0x19b: {  	v55 =	vor.u32 $0x36, v2;
	_ =	sdelay $0x3  }
0x19c: {  	[tilespmem:s19+$0x16480] =	vst v3  }
0x19d: {  	v3 =	vld.idx.msk [tilespmem:v55+s11+$0x0], $0xffff  }
0x19e: {  	v56 =	vor.u32 $0x37, v2;
	_ =	sdelay $0x3  }
0x19f: {  	[tilespmem:s19+$0x16500] =	vst v3  }
0x1a0: {  	v3 =	vld.idx.msk [tilespmem:v56+s11+$0x0], $0xffff  }
0x1a1: {  	v57 =	vor.u32 $0x38, v2;
	_ =	sdelay $0x3  }
0x1a2: {  	[tilespmem:s19+$0x16580] =	vst v3  }
0x1a3: {  	v3 =	vld.idx.msk [tilespmem:v57+s11+$0x0], $0xffff  }
0x1a4: {  	v58 =	vor.u32 $0x39, v2;
	_ =	sdelay $0x3  }
0x1a5: {  	[tilespmem:s19+$0x17200] =	vst v3  }
0x1a6: {  	v3 =	vld.idx.msk [tilespmem:v58+s11+$0x0], $0xffff  }
0x1a7: {  	v59 =	vor.u32 $0x3A, v2;
	_ =	sdelay $0x3  }
0x1a8: {  	[tilespmem:s19+$0x17280] =	vst v3  }
0x1a9: {  	v3 =	vld.idx.msk [tilespmem:v59+s11+$0x0], $0xffff  }
0x1aa: {  	v60 =	vor.u32 $0x3B, v2;
	_ =	sdelay $0x3  }
0x1ab: {  	[tilespmem:s19+$0x17300] =	vst v3  }
0x1ac: {  	v3 =	vld.idx.msk [tilespmem:v60+s11+$0x0], $0xffff  }
0x1ad: {  	v61 =	vor.u32 $0x3C, v2;
	_ =	sdelay $0x3  }
0x1ae: {  	[tilespmem:s19+$0x17380] =	vst v3  }
0x1af: {  	v3 =	vld.idx.msk [tilespmem:v61+s11+$0x0], $0xffff  }
0x1b0: {  	v62 =	vor.u32 $0x3D, v2;
	_ =	sdelay $0x3  }
0x1b1: {  	[tilespmem:s19+$0x17400] =	vst v3  }
0x1b2: {  	v3 =	vld.idx.msk [tilespmem:v62+s11+$0x0], $0xffff  }
0x1b3: {  	v63 =	vor.u32 $0x3E, v2;
	_ =	sdelay $0x3  }
0x1b4: {  	[tilespmem:s19+$0x17480] =	vst v3  }
0x1b5: {  	v3 =	vld.idx.msk [tilespmem:v63+s11+$0x0], $0xffff  }
0x1b6: {  	v2 =	vor.u32 $0x3F, v2;
	_ =	sdelay $0x3  }
0x1b7: {  	[tilespmem:s19+$0x17500] =	vst v3  }
0x1b8: {  	p0 =	sne.s32 s18, $0xF80;
	v2 =	vld.idx.msk [tilespmem:v2+s11+$0x0], $0xffff  }
.Ltmp1:
0x1b9: {  	_ = 	snop;
	(pc) =	sbr.rel @p0 .LBB2_4-.Ltmp1, $2  }
0x1ba: {  	_ =	sdelay $0x2  }
0x1bb: {  	s18 =	sadd.s32 $0x80, s18;
	s17 =	sadd.s32 $0x10, s17;
	[tilespmem:s19+$0x17580] =	vst v2  }
0x1bc: {  	s16 =	sadd.s32 $0x1, s16  }
0x1bd: {  	p0 =	sne.s32 s16, s9  }
.Ltmp2:
0x1be: {  	_ = 	snop;
	(pc) =	sbr.rel @p0 .LBB2_1-.Ltmp2, $4  }
0x1bf: {  	[hbm4b:s8+s13] =	stream.strided.scatter [tilespmem:s15], [sflag:$0x1], $0x8000, s14, s13, $0x38;
	[tilespmem:$0x18200] =	vst v63  }
0x1c0: {  	_ =	swait.ge [sflag:s10], $0x8000  }
0x1c1: {  	[sflag:s10] =	ssyncset.done $0x0  }
0x1c2: {  	[sflag:s10] =	ssyncadd.s32 $0xFFFF8000  }
0x1c3: {  	_ =	sfence.sel $0x180000  }
0x1c4: {  	[bflag:$0x0] =	sbarrier.arrive $0xFFFF  }
0x1c5: {  	p0 =	sne.s32 s1, $0x0;
	_ =	strace $0x9000004A  }
0x1c6: {  	s0 =	sadd.s32 @!p0 $0x100000, s0;
	[bflag:$0x2] =	sbarrier.arrive $0xFFFF  }
0x1c7: {  	[sflag:s0] =	ssyncadd.tile.s32 @!p0 $0x1;
	_ =	shalt  }
.Lfunc_end2:
_tile_overlayer_lowered:
.L_overlay_start_2:
0x1c8: {  	(tag) =	ssettag $0x2  }
0x1c9: {  	s0 =	rddreg [dreg:$0x0];
	s2 =	stileid.u32  }
0x1ca: {  	s1 =	rddreg [dreg:$0x1];
	p0 =	sne.s32 s2, $0x0  }
0x1cb: {  	s3 =	rddreg [dreg:$0x2];
	[bflag:$0x3] =	sbarrier.arrive $0xFFFF;
	s2 =	simm.s32 @!p0 $0x1C01  }
0x1cc: {  	[timem:s3], [sflag:s2] =	dma.local @!p0 [hbm:s0], s1  }
0x1cd: {  	s0 =	simm.s32 @!p0 $0x1  }
0x1ce: {  	_ =	swait.ge @!p0 [sflag:s0], s1  }
0x1cf: {  	s1 =	ssub.s32 @!p0 $0x0, s1;
	[sflag:s0] =	ssyncset.done @!p0 $0x0  }
0x1d0: {  	[sflag:s0] =	ssyncadd.s32 @!p0 s1  }
0x1d1: {  	[bflag:$0x3] =	sbarrier.arrive $0xFFFF  }
0x1d2: {  	_ =	shalt  }

</sc_bundles>
